<compile_context>
chip_gen: v7x
topology: tpu7x:2x2x1
jax: 0.10.2.dev20260603
libtpu: 0.0.44.dev20260713+nightly
codegen_flags: <defaults>
</compile_context>

<pallas_src>
import functools

import jax
import jax.numpy as jnp
from jax import lax
from jax.experimental import pallas as pl
from jax.experimental.pallas import tpu as pltpu
from jax.experimental.pallas import tpu_sc as plsc

N_NODE = 10000
N_ALL = 2 * N_NODE
E = 160000
D = 128
H = 8
NEG = 0.2

NS = 16
EPT = E // NS
C = 80
NCHUNK = EPT // C
WBLK = 80
NBLK = N_NODE // WBLK
JMAX = (NBLK + NS - 1) // NS
ROWBLK = 1000
GRID = N_ALL // ROWBLK


def _leaky_v(x):
    return jnp.where(x >= 0, x, NEG * x)


_BCAST_DNUMS = lax.GatherDimensionNumbers(
    offset_dims=(), collapsed_slice_dims=(0,), start_index_map=(0,))


def _bcast_lane(vec, k):
    idx = jnp.full((16, 1), k, jnp.int32)
    return lax.gather(vec, idx, _BCAST_DNUMS, (1,),
                      mode=lax.GatherScatterMode.PROMISE_IN_BOUNDS)


def _tc_pre_body(x_ref, wfc_ref, al_ref, ar_ref, ae_ref, eemb_ref, wfce_ref,
                 h_ref, el_ref, er_ref, m8_ref, ee8_ref, mx_ref):
    i = pl.program_id(0)
    h = jnp.dot(x_ref[...], wfc_ref[...], preferred_element_type=jnp.float32)
    h_ref[...] = h
    el = jnp.dot(h, al_ref[...], preferred_element_type=jnp.float32)
    er = jnp.dot(h, ar_ref[...], preferred_element_type=jnp.float32)
    el_ref[...] = el
    er_ref[...] = er
    bm_el = jnp.max(el, axis=0, keepdims=True)
    bm_er = jnp.max(er, axis=0, keepdims=True)

    @pl.when(i == 0)
    def _():
        mx_ref[...] = jnp.full((4, H), -jnp.inf, jnp.float32)

    @pl.when(i < GRID // 2)
    def _():
        mx_ref[0:1, :] = jnp.maximum(mx_ref[0:1, :], bm_el)
        mx_ref[2:3, :] = jnp.maximum(mx_ref[2:3, :], bm_er)

    @pl.when(i >= GRID // 2)
    def _():
        mx_ref[1:2, :] = jnp.maximum(mx_ref[1:2, :], bm_el)
        mx_ref[3:4, :] = jnp.maximum(mx_ref[3:4, :], bm_er)

    @pl.when(i == GRID - 1)
    def _():
        eep = jnp.dot(eemb_ref[...], wfce_ref[...],
                      preferred_element_type=jnp.float32)
        eea = jnp.dot(eep, ae_ref[...], preferred_element_type=jnp.float32)
        ee8_ref[...] = eea
        m0 = mx_ref[0:1, :] + mx_ref[3:4, :] + eea[0:1, :]
        m1 = mx_ref[1:2, :] + mx_ref[2:3, :] + eea[1:2, :]
        m = jnp.concatenate([m0, m1], axis=0)
        m8_ref[...] = _leaky_v(m)


def _tc_pre(x_all, w_fc, al, ar, ae, edge_emb, w_fc_edge):
    return pl.pallas_call(
        _tc_pre_body,
        grid=(GRID,),
        in_specs=[
            pl.BlockSpec((ROWBLK, D), lambda i: (i, 0)),
            pl.BlockSpec((D, D), lambda i: (0, 0)),
            pl.BlockSpec((D, H), lambda i: (0, 0)),
            pl.BlockSpec((D, H), lambda i: (0, 0)),
            pl.BlockSpec((D, H), lambda i: (0, 0)),
            pl.BlockSpec((2, D), lambda i: (0, 0)),
            pl.BlockSpec((D, D), lambda i: (0, 0)),
        ],
        out_specs=[
            pl.BlockSpec((ROWBLK, D), lambda i: (i, 0)),
            pl.BlockSpec((ROWBLK, H), lambda i: (i, 0)),
            pl.BlockSpec((ROWBLK, H), lambda i: (i, 0)),
            pl.BlockSpec((2, H), lambda i: (0, 0)),
            pl.BlockSpec((2, H), lambda i: (0, 0)),
        ],
        out_shape=[
            jax.ShapeDtypeStruct((N_ALL, D), jnp.float32),
            jax.ShapeDtypeStruct((N_ALL, H), jnp.float32),
            jax.ShapeDtypeStruct((N_ALL, H), jnp.float32),
            jax.ShapeDtypeStruct((2, H), jnp.float32),
            jax.ShapeDtypeStruct((2, H), jnp.float32),
        ],
        scratch_shapes=[pltpu.VMEM((4, H), jnp.float32)],
    )(x_all, w_fc, al, ar, ae, edge_emb, w_fc_edge)


def _sc_body(el_h, er_h, h_h, e0_h, e1_h, m8_h, ee8_h,
             out_h,
             idxb0, sidxo0, didxo0, didxs0, elb0, erb0, hb0, exb0,
             idxb1, sidxo1, didxo1, didxs1, elb1, erb1, hb1, exb1,
             m8v, ee8v, zb8, t_sh, den_sh,
             sem_ee0, sem_h0, sem_s0, sem_i0,
             sem_ee1, sem_h1, sem_s1, sem_i1):
    cid = lax.axis_index("c")
    sid = lax.axis_index("s")

    pltpu.sync_copy(m8_h, m8v)
    pltpu.sync_copy(ee8_h, ee8v)
    lane = lax.iota(jnp.int32, 16)
    col8 = lane % 8
    row01 = lane // 8
    rsel = jnp.full((16,), cid, jnp.int32)
    mv = plsc.load_gather(m8v, [rsel, col8])
    eev = plsc.load_gather(ee8v, [rsel, col8])
    zero16 = jnp.zeros((16,), jnp.float32)

    def _zb_row(i, c):
        for k in range(8):
            hb0[i, pl.ds(16 * k, 16)] = zero16
        return c
    lax.fori_loop(0, WBLK, _zb_row, 0)

    def _zb8_row(i, c):
        rows = 2 * i + row01
        plsc.store_scatter(zb8, [rows, col8], zero16)
        return c
    lax.fori_loop(0, WBLK // 2, _zb8_row, 0)

    def _zinit(j, c):
        bb = j * NS + sid

        @pl.when(bb < NBLK)
        def _():
            rbase = bb * WBLK
            pltpu.sync_copy(hb0, t_sh.at[pl.ds(rbase, WBLK)])
            pltpu.sync_copy(zb8, den_sh.at[pl.ds(rbase, WBLK)])
        return c
    lax.fori_loop(0, JMAX, _zinit, 0)
    plsc.subcore_barrier()

    slots = ((idxb0, sidxo0, didxo0, didxs0, elb0, erb0, hb0, exb0,
              sem_ee0, sem_h0, sem_s0, sem_i0),
             (idxb1, sidxo1, didxo1, didxs1, elb1, erb1, hb1, exb1,
              sem_ee1, sem_h1, sem_s1, sem_i1))

    def _relation(src_e, src_off, dst_off):
        src_off_v = jnp.full((16,), src_off, jnp.int32)
        dst_off_v = jnp.full((16,), dst_off, jnp.int32)

        def _issue_idx(j, s):
            idxb = slots[s][0]
            cb = sid * EPT + j * C
            return pltpu.async_copy(
                src_e.at[:, pl.ds(cb, C)], idxb, slots[s][11])

        def _wait_idx(s):
            idxb = slots[s][0]
            pltpu.make_async_copy(
                src_e.at[:, pl.ds(0, C)], idxb, slots[s][11]).wait()

        def _prep(s):
            idxb, sidxo, didxo, didxs = slots[s][0:4]
            for k in range(C // 16):
                dsl = pl.ds(16 * k, 16)
                sidxo[dsl] = idxb[0, dsl] + src_off_v
                didxo[dsl] = idxb[1, dsl] + dst_off_v
                didxs[dsl] = idxb[1, dsl]

        def _issue_gathers(s):
            _, sidxo, didxo, _, elb, erb, hb, _, sem_ee, sem_h = slots[s][:10]
            pltpu.async_copy(el_h.at[sidxo], elb, sem_ee)
            pltpu.async_copy(er_h.at[didxo], erb, sem_ee)
            pltpu.async_copy(h_h.at[sidxo], hb, sem_h)

        def _wait_gathers_ee(s):
            _, sidxo, didxo, _, elb, erb, _, _, sem_ee = slots[s][:9]
            pltpu.make_async_copy(el_h.at[sidxo], elb, sem_ee).wait()
            pltpu.make_async_copy(er_h.at[didxo], erb, sem_ee).wait()

        def _wait_gather_h(s):
            _, sidxo, _, _, _, _, hb, _, _, sem_h = slots[s][:10]
            pltpu.make_async_copy(h_h.at[sidxo], hb, sem_h).wait()

        def _drain_scatters(s):
            _, _, _, didxs, _, _, hb, exb, _, _, sem_s = slots[s][:11]
            pltpu.make_async_copy(exb, den_sh.at[didxs], sem_s).wait()
            pltpu.make_async_copy(hb, t_sh.at[didxs], sem_s).wait()

        def _compute(s):
            _, _, _, didxs, elb, erb, hb, exb, _, _, sem_s = slots[s][:11]
            _wait_gathers_ee(s)

            def _ex(i, c2):
                for u in range(4):
                    rows = 8 * i + 2 * u + row01
                    el2 = plsc.load_gather(elb, [rows, col8])
                    er2 = plsc.load_gather(erb, [rows, col8])
                    z = el2 + er2 + eev
                    ex = jnp.exp(jnp.where(z >= 0, z, NEG * z) - mv)
                    plsc.store_scatter(exb, [rows, col8], ex)
                return c2
            lax.fori_loop(0, C // 8, _ex, 0)
            pltpu.async_copy(exb, den_sh.at[didxs], sem_s, add=True)
            _wait_gather_h(s)

            def _scale(p, c2):
                for u in range(2):
                    rows = 4 * p + 2 * u + row01
                    ex2 = plsc.load_gather(exb, [rows, col8])
                    for q in range(2):
                        r = 4 * p + 2 * u + q
                        for hh in range(H):
                            sv = _bcast_lane(ex2, q * 8 + hh)
                            hb[r, pl.ds(16 * hh, 16)] = (
                                hb[r, pl.ds(16 * hh, 16)] * sv)
                return c2
            lax.fori_loop(0, C // 4, _scale, 0)
            pltpu.async_copy(hb, t_sh.at[didxs], sem_s, add=True)

        _issue_idx(0, 0).wait()
        _prep(0)
        _issue_gathers(0)
        _issue_idx(1, 1)

        npair = (NCHUNK + 1) // 2

        def _pair(jj, c):
            a = 2 * jj
            b = a + 1

            @pl.when(jj >= 1)
            def _():
                _drain_scatters(1)

            @pl.when(b < NCHUNK)
            def _():
                _wait_idx(1)
                _prep(1)
                _issue_gathers(1)
            _compute(0)

            @pl.when(jj < npair - 1)
            def _():
                _issue_idx(a + 2, 0)

            @pl.when(b < NCHUNK)
            def _():
                _compute(1)

                @pl.when(b + 2 < NCHUNK)
                def _():
                    _issue_idx(b + 2, 1)

            @pl.when(jj < npair - 1)
            def _():
                _drain_scatters(0)
                _wait_idx(0)
                _prep(0)
                _issue_gathers(0)
            return c
        lax.fori_loop(0, npair, _pair, 0)
        _drain_scatters(0)

    @pl.when(cid == 0)
    def _():
        _relation(e0_h, 0, N_NODE)

    @pl.when(cid == 1)
    def _():
        _relation(e1_h, N_NODE, 0)

    plsc.subcore_barrier()

    out_off = (1 - cid) * N_NODE

    def _wb(j, c):
        bb = j * NS + sid

        @pl.when(bb < NBLK)
        def _():
            rbase = bb * WBLK
            pltpu.sync_copy(t_sh.at[pl.ds(rbase, WBLK)], hb0)
            pltpu.sync_copy(den_sh.at[pl.ds(rbase, WBLK)], zb8)

            def _div(p, c2):
                rows = 2 * p + row01
                dv = jnp.maximum(plsc.load_gather(zb8, [rows, col8]), 1e-12)
                rv = 1.0 / dv
                for q in range(2):
                    r = 2 * p + q
                    for hh in range(H):
                        sv = _bcast_lane(rv, q * 8 + hh)
                        hb0[r, pl.ds(16 * hh, 16)] = (
                            hb0[r, pl.ds(16 * hh, 16)] * sv)
                return c2
            lax.fori_loop(0, WBLK // 2, _div, 0)
            pltpu.sync_copy(hb0, out_h.at[pl.ds(out_off + rbase, WBLK)])
        return c
    lax.fori_loop(0, JMAX, _wb, 0)


def _sc_messages(el_all, er_all, h_all, e0, e1, m8, ee8):
    mesh = plsc.VectorSubcoreMesh(core_axis_name="c", subcore_axis_name="s")
    slot = [
        pltpu.VMEM((2, C), jnp.int32),
        pltpu.VMEM((C,), jnp.int32),
        pltpu.VMEM((C,), jnp.int32),
        pltpu.VMEM((C,), jnp.int32),
        pltpu.VMEM((C, H), jnp.float32),
        pltpu.VMEM((C, H), jnp.float32),
        pltpu.VMEM((C, D), jnp.float32),
        pltpu.VMEM((C, H), jnp.float32),
    ]
    return pl.kernel(
        _sc_body,
        out_type=jax.ShapeDtypeStruct((N_ALL, D), jnp.float32),
        mesh=mesh,
        compiler_params=pltpu.CompilerParams(
            needs_layout_passes=False, use_tc_tiling_on_sc=False),
        scratch_types=[
            *slot, *slot,
            pltpu.VMEM((2, H), jnp.float32),
            pltpu.VMEM((2, H), jnp.float32),
            pltpu.VMEM((WBLK, H), jnp.float32),
            pltpu.VMEM_SHARED((N_NODE, D), jnp.float32),
            pltpu.VMEM_SHARED((N_NODE, H), jnp.float32),
            pltpu.SemaphoreType.DMA, pltpu.SemaphoreType.DMA,
            pltpu.SemaphoreType.DMA, pltpu.SemaphoreType.DMA,
            pltpu.SemaphoreType.DMA, pltpu.SemaphoreType.DMA,
            pltpu.SemaphoreType.DMA, pltpu.SemaphoreType.DMA,
        ],
    )(el_all, er_all, h_all, e0, e1, m8, ee8)


def _tc_post_body(tn_ref, h_ref, g_ref, b_ref, o_ref):
    y = _leaky_v(tn_ref[...] + h_ref[...])
    mu = jnp.mean(y, axis=1, keepdims=True)
    d = y - mu
    var = jnp.mean(d * d, axis=1, keepdims=True)
    o_ref[...] = g_ref[...] * d * lax.rsqrt(var + 1e-5) + b_ref[...]


def _tc_post(tn_all, h_all, gamma, beta):
    return pl.pallas_call(
        _tc_post_body,
        grid=(GRID,),
        in_specs=[
            pl.BlockSpec((ROWBLK, D), lambda i: (i, 0)),
            pl.BlockSpec((ROWBLK, D), lambda i: (i, 0)),
            pl.BlockSpec((1, D), lambda i: (0, 0)),
            pl.BlockSpec((1, D), lambda i: (0, 0)),
        ],
        out_specs=pl.BlockSpec((ROWBLK, D), lambda i: (i, 0)),
        out_shape=jax.ShapeDtypeStruct((N_ALL, D), jnp.float32),
    )(tn_all, h_all, gamma, beta)


def kernel(x_author, x_paper, edge_writes, edge_written_by, W_fc, W_fc_edge,
           edge_emb, attn_l, attn_r, attn_e, gamma, beta):
    x_all = jnp.concatenate([x_author, x_paper], axis=0)
    eye = jnp.eye(H, dtype=jnp.float32)
    al = (eye[:, None, :] * attn_l[0][:, :, None]).reshape(D, H)
    ar = (eye[:, None, :] * attn_r[0][:, :, None]).reshape(D, H)
    ae = (eye[:, None, :] * attn_e[0][:, :, None]).reshape(D, H)

    h_all, el_all, er_all, m8, ee8 = _tc_pre(
        x_all, W_fc, al, ar, ae, edge_emb, W_fc_edge)

    tn_all = _sc_messages(
        el_all, er_all, h_all, edge_writes, edge_written_by, m8, ee8)

    out_all = _tc_post(tn_all, h_all,
                       gamma.reshape(1, D), beta.reshape(1, D))
    return out_all[:N_NODE], out_all[N_NODE:]

# --- scband reference (transcript-rebuilt; emitter-appended) ---
"""Pipeline reference for scband-simple-hgnlayer-15899968930383 (READ-ONLY COPY).

The authoritative reference and input builder live on the scoring server;
editing this copy changes nothing except your own understanding.
"""

import jax
import jax.numpy as jnp
import numpy as np

N_AUTHOR = 10000
N_PAPER = 10000
E = 160000
IN_DIM = 128
OUT_DIM = 128
NUM_HEADS = 8
D_K = OUT_DIM // NUM_HEADS
NEG_SLOPE = 0.2
NUM_REL = 2


def _leaky(x):
    return jnp.where(x >= 0, x, NEG_SLOPE * x)


def _layernorm(x, gamma, beta, eps=1e-5):
    mu = jnp.mean(x, axis=-1, keepdims=True)
    var = jnp.mean((x - mu) ** 2, axis=-1, keepdims=True)
    return gamma * (x - mu) / jnp.sqrt(var + eps) + beta


def _xavier(key, shape):
    fan_in = int(np.prod(shape[:-1]))
    fan_out = int(shape[-1])
    limit = float(np.sqrt(6.0 / (fan_in + fan_out)))
    return jax.random.uniform(key, shape, jnp.float32, -limit, limit)


def setup_inputs(seed: int = 0):
    key = jax.random.key(seed)
    ks = jax.random.split(key, 12)
    x_author = jax.random.normal(ks[0], (N_AUTHOR, IN_DIM), jnp.float32)
    x_paper = jax.random.normal(ks[1], (N_PAPER, IN_DIM), jnp.float32)
    edge_writes = jax.random.randint(ks[2], (2, E), 0, N_PAPER, dtype=jnp.int32)
    edge_written_by = jax.random.randint(ks[3], (2, E), 0, N_AUTHOR, dtype=jnp.int32)
    W_fc = _xavier(ks[4], (IN_DIM, OUT_DIM))
    W_fc_edge = _xavier(ks[5], (OUT_DIM, OUT_DIM))
    edge_emb = _xavier(ks[6], (NUM_REL, OUT_DIM))
    attn_l = _xavier(ks[7], (1, NUM_HEADS, D_K))
    attn_r = _xavier(ks[8], (1, NUM_HEADS, D_K))
    attn_e = _xavier(ks[9], (1, NUM_HEADS, D_K))
    gamma = jnp.ones((OUT_DIM,), jnp.float32)
    beta = jnp.zeros((OUT_DIM,), jnp.float32)
    return {
        'x_author': x_author, 'x_paper': x_paper,
        'edge_writes': edge_writes, 'edge_written_by': edge_written_by,
        'W_fc': W_fc, 'W_fc_edge': W_fc_edge, 'edge_emb': edge_emb,
        'attn_l': attn_l, 'attn_r': attn_r, 'attn_e': attn_e,
        'gamma': gamma, 'beta': beta,
    }


def reference(x_author, x_paper, edge_writes, edge_written_by, W_fc, W_fc_edge,
              edge_emb, attn_l, attn_r, attn_e, gamma, beta):
    # Step 1: per-ntype linear projection (dropout p=0.0 -> identity)
    h_a = x_author @ W_fc
    h_p = x_paper @ W_fc
    ee_proj = edge_emb @ W_fc_edge  # [NUM_REL, OUT_DIM]

    fs_a = h_a.reshape(-1, NUM_HEADS, D_K)
    fs_p = h_p.reshape(-1, NUM_HEADS, D_K)
    fe = ee_proj.reshape(NUM_REL, NUM_HEADS, D_K)

    el_a = (fs_a * attn_l).sum(-1)  # [Na, H]
    el_p = (fs_p * attn_l).sum(-1)  # [Np, H]
    er_a = (fs_a * attn_r).sum(-1)  # [Na, H]
    er_p = (fs_p * attn_r).sum(-1)  # [Np, H]
    ee_att = (fe * attn_e).sum(-1)  # [NUM_REL, H]

    # relation 0: ('author','writes','paper'), e_id=0
    src0, dst0 = edge_writes[0], edge_writes[1]
    e0 = _leaky(el_a[src0] + er_p[dst0] + ee_att[0][None, :])  # [E, H]
    # relation 1: ('paper','written_by','author'), e_id=1
    src1, dst1 = edge_written_by[0], edge_written_by[1]
    e1 = _leaky(el_p[src1] + er_a[dst1] + ee_att[1][None, :])  # [E, H]

    # edge softmax on the homogenized graph: per global dst node across ALL etypes
    # homogeneous node order: author nodes [0, Na), paper nodes [Na, Na+Np)
    seg = jnp.concatenate([dst0 + N_AUTHOR, dst1])
    att = jnp.concatenate([e0, e1], axis=0)  # [2E, H]
    n_tot = N_AUTHOR + N_PAPER
    m = jax.ops.segment_max(att, seg, num_segments=n_tot)
    m = jnp.where(jnp.isfinite(m), m, 0.0)
    ex = jnp.exp(att - m[seg])
    den = jax.ops.segment_sum(ex, seg, num_segments=n_tot)
    a_norm = ex / jnp.maximum(den[seg], 1e-12)
    a0 = a_norm[:E]
    a1 = a_norm[E:]

    # message passing: u_mul_e + sum reduce, cross_reducer='sum'
    t_p = jax.ops.segment_sum(fs_a[src0] * a0[:, :, None], dst0,
                              num_segments=N_PAPER).reshape(-1, OUT_DIM)
    t_a = jax.ops.segment_sum(fs_p[src1] * a1[:, :, None], dst1,
                              num_segments=N_AUTHOR).reshape(-1, OUT_DIM)

    out_a = _layernorm(_leaky(t_a + h_a), gamma, beta)
    out_p = _layernorm(_leaky(t_p + h_p), gamma, beta)
    return out_a, out_p

if __name__ == "__main__":
    import jax
    _d = setup_inputs()
    print(jax.jit(kernel)(*tuple(_d.values())))

</pallas_src>

<mosaic_0001>
#map = affine_map<(d0, d1) -> (0, 0)>
module attributes {stable_mosaic.version = 14 : i64} {
  func.func @_sc_body(%arg0: i32, %arg1: i32, %arg2: memref<20000x8xf32, #tpu.memory_space<hbm>>, %arg3: memref<20000x8xf32, #tpu.memory_space<hbm>>, %arg4: memref<20000x128xf32, #tpu.memory_space<hbm>>, %arg5: memref<2x160000xi32, #tpu.memory_space<hbm>>, %arg6: memref<2x160000xi32, #tpu.memory_space<hbm>>, %arg7: memref<2x8xf32, #tpu.memory_space<hbm>>, %arg8: memref<2x8xf32, #tpu.memory_space<hbm>>, %arg9: memref<20000x128xf32, #tpu.memory_space<hbm>>, %arg10: memref<2x80xi32, #tpu.memory_space<vmem>>, %arg11: memref<80xi32, #tpu.memory_space<vmem>>, %arg12: memref<80xi32, #tpu.memory_space<vmem>>, %arg13: memref<80xi32, #tpu.memory_space<vmem>>, %arg14: memref<80x8xf32, #tpu.memory_space<vmem>>, %arg15: memref<80x8xf32, #tpu.memory_space<vmem>>, %arg16: memref<80x128xf32, #tpu.memory_space<vmem>>, %arg17: memref<80x8xf32, #tpu.memory_space<vmem>>, %arg18: memref<2x80xi32, #tpu.memory_space<vmem>>, %arg19: memref<80xi32, #tpu.memory_space<vmem>>, %arg20: memref<80xi32, #tpu.memory_space<vmem>>, %arg21: memref<80xi32, #tpu.memory_space<vmem>>, %arg22: memref<80x8xf32, #tpu.memory_space<vmem>>, %arg23: memref<80x8xf32, #tpu.memory_space<vmem>>, %arg24: memref<80x128xf32, #tpu.memory_space<vmem>>, %arg25: memref<80x8xf32, #tpu.memory_space<vmem>>, %arg26: memref<2x8xf32, #tpu.memory_space<vmem>>, %arg27: memref<2x8xf32, #tpu.memory_space<vmem>>, %arg28: memref<80x8xf32, #tpu.memory_space<vmem>>, %arg29: memref<10000x128xf32, #tpu.memory_space<vmem_shared>>, %arg30: memref<10000x8xf32, #tpu.memory_space<vmem_shared>>, %arg31: memref<!tpu.dma_semaphore, #tpu.memory_space<semaphore_mem>>, %arg32: memref<!tpu.dma_semaphore, #tpu.memory_space<semaphore_mem>>, %arg33: memref<!tpu.dma_semaphore, #tpu.memory_space<semaphore_mem>>, %arg34: memref<!tpu.dma_semaphore, #tpu.memory_space<semaphore_mem>>, %arg35: memref<!tpu.dma_semaphore, #tpu.memory_space<semaphore_mem>>, %arg36: memref<!tpu.dma_semaphore, #tpu.memory_space<semaphore_mem>>, %arg37: memref<!tpu.dma_semaphore, #tpu.memory_space<semaphore_mem>>, %arg38: memref<!tpu.dma_semaphore, #tpu.memory_space<semaphore_mem>>) attributes {dimension_semantics = [#tpu.dimension_semantics<core_parallel>, #tpu.dimension_semantics<subcore_parallel>], iteration_bounds = array<i64: 2, 16>, scalar_prefetch = 0 : i64, scratch_operands = 29 : i64, tpu.core_type = #tpu.core_type<sc_vector_subcore>, window_params = [{transform_indices = #map}, {transform_indices = #map}, {transform_indices = #map}, {transform_indices = #map}, {transform_indices = #map}, {transform_indices = #map}, {transform_indices = #map}, {transform_indices = #map}]} {
    "tpu.region"() ({
      %run_scoped3A = tpu.sem_alloc : memref<!tpu.dma_semaphore, #tpu.memory_space<semaphore_mem>>
      tpu.enqueue_dma source(%arg7 : memref<2x8xf32, #tpu.memory_space<hbm>>) target(%arg26 : memref<2x8xf32, #tpu.memory_space<vmem>>) target_semaphore(%run_scoped3A : memref<!tpu.dma_semaphore, #tpu.memory_space<semaphore_mem>>)
      tpu.wait_dma2 semaphore(%run_scoped3A : memref<!tpu.dma_semaphore, #tpu.memory_space<semaphore_mem>>) src(%arg7 : memref<2x8xf32, #tpu.memory_space<hbm>>) dst(%arg26 : memref<2x8xf32, #tpu.memory_space<vmem>>)
      tpu.yield
    }) : () -> ()
    "tpu.region"() ({
      %run_scoped3A = tpu.sem_alloc : memref<!tpu.dma_semaphore, #tpu.memory_space<semaphore_mem>>
      tpu.enqueue_dma source(%arg8 : memref<2x8xf32, #tpu.memory_space<hbm>>) target(%arg27 : memref<2x8xf32, #tpu.memory_space<vmem>>) target_semaphore(%run_scoped3A : memref<!tpu.dma_semaphore, #tpu.memory_space<semaphore_mem>>)
      tpu.wait_dma2 semaphore(%run_scoped3A : memref<!tpu.dma_semaphore, #tpu.memory_space<semaphore_mem>>) src(%arg8 : memref<2x8xf32, #tpu.memory_space<hbm>>) dst(%arg27 : memref<2x8xf32, #tpu.memory_space<vmem>>)
      tpu.yield
    }) : () -> ()
    %iota3A = tpu.iota {dimensions = array<i32: 0>} : vector<16xi32>
    %jit3A = arith.constant 8 : i32
    %eq3A = arith.constant 0 : i32
    %eq3A_0 = arith.cmpi eq, %jit3A, %eq3A : i32
    %jit3A_1 = arith.constant 1 : i32
    %select_n3A = arith.select %eq3A_0, %jit3A_1, %jit3A : i32
    %rem3A = vector.broadcast %select_n3A : i32 to vector<16xi32>
    %rem3A_2 = arith.remsi %iota3A, %rem3A : vector<16xi32>
    %ne3A = arith.constant 0 : i32
    %ne3A_3 = vector.broadcast %ne3A : i32 to vector<16xi32>
    %ne3A_4 = arith.cmpi ne, %rem3A_2, %ne3A_3 : vector<16xi32>
    %lt3A = arith.constant 0 : i32
    %lt3A_5 = vector.broadcast %lt3A : i32 to vector<16xi32>
    %lt3A_6 = arith.cmpi slt, %rem3A_2, %lt3A_5 : vector<16xi32>
    %lt3A_7 = arith.constant 0 : i32
    %lt3A_8 = arith.cmpi slt, %select_n3A, %lt3A_7 : i32
    %ne3A_9 = vector.broadcast %lt3A_8 : i1 to vector<16xi1>
    %ne3A_10 = vector.broadcast %ne3A_9 : vector<16xi1> to vector<16xi1>
    %ne3A_11 = arith.xori %lt3A_6, %ne3A_10 : vector<16xi1>
    %and3A = arith.andi %ne3A_11, %ne3A_4 : vector<16xi1>
    %add3A = vector.broadcast %select_n3A : i32 to vector<16xi32>
    %add3A_12 = arith.addi %rem3A_2, %add3A : vector<16xi32>
    %select_n3A_13 = arith.select %and3A, %add3A_12, %rem3A_2 : vector<16xi1>, vector<16xi32>
    %jit3A_14 = arith.constant 8 : i32
    %div3A = vector.broadcast %jit3A_14 : i32 to vector<16xi32>
    %div3A_15 = arith.divsi %iota3A, %div3A : vector<16xi32>
    %sign3A = arith.constant 0 : i32
    %sign3A_16 = vector.broadcast %sign3A : i32 to vector<16xi32>
    %sign3A_17 = arith.cmpi sgt, %iota3A, %sign3A_16 : vector<16xi32>
    %sign3A_18 = arith.extui %sign3A_17 : vector<16xi1> to vector<16xi32>
    %sign3A_19 = arith.constant 0 : i32
    %sign3A_20 = vector.broadcast %sign3A_19 : i32 to vector<16xi32>
    %sign3A_21 = arith.cmpi slt, %iota3A, %sign3A_20 : vector<16xi32>
    %sign3A_22 = arith.extui %sign3A_21 : vector<16xi1> to vector<16xi32>
    %sign3A_23 = arith.subi %sign3A_18, %sign3A_22 : vector<16xi32>
    %sign3A_24 = arith.constant 0 : i32
    %sign3A_25 = arith.cmpi sgt, %jit3A_14, %sign3A_24 : i32
    %sign3A_26 = arith.extui %sign3A_25 : i1 to i32
    %sign3A_27 = arith.constant 0 : i32
    %sign3A_28 = arith.cmpi slt, %jit3A_14, %sign3A_27 : i32
    %sign3A_29 = arith.extui %sign3A_28 : i1 to i32
    %sign3A_30 = arith.subi %sign3A_26, %sign3A_29 : i32
    %ne3A_31 = vector.broadcast %sign3A_30 : i32 to vector<16xi32>
    %ne3A_32 = arith.cmpi ne, %sign3A_23, %ne3A_31 : vector<16xi32>
    %rem3A_33 = vector.broadcast %jit3A_14 : i32 to vector<16xi32>
    %rem3A_34 = arith.remsi %iota3A, %rem3A_33 : vector<16xi32>
    %ne3A_35 = arith.constant 0 : i32
    %ne3A_36 = vector.broadcast %ne3A_35 : i32 to vector<16xi32>
    %ne3A_37 = arith.cmpi ne, %rem3A_34, %ne3A_36 : vector<16xi32>
    %and3A_38 = arith.andi %ne3A_32, %ne3A_37 : vector<16xi1>
    %sub3A = arith.constant 1 : i32
    %sub3A_39 = vector.broadcast %sub3A : i32 to vector<16xi32>
    %sub3A_40 = arith.subi %div3A_15, %sub3A_39 : vector<16xi32>
    %select_n3A_41 = arith.select %and3A_38, %sub3A_40, %div3A_15 : vector<16xi1>, vector<16xi32>
    %broadcast_in_dim3A = vector.broadcast %arg0 : i32 to vector<16xi32>
    %gather3A = tpu.vector_load_idx %arg26[%broadcast_in_dim3A, %select_n3A_13] : memref<2x8xf32, #tpu.memory_space<vmem>>[vector<16xi32>, vector<16xi32>], vector<16xf32>,
    %gather3A_42 = tpu.vector_load_idx %arg27[%broadcast_in_dim3A, %select_n3A_13] : memref<2x8xf32, #tpu.memory_space<vmem>>[vector<16xi32>, vector<16xi32>], vector<16xf32>,
    %broadcast_in_dim3A_43 = arith.constant 0.000000e+00 : f32
    %broadcast_in_dim3A_44 = vector.broadcast %broadcast_in_dim3A_43 : f32 to vector<16xf32>
    %scan3A = arith.constant 0 : i32
    %scan3A_45 = arith.constant 0 : i32
    %scan3A_46 = arith.constant 80 : i32
    %scan3A_47 = arith.addi %scan3A_45, %scan3A_46 : i32
    %scan3A_48 = arith.constant 1 : i32
    scf.for %scan3A_80 = %scan3A_45 to %scan3A_47 step %scan3A_48  : i32 {
      %swap3A = arith.index_cast %scan3A_80 : i32 to index
      %swap3A_81 = arith.constant 0 : index
      %swap3A_82 = tpu.vector_load %arg16[%swap3A, %swap3A_81] {strides = array<i32>} : memref<80x128xf32, #tpu.memory_space<vmem>>, vector<16xf32>,
      tpu.vector_store %arg16[%swap3A, %swap3A_81], %broadcast_in_dim3A_44 {strides = array<i32>} : memref<80x128xf32, #tpu.memory_space<vmem>>, vector<16xf32>,
      %swap3A_83 = arith.index_cast %scan3A_80 : i32 to index
      %swap3A_84 = arith.constant 16 : index
      %swap3A_85 = tpu.vector_load %arg16[%swap3A_83, %swap3A_84] {strides = array<i32>} : memref<80x128xf32, #tpu.memory_space<vmem>>, vector<16xf32>,
      tpu.vector_store %arg16[%swap3A_83, %swap3A_84], %broadcast_in_dim3A_44 {strides = array<i32>} : memref<80x128xf32, #tpu.memory_space<vmem>>, vector<16xf32>,
      %swap3A_86 = arith.index_cast %scan3A_80 : i32 to index
      %swap3A_87 = arith.constant 32 : index
      %swap3A_88 = tpu.vector_load %arg16[%swap3A_86, %swap3A_87] {strides = array<i32>} : memref<80x128xf32, #tpu.memory_space<vmem>>, vector<16xf32>,
      tpu.vector_store %arg16[%swap3A_86, %swap3A_87], %broadcast_in_dim3A_44 {strides = array<i32>} : memref<80x128xf32, #tpu.memory_space<vmem>>, vector<16xf32>,
      %swap3A_89 = arith.index_cast %scan3A_80 : i32 to index
      %swap3A_90 = arith.constant 48 : index
      %swap3A_91 = tpu.vector_load %arg16[%swap3A_89, %swap3A_90] {strides = array<i32>} : memref<80x128xf32, #tpu.memory_space<vmem>>, vector<16xf32>,
      tpu.vector_store %arg16[%swap3A_89, %swap3A_90], %broadcast_in_dim3A_44 {strides = array<i32>} : memref<80x128xf32, #tpu.memory_space<vmem>>, vector<16xf32>,
      %swap3A_92 = arith.index_cast %scan3A_80 : i32 to index
      %swap3A_93 = arith.constant 64 : index
      %swap3A_94 = tpu.vector_load %arg16[%swap3A_92, %swap3A_93] {strides = array<i32>} : memref<80x128xf32, #tpu.memory_space<vmem>>, vector<16xf32>,
      tpu.vector_store %arg16[%swap3A_92, %swap3A_93], %broadcast_in_dim3A_44 {strides = array<i32>} : memref<80x128xf32, #tpu.memory_space<vmem>>, vector<16xf32>,
      %swap3A_95 = arith.index_cast %scan3A_80 : i32 to index
      %swap3A_96 = arith.constant 80 : index
      %swap3A_97 = tpu.vector_load %arg16[%swap3A_95, %swap3A_96] {strides = array<i32>} : memref<80x128xf32, #tpu.memory_space<vmem>>, vector<16xf32>,
      tpu.vector_store %arg16[%swap3A_95, %swap3A_96], %broadcast_in_dim3A_44 {strides = array<i32>} : memref<80x128xf32, #tpu.memory_space<vmem>>, vector<16xf32>,
      %swap3A_98 = arith.index_cast %scan3A_80 : i32 to index
      %swap3A_99 = arith.constant 96 : index
      %swap3A_100 = tpu.vector_load %arg16[%swap3A_98, %swap3A_99] {strides = array<i32>} : memref<80x128xf32, #tpu.memory_space<vmem>>, vector<16xf32>,
      tpu.vector_store %arg16[%swap3A_98, %swap3A_99], %broadcast_in_dim3A_44 {strides = array<i32>} : memref<80x128xf32, #tpu.memory_space<vmem>>, vector<16xf32>,
      %swap3A_101 = arith.index_cast %scan3A_80 : i32 to index
      %swap3A_102 = arith.constant 112 : index
      %swap3A_103 = tpu.vector_load %arg16[%swap3A_101, %swap3A_102] {strides = array<i32>} : memref<80x128xf32, #tpu.memory_space<vmem>>, vector<16xf32>,
      tpu.vector_store %arg16[%swap3A_101, %swap3A_102], %broadcast_in_dim3A_44 {strides = array<i32>} : memref<80x128xf32, #tpu.memory_space<vmem>>, vector<16xf32>,
    }
    %scan3A_49 = arith.constant 80 : i32
    %scan3A_50 = arith.constant 0 : i32
    %scan3A_51 = arith.constant 0 : i32
    %scan3A_52 = arith.constant 40 : i32
    %scan3A_53 = arith.addi %scan3A_51, %scan3A_52 : i32
    %scan3A_54 = arith.constant 1 : i32
    scf.for %scan3A_80 = %scan3A_51 to %scan3A_53 step %scan3A_54  : i32 {
      %mul3A_81 = arith.constant 2 : i32
      %mul3A_82 = arith.muli %mul3A_81, %scan3A_80 : i32
      %add3A_83 = vector.broadcast %mul3A_82 : i32 to vector<16xi32>
      %add3A_84 = arith.addi %add3A_83, %select_n3A_41 : vector<16xi32>
      tpu.vector_store_idx %arg28[%add3A_84, %select_n3A_13], %broadcast_in_dim3A_44 : memref<80x8xf32, #tpu.memory_space<vmem>>[vector<16xi32>, vector<16xi32>], vector<16xf32>,
    }
    %scan3A_55 = arith.constant 40 : i32
    %scan3A_56 = arith.constant 0 : i32
    %scan3A_57 = arith.constant 0 : i32
    %scan3A_58 = arith.constant 8 : i32
    %scan3A_59 = arith.addi %scan3A_57, %scan3A_58 : i32
    %scan3A_60 = arith.constant 1 : i32
    scf.for %scan3A_80 = %scan3A_57 to %scan3A_59 step %scan3A_60  : i32 {
      %mul3A_81 = arith.constant 16 : i32
      %mul3A_82 = arith.muli %scan3A_80, %mul3A_81 : i32
      %add3A_83 = arith.addi %mul3A_82, %arg1 : i32
      %lt3A_84 = arith.constant 125 : i32
      %lt3A_85 = arith.cmpi slt, %add3A_83, %lt3A_84 : i32
      %convert_element_type3A_86 = arith.extui %lt3A_85 : i1 to i32
      %cond3A_87 = arith.constant 0 : i32
      %cond3A_88 = arith.cmpi ne, %convert_element_type3A_86, %cond3A_87 : i32
      scf.if %cond3A_88 {
        %mul3A_89 = arith.constant 80 : i32
        %mul3A_90 = arith.muli %add3A_83, %mul3A_89 : i32
        "tpu.region"() ({
          %run_scoped3A = tpu.sem_alloc : memref<!tpu.dma_semaphore, #tpu.memory_space<semaphore_mem>>
          %dma_start3A = arith.constant 0 : i32
          %dma_start3A_91 = tpu.memref_slice %arg29[%mul3A_90, %dma_start3A] : memref<10000x128xf32, #tpu.memory_space<vmem_shared>> -> memref<80x128xf32, #tpu.memory_space<vmem_shared>>
          %dma_start3A_92 = arith.constant 0 : i32
          %dma_start3A_93 = tpu.memref_slice %arg29[%mul3A_90, %dma_start3A_92] : memref<10000x128xf32, #tpu.memory_space<vmem_shared>> -> memref<80x128xf32, #tpu.memory_space<vmem_shared>>
          tpu.enqueue_dma source(%arg16 : memref<80x128xf32, #tpu.memory_space<vmem>>) target(%dma_start3A_93 : memref<80x128xf32, #tpu.memory_space<vmem_shared>>) target_semaphore(%run_scoped3A : memref<!tpu.dma_semaphore, #tpu.memory_space<semaphore_mem>>)
          %dma_wait3A = arith.constant 0 : i32
          %dma_wait3A_94 = tpu.memref_slice %arg29[%mul3A_90, %dma_wait3A] : memref<10000x128xf32, #tpu.memory_space<vmem_shared>> -> memref<80x128xf32, #tpu.memory_space<vmem_shared>>
          %dma_wait3A_95 = arith.constant 0 : i32
          %dma_wait3A_96 = tpu.memref_slice %arg29[%mul3A_90, %dma_wait3A_95] : memref<10000x128xf32, #tpu.memory_space<vmem_shared>> -> memref<80x128xf32, #tpu.memory_space<vmem_shared>>
          tpu.wait_dma2 semaphore(%run_scoped3A : memref<!tpu.dma_semaphore, #tpu.memory_space<semaphore_mem>>) src(%arg16 : memref<80x128xf32, #tpu.memory_space<vmem>>) dst(%dma_wait3A_96 : memref<80x128xf32, #tpu.memory_space<vmem_shared>>)
          tpu.yield
        }) : () -> ()
        "tpu.region"() ({
          %run_scoped3A = tpu.sem_alloc : memref<!tpu.dma_semaphore, #tpu.memory_space<semaphore_mem>>
          %dma_start3A = arith.constant 0 : i32
          %dma_start3A_91 = tpu.memref_slice %arg30[%mul3A_90, %dma_start3A] : memref<10000x8xf32, #tpu.memory_space<vmem_shared>> -> memref<80x8xf32, #tpu.memory_space<vmem_shared>>
          %dma_start3A_92 = arith.constant 0 : i32
          %dma_start3A_93 = tpu.memref_slice %arg30[%mul3A_90, %dma_start3A_92] : memref<10000x8xf32, #tpu.memory_space<vmem_shared>> -> memref<80x8xf32, #tpu.memory_space<vmem_shared>>
          tpu.enqueue_dma source(%arg28 : memref<80x8xf32, #tpu.memory_space<vmem>>) target(%dma_start3A_93 : memref<80x8xf32, #tpu.memory_space<vmem_shared>>) target_semaphore(%run_scoped3A : memref<!tpu.dma_semaphore, #tpu.memory_space<semaphore_mem>>)
          %dma_wait3A = arith.constant 0 : i32
          %dma_wait3A_94 = tpu.memref_slice %arg30[%mul3A_90, %dma_wait3A] : memref<10000x8xf32, #tpu.memory_space<vmem_shared>> -> memref<80x8xf32, #tpu.memory_space<vmem_shared>>
          %dma_wait3A_95 = arith.constant 0 : i32
          %dma_wait3A_96 = tpu.memref_slice %arg30[%mul3A_90, %dma_wait3A_95] : memref<10000x8xf32, #tpu.memory_space<vmem_shared>> -> memref<80x8xf32, #tpu.memory_space<vmem_shared>>
          tpu.wait_dma2 semaphore(%run_scoped3A : memref<!tpu.dma_semaphore, #tpu.memory_space<semaphore_mem>>) src(%arg28 : memref<80x8xf32, #tpu.memory_space<vmem>>) dst(%dma_wait3A_96 : memref<80x8xf32, #tpu.memory_space<vmem_shared>>)
          tpu.yield
        }) : () -> ()
      } else {
      }
    }
    %scan3A_61 = arith.constant 8 : i32
    %barrier3A = arith.constant 0 : index
    tpu.barrier barrier_id(%barrier3A)
    %eq3A_62 = arith.constant 0 : i32
    %eq3A_63 = arith.cmpi eq, %arg0, %eq3A_62 : i32
    %convert_element_type3A = arith.extui %eq3A_63 : i1 to i32
    %cond3A = arith.constant 0 : i32
    %cond3A_64 = arith.cmpi ne, %convert_element_type3A, %cond3A : i32
    scf.if %cond3A_64 {
      %broadcast_in_dim3A_80 = arith.constant 0 : i32
      %broadcast_in_dim3A_81 = vector.broadcast %broadcast_in_dim3A_80 : i32 to vector<16xi32>
      %broadcast_in_dim3A_82 = arith.constant 10000 : i32
      %broadcast_in_dim3A_83 = vector.broadcast %broadcast_in_dim3A_82 : i32 to vector<16xi32>
      %mul3A_84 = arith.constant 10000 : i32
      %mul3A_85 = arith.muli %arg1, %mul3A_84 : i32
      %add3A_86 = arith.constant 0 : i32
      %add3A_87 = arith.addi %mul3A_85, %add3A_86 : i32
      %dma_start3A = arith.constant 0 : i32
      %dma_start3A_88 = tpu.memref_slice %arg5[%dma_start3A, %add3A_87] : memref<2x160000xi32, #tpu.memory_space<hbm>> -> memref<2x80xi32, #tpu.memory_space<hbm>>
      %dma_start3A_89 = arith.constant 0 : i32
      %dma_start3A_90 = tpu.memref_slice %arg5[%dma_start3A_89, %add3A_87] : memref<2x160000xi32, #tpu.memory_space<hbm>> -> memref<2x80xi32, #tpu.memory_space<hbm>>
      tpu.enqueue_dma source(%dma_start3A_90 : memref<2x80xi32, #tpu.memory_space<hbm>>) target(%arg10 : memref<2x80xi32, #tpu.memory_space<vmem>>) target_semaphore(%arg34 : memref<!tpu.dma_semaphore, #tpu.memory_space<semaphore_mem>>)
      %dma_wait3A = arith.constant 0 : i32
      %dma_wait3A_91 = tpu.memref_slice %arg5[%dma_wait3A, %add3A_87] : memref<2x160000xi32, #tpu.memory_space<hbm>> -> memref<2x80xi32, #tpu.memory_space<hbm>>
      %dma_wait3A_92 = arith.constant 0 : i32
      %dma_wait3A_93 = tpu.memref_slice %arg5[%dma_wait3A_92, %add3A_87] : memref<2x160000xi32, #tpu.memory_space<hbm>> -> memref<2x80xi32, #tpu.memory_space<hbm>>
      tpu.wait_dma2 semaphore(%arg34 : memref<!tpu.dma_semaphore, #tpu.memory_space<semaphore_mem>>) src(%dma_wait3A_93 : memref<2x80xi32, #tpu.memory_space<hbm>>) dst(%arg10 : memref<2x80xi32, #tpu.memory_space<vmem>>)
      %get3A = arith.constant 0 : i32
      %get3A_94 = arith.index_cast %get3A : i32 to index
      %get3A_95 = arith.constant 0 : index
      %get3A_96 = tpu.vector_load %arg10[%get3A_94, %get3A_95] {strides = array<i32>} : memref<2x80xi32, #tpu.memory_space<vmem>>, vector<16xi32>,
      %add3A_97 = arith.addi %get3A_96, %broadcast_in_dim3A_81 : vector<16xi32>
      %swap3A = arith.constant 0 : index
      %swap3A_98 = tpu.vector_load %arg11[%swap3A] {strides = array<i32>} : memref<80xi32, #tpu.memory_space<vmem>>, vector<16xi32>,
      tpu.vector_store %arg11[%swap3A], %add3A_97 {strides = array<i32>} : memref<80xi32, #tpu.memory_space<vmem>>, vector<16xi32>,
      %get3A_99 = arith.constant 1 : i32
      %get3A_100 = arith.index_cast %get3A_99 : i32 to index
      %get3A_101 = arith.constant 0 : index
      %get3A_102 = tpu.vector_load %arg10[%get3A_100, %get3A_101] {strides = array<i32>} : memref<2x80xi32, #tpu.memory_space<vmem>>, vector<16xi32>,
      %add3A_103 = arith.addi %get3A_102, %broadcast_in_dim3A_83 : vector<16xi32>
      %swap3A_104 = arith.constant 0 : index
      %swap3A_105 = tpu.vector_load %arg12[%swap3A_104] {strides = array<i32>} : memref<80xi32, #tpu.memory_space<vmem>>, vector<16xi32>,
      tpu.vector_store %arg12[%swap3A_104], %add3A_103 {strides = array<i32>} : memref<80xi32, #tpu.memory_space<vmem>>, vector<16xi32>,
      %get3A_106 = arith.constant 1 : i32
      %get3A_107 = arith.index_cast %get3A_106 : i32 to index
      %get3A_108 = arith.constant 0 : index
      %get3A_109 = tpu.vector_load %arg10[%get3A_107, %get3A_108] {strides = array<i32>} : memref<2x80xi32, #tpu.memory_space<vmem>>, vector<16xi32>,
      %swap3A_110 = arith.constant 0 : index
      %swap3A_111 = tpu.vector_load %arg13[%swap3A_110] {strides = array<i32>} : memref<80xi32, #tpu.memory_space<vmem>>, vector<16xi32>,
      tpu.vector_store %arg13[%swap3A_110], %get3A_109 {strides = array<i32>} : memref<80xi32, #tpu.memory_space<vmem>>, vector<16xi32>,
      %get3A_112 = arith.constant 0 : i32
      %get3A_113 = arith.index_cast %get3A_112 : i32 to index
      %get3A_114 = arith.constant 16 : index
      %get3A_115 = tpu.vector_load %arg10[%get3A_113, %get3A_114] {strides = array<i32>} : memref<2x80xi32, #tpu.memory_space<vmem>>, vector<16xi32>,
      %add3A_116 = arith.addi %get3A_115, %broadcast_in_dim3A_81 : vector<16xi32>
      %swap3A_117 = arith.constant 16 : index
      %swap3A_118 = tpu.vector_load %arg11[%swap3A_117] {strides = array<i32>} : memref<80xi32, #tpu.memory_space<vmem>>, vector<16xi32>,
      tpu.vector_store %arg11[%swap3A_117], %add3A_116 {strides = array<i32>} : memref<80xi32, #tpu.memory_space<vmem>>, vector<16xi32>,
      %get3A_119 = arith.constant 1 : i32
      %get3A_120 = arith.index_cast %get3A_119 : i32 to index
      %get3A_121 = arith.constant 16 : index
      %get3A_122 = tpu.vector_load %arg10[%get3A_120, %get3A_121] {strides = array<i32>} : memref<2x80xi32, #tpu.memory_space<vmem>>, vector<16xi32>,
      %add3A_123 = arith.addi %get3A_122, %broadcast_in_dim3A_83 : vector<16xi32>
      %swap3A_124 = arith.constant 16 : index
      %swap3A_125 = tpu.vector_load %arg12[%swap3A_124] {strides = array<i32>} : memref<80xi32, #tpu.memory_space<vmem>>, vector<16xi32>,
      tpu.vector_store %arg12[%swap3A_124], %add3A_123 {strides = array<i32>} : memref<80xi32, #tpu.memory_space<vmem>>, vector<16xi32>,
      %get3A_126 = arith.constant 1 : i32
      %get3A_127 = arith.index_cast %get3A_126 : i32 to index
      %get3A_128 = arith.constant 16 : index
      %get3A_129 = tpu.vector_load %arg10[%get3A_127, %get3A_128] {strides = array<i32>} : memref<2x80xi32, #tpu.memory_space<vmem>>, vector<16xi32>,
      %swap3A_130 = arith.constant 16 : index
      %swap3A_131 = tpu.vector_load %arg13[%swap3A_130] {strides = array<i32>} : memref<80xi32, #tpu.memory_space<vmem>>, vector<16xi32>,
      tpu.vector_store %arg13[%swap3A_130], %get3A_129 {strides = array<i32>} : memref<80xi32, #tpu.memory_space<vmem>>, vector<16xi32>,
      %get3A_132 = arith.constant 0 : i32
      %get3A_133 = arith.index_cast %get3A_132 : i32 to index
      %get3A_134 = arith.constant 32 : index
      %get3A_135 = tpu.vector_load %arg10[%get3A_133, %get3A_134] {strides = array<i32>} : memref<2x80xi32, #tpu.memory_space<vmem>>, vector<16xi32>,
      %add3A_136 = arith.addi %get3A_135, %broadcast_in_dim3A_81 : vector<16xi32>
      %swap3A_137 = arith.constant 32 : index
      %swap3A_138 = tpu.vector_load %arg11[%swap3A_137] {strides = array<i32>} : memref<80xi32, #tpu.memory_space<vmem>>, vector<16xi32>,
      tpu.vector_store %arg11[%swap3A_137], %add3A_136 {strides = array<i32>} : memref<80xi32, #tpu.memory_space<vmem>>, vector<16xi32>,
      %get3A_139 = arith.constant 1 : i32
      %get3A_140 = arith.index_cast %get3A_139 : i32 to index
      %get3A_141 = arith.constant 32 : index
      %get3A_142 = tpu.vector_load %arg10[%get3A_140, %get3A_141] {strides = array<i32>} : memref<2x80xi32, #tpu.memory_space<vmem>>, vector<16xi32>,
      %add3A_143 = arith.addi %get3A_142, %broadcast_in_dim3A_83 : vector<16xi32>
      %swap3A_144 = arith.constant 32 : index
      %swap3A_145 = tpu.vector_load %arg12[%swap3A_144] {strides = array<i32>} : memref<80xi32, #tpu.memory_space<vmem>>, vector<16xi32>,
      tpu.vector_store %arg12[%swap3A_144], %add3A_143 {strides = array<i32>} : memref<80xi32, #tpu.memory_space<vmem>>, vector<16xi32>,
      %get3A_146 = arith.constant 1 : i32
      %get3A_147 = arith.index_cast %get3A_146 : i32 to index
      %get3A_148 = arith.constant 32 : index
      %get3A_149 = tpu.vector_load %arg10[%get3A_147, %get3A_148] {strides = array<i32>} : memref<2x80xi32, #tpu.memory_space<vmem>>, vector<16xi32>,
      %swap3A_150 = arith.constant 32 : index
      %swap3A_151 = tpu.vector_load %arg13[%swap3A_150] {strides = array<i32>} : memref<80xi32, #tpu.memory_space<vmem>>, vector<16xi32>,
      tpu.vector_store %arg13[%swap3A_150], %get3A_149 {strides = array<i32>} : memref<80xi32, #tpu.memory_space<vmem>>, vector<16xi32>,
      %get3A_152 = arith.constant 0 : i32
      %get3A_153 = arith.index_cast %get3A_152 : i32 to index
      %get3A_154 = arith.constant 48 : index
      %get3A_155 = tpu.vector_load %arg10[%get3A_153, %get3A_154] {strides = array<i32>} : memref<2x80xi32, #tpu.memory_space<vmem>>, vector<16xi32>,
      %add3A_156 = arith.addi %get3A_155, %broadcast_in_dim3A_81 : vector<16xi32>
      %swap3A_157 = arith.constant 48 : index
      %swap3A_158 = tpu.vector_load %arg11[%swap3A_157] {strides = array<i32>} : memref<80xi32, #tpu.memory_space<vmem>>, vector<16xi32>,
      tpu.vector_store %arg11[%swap3A_157], %add3A_156 {strides = array<i32>} : memref<80xi32, #tpu.memory_space<vmem>>, vector<16xi32>,
      %get3A_159 = arith.constant 1 : i32
      %get3A_160 = arith.index_cast %get3A_159 : i32 to index
      %get3A_161 = arith.constant 48 : index
      %get3A_162 = tpu.vector_load %arg10[%get3A_160, %get3A_161] {strides = array<i32>} : memref<2x80xi32, #tpu.memory_space<vmem>>, vector<16xi32>,
      %add3A_163 = arith.addi %get3A_162, %broadcast_in_dim3A_83 : vector<16xi32>
      %swap3A_164 = arith.constant 48 : index
      %swap3A_165 = tpu.vector_load %arg12[%swap3A_164] {strides = array<i32>} : memref<80xi32, #tpu.memory_space<vmem>>, vector<16xi32>,
      tpu.vector_store %arg12[%swap3A_164], %add3A_163 {strides = array<i32>} : memref<80xi32, #tpu.memory_space<vmem>>, vector<16xi32>,
      %get3A_166 = arith.constant 1 : i32
      %get3A_167 = arith.index_cast %get3A_166 : i32 to index
      %get3A_168 = arith.constant 48 : index
      %get3A_169 = tpu.vector_load %arg10[%get3A_167, %get3A_168] {strides = array<i32>} : memref<2x80xi32, #tpu.memory_space<vmem>>, vector<16xi32>,
      %swap3A_170 = arith.constant 48 : index
      %swap3A_171 = tpu.vector_load %arg13[%swap3A_170] {strides = array<i32>} : memref<80xi32, #tpu.memory_space<vmem>>, vector<16xi32>,
      tpu.vector_store %arg13[%swap3A_170], %get3A_169 {strides = array<i32>} : memref<80xi32, #tpu.memory_space<vmem>>, vector<16xi32>,
      %get3A_172 = arith.constant 0 : i32
      %get3A_173 = arith.index_cast %get3A_172 : i32 to index
      %get3A_174 = arith.constant 64 : index
      %get3A_175 = tpu.vector_load %arg10[%get3A_173, %get3A_174] {strides = array<i32>} : memref<2x80xi32, #tpu.memory_space<vmem>>, vector<16xi32>,
      %add3A_176 = arith.addi %get3A_175, %broadcast_in_dim3A_81 : vector<16xi32>
      %swap3A_177 = arith.constant 64 : index
      %swap3A_178 = tpu.vector_load %arg11[%swap3A_177] {strides = array<i32>} : memref<80xi32, #tpu.memory_space<vmem>>, vector<16xi32>,
      tpu.vector_store %arg11[%swap3A_177], %add3A_176 {strides = array<i32>} : memref<80xi32, #tpu.memory_space<vmem>>, vector<16xi32>,
      %get3A_179 = arith.constant 1 : i32
      %get3A_180 = arith.index_cast %get3A_179 : i32 to index
      %get3A_181 = arith.constant 64 : index
      %get3A_182 = tpu.vector_load %arg10[%get3A_180, %get3A_181] {strides = array<i32>} : memref<2x80xi32, #tpu.memory_space<vmem>>, vector<16xi32>,
      %add3A_183 = arith.addi %get3A_182, %broadcast_in_dim3A_83 : vector<16xi32>
      %swap3A_184 = arith.constant 64 : index
      %swap3A_185 = tpu.vector_load %arg12[%swap3A_184] {strides = array<i32>} : memref<80xi32, #tpu.memory_space<vmem>>, vector<16xi32>,
      tpu.vector_store %arg12[%swap3A_184], %add3A_183 {strides = array<i32>} : memref<80xi32, #tpu.memory_space<vmem>>, vector<16xi32>,
      %get3A_186 = arith.constant 1 : i32
      %get3A_187 = arith.index_cast %get3A_186 : i32 to index
      %get3A_188 = arith.constant 64 : index
      %get3A_189 = tpu.vector_load %arg10[%get3A_187, %get3A_188] {strides = array<i32>} : memref<2x80xi32, #tpu.memory_space<vmem>>, vector<16xi32>,
      %swap3A_190 = arith.constant 64 : index
      %swap3A_191 = tpu.vector_load %arg13[%swap3A_190] {strides = array<i32>} : memref<80xi32, #tpu.memory_space<vmem>>, vector<16xi32>,
      tpu.vector_store %arg13[%swap3A_190], %get3A_189 {strides = array<i32>} : memref<80xi32, #tpu.memory_space<vmem>>, vector<16xi32>,
      %dma_start3A_192 = arith.constant 0 : i32
      %dma_start3A_193 = arith.constant 0 : i32
      %dma_start3A_194 = tpu.memref_slice %arg2[%dma_start3A_192, %dma_start3A_193] : memref<20000x8xf32, #tpu.memory_space<hbm>> -> memref<20000x8xf32, #tpu.memory_space<hbm>>
      tpu.enqueue_indirect_dma source(%dma_start3A_194 : memref<20000x8xf32, #tpu.memory_space<hbm>>) target(%arg14 : memref<80x8xf32, #tpu.memory_space<vmem>>) offsets(%arg11 : memref<80xi32, #tpu.memory_space<vmem>>) semaphore(%arg31 : memref<!tpu.dma_semaphore, #tpu.memory_space<semaphore_mem>>)
      %dma_start3A_195 = arith.constant 0 : i32
      %dma_start3A_196 = arith.constant 0 : i32
      %dma_start3A_197 = tpu.memref_slice %arg3[%dma_start3A_195, %dma_start3A_196] : memref<20000x8xf32, #tpu.memory_space<hbm>> -> memref<20000x8xf32, #tpu.memory_space<hbm>>
      tpu.enqueue_indirect_dma source(%dma_start3A_197 : memref<20000x8xf32, #tpu.memory_space<hbm>>) target(%arg15 : memref<80x8xf32, #tpu.memory_space<vmem>>) offsets(%arg12 : memref<80xi32, #tpu.memory_space<vmem>>) semaphore(%arg31 : memref<!tpu.dma_semaphore, #tpu.memory_space<semaphore_mem>>)
      %dma_start3A_198 = arith.constant 0 : i32
      %dma_start3A_199 = arith.constant 0 : i32
      %dma_start3A_200 = tpu.memref_slice %arg4[%dma_start3A_198, %dma_start3A_199] : memref<20000x128xf32, #tpu.memory_space<hbm>> -> memref<20000x128xf32, #tpu.memory_space<hbm>>
      tpu.enqueue_indirect_dma source(%dma_start3A_200 : memref<20000x128xf32, #tpu.memory_space<hbm>>) target(%arg16 : memref<80x128xf32, #tpu.memory_space<vmem>>) offsets(%arg11 : memref<80xi32, #tpu.memory_space<vmem>>) semaphore(%arg32 : memref<!tpu.dma_semaphore, #tpu.memory_space<semaphore_mem>>)
      %mul3A_201 = arith.constant 10000 : i32
      %mul3A_202 = arith.muli %arg1, %mul3A_201 : i32
      %add3A_203 = arith.constant 80 : i32
      %add3A_204 = arith.addi %mul3A_202, %add3A_203 : i32
      %dma_start3A_205 = arith.constant 0 : i32
      %dma_start3A_206 = tpu.memref_slice %arg5[%dma_start3A_205, %add3A_204] : memref<2x160000xi32, #tpu.memory_space<hbm>> -> memref<2x80xi32, #tpu.memory_space<hbm>>
      %dma_start3A_207 = arith.constant 0 : i32
      %dma_start3A_208 = tpu.memref_slice %arg5[%dma_start3A_207, %add3A_204] : memref<2x160000xi32, #tpu.memory_space<hbm>> -> memref<2x80xi32, #tpu.memory_space<hbm>>
      tpu.enqueue_dma source(%dma_start3A_208 : memref<2x80xi32, #tpu.memory_space<hbm>>) target(%arg18 : memref<2x80xi32, #tpu.memory_space<vmem>>) target_semaphore(%arg38 : memref<!tpu.dma_semaphore, #tpu.memory_space<semaphore_mem>>)
      %scan3A_209 = arith.constant 0 : i32
      %scan3A_210 = arith.constant 0 : i32
      %scan3A_211 = arith.constant 63 : i32
      %scan3A_212 = arith.addi %scan3A_210, %scan3A_211 : i32
      %scan3A_213 = arith.constant 1 : i32
      scf.for %scan3A_221 = %scan3A_210 to %scan3A_212 step %scan3A_213  : i32 {
        %mul3A_222 = arith.constant 2 : i32
        %mul3A_223 = arith.muli %mul3A_222, %scan3A_221 : i32
        %add3A_224 = arith.constant 1 : i32
        %add3A_225 = arith.addi %mul3A_223, %add3A_224 : i32
        %ge3A = arith.constant 1 : i32
        %ge3A_226 = arith.cmpi sge, %scan3A_221, %ge3A : i32
        %convert_element_type3A_227 = arith.extui %ge3A_226 : i1 to i32
        %cond3A_228 = arith.constant 0 : i32
        %cond3A_229 = arith.cmpi ne, %convert_element_type3A_227, %cond3A_228 : i32
        scf.if %cond3A_229 {
          %dma_wait3A_277 = arith.constant 0 : i32
          %dma_wait3A_278 = arith.constant 0 : i32
          %dma_wait3A_279 = tpu.memref_slice %arg30[%dma_wait3A_277, %dma_wait3A_278] : memref<10000x8xf32, #tpu.memory_space<vmem_shared>> -> memref<10000x8xf32, #tpu.memory_space<vmem_shared>>
          tpu.wait_indirect_dma semaphore(%arg37 : memref<!tpu.dma_semaphore, #tpu.memory_space<semaphore_mem>>) src(%arg25 : memref<80x8xf32, #tpu.memory_space<vmem>>) dst(%dma_wait3A_279 : memref<10000x8xf32, #tpu.memory_space<vmem_shared>>)
          %dma_wait3A_280 = arith.constant 0 : i32
          %dma_wait3A_281 = arith.constant 0 : i32
          %dma_wait3A_282 = tpu.memref_slice %arg29[%dma_wait3A_280, %dma_wait3A_281] : memref<10000x128xf32, #tpu.memory_space<vmem_shared>> -> memref<10000x128xf32, #tpu.memory_space<vmem_shared>>
          tpu.wait_indirect_dma semaphore(%arg37 : memref<!tpu.dma_semaphore, #tpu.memory_space<semaphore_mem>>) src(%arg24 : memref<80x128xf32, #tpu.memory_space<vmem>>) dst(%dma_wait3A_282 : memref<10000x128xf32, #tpu.memory_space<vmem_shared>>)
        } else {
        }
        %lt3A_230 = arith.constant 125 : i32
        %lt3A_231 = arith.cmpi slt, %add3A_225, %lt3A_230 : i32
        %convert_element_type3A_232 = arith.extui %lt3A_231 : i1 to i32
        %cond3A_233 = arith.constant 0 : i32
        %cond3A_234 = arith.cmpi ne, %convert_element_type3A_232, %cond3A_233 : i32
        scf.if %cond3A_234 {
          %dma_wait3A_277 = arith.constant 0 : i32
          %dma_wait3A_278 = arith.constant 0 : i32
          %dma_wait3A_279 = tpu.memref_slice %arg5[%dma_wait3A_277, %dma_wait3A_278] : memref<2x160000xi32, #tpu.memory_space<hbm>> -> memref<2x80xi32, #tpu.memory_space<hbm>>
          %dma_wait3A_280 = arith.constant 0 : i32
          %dma_wait3A_281 = arith.constant 0 : i32
          %dma_wait3A_282 = tpu.memref_slice %arg5[%dma_wait3A_280, %dma_wait3A_281] : memref<2x160000xi32, #tpu.memory_space<hbm>> -> memref<2x80xi32, #tpu.memory_space<hbm>>
          tpu.wait_dma2 semaphore(%arg38 : memref<!tpu.dma_semaphore, #tpu.memory_space<semaphore_mem>>) src(%dma_wait3A_282 : memref<2x80xi32, #tpu.memory_space<hbm>>) dst(%arg18 : memref<2x80xi32, #tpu.memory_space<vmem>>)
          %get3A_283 = arith.constant 0 : i32
          %get3A_284 = arith.index_cast %get3A_283 : i32 to index
          %get3A_285 = arith.constant 0 : index
          %get3A_286 = tpu.vector_load %arg18[%get3A_284, %get3A_285] {strides = array<i32>} : memref<2x80xi32, #tpu.memory_space<vmem>>, vector<16xi32>,
          %add3A_287 = arith.addi %get3A_286, %broadcast_in_dim3A_81 : vector<16xi32>
          %swap3A_288 = arith.constant 0 : index
          %swap3A_289 = tpu.vector_load %arg19[%swap3A_288] {strides = array<i32>} : memref<80xi32, #tpu.memory_space<vmem>>, vector<16xi32>,
          tpu.vector_store %arg19[%swap3A_288], %add3A_287 {strides = array<i32>} : memref<80xi32, #tpu.memory_space<vmem>>, vector<16xi32>,
          %get3A_290 = arith.constant 1 : i32
          %get3A_291 = arith.index_cast %get3A_290 : i32 to index
          %get3A_292 = arith.constant 0 : index
          %get3A_293 = tpu.vector_load %arg18[%get3A_291, %get3A_292] {strides = array<i32>} : memref<2x80xi32, #tpu.memory_space<vmem>>, vector<16xi32>,
          %add3A_294 = arith.addi %get3A_293, %broadcast_in_dim3A_83 : vector<16xi32>
          %swap3A_295 = arith.constant 0 : index
          %swap3A_296 = tpu.vector_load %arg20[%swap3A_295] {strides = array<i32>} : memref<80xi32, #tpu.memory_space<vmem>>, vector<16xi32>,
          tpu.vector_store %arg20[%swap3A_295], %add3A_294 {strides = array<i32>} : memref<80xi32, #tpu.memory_space<vmem>>, vector<16xi32>,
          %get3A_297 = arith.constant 1 : i32
          %get3A_298 = arith.index_cast %get3A_297 : i32 to index
          %get3A_299 = arith.constant 0 : index
          %get3A_300 = tpu.vector_load %arg18[%get3A_298, %get3A_299] {strides = array<i32>} : memref<2x80xi32, #tpu.memory_space<vmem>>, vector<16xi32>,
          %swap3A_301 = arith.constant 0 : index
          %swap3A_302 = tpu.vector_load %arg21[%swap3A_301] {strides = array<i32>} : memref<80xi32, #tpu.memory_space<vmem>>, vector<16xi32>,
          tpu.vector_store %arg21[%swap3A_301], %get3A_300 {strides = array<i32>} : memref<80xi32, #tpu.memory_space<vmem>>, vector<16xi32>,
          %get3A_303 = arith.constant 0 : i32
          %get3A_304 = arith.index_cast %get3A_303 : i32 to index
          %get3A_305 = arith.constant 16 : index
          %get3A_306 = tpu.vector_load %arg18[%get3A_304, %get3A_305] {strides = array<i32>} : memref<2x80xi32, #tpu.memory_space<vmem>>, vector<16xi32>,
          %add3A_307 = arith.addi %get3A_306, %broadcast_in_dim3A_81 : vector<16xi32>
          %swap3A_308 = arith.constant 16 : index
          %swap3A_309 = tpu.vector_load %arg19[%swap3A_308] {strides = array<i32>} : memref<80xi32, #tpu.memory_space<vmem>>, vector<16xi32>,
          tpu.vector_store %arg19[%swap3A_308], %add3A_307 {strides = array<i32>} : memref<80xi32, #tpu.memory_space<vmem>>, vector<16xi32>,
          %get3A_310 = arith.constant 1 : i32
          %get3A_311 = arith.index_cast %get3A_310 : i32 to index
          %get3A_312 = arith.constant 16 : index
          %get3A_313 = tpu.vector_load %arg18[%get3A_311, %get3A_312] {strides = array<i32>} : memref<2x80xi32, #tpu.memory_space<vmem>>, vector<16xi32>,
          %add3A_314 = arith.addi %get3A_313, %broadcast_in_dim3A_83 : vector<16xi32>
          %swap3A_315 = arith.constant 16 : index
          %swap3A_316 = tpu.vector_load %arg20[%swap3A_315] {strides = array<i32>} : memref<80xi32, #tpu.memory_space<vmem>>, vector<16xi32>,
          tpu.vector_store %arg20[%swap3A_315], %add3A_314 {strides = array<i32>} : memref<80xi32, #tpu.memory_space<vmem>>, vector<16xi32>,
          %get3A_317 = arith.constant 1 : i32
          %get3A_318 = arith.index_cast %get3A_317 : i32 to index
          %get3A_319 = arith.constant 16 : index
          %get3A_320 = tpu.vector_load %arg18[%get3A_318, %get3A_319] {strides = array<i32>} : memref<2x80xi32, #tpu.memory_space<vmem>>, vector<16xi32>,
          %swap3A_321 = arith.constant 16 : index
          %swap3A_322 = tpu.vector_load %arg21[%swap3A_321] {strides = array<i32>} : memref<80xi32, #tpu.memory_space<vmem>>, vector<16xi32>,
          tpu.vector_store %arg21[%swap3A_321], %get3A_320 {strides = array<i32>} : memref<80xi32, #tpu.memory_space<vmem>>, vector<16xi32>,
          %get3A_323 = arith.constant 0 : i32
          %get3A_324 = arith.index_cast %get3A_323 : i32 to index
          %get3A_325 = arith.constant 32 : index
          %get3A_326 = tpu.vector_load %arg18[%get3A_324, %get3A_325] {strides = array<i32>} : memref<2x80xi32, #tpu.memory_space<vmem>>, vector<16xi32>,
          %add3A_327 = arith.addi %get3A_326, %broadcast_in_dim3A_81 : vector<16xi32>
          %swap3A_328 = arith.constant 32 : index
          %swap3A_329 = tpu.vector_load %arg19[%swap3A_328] {strides = array<i32>} : memref<80xi32, #tpu.memory_space<vmem>>, vector<16xi32>,
          tpu.vector_store %arg19[%swap3A_328], %add3A_327 {strides = array<i32>} : memref<80xi32, #tpu.memory_space<vmem>>, vector<16xi32>,
          %get3A_330 = arith.constant 1 : i32
          %get3A_331 = arith.index_cast %get3A_330 : i32 to index
          %get3A_332 = arith.constant 32 : index
          %get3A_333 = tpu.vector_load %arg18[%get3A_331, %get3A_332] {strides = array<i32>} : memref<2x80xi32, #tpu.memory_space<vmem>>, vector<16xi32>,
          %add3A_334 = arith.addi %get3A_333, %broadcast_in_dim3A_83 : vector<16xi32>
          %swap3A_335 = arith.constant 32 : index
          %swap3A_336 = tpu.vector_load %arg20[%swap3A_335] {strides = array<i32>} : memref<80xi32, #tpu.memory_space<vmem>>, vector<16xi32>,
          tpu.vector_store %arg20[%swap3A_335], %add3A_334 {strides = array<i32>} : memref<80xi32, #tpu.memory_space<vmem>>, vector<16xi32>,
          %get3A_337 = arith.constant 1 : i32
          %get3A_338 = arith.index_cast %get3A_337 : i32 to index
          %get3A_339 = arith.constant 32 : index
          %get3A_340 = tpu.vector_load %arg18[%get3A_338, %get3A_339] {strides = array<i32>} : memref<2x80xi32, #tpu.memory_space<vmem>>, vector<16xi32>,
          %swap3A_341 = arith.constant 32 : index
          %swap3A_342 = tpu.vector_load %arg21[%swap3A_341] {strides = array<i32>} : memref<80xi32, #tpu.memory_space<vmem>>, vector<16xi32>,
          tpu.vector_store %arg21[%swap3A_341], %get3A_340 {strides = array<i32>} : memref<80xi32, #tpu.memory_space<vmem>>, vector<16xi32>,
          %get3A_343 = arith.constant 0 : i32
          %get3A_344 = arith.index_cast %get3A_343 : i32 to index
          %get3A_345 = arith.constant 48 : index
          %get3A_346 = tpu.vector_load %arg18[%get3A_344, %get3A_345] {strides = array<i32>} : memref<2x80xi32, #tpu.memory_space<vmem>>, vector<16xi32>,
          %add3A_347 = arith.addi %get3A_346, %broadcast_in_dim3A_81 : vector<16xi32>
          %swap3A_348 = arith.constant 48 : index
          %swap3A_349 = tpu.vector_load %arg19[%swap3A_348] {strides = array<i32>} : memref<80xi32, #tpu.memory_space<vmem>>, vector<16xi32>,
          tpu.vector_store %arg19[%swap3A_348], %add3A_347 {strides = array<i32>} : memref<80xi32, #tpu.memory_space<vmem>>, vector<16xi32>,
          %get3A_350 = arith.constant 1 : i32
          %get3A_351 = arith.index_cast %get3A_350 : i32 to index
          %get3A_352 = arith.constant 48 : index
          %get3A_353 = tpu.vector_load %arg18[%get3A_351, %get3A_352] {strides = array<i32>} : memref<2x80xi32, #tpu.memory_space<vmem>>, vector<16xi32>,
          %add3A_354 = arith.addi %get3A_353, %broadcast_in_dim3A_83 : vector<16xi32>
          %swap3A_355 = arith.constant 48 : index
          %swap3A_356 = tpu.vector_load %arg20[%swap3A_355] {strides = array<i32>} : memref<80xi32, #tpu.memory_space<vmem>>, vector<16xi32>,
          tpu.vector_store %arg20[%swap3A_355], %add3A_354 {strides = array<i32>} : memref<80xi32, #tpu.memory_space<vmem>>, vector<16xi32>,
          %get3A_357 = arith.constant 1 : i32
          %get3A_358 = arith.index_cast %get3A_357 : i32 to index
          %get3A_359 = arith.constant 48 : index
          %get3A_360 = tpu.vector_load %arg18[%get3A_358, %get3A_359] {strides = array<i32>} : memref<2x80xi32, #tpu.memory_space<vmem>>, vector<16xi32>,
          %swap3A_361 = arith.constant 48 : index
          %swap3A_362 = tpu.vector_load %arg21[%swap3A_361] {strides = array<i32>} : memref<80xi32, #tpu.memory_space<vmem>>, vector<16xi32>,
          tpu.vector_store %arg21[%swap3A_361], %get3A_360 {strides = array<i32>} : memref<80xi32, #tpu.memory_space<vmem>>, vector<16xi32>,
          %get3A_363 = arith.constant 0 : i32
          %get3A_364 = arith.index_cast %get3A_363 : i32 to index
          %get3A_365 = arith.constant 64 : index
          %get3A_366 = tpu.vector_load %arg18[%get3A_364, %get3A_365] {strides = array<i32>} : memref<2x80xi32, #tpu.memory_space<vmem>>, vector<16xi32>,
          %add3A_367 = arith.addi %get3A_366, %broadcast_in_dim3A_81 : vector<16xi32>
          %swap3A_368 = arith.constant 64 : index
          %swap3A_369 = tpu.vector_load %arg19[%swap3A_368] {strides = array<i32>} : memref<80xi32, #tpu.memory_space<vmem>>, vector<16xi32>,
          tpu.vector_store %arg19[%swap3A_368], %add3A_367 {strides = array<i32>} : memref<80xi32, #tpu.memory_space<vmem>>, vector<16xi32>,
          %get3A_370 = arith.constant 1 : i32
          %get3A_371 = arith.index_cast %get3A_370 : i32 to index
          %get3A_372 = arith.constant 64 : index
          %get3A_373 = tpu.vector_load %arg18[%get3A_371, %get3A_372] {strides = array<i32>} : memref<2x80xi32, #tpu.memory_space<vmem>>, vector<16xi32>,
          %add3A_374 = arith.addi %get3A_373, %broadcast_in_dim3A_83 : vector<16xi32>
          %swap3A_375 = arith.constant 64 : index
          %swap3A_376 = tpu.vector_load %arg20[%swap3A_375] {strides = array<i32>} : memref<80xi32, #tpu.memory_space<vmem>>, vector<16xi32>,
          tpu.vector_store %arg20[%swap3A_375], %add3A_374 {strides = array<i32>} : memref<80xi32, #tpu.memory_space<vmem>>, vector<16xi32>,
          %get3A_377 = arith.constant 1 : i32
          %get3A_378 = arith.index_cast %get3A_377 : i32 to index
          %get3A_379 = arith.constant 64 : index
          %get3A_380 = tpu.vector_load %arg18[%get3A_378, %get3A_379] {strides = array<i32>} : memref<2x80xi32, #tpu.memory_space<vmem>>, vector<16xi32>,
          %swap3A_381 = arith.constant 64 : index
          %swap3A_382 = tpu.vector_load %arg21[%swap3A_381] {strides = array<i32>} : memref<80xi32, #tpu.memory_space<vmem>>, vector<16xi32>,
          tpu.vector_store %arg21[%swap3A_381], %get3A_380 {strides = array<i32>} : memref<80xi32, #tpu.memory_space<vmem>>, vector<16xi32>,
          %dma_start3A_383 = arith.constant 0 : i32
          %dma_start3A_384 = arith.constant 0 : i32
          %dma_start3A_385 = tpu.memref_slice %arg2[%dma_start3A_383, %dma_start3A_384] : memref<20000x8xf32, #tpu.memory_space<hbm>> -> memref<20000x8xf32, #tpu.memory_space<hbm>>
          tpu.enqueue_indirect_dma source(%dma_start3A_385 : memref<20000x8xf32, #tpu.memory_space<hbm>>) target(%arg22 : memref<80x8xf32, #tpu.memory_space<vmem>>) offsets(%arg19 : memref<80xi32, #tpu.memory_space<vmem>>) semaphore(%arg35 : memref<!tpu.dma_semaphore, #tpu.memory_space<semaphore_mem>>)
          %dma_start3A_386 = arith.constant 0 : i32
          %dma_start3A_387 = arith.constant 0 : i32
          %dma_start3A_388 = tpu.memref_slice %arg3[%dma_start3A_386, %dma_start3A_387] : memref<20000x8xf32, #tpu.memory_space<hbm>> -> memref<20000x8xf32, #tpu.memory_space<hbm>>
          tpu.enqueue_indirect_dma source(%dma_start3A_388 : memref<20000x8xf32, #tpu.memory_space<hbm>>) target(%arg23 : memref<80x8xf32, #tpu.memory_space<vmem>>) offsets(%arg20 : memref<80xi32, #tpu.memory_space<vmem>>) semaphore(%arg35 : memref<!tpu.dma_semaphore, #tpu.memory_space<semaphore_mem>>)
          %dma_start3A_389 = arith.constant 0 : i32
          %dma_start3A_390 = arith.constant 0 : i32
          %dma_start3A_391 = tpu.memref_slice %arg4[%dma_start3A_389, %dma_start3A_390] : memref<20000x128xf32, #tpu.memory_space<hbm>> -> memref<20000x128xf32, #tpu.memory_space<hbm>>
          tpu.enqueue_indirect_dma source(%dma_start3A_391 : memref<20000x128xf32, #tpu.memory_space<hbm>>) target(%arg24 : memref<80x128xf32, #tpu.memory_space<vmem>>) offsets(%arg19 : memref<80xi32, #tpu.memory_space<vmem>>) semaphore(%arg36 : memref<!tpu.dma_semaphore, #tpu.memory_space<semaphore_mem>>)
        } else {
        }
        %dma_wait3A_235 = arith.constant 0 : i32
        %dma_wait3A_236 = arith.constant 0 : i32
        %dma_wait3A_237 = tpu.memref_slice %arg2[%dma_wait3A_235, %dma_wait3A_236] : memref<20000x8xf32, #tpu.memory_space<hbm>> -> memref<20000x8xf32, #tpu.memory_space<hbm>>
        tpu.wait_indirect_dma semaphore(%arg31 : memref<!tpu.dma_semaphore, #tpu.memory_space<semaphore_mem>>) src(%dma_wait3A_237 : memref<20000x8xf32, #tpu.memory_space<hbm>>) dst(%arg14 : memref<80x8xf32, #tpu.memory_space<vmem>>)
        %dma_wait3A_238 = arith.constant 0 : i32
        %dma_wait3A_239 = arith.constant 0 : i32
        %dma_wait3A_240 = tpu.memref_slice %arg3[%dma_wait3A_238, %dma_wait3A_239] : memref<20000x8xf32, #tpu.memory_space<hbm>> -> memref<20000x8xf32, #tpu.memory_space<hbm>>
        tpu.wait_indirect_dma semaphore(%arg31 : memref<!tpu.dma_semaphore, #tpu.memory_space<semaphore_mem>>) src(%dma_wait3A_240 : memref<20000x8xf32, #tpu.memory_space<hbm>>) dst(%arg15 : memref<80x8xf32, #tpu.memory_space<vmem>>)
        %scan3A_241 = arith.constant 0 : i32
        %scan3A_242 = arith.constant 0 : i32
        %scan3A_243 = arith.constant 10 : i32
        %scan3A_244 = arith.addi %scan3A_242, %scan3A_243 : i32
        %scan3A_245 = arith.constant 1 : i32
        scf.for %scan3A_277 = %scan3A_242 to %scan3A_244 step %scan3A_245  : i32 {
          %mul3A_278 = arith.constant 8 : i32
          %mul3A_279 = arith.muli %mul3A_278, %scan3A_277 : i32
          %add3A_280 = arith.constant 0 : i32
          %add3A_281 = arith.addi %mul3A_279, %add3A_280 : i32
          %add3A_282 = vector.broadcast %add3A_281 : i32 to vector<16xi32>
          %add3A_283 = arith.addi %add3A_282, %select_n3A_41 : vector<16xi32>
          %gather3A_284 = tpu.vector_load_idx %arg14[%add3A_283, %select_n3A_13] : memref<80x8xf32, #tpu.memory_space<vmem>>[vector<16xi32>, vector<16xi32>], vector<16xf32>,
          %gather3A_285 = tpu.vector_load_idx %arg15[%add3A_283, %select_n3A_13] : memref<80x8xf32, #tpu.memory_space<vmem>>[vector<16xi32>, vector<16xi32>], vector<16xf32>,
          %add3A_286 = arith.addf %gather3A_284, %gather3A_285 : vector<16xf32>
          %add3A_287 = arith.addf %add3A_286, %gather3A_42 : vector<16xf32>
          %ge3A_288 = arith.constant 0.000000e+00 : f32
          %ge3A_289 = vector.broadcast %ge3A_288 : f32 to vector<16xf32>
          %ge3A_290 = arith.cmpf oge, %add3A_287, %ge3A_289 : vector<16xf32>
          %mul3A_291 = arith.constant 2.000000e-01 : f32
          %mul3A_292 = vector.broadcast %mul3A_291 : f32 to vector<16xf32>
          %mul3A_293 = arith.mulf %mul3A_292, %add3A_287 : vector<16xf32>
          %select_n3A_294 = arith.select %ge3A_290, %add3A_287, %mul3A_293 : vector<16xi1>, vector<16xf32>
          %sub3A_295 = arith.subf %select_n3A_294, %gather3A : vector<16xf32>
          %exp3A = math.exp %sub3A_295 : vector<16xf32>
          tpu.vector_store_idx %arg17[%add3A_283, %select_n3A_13], %exp3A : memref<80x8xf32, #tpu.memory_space<vmem>>[vector<16xi32>, vector<16xi32>], vector<16xf32>,
          %mul3A_296 = arith.constant 8 : i32
          %mul3A_297 = arith.muli %mul3A_296, %scan3A_277 : i32
          %add3A_298 = arith.constant 2 : i32
          %add3A_299 = arith.addi %mul3A_297, %add3A_298 : i32
          %add3A_300 = vector.broadcast %add3A_299 : i32 to vector<16xi32>
          %add3A_301 = arith.addi %add3A_300, %select_n3A_41 : vector<16xi32>
          %gather3A_302 = tpu.vector_load_idx %arg14[%add3A_301, %select_n3A_13] : memref<80x8xf32, #tpu.memory_space<vmem>>[vector<16xi32>, vector<16xi32>], vector<16xf32>,
          %gather3A_303 = tpu.vector_load_idx %arg15[%add3A_301, %select_n3A_13] : memref<80x8xf32, #tpu.memory_space<vmem>>[vector<16xi32>, vector<16xi32>], vector<16xf32>,
          %add3A_304 = arith.addf %gather3A_302, %gather3A_303 : vector<16xf32>
          %add3A_305 = arith.addf %add3A_304, %gather3A_42 : vector<16xf32>
          %ge3A_306 = arith.constant 0.000000e+00 : f32
          %ge3A_307 = vector.broadcast %ge3A_306 : f32 to vector<16xf32>
          %ge3A_308 = arith.cmpf oge, %add3A_305, %ge3A_307 : vector<16xf32>
          %mul3A_309 = arith.constant 2.000000e-01 : f32
          %mul3A_310 = vector.broadcast %mul3A_309 : f32 to vector<16xf32>
          %mul3A_311 = arith.mulf %mul3A_310, %add3A_305 : vector<16xf32>
          %select_n3A_312 = arith.select %ge3A_308, %add3A_305, %mul3A_311 : vector<16xi1>, vector<16xf32>
          %sub3A_313 = arith.subf %select_n3A_312, %gather3A : vector<16xf32>
          %exp3A_314 = math.exp %sub3A_313 : vector<16xf32>
          tpu.vector_store_idx %arg17[%add3A_301, %select_n3A_13], %exp3A_314 : memref<80x8xf32, #tpu.memory_space<vmem>>[vector<16xi32>, vector<16xi32>], vector<16xf32>,
          %mul3A_315 = arith.constant 8 : i32
          %mul3A_316 = arith.muli %mul3A_315, %scan3A_277 : i32
          %add3A_317 = arith.constant 4 : i32
          %add3A_318 = arith.addi %mul3A_316, %add3A_317 : i32
          %add3A_319 = vector.broadcast %add3A_318 : i32 to vector<16xi32>
          %add3A_320 = arith.addi %add3A_319, %select_n3A_41 : vector<16xi32>
          %gather3A_321 = tpu.vector_load_idx %arg14[%add3A_320, %select_n3A_13] : memref<80x8xf32, #tpu.memory_space<vmem>>[vector<16xi32>, vector<16xi32>], vector<16xf32>,
          %gather3A_322 = tpu.vector_load_idx %arg15[%add3A_320, %select_n3A_13] : memref<80x8xf32, #tpu.memory_space<vmem>>[vector<16xi32>, vector<16xi32>], vector<16xf32>,
          %add3A_323 = arith.addf %gather3A_321, %gather3A_322 : vector<16xf32>
          %add3A_324 = arith.addf %add3A_323, %gather3A_42 : vector<16xf32>
          %ge3A_325 = arith.constant 0.000000e+00 : f32
          %ge3A_326 = vector.broadcast %ge3A_325 : f32 to vector<16xf32>
          %ge3A_327 = arith.cmpf oge, %add3A_324, %ge3A_326 : vector<16xf32>
          %mul3A_328 = arith.constant 2.000000e-01 : f32
          %mul3A_329 = vector.broadcast %mul3A_328 : f32 to vector<16xf32>
          %mul3A_330 = arith.mulf %mul3A_329, %add3A_324 : vector<16xf32>
          %select_n3A_331 = arith.select %ge3A_327, %add3A_324, %mul3A_330 : vector<16xi1>, vector<16xf32>
          %sub3A_332 = arith.subf %select_n3A_331, %gather3A : vector<16xf32>
          %exp3A_333 = math.exp %sub3A_332 : vector<16xf32>
          tpu.vector_store_idx %arg17[%add3A_320, %select_n3A_13], %exp3A_333 : memref<80x8xf32, #tpu.memory_space<vmem>>[vector<16xi32>, vector<16xi32>], vector<16xf32>,
          %mul3A_334 = arith.constant 8 : i32
          %mul3A_335 = arith.muli %mul3A_334, %scan3A_277 : i32
          %add3A_336 = arith.constant 6 : i32
          %add3A_337 = arith.addi %mul3A_335, %add3A_336 : i32
          %add3A_338 = vector.broadcast %add3A_337 : i32 to vector<16xi32>
          %add3A_339 = arith.addi %add3A_338, %select_n3A_41 : vector<16xi32>
          %gather3A_340 = tpu.vector_load_idx %arg14[%add3A_339, %select_n3A_13] : memref<80x8xf32, #tpu.memory_space<vmem>>[vector<16xi32>, vector<16xi32>], vector<16xf32>,
          %gather3A_341 = tpu.vector_load_idx %arg15[%add3A_339, %select_n3A_13] : memref<80x8xf32, #tpu.memory_space<vmem>>[vector<16xi32>, vector<16xi32>], vector<16xf32>,
          %add3A_342 = arith.addf %gather3A_340, %gather3A_341 : vector<16xf32>
          %add3A_343 = arith.addf %add3A_342, %gather3A_42 : vector<16xf32>
          %ge3A_344 = arith.constant 0.000000e+00 : f32
          %ge3A_345 = vector.broadcast %ge3A_344 : f32 to vector<16xf32>
          %ge3A_346 = arith.cmpf oge, %add3A_343, %ge3A_345 : vector<16xf32>
          %mul3A_347 = arith.constant 2.000000e-01 : f32
          %mul3A_348 = vector.broadcast %mul3A_347 : f32 to vector<16xf32>
          %mul3A_349 = arith.mulf %mul3A_348, %add3A_343 : vector<16xf32>
          %select_n3A_350 = arith.select %ge3A_346, %add3A_343, %mul3A_349 : vector<16xi1>, vector<16xf32>
          %sub3A_351 = arith.subf %select_n3A_350, %gather3A : vector<16xf32>
          %exp3A_352 = math.exp %sub3A_351 : vector<16xf32>
          tpu.vector_store_idx %arg17[%add3A_339, %select_n3A_13], %exp3A_352 : memref<80x8xf32, #tpu.memory_space<vmem>>[vector<16xi32>, vector<16xi32>], vector<16xf32>,
        }
        %scan3A_246 = arith.constant 10 : i32
        %dma_start3A_247 = arith.constant 0 : i32
        %dma_start3A_248 = arith.constant 0 : i32
        %dma_start3A_249 = tpu.memref_slice %arg30[%dma_start3A_247, %dma_start3A_248] : memref<10000x8xf32, #tpu.memory_space<vmem_shared>> -> memref<10000x8xf32, #tpu.memory_space<vmem_shared>>
        tpu.enqueue_indirect_dma source(%arg17 : memref<80x8xf32, #tpu.memory_space<vmem>>) target(%dma_start3A_249 : memref<10000x8xf32, #tpu.memory_space<vmem_shared>>) offsets(%arg13 : memref<80xi32, #tpu.memory_space<vmem>>) semaphore(%arg33 : memref<!tpu.dma_semaphore, #tpu.memory_space<semaphore_mem>>) {add = true}
        %dma_wait3A_250 = arith.constant 0 : i32
        %dma_wait3A_251 = arith.constant 0 : i32
        %dma_wait3A_252 = tpu.memref_slice %arg4[%dma_wait3A_250, %dma_wait3A_251] : memref<20000x128xf32, #tpu.memory_space<hbm>> -> memref<20000x128xf32, #tpu.memory_space<hbm>>
        tpu.wait_indirect_dma semaphore(%arg32 : memref<!tpu.dma_semaphore, #tpu.memory_space<semaphore_mem>>) src(%dma_wait3A_252 : memref<20000x128xf32, #tpu.memory_space<hbm>>) dst(%arg16 : memref<80x128xf32, #tpu.memory_space<vmem>>)
        %scan3A_253 = arith.constant 0 : i32
        %scan3A_254 = arith.constant 0 : i32
        %scan3A_255 = arith.constant 20 : i32
        %scan3A_256 = arith.addi %scan3A_254, %scan3A_255 : i32
        %scan3A_257 = arith.constant 1 : i32
        scf.for %scan3A_277 = %scan3A_254 to %scan3A_256 step %scan3A_257  : i32 {
          %mul3A_278 = arith.constant 4 : i32
          %mul3A_279 = arith.muli %mul3A_278, %scan3A_277 : i32
          %add3A_280 = arith.constant 0 : i32
          %add3A_281 = arith.addi %mul3A_279, %add3A_280 : i32
          %add3A_282 = vector.broadcast %add3A_281 : i32 to vector<16xi32>
          %add3A_283 = arith.addi %add3A_282, %select_n3A_41 : vector<16xi32>
          %gather3A_284 = tpu.vector_load_idx %arg17[%add3A_283, %select_n3A_13] : memref<80x8xf32, #tpu.memory_space<vmem>>[vector<16xi32>, vector<16xi32>], vector<16xf32>,
          %mul3A_285 = arith.constant 4 : i32
          %mul3A_286 = arith.muli %mul3A_285, %scan3A_277 : i32
          %add3A_287 = arith.constant 0 : i32
          %add3A_288 = arith.addi %mul3A_286, %add3A_287 : i32
          %add3A_289 = arith.constant 0 : i32
          %add3A_290 = arith.addi %add3A_288, %add3A_289 : i32
          %broadcast_in_dim3A_291 = arith.constant 0 : i32
          %broadcast_in_dim3A_292 = vector.broadcast %broadcast_in_dim3A_291 : i32 to vector<16x1xi32>
          %gather3A_293 = vector.shape_cast %broadcast_in_dim3A_292 : vector<16x1xi32> to vector<16xi32>
          %gather3A_294 = tpu.dynamic_gather %gather3A_284[%gather3A_293] in [0] : vector<16xf32>, vector<16xi32> -> vector<16xf32>
          %get3A_295 = arith.index_cast %add3A_290 : i32 to index
          %get3A_296 = arith.constant 0 : index
          %get3A_297 = tpu.vector_load %arg16[%get3A_295, %get3A_296] {strides = array<i32>} : memref<80x128xf32, #tpu.memory_space<vmem>>, vector<16xf32>,
          %mul3A_298 = arith.mulf %get3A_297, %gather3A_294 : vector<16xf32>
          %swap3A_299 = arith.index_cast %add3A_290 : i32 to index
          %swap3A_300 = arith.constant 0 : index
          %swap3A_301 = tpu.vector_load %arg16[%swap3A_299, %swap3A_300] {strides = array<i32>} : memref<80x128xf32, #tpu.memory_space<vmem>>, vector<16xf32>,
          tpu.vector_store %arg16[%swap3A_299, %swap3A_300], %mul3A_298 {strides = array<i32>} : memref<80x128xf32, #tpu.memory_space<vmem>>, vector<16xf32>,
          %broadcast_in_dim3A_302 = arith.constant 1 : i32
          %broadcast_in_dim3A_303 = vector.broadcast %broadcast_in_dim3A_302 : i32 to vector<16x1xi32>
          %gather3A_304 = vector.shape_cast %broadcast_in_dim3A_303 : vector<16x1xi32> to vector<16xi32>
          %gather3A_305 = tpu.dynamic_gather %gather3A_284[%gather3A_304] in [0] : vector<16xf32>, vector<16xi32> -> vector<16xf32>
          %get3A_306 = arith.index_cast %add3A_290 : i32 to index
          %get3A_307 = arith.constant 16 : index
          %get3A_308 = tpu.vector_load %arg16[%get3A_306, %get3A_307] {strides = array<i32>} : memref<80x128xf32, #tpu.memory_space<vmem>>, vector<16xf32>,
          %mul3A_309 = arith.mulf %get3A_308, %gather3A_305 : vector<16xf32>
          %swap3A_310 = arith.index_cast %add3A_290 : i32 to index
          %swap3A_311 = arith.constant 16 : index
          %swap3A_312 = tpu.vector_load %arg16[%swap3A_310, %swap3A_311] {strides = array<i32>} : memref<80x128xf32, #tpu.memory_space<vmem>>, vector<16xf32>,
          tpu.vector_store %arg16[%swap3A_310, %swap3A_311], %mul3A_309 {strides = array<i32>} : memref<80x128xf32, #tpu.memory_space<vmem>>, vector<16xf32>,
          %broadcast_in_dim3A_313 = arith.constant 2 : i32
          %broadcast_in_dim3A_314 = vector.broadcast %broadcast_in_dim3A_313 : i32 to vector<16x1xi32>
          %gather3A_315 = vector.shape_cast %broadcast_in_dim3A_314 : vector<16x1xi32> to vector<16xi32>
          %gather3A_316 = tpu.dynamic_gather %gather3A_284[%gather3A_315] in [0] : vector<16xf32>, vector<16xi32> -> vector<16xf32>
          %get3A_317 = arith.index_cast %add3A_290 : i32 to index
          %get3A_318 = arith.constant 32 : index
          %get3A_319 = tpu.vector_load %arg16[%get3A_317, %get3A_318] {strides = array<i32>} : memref<80x128xf32, #tpu.memory_space<vmem>>, vector<16xf32>,
          %mul3A_320 = arith.mulf %get3A_319, %gather3A_316 : vector<16xf32>
          %swap3A_321 = arith.index_cast %add3A_290 : i32 to index
          %swap3A_322 = arith.constant 32 : index
          %swap3A_323 = tpu.vector_load %arg16[%swap3A_321, %swap3A_322] {strides = array<i32>} : memref<80x128xf32, #tpu.memory_space<vmem>>, vector<16xf32>,
          tpu.vector_store %arg16[%swap3A_321, %swap3A_322], %mul3A_320 {strides = array<i32>} : memref<80x128xf32, #tpu.memory_space<vmem>>, vector<16xf32>,
          %broadcast_in_dim3A_324 = arith.constant 3 : i32
          %broadcast_in_dim3A_325 = vector.broadcast %broadcast_in_dim3A_324 : i32 to vector<16x1xi32>
          %gather3A_326 = vector.shape_cast %broadcast_in_dim3A_325 : vector<16x1xi32> to vector<16xi32>
          %gather3A_327 = tpu.dynamic_gather %gather3A_284[%gather3A_326] in [0] : vector<16xf32>, vector<16xi32> -> vector<16xf32>
          %get3A_328 = arith.index_cast %add3A_290 : i32 to index
          %get3A_329 = arith.constant 48 : index
          %get3A_330 = tpu.vector_load %arg16[%get3A_328, %get3A_329] {strides = array<i32>} : memref<80x128xf32, #tpu.memory_space<vmem>>, vector<16xf32>,
          %mul3A_331 = arith.mulf %get3A_330, %gather3A_327 : vector<16xf32>
          %swap3A_332 = arith.index_cast %add3A_290 : i32 to index
          %swap3A_333 = arith.constant 48 : index
          %swap3A_334 = tpu.vector_load %arg16[%swap3A_332, %swap3A_333] {strides = array<i32>} : memref<80x128xf32, #tpu.memory_space<vmem>>, vector<16xf32>,
          tpu.vector_store %arg16[%swap3A_332, %swap3A_333], %mul3A_331 {strides = array<i32>} : memref<80x128xf32, #tpu.memory_space<vmem>>, vector<16xf32>,
          %broadcast_in_dim3A_335 = arith.constant 4 : i32
          %broadcast_in_dim3A_336 = vector.broadcast %broadcast_in_dim3A_335 : i32 to vector<16x1xi32>
          %gather3A_337 = vector.shape_cast %broadcast_in_dim3A_336 : vector<16x1xi32> to vector<16xi32>
          %gather3A_338 = tpu.dynamic_gather %gather3A_284[%gather3A_337] in [0] : vector<16xf32>, vector<16xi32> -> vector<16xf32>
          %get3A_339 = arith.index_cast %add3A_290 : i32 to index
          %get3A_340 = arith.constant 64 : index
          %get3A_341 = tpu.vector_load %arg16[%get3A_339, %get3A_340] {strides = array<i32>} : memref<80x128xf32, #tpu.memory_space<vmem>>, vector<16xf32>,
          %mul3A_342 = arith.mulf %get3A_341, %gather3A_338 : vector<16xf32>
          %swap3A_343 = arith.index_cast %add3A_290 : i32 to index
          %swap3A_344 = arith.constant 64 : index
          %swap3A_345 = tpu.vector_load %arg16[%swap3A_343, %swap3A_344] {strides = array<i32>} : memref<80x128xf32, #tpu.memory_space<vmem>>, vector<16xf32>,
          tpu.vector_store %arg16[%swap3A_343, %swap3A_344], %mul3A_342 {strides = array<i32>} : memref<80x128xf32, #tpu.memory_space<vmem>>, vector<16xf32>,
          %broadcast_in_dim3A_346 = arith.constant 5 : i32
          %broadcast_in_dim3A_347 = vector.broadcast %broadcast_in_dim3A_346 : i32 to vector<16x1xi32>
          %gather3A_348 = vector.shape_cast %broadcast_in_dim3A_347 : vector<16x1xi32> to vector<16xi32>
          %gather3A_349 = tpu.dynamic_gather %gather3A_284[%gather3A_348] in [0] : vector<16xf32>, vector<16xi32> -> vector<16xf32>
          %get3A_350 = arith.index_cast %add3A_290 : i32 to index
          %get3A_351 = arith.constant 80 : index
          %get3A_352 = tpu.vector_load %arg16[%get3A_350, %get3A_351] {strides = array<i32>} : memref<80x128xf32, #tpu.memory_space<vmem>>, vector<16xf32>,
          %mul3A_353 = arith.mulf %get3A_352, %gather3A_349 : vector<16xf32>
          %swap3A_354 = arith.index_cast %add3A_290 : i32 to index
          %swap3A_355 = arith.constant 80 : index
          %swap3A_356 = tpu.vector_load %arg16[%swap3A_354, %swap3A_355] {strides = array<i32>} : memref<80x128xf32, #tpu.memory_space<vmem>>, vector<16xf32>,
          tpu.vector_store %arg16[%swap3A_354, %swap3A_355], %mul3A_353 {strides = array<i32>} : memref<80x128xf32, #tpu.memory_space<vmem>>, vector<16xf32>,
          %broadcast_in_dim3A_357 = arith.constant 6 : i32
          %broadcast_in_dim3A_358 = vector.broadcast %broadcast_in_dim3A_357 : i32 to vector<16x1xi32>
          %gather3A_359 = vector.shape_cast %broadcast_in_dim3A_358 : vector<16x1xi32> to vector<16xi32>
          %gather3A_360 = tpu.dynamic_gather %gather3A_284[%gather3A_359] in [0] : vector<16xf32>, vector<16xi32> -> vector<16xf32>
          %get3A_361 = arith.index_cast %add3A_290 : i32 to index
          %get3A_362 = arith.constant 96 : index
          %get3A_363 = tpu.vector_load %arg16[%get3A_361, %get3A_362] {strides = array<i32>} : memref<80x128xf32, #tpu.memory_space<vmem>>, vector<16xf32>,
          %mul3A_364 = arith.mulf %get3A_363, %gather3A_360 : vector<16xf32>
          %swap3A_365 = arith.index_cast %add3A_290 : i32 to index
          %swap3A_366 = arith.constant 96 : index
          %swap3A_367 = tpu.vector_load %arg16[%swap3A_365, %swap3A_366] {strides = array<i32>} : memref<80x128xf32, #tpu.memory_space<vmem>>, vector<16xf32>,
          tpu.vector_store %arg16[%swap3A_365, %swap3A_366], %mul3A_364 {strides = array<i32>} : memref<80x128xf32, #tpu.memory_space<vmem>>, vector<16xf32>,
          %broadcast_in_dim3A_368 = arith.constant 7 : i32
          %broadcast_in_dim3A_369 = vector.broadcast %broadcast_in_dim3A_368 : i32 to vector<16x1xi32>
          %gather3A_370 = vector.shape_cast %broadcast_in_dim3A_369 : vector<16x1xi32> to vector<16xi32>
          %gather3A_371 = tpu.dynamic_gather %gather3A_284[%gather3A_370] in [0] : vector<16xf32>, vector<16xi32> -> vector<16xf32>
          %get3A_372 = arith.index_cast %add3A_290 : i32 to index
          %get3A_373 = arith.constant 112 : index
          %get3A_374 = tpu.vector_load %arg16[%get3A_372, %get3A_373] {strides = array<i32>} : memref<80x128xf32, #tpu.memory_space<vmem>>, vector<16xf32>,
          %mul3A_375 = arith.mulf %get3A_374, %gather3A_371 : vector<16xf32>
          %swap3A_376 = arith.index_cast %add3A_290 : i32 to index
          %swap3A_377 = arith.constant 112 : index
          %swap3A_378 = tpu.vector_load %arg16[%swap3A_376, %swap3A_377] {strides = array<i32>} : memref<80x128xf32, #tpu.memory_space<vmem>>, vector<16xf32>,
          tpu.vector_store %arg16[%swap3A_376, %swap3A_377], %mul3A_375 {strides = array<i32>} : memref<80x128xf32, #tpu.memory_space<vmem>>, vector<16xf32>,
          %mul3A_379 = arith.constant 4 : i32
          %mul3A_380 = arith.muli %mul3A_379, %scan3A_277 : i32
          %add3A_381 = arith.constant 0 : i32
          %add3A_382 = arith.addi %mul3A_380, %add3A_381 : i32
          %add3A_383 = arith.constant 1 : i32
          %add3A_384 = arith.addi %add3A_382, %add3A_383 : i32
          %broadcast_in_dim3A_385 = arith.constant 8 : i32
          %broadcast_in_dim3A_386 = vector.broadcast %broadcast_in_dim3A_385 : i32 to vector<16x1xi32>
          %gather3A_387 = vector.shape_cast %broadcast_in_dim3A_386 : vector<16x1xi32> to vector<16xi32>
          %gather3A_388 = tpu.dynamic_gather %gather3A_284[%gather3A_387] in [0] : vector<16xf32>, vector<16xi32> -> vector<16xf32>
          %get3A_389 = arith.index_cast %add3A_384 : i32 to index
          %get3A_390 = arith.constant 0 : index
          %get3A_391 = tpu.vector_load %arg16[%get3A_389, %get3A_390] {strides = array<i32>} : memref<80x128xf32, #tpu.memory_space<vmem>>, vector<16xf32>,
          %mul3A_392 = arith.mulf %get3A_391, %gather3A_388 : vector<16xf32>
          %swap3A_393 = arith.index_cast %add3A_384 : i32 to index
          %swap3A_394 = arith.constant 0 : index
          %swap3A_395 = tpu.vector_load %arg16[%swap3A_393, %swap3A_394] {strides = array<i32>} : memref<80x128xf32, #tpu.memory_space<vmem>>, vector<16xf32>,
          tpu.vector_store %arg16[%swap3A_393, %swap3A_394], %mul3A_392 {strides = array<i32>} : memref<80x128xf32, #tpu.memory_space<vmem>>, vector<16xf32>,
          %broadcast_in_dim3A_396 = arith.constant 9 : i32
          %broadcast_in_dim3A_397 = vector.broadcast %broadcast_in_dim3A_396 : i32 to vector<16x1xi32>
          %gather3A_398 = vector.shape_cast %broadcast_in_dim3A_397 : vector<16x1xi32> to vector<16xi32>
          %gather3A_399 = tpu.dynamic_gather %gather3A_284[%gather3A_398] in [0] : vector<16xf32>, vector<16xi32> -> vector<16xf32>
          %get3A_400 = arith.index_cast %add3A_384 : i32 to index
          %get3A_401 = arith.constant 16 : index
          %get3A_402 = tpu.vector_load %arg16[%get3A_400, %get3A_401] {strides = array<i32>} : memref<80x128xf32, #tpu.memory_space<vmem>>, vector<16xf32>,
          %mul3A_403 = arith.mulf %get3A_402, %gather3A_399 : vector<16xf32>
          %swap3A_404 = arith.index_cast %add3A_384 : i32 to index
          %swap3A_405 = arith.constant 16 : index
          %swap3A_406 = tpu.vector_load %arg16[%swap3A_404, %swap3A_405] {strides = array<i32>} : memref<80x128xf32, #tpu.memory_space<vmem>>, vector<16xf32>,
          tpu.vector_store %arg16[%swap3A_404, %swap3A_405], %mul3A_403 {strides = array<i32>} : memref<80x128xf32, #tpu.memory_space<vmem>>, vector<16xf32>,
          %broadcast_in_dim3A_407 = arith.constant 10 : i32
          %broadcast_in_dim3A_408 = vector.broadcast %broadcast_in_dim3A_407 : i32 to vector<16x1xi32>
          %gather3A_409 = vector.shape_cast %broadcast_in_dim3A_408 : vector<16x1xi32> to vector<16xi32>
          %gather3A_410 = tpu.dynamic_gather %gather3A_284[%gather3A_409] in [0] : vector<16xf32>, vector<16xi32> -> vector<16xf32>
          %get3A_411 = arith.index_cast %add3A_384 : i32 to index
          %get3A_412 = arith.constant 32 : index
          %get3A_413 = tpu.vector_load %arg16[%get3A_411, %get3A_412] {strides = array<i32>} : memref<80x128xf32, #tpu.memory_space<vmem>>, vector<16xf32>,
          %mul3A_414 = arith.mulf %get3A_413, %gather3A_410 : vector<16xf32>
          %swap3A_415 = arith.index_cast %add3A_384 : i32 to index
          %swap3A_416 = arith.constant 32 : index
          %swap3A_417 = tpu.vector_load %arg16[%swap3A_415, %swap3A_416] {strides = array<i32>} : memref<80x128xf32, #tpu.memory_space<vmem>>, vector<16xf32>,
          tpu.vector_store %arg16[%swap3A_415, %swap3A_416], %mul3A_414 {strides = array<i32>} : memref<80x128xf32, #tpu.memory_space<vmem>>, vector<16xf32>,
          %broadcast_in_dim3A_418 = arith.constant 11 : i32
          %broadcast_in_dim3A_419 = vector.broadcast %broadcast_in_dim3A_418 : i32 to vector<16x1xi32>
          %gather3A_420 = vector.shape_cast %broadcast_in_dim3A_419 : vector<16x1xi32> to vector<16xi32>
          %gather3A_421 = tpu.dynamic_gather %gather3A_284[%gather3A_420] in [0] : vector<16xf32>, vector<16xi32> -> vector<16xf32>
          %get3A_422 = arith.index_cast %add3A_384 : i32 to index
          %get3A_423 = arith.constant 48 : index
          %get3A_424 = tpu.vector_load %arg16[%get3A_422, %get3A_423] {strides = array<i32>} : memref<80x128xf32, #tpu.memory_space<vmem>>, vector<16xf32>,
          %mul3A_425 = arith.mulf %get3A_424, %gather3A_421 : vector<16xf32>
          %swap3A_426 = arith.index_cast %add3A_384 : i32 to index
          %swap3A_427 = arith.constant 48 : index
          %swap3A_428 = tpu.vector_load %arg16[%swap3A_426, %swap3A_427] {strides = array<i32>} : memref<80x128xf32, #tpu.memory_space<vmem>>, vector<16xf32>,
          tpu.vector_store %arg16[%swap3A_426, %swap3A_427], %mul3A_425 {strides = array<i32>} : memref<80x128xf32, #tpu.memory_space<vmem>>, vector<16xf32>,
          %broadcast_in_dim3A_429 = arith.constant 12 : i32
          %broadcast_in_dim3A_430 = vector.broadcast %broadcast_in_dim3A_429 : i32 to vector<16x1xi32>
          %gather3A_431 = vector.shape_cast %broadcast_in_dim3A_430 : vector<16x1xi32> to vector<16xi32>
          %gather3A_432 = tpu.dynamic_gather %gather3A_284[%gather3A_431] in [0] : vector<16xf32>, vector<16xi32> -> vector<16xf32>
          %get3A_433 = arith.index_cast %add3A_384 : i32 to index
          %get3A_434 = arith.constant 64 : index
          %get3A_435 = tpu.vector_load %arg16[%get3A_433, %get3A_434] {strides = array<i32>} : memref<80x128xf32, #tpu.memory_space<vmem>>, vector<16xf32>,
          %mul3A_436 = arith.mulf %get3A_435, %gather3A_432 : vector<16xf32>
          %swap3A_437 = arith.index_cast %add3A_384 : i32 to index
          %swap3A_438 = arith.constant 64 : index
          %swap3A_439 = tpu.vector_load %arg16[%swap3A_437, %swap3A_438] {strides = array<i32>} : memref<80x128xf32, #tpu.memory_space<vmem>>, vector<16xf32>,
          tpu.vector_store %arg16[%swap3A_437, %swap3A_438], %mul3A_436 {strides = array<i32>} : memref<80x128xf32, #tpu.memory_space<vmem>>, vector<16xf32>,
          %broadcast_in_dim3A_440 = arith.constant 13 : i32
          %broadcast_in_dim3A_441 = vector.broadcast %broadcast_in_dim3A_440 : i32 to vector<16x1xi32>
          %gather3A_442 = vector.shape_cast %broadcast_in_dim3A_441 : vector<16x1xi32> to vector<16xi32>
          %gather3A_443 = tpu.dynamic_gather %gather3A_284[%gather3A_442] in [0] : vector<16xf32>, vector<16xi32> -> vector<16xf32>
          %get3A_444 = arith.index_cast %add3A_384 : i32 to index
          %get3A_445 = arith.constant 80 : index
          %get3A_446 = tpu.vector_load %arg16[%get3A_444, %get3A_445] {strides = array<i32>} : memref<80x128xf32, #tpu.memory_space<vmem>>, vector<16xf32>,
          %mul3A_447 = arith.mulf %get3A_446, %gather3A_443 : vector<16xf32>
          %swap3A_448 = arith.index_cast %add3A_384 : i32 to index
          %swap3A_449 = arith.constant 80 : index
          %swap3A_450 = tpu.vector_load %arg16[%swap3A_448, %swap3A_449] {strides = array<i32>} : memref<80x128xf32, #tpu.memory_space<vmem>>, vector<16xf32>,
          tpu.vector_store %arg16[%swap3A_448, %swap3A_449], %mul3A_447 {strides = array<i32>} : memref<80x128xf32, #tpu.memory_space<vmem>>, vector<16xf32>,
          %broadcast_in_dim3A_451 = arith.constant 14 : i32
          %broadcast_in_dim3A_452 = vector.broadcast %broadcast_in_dim3A_451 : i32 to vector<16x1xi32>
          %gather3A_453 = vector.shape_cast %broadcast_in_dim3A_452 : vector<16x1xi32> to vector<16xi32>
          %gather3A_454 = tpu.dynamic_gather %gather3A_284[%gather3A_453] in [0] : vector<16xf32>, vector<16xi32> -> vector<16xf32>
          %get3A_455 = arith.index_cast %add3A_384 : i32 to index
          %get3A_456 = arith.constant 96 : index
          %get3A_457 = tpu.vector_load %arg16[%get3A_455, %get3A_456] {strides = array<i32>} : memref<80x128xf32, #tpu.memory_space<vmem>>, vector<16xf32>,
          %mul3A_458 = arith.mulf %get3A_457, %gather3A_454 : vector<16xf32>
          %swap3A_459 = arith.index_cast %add3A_384 : i32 to index
          %swap3A_460 = arith.constant 96 : index
          %swap3A_461 = tpu.vector_load %arg16[%swap3A_459, %swap3A_460] {strides = array<i32>} : memref<80x128xf32, #tpu.memory_space<vmem>>, vector<16xf32>,
          tpu.vector_store %arg16[%swap3A_459, %swap3A_460], %mul3A_458 {strides = array<i32>} : memref<80x128xf32, #tpu.memory_space<vmem>>, vector<16xf32>,
          %broadcast_in_dim3A_462 = arith.constant 15 : i32
          %broadcast_in_dim3A_463 = vector.broadcast %broadcast_in_dim3A_462 : i32 to vector<16x1xi32>
          %gather3A_464 = vector.shape_cast %broadcast_in_dim3A_463 : vector<16x1xi32> to vector<16xi32>
          %gather3A_465 = tpu.dynamic_gather %gather3A_284[%gather3A_464] in [0] : vector<16xf32>, vector<16xi32> -> vector<16xf32>
          %get3A_466 = arith.index_cast %add3A_384 : i32 to index
          %get3A_467 = arith.constant 112 : index
          %get3A_468 = tpu.vector_load %arg16[%get3A_466, %get3A_467] {strides = array<i32>} : memref<80x128xf32, #tpu.memory_space<vmem>>, vector<16xf32>,
          %mul3A_469 = arith.mulf %get3A_468, %gather3A_465 : vector<16xf32>
          %swap3A_470 = arith.index_cast %add3A_384 : i32 to index
          %swap3A_471 = arith.constant 112 : index
          %swap3A_472 = tpu.vector_load %arg16[%swap3A_470, %swap3A_471] {strides = array<i32>} : memref<80x128xf32, #tpu.memory_space<vmem>>, vector<16xf32>,
          tpu.vector_store %arg16[%swap3A_470, %swap3A_471], %mul3A_469 {strides = array<i32>} : memref<80x128xf32, #tpu.memory_space<vmem>>, vector<16xf32>,
          %mul3A_473 = arith.constant 4 : i32
          %mul3A_474 = arith.muli %mul3A_473, %scan3A_277 : i32
          %add3A_475 = arith.constant 2 : i32
          %add3A_476 = arith.addi %mul3A_474, %add3A_475 : i32
          %add3A_477 = vector.broadcast %add3A_476 : i32 to vector<16xi32>
          %add3A_478 = arith.addi %add3A_477, %select_n3A_41 : vector<16xi32>
          %gather3A_479 = tpu.vector_load_idx %arg17[%add3A_478, %select_n3A_13] : memref<80x8xf32, #tpu.memory_space<vmem>>[vector<16xi32>, vector<16xi32>], vector<16xf32>,
          %mul3A_480 = arith.constant 4 : i32
          %mul3A_481 = arith.muli %mul3A_480, %scan3A_277 : i32
          %add3A_482 = arith.constant 2 : i32
          %add3A_483 = arith.addi %mul3A_481, %add3A_482 : i32
          %add3A_484 = arith.constant 0 : i32
          %add3A_485 = arith.addi %add3A_483, %add3A_484 : i32
          %broadcast_in_dim3A_486 = arith.constant 0 : i32
          %broadcast_in_dim3A_487 = vector.broadcast %broadcast_in_dim3A_486 : i32 to vector<16x1xi32>
          %gather3A_488 = vector.shape_cast %broadcast_in_dim3A_487 : vector<16x1xi32> to vector<16xi32>
          %gather3A_489 = tpu.dynamic_gather %gather3A_479[%gather3A_488] in [0] : vector<16xf32>, vector<16xi32> -> vector<16xf32>
          %get3A_490 = arith.index_cast %add3A_485 : i32 to index
          %get3A_491 = arith.constant 0 : index
          %get3A_492 = tpu.vector_load %arg16[%get3A_490, %get3A_491] {strides = array<i32>} : memref<80x128xf32, #tpu.memory_space<vmem>>, vector<16xf32>,
          %mul3A_493 = arith.mulf %get3A_492, %gather3A_489 : vector<16xf32>
          %swap3A_494 = arith.index_cast %add3A_485 : i32 to index
          %swap3A_495 = arith.constant 0 : index
          %swap3A_496 = tpu.vector_load %arg16[%swap3A_494, %swap3A_495] {strides = array<i32>} : memref<80x128xf32, #tpu.memory_space<vmem>>, vector<16xf32>,
          tpu.vector_store %arg16[%swap3A_494, %swap3A_495], %mul3A_493 {strides = array<i32>} : memref<80x128xf32, #tpu.memory_space<vmem>>, vector<16xf32>,
          %broadcast_in_dim3A_497 = arith.constant 1 : i32
          %broadcast_in_dim3A_498 = vector.broadcast %broadcast_in_dim3A_497 : i32 to vector<16x1xi32>
          %gather3A_499 = vector.shape_cast %broadcast_in_dim3A_498 : vector<16x1xi32> to vector<16xi32>
          %gather3A_500 = tpu.dynamic_gather %gather3A_479[%gather3A_499] in [0] : vector<16xf32>, vector<16xi32> -> vector<16xf32>
          %get3A_501 = arith.index_cast %add3A_485 : i32 to index
          %get3A_502 = arith.constant 16 : index
          %get3A_503 = tpu.vector_load %arg16[%get3A_501, %get3A_502] {strides = array<i32>} : memref<80x128xf32, #tpu.memory_space<vmem>>, vector<16xf32>,
          %mul3A_504 = arith.mulf %get3A_503, %gather3A_500 : vector<16xf32>
          %swap3A_505 = arith.index_cast %add3A_485 : i32 to index
          %swap3A_506 = arith.constant 16 : index
          %swap3A_507 = tpu.vector_load %arg16[%swap3A_505, %swap3A_506] {strides = array<i32>} : memref<80x128xf32, #tpu.memory_space<vmem>>, vector<16xf32>,
          tpu.vector_store %arg16[%swap3A_505, %swap3A_506], %mul3A_504 {strides = array<i32>} : memref<80x128xf32, #tpu.memory_space<vmem>>, vector<16xf32>,
          %broadcast_in_dim3A_508 = arith.constant 2 : i32
          %broadcast_in_dim3A_509 = vector.broadcast %broadcast_in_dim3A_508 : i32 to vector<16x1xi32>
          %gather3A_510 = vector.shape_cast %broadcast_in_dim3A_509 : vector<16x1xi32> to vector<16xi32>
          %gather3A_511 = tpu.dynamic_gather %gather3A_479[%gather3A_510] in [0] : vector<16xf32>, vector<16xi32> -> vector<16xf32>
          %get3A_512 = arith.index_cast %add3A_485 : i32 to index
          %get3A_513 = arith.constant 32 : index
          %get3A_514 = tpu.vector_load %arg16[%get3A_512, %get3A_513] {strides = array<i32>} : memref<80x128xf32, #tpu.memory_space<vmem>>, vector<16xf32>,
          %mul3A_515 = arith.mulf %get3A_514, %gather3A_511 : vector<16xf32>
          %swap3A_516 = arith.index_cast %add3A_485 : i32 to index
          %swap3A_517 = arith.constant 32 : index
          %swap3A_518 = tpu.vector_load %arg16[%swap3A_516, %swap3A_517] {strides = array<i32>} : memref<80x128xf32, #tpu.memory_space<vmem>>, vector<16xf32>,
          tpu.vector_store %arg16[%swap3A_516, %swap3A_517], %mul3A_515 {strides = array<i32>} : memref<80x128xf32, #tpu.memory_space<vmem>>, vector<16xf32>,
          %broadcast_in_dim3A_519 = arith.constant 3 : i32
          %broadcast_in_dim3A_520 = vector.broadcast %broadcast_in_dim3A_519 : i32 to vector<16x1xi32>
          %gather3A_521 = vector.shape_cast %broadcast_in_dim3A_520 : vector<16x1xi32> to vector<16xi32>
          %gather3A_522 = tpu.dynamic_gather %gather3A_479[%gather3A_521] in [0] : vector<16xf32>, vector<16xi32> -> vector<16xf32>
          %get3A_523 = arith.index_cast %add3A_485 : i32 to index
          %get3A_524 = arith.constant 48 : index
          %get3A_525 = tpu.vector_load %arg16[%get3A_523, %get3A_524] {strides = array<i32>} : memref<80x128xf32, #tpu.memory_space<vmem>>, vector<16xf32>,
          %mul3A_526 = arith.mulf %get3A_525, %gather3A_522 : vector<16xf32>
          %swap3A_527 = arith.index_cast %add3A_485 : i32 to index
          %swap3A_528 = arith.constant 48 : index
          %swap3A_529 = tpu.vector_load %arg16[%swap3A_527, %swap3A_528] {strides = array<i32>} : memref<80x128xf32, #tpu.memory_space<vmem>>, vector<16xf32>,
          tpu.vector_store %arg16[%swap3A_527, %swap3A_528], %mul3A_526 {strides = array<i32>} : memref<80x128xf32, #tpu.memory_space<vmem>>, vector<16xf32>,
          %broadcast_in_dim3A_530 = arith.constant 4 : i32
          %broadcast_in_dim3A_531 = vector.broadcast %broadcast_in_dim3A_530 : i32 to vector<16x1xi32>
          %gather3A_532 = vector.shape_cast %broadcast_in_dim3A_531 : vector<16x1xi32> to vector<16xi32>
          %gather3A_533 = tpu.dynamic_gather %gather3A_479[%gather3A_532] in [0] : vector<16xf32>, vector<16xi32> -> vector<16xf32>
          %get3A_534 = arith.index_cast %add3A_485 : i32 to index
          %get3A_535 = arith.constant 64 : index
          %get3A_536 = tpu.vector_load %arg16[%get3A_534, %get3A_535] {strides = array<i32>} : memref<80x128xf32, #tpu.memory_space<vmem>>, vector<16xf32>,
          %mul3A_537 = arith.mulf %get3A_536, %gather3A_533 : vector<16xf32>
          %swap3A_538 = arith.index_cast %add3A_485 : i32 to index
          %swap3A_539 = arith.constant 64 : index
          %swap3A_540 = tpu.vector_load %arg16[%swap3A_538, %swap3A_539] {strides = array<i32>} : memref<80x128xf32, #tpu.memory_space<vmem>>, vector<16xf32>,
          tpu.vector_store %arg16[%swap3A_538, %swap3A_539], %mul3A_537 {strides = array<i32>} : memref<80x128xf32, #tpu.memory_space<vmem>>, vector<16xf32>,
          %broadcast_in_dim3A_541 = arith.constant 5 : i32
          %broadcast_in_dim3A_542 = vector.broadcast %broadcast_in_dim3A_541 : i32 to vector<16x1xi32>
          %gather3A_543 = vector.shape_cast %broadcast_in_dim3A_542 : vector<16x1xi32> to vector<16xi32>
          %gather3A_544 = tpu.dynamic_gather %gather3A_479[%gather3A_543] in [0] : vector<16xf32>, vector<16xi32> -> vector<16xf32>
          %get3A_545 = arith.index_cast %add3A_485 : i32 to index
          %get3A_546 = arith.constant 80 : index
          %get3A_547 = tpu.vector_load %arg16[%get3A_545, %get3A_546] {strides = array<i32>} : memref<80x128xf32, #tpu.memory_space<vmem>>, vector<16xf32>,
          %mul3A_548 = arith.mulf %get3A_547, %gather3A_544 : vector<16xf32>
          %swap3A_549 = arith.index_cast %add3A_485 : i32 to index
          %swap3A_550 = arith.constant 80 : index
          %swap3A_551 = tpu.vector_load %arg16[%swap3A_549, %swap3A_550] {strides = array<i32>} : memref<80x128xf32, #tpu.memory_space<vmem>>, vector<16xf32>,
          tpu.vector_store %arg16[%swap3A_549, %swap3A_550], %mul3A_548 {strides = array<i32>} : memref<80x128xf32, #tpu.memory_space<vmem>>, vector<16xf32>,
          %broadcast_in_dim3A_552 = arith.constant 6 : i32
          %broadcast_in_dim3A_553 = vector.broadcast %broadcast_in_dim3A_552 : i32 to vector<16x1xi32>
          %gather3A_554 = vector.shape_cast %broadcast_in_dim3A_553 : vector<16x1xi32> to vector<16xi32>
          %gather3A_555 = tpu.dynamic_gather %gather3A_479[%gather3A_554] in [0] : vector<16xf32>, vector<16xi32> -> vector<16xf32>
          %get3A_556 = arith.index_cast %add3A_485 : i32 to index
          %get3A_557 = arith.constant 96 : index
          %get3A_558 = tpu.vector_load %arg16[%get3A_556, %get3A_557] {strides = array<i32>} : memref<80x128xf32, #tpu.memory_space<vmem>>, vector<16xf32>,
          %mul3A_559 = arith.mulf %get3A_558, %gather3A_555 : vector<16xf32>
          %swap3A_560 = arith.index_cast %add3A_485 : i32 to index
          %swap3A_561 = arith.constant 96 : index
          %swap3A_562 = tpu.vector_load %arg16[%swap3A_560, %swap3A_561] {strides = array<i32>} : memref<80x128xf32, #tpu.memory_space<vmem>>, vector<16xf32>,
          tpu.vector_store %arg16[%swap3A_560, %swap3A_561], %mul3A_559 {strides = array<i32>} : memref<80x128xf32, #tpu.memory_space<vmem>>, vector<16xf32>,
          %broadcast_in_dim3A_563 = arith.constant 7 : i32
          %broadcast_in_dim3A_564 = vector.broadcast %broadcast_in_dim3A_563 : i32 to vector<16x1xi32>
          %gather3A_565 = vector.shape_cast %broadcast_in_dim3A_564 : vector<16x1xi32> to vector<16xi32>
          %gather3A_566 = tpu.dynamic_gather %gather3A_479[%gather3A_565] in [0] : vector<16xf32>, vector<16xi32> -> vector<16xf32>
          %get3A_567 = arith.index_cast %add3A_485 : i32 to index
          %get3A_568 = arith.constant 112 : index
          %get3A_569 = tpu.vector_load %arg16[%get3A_567, %get3A_568] {strides = array<i32>} : memref<80x128xf32, #tpu.memory_space<vmem>>, vector<16xf32>,
          %mul3A_570 = arith.mulf %get3A_569, %gather3A_566 : vector<16xf32>
          %swap3A_571 = arith.index_cast %add3A_485 : i32 to index
          %swap3A_572 = arith.constant 112 : index
          %swap3A_573 = tpu.vector_load %arg16[%swap3A_571, %swap3A_572] {strides = array<i32>} : memref<80x128xf32, #tpu.memory_space<vmem>>, vector<16xf32>,
          tpu.vector_store %arg16[%swap3A_571, %swap3A_572], %mul3A_570 {strides = array<i32>} : memref<80x128xf32, #tpu.memory_space<vmem>>, vector<16xf32>,
          %mul3A_574 = arith.constant 4 : i32
          %mul3A_575 = arith.muli %mul3A_574, %scan3A_277 : i32
          %add3A_576 = arith.constant 2 : i32
          %add3A_577 = arith.addi %mul3A_575, %add3A_576 : i32
          %add3A_578 = arith.constant 1 : i32
          %add3A_579 = arith.addi %add3A_577, %add3A_578 : i32
          %broadcast_in_dim3A_580 = arith.constant 8 : i32
          %broadcast_in_dim3A_581 = vector.broadcast %broadcast_in_dim3A_580 : i32 to vector<16x1xi32>
          %gather3A_582 = vector.shape_cast %broadcast_in_dim3A_581 : vector<16x1xi32> to vector<16xi32>
          %gather3A_583 = tpu.dynamic_gather %gather3A_479[%gather3A_582] in [0] : vector<16xf32>, vector<16xi32> -> vector<16xf32>
          %get3A_584 = arith.index_cast %add3A_579 : i32 to index
          %get3A_585 = arith.constant 0 : index
          %get3A_586 = tpu.vector_load %arg16[%get3A_584, %get3A_585] {strides = array<i32>} : memref<80x128xf32, #tpu.memory_space<vmem>>, vector<16xf32>,
          %mul3A_587 = arith.mulf %get3A_586, %gather3A_583 : vector<16xf32>
          %swap3A_588 = arith.index_cast %add3A_579 : i32 to index
          %swap3A_589 = arith.constant 0 : index
          %swap3A_590 = tpu.vector_load %arg16[%swap3A_588, %swap3A_589] {strides = array<i32>} : memref<80x128xf32, #tpu.memory_space<vmem>>, vector<16xf32>,
          tpu.vector_store %arg16[%swap3A_588, %swap3A_589], %mul3A_587 {strides = array<i32>} : memref<80x128xf32, #tpu.memory_space<vmem>>, vector<16xf32>,
          %broadcast_in_dim3A_591 = arith.constant 9 : i32
          %broadcast_in_dim3A_592 = vector.broadcast %broadcast_in_dim3A_591 : i32 to vector<16x1xi32>
          %gather3A_593 = vector.shape_cast %broadcast_in_dim3A_592 : vector<16x1xi32> to vector<16xi32>
          %gather3A_594 = tpu.dynamic_gather %gather3A_479[%gather3A_593] in [0] : vector<16xf32>, vector<16xi32> -> vector<16xf32>
          %get3A_595 = arith.index_cast %add3A_579 : i32 to index
          %get3A_596 = arith.constant 16 : index
          %get3A_597 = tpu.vector_load %arg16[%get3A_595, %get3A_596] {strides = array<i32>} : memref<80x128xf32, #tpu.memory_space<vmem>>, vector<16xf32>,
          %mul3A_598 = arith.mulf %get3A_597, %gather3A_594 : vector<16xf32>
          %swap3A_599 = arith.index_cast %add3A_579 : i32 to index
          %swap3A_600 = arith.constant 16 : index
          %swap3A_601 = tpu.vector_load %arg16[%swap3A_599, %swap3A_600] {strides = array<i32>} : memref<80x128xf32, #tpu.memory_space<vmem>>, vector<16xf32>,
          tpu.vector_store %arg16[%swap3A_599, %swap3A_600], %mul3A_598 {strides = array<i32>} : memref<80x128xf32, #tpu.memory_space<vmem>>, vector<16xf32>,
          %broadcast_in_dim3A_602 = arith.constant 10 : i32
          %broadcast_in_dim3A_603 = vector.broadcast %broadcast_in_dim3A_602 : i32 to vector<16x1xi32>
          %gather3A_604 = vector.shape_cast %broadcast_in_dim3A_603 : vector<16x1xi32> to vector<16xi32>
          %gather3A_605 = tpu.dynamic_gather %gather3A_479[%gather3A_604] in [0] : vector<16xf32>, vector<16xi32> -> vector<16xf32>
          %get3A_606 = arith.index_cast %add3A_579 : i32 to index
          %get3A_607 = arith.constant 32 : index
          %get3A_608 = tpu.vector_load %arg16[%get3A_606, %get3A_607] {strides = array<i32>} : memref<80x128xf32, #tpu.memory_space<vmem>>, vector<16xf32>,
          %mul3A_609 = arith.mulf %get3A_608, %gather3A_605 : vector<16xf32>
          %swap3A_610 = arith.index_cast %add3A_579 : i32 to index
          %swap3A_611 = arith.constant 32 : index
          %swap3A_612 = tpu.vector_load %arg16[%swap3A_610, %swap3A_611] {strides = array<i32>} : memref<80x128xf32, #tpu.memory_space<vmem>>, vector<16xf32>,
          tpu.vector_store %arg16[%swap3A_610, %swap3A_611], %mul3A_609 {strides = array<i32>} : memref<80x128xf32, #tpu.memory_space<vmem>>, vector<16xf32>,
          %broadcast_in_dim3A_613 = arith.constant 11 : i32
          %broadcast_in_dim3A_614 = vector.broadcast %broadcast_in_dim3A_613 : i32 to vector<16x1xi32>
          %gather3A_615 = vector.shape_cast %broadcast_in_dim3A_614 : vector<16x1xi32> to vector<16xi32>
          %gather3A_616 = tpu.dynamic_gather %gather3A_479[%gather3A_615] in [0] : vector<16xf32>, vector<16xi32> -> vector<16xf32>
          %get3A_617 = arith.index_cast %add3A_579 : i32 to index
          %get3A_618 = arith.constant 48 : index
          %get3A_619 = tpu.vector_load %arg16[%get3A_617, %get3A_618] {strides = array<i32>} : memref<80x128xf32, #tpu.memory_space<vmem>>, vector<16xf32>,
          %mul3A_620 = arith.mulf %get3A_619, %gather3A_616 : vector<16xf32>
          %swap3A_621 = arith.index_cast %add3A_579 : i32 to index
          %swap3A_622 = arith.constant 48 : index
          %swap3A_623 = tpu.vector_load %arg16[%swap3A_621, %swap3A_622] {strides = array<i32>} : memref<80x128xf32, #tpu.memory_space<vmem>>, vector<16xf32>,
          tpu.vector_store %arg16[%swap3A_621, %swap3A_622], %mul3A_620 {strides = array<i32>} : memref<80x128xf32, #tpu.memory_space<vmem>>, vector<16xf32>,
          %broadcast_in_dim3A_624 = arith.constant 12 : i32
          %broadcast_in_dim3A_625 = vector.broadcast %broadcast_in_dim3A_624 : i32 to vector<16x1xi32>
          %gather3A_626 = vector.shape_cast %broadcast_in_dim3A_625 : vector<16x1xi32> to vector<16xi32>
          %gather3A_627 = tpu.dynamic_gather %gather3A_479[%gather3A_626] in [0] : vector<16xf32>, vector<16xi32> -> vector<16xf32>
          %get3A_628 = arith.index_cast %add3A_579 : i32 to index
          %get3A_629 = arith.constant 64 : index
          %get3A_630 = tpu.vector_load %arg16[%get3A_628, %get3A_629] {strides = array<i32>} : memref<80x128xf32, #tpu.memory_space<vmem>>, vector<16xf32>,
          %mul3A_631 = arith.mulf %get3A_630, %gather3A_627 : vector<16xf32>
          %swap3A_632 = arith.index_cast %add3A_579 : i32 to index
          %swap3A_633 = arith.constant 64 : index
          %swap3A_634 = tpu.vector_load %arg16[%swap3A_632, %swap3A_633] {strides = array<i32>} : memref<80x128xf32, #tpu.memory_space<vmem>>, vector<16xf32>,
          tpu.vector_store %arg16[%swap3A_632, %swap3A_633], %mul3A_631 {strides = array<i32>} : memref<80x128xf32, #tpu.memory_space<vmem>>, vector<16xf32>,
          %broadcast_in_dim3A_635 = arith.constant 13 : i32
          %broadcast_in_dim3A_636 = vector.broadcast %broadcast_in_dim3A_635 : i32 to vector<16x1xi32>
          %gather3A_637 = vector.shape_cast %broadcast_in_dim3A_636 : vector<16x1xi32> to vector<16xi32>
          %gather3A_638 = tpu.dynamic_gather %gather3A_479[%gather3A_637] in [0] : vector<16xf32>, vector<16xi32> -> vector<16xf32>
          %get3A_639 = arith.index_cast %add3A_579 : i32 to index
          %get3A_640 = arith.constant 80 : index
          %get3A_641 = tpu.vector_load %arg16[%get3A_639, %get3A_640] {strides = array<i32>} : memref<80x128xf32, #tpu.memory_space<vmem>>, vector<16xf32>,
          %mul3A_642 = arith.mulf %get3A_641, %gather3A_638 : vector<16xf32>
          %swap3A_643 = arith.index_cast %add3A_579 : i32 to index
          %swap3A_644 = arith.constant 80 : index
          %swap3A_645 = tpu.vector_load %arg16[%swap3A_643, %swap3A_644] {strides = array<i32>} : memref<80x128xf32, #tpu.memory_space<vmem>>, vector<16xf32>,
          tpu.vector_store %arg16[%swap3A_643, %swap3A_644], %mul3A_642 {strides = array<i32>} : memref<80x128xf32, #tpu.memory_space<vmem>>, vector<16xf32>,
          %broadcast_in_dim3A_646 = arith.constant 14 : i32
          %broadcast_in_dim3A_647 = vector.broadcast %broadcast_in_dim3A_646 : i32 to vector<16x1xi32>
          %gather3A_648 = vector.shape_cast %broadcast_in_dim3A_647 : vector<16x1xi32> to vector<16xi32>
          %gather3A_649 = tpu.dynamic_gather %gather3A_479[%gather3A_648] in [0] : vector<16xf32>, vector<16xi32> -> vector<16xf32>
          %get3A_650 = arith.index_cast %add3A_579 : i32 to index
          %get3A_651 = arith.constant 96 : index
          %get3A_652 = tpu.vector_load %arg16[%get3A_650, %get3A_651] {strides = array<i32>} : memref<80x128xf32, #tpu.memory_space<vmem>>, vector<16xf32>,
          %mul3A_653 = arith.mulf %get3A_652, %gather3A_649 : vector<16xf32>
          %swap3A_654 = arith.index_cast %add3A_579 : i32 to index
          %swap3A_655 = arith.constant 96 : index
          %swap3A_656 = tpu.vector_load %arg16[%swap3A_654, %swap3A_655] {strides = array<i32>} : memref<80x128xf32, #tpu.memory_space<vmem>>, vector<16xf32>,
          tpu.vector_store %arg16[%swap3A_654, %swap3A_655], %mul3A_653 {strides = array<i32>} : memref<80x128xf32, #tpu.memory_space<vmem>>, vector<16xf32>,
          %broadcast_in_dim3A_657 = arith.constant 15 : i32
          %broadcast_in_dim3A_658 = vector.broadcast %broadcast_in_dim3A_657 : i32 to vector<16x1xi32>
          %gather3A_659 = vector.shape_cast %broadcast_in_dim3A_658 : vector<16x1xi32> to vector<16xi32>
          %gather3A_660 = tpu.dynamic_gather %gather3A_479[%gather3A_659] in [0] : vector<16xf32>, vector<16xi32> -> vector<16xf32>
          %get3A_661 = arith.index_cast %add3A_579 : i32 to index
          %get3A_662 = arith.constant 112 : index
          %get3A_663 = tpu.vector_load %arg16[%get3A_661, %get3A_662] {strides = array<i32>} : memref<80x128xf32, #tpu.memory_space<vmem>>, vector<16xf32>,
          %mul3A_664 = arith.mulf %get3A_663, %gather3A_660 : vector<16xf32>
          %swap3A_665 = arith.index_cast %add3A_579 : i32 to index
          %swap3A_666 = arith.constant 112 : index
          %swap3A_667 = tpu.vector_load %arg16[%swap3A_665, %swap3A_666] {strides = array<i32>} : memref<80x128xf32, #tpu.memory_space<vmem>>, vector<16xf32>,
          tpu.vector_store %arg16[%swap3A_665, %swap3A_666], %mul3A_664 {strides = array<i32>} : memref<80x128xf32, #tpu.memory_space<vmem>>, vector<16xf32>,
        }
        %scan3A_258 = arith.constant 20 : i32
        %dma_start3A_259 = arith.constant 0 : i32
        %dma_start3A_260 = arith.constant 0 : i32
        %dma_start3A_261 = tpu.memref_slice %arg29[%dma_start3A_259, %dma_start3A_260] : memref<10000x128xf32, #tpu.memory_space<vmem_shared>> -> memref<10000x128xf32, #tpu.memory_space<vmem_shared>>
        tpu.enqueue_indirect_dma source(%arg16 : memref<80x128xf32, #tpu.memory_space<vmem>>) target(%dma_start3A_261 : memref<10000x128xf32, #tpu.memory_space<vmem_shared>>) offsets(%arg13 : memref<80xi32, #tpu.memory_space<vmem>>) semaphore(%arg33 : memref<!tpu.dma_semaphore, #tpu.memory_space<semaphore_mem>>) {add = true}
        %lt3A_262 = arith.constant 62 : i32
        %lt3A_263 = arith.cmpi slt, %scan3A_221, %lt3A_262 : i32
        %convert_element_type3A_264 = arith.extui %lt3A_263 : i1 to i32
        %cond3A_265 = arith.constant 0 : i32
        %cond3A_266 = arith.cmpi ne, %convert_element_type3A_264, %cond3A_265 : i32
        scf.if %cond3A_266 {
          %add3A_277 = arith.constant 2 : i32
          %add3A_278 = arith.addi %mul3A_223, %add3A_277 : i32
          %mul3A_279 = arith.constant 10000 : i32
          %mul3A_280 = arith.muli %arg1, %mul3A_279 : i32
          %mul3A_281 = arith.constant 80 : i32
          %mul3A_282 = arith.muli %add3A_278, %mul3A_281 : i32
          %add3A_283 = arith.addi %mul3A_280, %mul3A_282 : i32
          %dma_start3A_284 = arith.constant 0 : i32
          %dma_start3A_285 = tpu.memref_slice %arg5[%dma_start3A_284, %add3A_283] : memref<2x160000xi32, #tpu.memory_space<hbm>> -> memref<2x80xi32, #tpu.memory_space<hbm>>
          %dma_start3A_286 = arith.constant 0 : i32
          %dma_start3A_287 = tpu.memref_slice %arg5[%dma_start3A_286, %add3A_283] : memref<2x160000xi32, #tpu.memory_space<hbm>> -> memref<2x80xi32, #tpu.memory_space<hbm>>
          tpu.enqueue_dma source(%dma_start3A_287 : memref<2x80xi32, #tpu.memory_space<hbm>>) target(%arg10 : memref<2x80xi32, #tpu.memory_space<vmem>>) target_semaphore(%arg34 : memref<!tpu.dma_semaphore, #tpu.memory_space<semaphore_mem>>)
        } else {
        }
        %lt3A_267 = arith.constant 125 : i32
        %lt3A_268 = arith.cmpi slt, %add3A_225, %lt3A_267 : i32
        %convert_element_type3A_269 = arith.extui %lt3A_268 : i1 to i32
        %cond3A_270 = arith.constant 0 : i32
        %cond3A_271 = arith.cmpi ne, %convert_element_type3A_269, %cond3A_270 : i32
        scf.if %cond3A_271 {
          %dma_wait3A_277 = arith.constant 0 : i32
          %dma_wait3A_278 = arith.constant 0 : i32
          %dma_wait3A_279 = tpu.memref_slice %arg2[%dma_wait3A_277, %dma_wait3A_278] : memref<20000x8xf32, #tpu.memory_space<hbm>> -> memref<20000x8xf32, #tpu.memory_space<hbm>>
          tpu.wait_indirect_dma semaphore(%arg35 : memref<!tpu.dma_semaphore, #tpu.memory_space<semaphore_mem>>) src(%dma_wait3A_279 : memref<20000x8xf32, #tpu.memory_space<hbm>>) dst(%arg22 : memref<80x8xf32, #tpu.memory_space<vmem>>)
          %dma_wait3A_280 = arith.constant 0 : i32
          %dma_wait3A_281 = arith.constant 0 : i32
          %dma_wait3A_282 = tpu.memref_slice %arg3[%dma_wait3A_280, %dma_wait3A_281] : memref<20000x8xf32, #tpu.memory_space<hbm>> -> memref<20000x8xf32, #tpu.memory_space<hbm>>
          tpu.wait_indirect_dma semaphore(%arg35 : memref<!tpu.dma_semaphore, #tpu.memory_space<semaphore_mem>>) src(%dma_wait3A_282 : memref<20000x8xf32, #tpu.memory_space<hbm>>) dst(%arg23 : memref<80x8xf32, #tpu.memory_space<vmem>>)
          %scan3A_283 = arith.constant 0 : i32
          %scan3A_284 = arith.constant 0 : i32
          %scan3A_285 = arith.constant 10 : i32
          %scan3A_286 = arith.addi %scan3A_284, %scan3A_285 : i32
          %scan3A_287 = arith.constant 1 : i32
          scf.for %scan3A_311 = %scan3A_284 to %scan3A_286 step %scan3A_287  : i32 {
            %mul3A_312 = arith.constant 8 : i32
            %mul3A_313 = arith.muli %mul3A_312, %scan3A_311 : i32
            %add3A_314 = arith.constant 0 : i32
            %add3A_315 = arith.addi %mul3A_313, %add3A_314 : i32
            %add3A_316 = vector.broadcast %add3A_315 : i32 to vector<16xi32>
            %add3A_317 = arith.addi %add3A_316, %select_n3A_41 : vector<16xi32>
            %gather3A_318 = tpu.vector_load_idx %arg22[%add3A_317, %select_n3A_13] : memref<80x8xf32, #tpu.memory_space<vmem>>[vector<16xi32>, vector<16xi32>], vector<16xf32>,
            %gather3A_319 = tpu.vector_load_idx %arg23[%add3A_317, %select_n3A_13] : memref<80x8xf32, #tpu.memory_space<vmem>>[vector<16xi32>, vector<16xi32>], vector<16xf32>,
            %add3A_320 = arith.addf %gather3A_318, %gather3A_319 : vector<16xf32>
            %add3A_321 = arith.addf %add3A_320, %gather3A_42 : vector<16xf32>
            %ge3A_322 = arith.constant 0.000000e+00 : f32
            %ge3A_323 = vector.broadcast %ge3A_322 : f32 to vector<16xf32>
            %ge3A_324 = arith.cmpf oge, %add3A_321, %ge3A_323 : vector<16xf32>
            %mul3A_325 = arith.constant 2.000000e-01 : f32
            %mul3A_326 = vector.broadcast %mul3A_325 : f32 to vector<16xf32>
            %mul3A_327 = arith.mulf %mul3A_326, %add3A_321 : vector<16xf32>
            %select_n3A_328 = arith.select %ge3A_324, %add3A_321, %mul3A_327 : vector<16xi1>, vector<16xf32>
            %sub3A_329 = arith.subf %select_n3A_328, %gather3A : vector<16xf32>
            %exp3A = math.exp %sub3A_329 : vector<16xf32>
            tpu.vector_store_idx %arg25[%add3A_317, %select_n3A_13], %exp3A : memref<80x8xf32, #tpu.memory_space<vmem>>[vector<16xi32>, vector<16xi32>], vector<16xf32>,
            %mul3A_330 = arith.constant 8 : i32
            %mul3A_331 = arith.muli %mul3A_330, %scan3A_311 : i32
            %add3A_332 = arith.constant 2 : i32
            %add3A_333 = arith.addi %mul3A_331, %add3A_332 : i32
            %add3A_334 = vector.broadcast %add3A_333 : i32 to vector<16xi32>
            %add3A_335 = arith.addi %add3A_334, %select_n3A_41 : vector<16xi32>
            %gather3A_336 = tpu.vector_load_idx %arg22[%add3A_335, %select_n3A_13] : memref<80x8xf32, #tpu.memory_space<vmem>>[vector<16xi32>, vector<16xi32>], vector<16xf32>,
            %gather3A_337 = tpu.vector_load_idx %arg23[%add3A_335, %select_n3A_13] : memref<80x8xf32, #tpu.memory_space<vmem>>[vector<16xi32>, vector<16xi32>], vector<16xf32>,
            %add3A_338 = arith.addf %gather3A_336, %gather3A_337 : vector<16xf32>
            %add3A_339 = arith.addf %add3A_338, %gather3A_42 : vector<16xf32>
            %ge3A_340 = arith.constant 0.000000e+00 : f32
            %ge3A_341 = vector.broadcast %ge3A_340 : f32 to vector<16xf32>
            %ge3A_342 = arith.cmpf oge, %add3A_339, %ge3A_341 : vector<16xf32>
            %mul3A_343 = arith.constant 2.000000e-01 : f32
            %mul3A_344 = vector.broadcast %mul3A_343 : f32 to vector<16xf32>
            %mul3A_345 = arith.mulf %mul3A_344, %add3A_339 : vector<16xf32>
            %select_n3A_346 = arith.select %ge3A_342, %add3A_339, %mul3A_345 : vector<16xi1>, vector<16xf32>
            %sub3A_347 = arith.subf %select_n3A_346, %gather3A : vector<16xf32>
            %exp3A_348 = math.exp %sub3A_347 : vector<16xf32>
            tpu.vector_store_idx %arg25[%add3A_335, %select_n3A_13], %exp3A_348 : memref<80x8xf32, #tpu.memory_space<vmem>>[vector<16xi32>, vector<16xi32>], vector<16xf32>,
            %mul3A_349 = arith.constant 8 : i32
            %mul3A_350 = arith.muli %mul3A_349, %scan3A_311 : i32
            %add3A_351 = arith.constant 4 : i32
            %add3A_352 = arith.addi %mul3A_350, %add3A_351 : i32
            %add3A_353 = vector.broadcast %add3A_352 : i32 to vector<16xi32>
            %add3A_354 = arith.addi %add3A_353, %select_n3A_41 : vector<16xi32>
            %gather3A_355 = tpu.vector_load_idx %arg22[%add3A_354, %select_n3A_13] : memref<80x8xf32, #tpu.memory_space<vmem>>[vector<16xi32>, vector<16xi32>], vector<16xf32>,
            %gather3A_356 = tpu.vector_load_idx %arg23[%add3A_354, %select_n3A_13] : memref<80x8xf32, #tpu.memory_space<vmem>>[vector<16xi32>, vector<16xi32>], vector<16xf32>,
            %add3A_357 = arith.addf %gather3A_355, %gather3A_356 : vector<16xf32>
            %add3A_358 = arith.addf %add3A_357, %gather3A_42 : vector<16xf32>
            %ge3A_359 = arith.constant 0.000000e+00 : f32
            %ge3A_360 = vector.broadcast %ge3A_359 : f32 to vector<16xf32>
            %ge3A_361 = arith.cmpf oge, %add3A_358, %ge3A_360 : vector<16xf32>
            %mul3A_362 = arith.constant 2.000000e-01 : f32
            %mul3A_363 = vector.broadcast %mul3A_362 : f32 to vector<16xf32>
            %mul3A_364 = arith.mulf %mul3A_363, %add3A_358 : vector<16xf32>
            %select_n3A_365 = arith.select %ge3A_361, %add3A_358, %mul3A_364 : vector<16xi1>, vector<16xf32>
            %sub3A_366 = arith.subf %select_n3A_365, %gather3A : vector<16xf32>
            %exp3A_367 = math.exp %sub3A_366 : vector<16xf32>
            tpu.vector_store_idx %arg25[%add3A_354, %select_n3A_13], %exp3A_367 : memref<80x8xf32, #tpu.memory_space<vmem>>[vector<16xi32>, vector<16xi32>], vector<16xf32>,
            %mul3A_368 = arith.constant 8 : i32
            %mul3A_369 = arith.muli %mul3A_368, %scan3A_311 : i32
            %add3A_370 = arith.constant 6 : i32
            %add3A_371 = arith.addi %mul3A_369, %add3A_370 : i32
            %add3A_372 = vector.broadcast %add3A_371 : i32 to vector<16xi32>
            %add3A_373 = arith.addi %add3A_372, %select_n3A_41 : vector<16xi32>
            %gather3A_374 = tpu.vector_load_idx %arg22[%add3A_373, %select_n3A_13] : memref<80x8xf32, #tpu.memory_space<vmem>>[vector<16xi32>, vector<16xi32>], vector<16xf32>,
            %gather3A_375 = tpu.vector_load_idx %arg23[%add3A_373, %select_n3A_13] : memref<80x8xf32, #tpu.memory_space<vmem>>[vector<16xi32>, vector<16xi32>], vector<16xf32>,
            %add3A_376 = arith.addf %gather3A_374, %gather3A_375 : vector<16xf32>
            %add3A_377 = arith.addf %add3A_376, %gather3A_42 : vector<16xf32>
            %ge3A_378 = arith.constant 0.000000e+00 : f32
            %ge3A_379 = vector.broadcast %ge3A_378 : f32 to vector<16xf32>
            %ge3A_380 = arith.cmpf oge, %add3A_377, %ge3A_379 : vector<16xf32>
            %mul3A_381 = arith.constant 2.000000e-01 : f32
            %mul3A_382 = vector.broadcast %mul3A_381 : f32 to vector<16xf32>
            %mul3A_383 = arith.mulf %mul3A_382, %add3A_377 : vector<16xf32>
            %select_n3A_384 = arith.select %ge3A_380, %add3A_377, %mul3A_383 : vector<16xi1>, vector<16xf32>
            %sub3A_385 = arith.subf %select_n3A_384, %gather3A : vector<16xf32>
            %exp3A_386 = math.exp %sub3A_385 : vector<16xf32>
            tpu.vector_store_idx %arg25[%add3A_373, %select_n3A_13], %exp3A_386 : memref<80x8xf32, #tpu.memory_space<vmem>>[vector<16xi32>, vector<16xi32>], vector<16xf32>,
          }
          %scan3A_288 = arith.constant 10 : i32
          %dma_start3A_289 = arith.constant 0 : i32
          %dma_start3A_290 = arith.constant 0 : i32
          %dma_start3A_291 = tpu.memref_slice %arg30[%dma_start3A_289, %dma_start3A_290] : memref<10000x8xf32, #tpu.memory_space<vmem_shared>> -> memref<10000x8xf32, #tpu.memory_space<vmem_shared>>
          tpu.enqueue_indirect_dma source(%arg25 : memref<80x8xf32, #tpu.memory_space<vmem>>) target(%dma_start3A_291 : memref<10000x8xf32, #tpu.memory_space<vmem_shared>>) offsets(%arg21 : memref<80xi32, #tpu.memory_space<vmem>>) semaphore(%arg37 : memref<!tpu.dma_semaphore, #tpu.memory_space<semaphore_mem>>) {add = true}
          %dma_wait3A_292 = arith.constant 0 : i32
          %dma_wait3A_293 = arith.constant 0 : i32
          %dma_wait3A_294 = tpu.memref_slice %arg4[%dma_wait3A_292, %dma_wait3A_293] : memref<20000x128xf32, #tpu.memory_space<hbm>> -> memref<20000x128xf32, #tpu.memory_space<hbm>>
          tpu.wait_indirect_dma semaphore(%arg36 : memref<!tpu.dma_semaphore, #tpu.memory_space<semaphore_mem>>) src(%dma_wait3A_294 : memref<20000x128xf32, #tpu.memory_space<hbm>>) dst(%arg24 : memref<80x128xf32, #tpu.memory_space<vmem>>)
          %scan3A_295 = arith.constant 0 : i32
          %scan3A_296 = arith.constant 0 : i32
          %scan3A_297 = arith.constant 20 : i32
          %scan3A_298 = arith.addi %scan3A_296, %scan3A_297 : i32
          %scan3A_299 = arith.constant 1 : i32
          scf.for %scan3A_311 = %scan3A_296 to %scan3A_298 step %scan3A_299  : i32 {
            %mul3A_312 = arith.constant 4 : i32
            %mul3A_313 = arith.muli %mul3A_312, %scan3A_311 : i32
            %add3A_314 = arith.constant 0 : i32
            %add3A_315 = arith.addi %mul3A_313, %add3A_314 : i32
            %add3A_316 = vector.broadcast %add3A_315 : i32 to vector<16xi32>
            %add3A_317 = arith.addi %add3A_316, %select_n3A_41 : vector<16xi32>
            %gather3A_318 = tpu.vector_load_idx %arg25[%add3A_317, %select_n3A_13] : memref<80x8xf32, #tpu.memory_space<vmem>>[vector<16xi32>, vector<16xi32>], vector<16xf32>,
            %mul3A_319 = arith.constant 4 : i32
            %mul3A_320 = arith.muli %mul3A_319, %scan3A_311 : i32
            %add3A_321 = arith.constant 0 : i32
            %add3A_322 = arith.addi %mul3A_320, %add3A_321 : i32
            %add3A_323 = arith.constant 0 : i32
            %add3A_324 = arith.addi %add3A_322, %add3A_323 : i32
            %broadcast_in_dim3A_325 = arith.constant 0 : i32
            %broadcast_in_dim3A_326 = vector.broadcast %broadcast_in_dim3A_325 : i32 to vector<16x1xi32>
            %gather3A_327 = vector.shape_cast %broadcast_in_dim3A_326 : vector<16x1xi32> to vector<16xi32>
            %gather3A_328 = tpu.dynamic_gather %gather3A_318[%gather3A_327] in [0] : vector<16xf32>, vector<16xi32> -> vector<16xf32>
            %get3A_329 = arith.index_cast %add3A_324 : i32 to index
            %get3A_330 = arith.constant 0 : index
            %get3A_331 = tpu.vector_load %arg24[%get3A_329, %get3A_330] {strides = array<i32>} : memref<80x128xf32, #tpu.memory_space<vmem>>, vector<16xf32>,
            %mul3A_332 = arith.mulf %get3A_331, %gather3A_328 : vector<16xf32>
            %swap3A_333 = arith.index_cast %add3A_324 : i32 to index
            %swap3A_334 = arith.constant 0 : index
            %swap3A_335 = tpu.vector_load %arg24[%swap3A_333, %swap3A_334] {strides = array<i32>} : memref<80x128xf32, #tpu.memory_space<vmem>>, vector<16xf32>,
            tpu.vector_store %arg24[%swap3A_333, %swap3A_334], %mul3A_332 {strides = array<i32>} : memref<80x128xf32, #tpu.memory_space<vmem>>, vector<16xf32>,
            %broadcast_in_dim3A_336 = arith.constant 1 : i32
            %broadcast_in_dim3A_337 = vector.broadcast %broadcast_in_dim3A_336 : i32 to vector<16x1xi32>
            %gather3A_338 = vector.shape_cast %broadcast_in_dim3A_337 : vector<16x1xi32> to vector<16xi32>
            %gather3A_339 = tpu.dynamic_gather %gather3A_318[%gather3A_338] in [0] : vector<16xf32>, vector<16xi32> -> vector<16xf32>
            %get3A_340 = arith.index_cast %add3A_324 : i32 to index
            %get3A_341 = arith.constant 16 : index
            %get3A_342 = tpu.vector_load %arg24[%get3A_340, %get3A_341] {strides = array<i32>} : memref<80x128xf32, #tpu.memory_space<vmem>>, vector<16xf32>,
            %mul3A_343 = arith.mulf %get3A_342, %gather3A_339 : vector<16xf32>
            %swap3A_344 = arith.index_cast %add3A_324 : i32 to index
            %swap3A_345 = arith.constant 16 : index
            %swap3A_346 = tpu.vector_load %arg24[%swap3A_344, %swap3A_345] {strides = array<i32>} : memref<80x128xf32, #tpu.memory_space<vmem>>, vector<16xf32>,
            tpu.vector_store %arg24[%swap3A_344, %swap3A_345], %mul3A_343 {strides = array<i32>} : memref<80x128xf32, #tpu.memory_space<vmem>>, vector<16xf32>,
            %broadcast_in_dim3A_347 = arith.constant 2 : i32
            %broadcast_in_dim3A_348 = vector.broadcast %broadcast_in_dim3A_347 : i32 to vector<16x1xi32>
            %gather3A_349 = vector.shape_cast %broadcast_in_dim3A_348 : vector<16x1xi32> to vector<16xi32>
            %gather3A_350 = tpu.dynamic_gather %gather3A_318[%gather3A_349] in [0] : vector<16xf32>, vector<16xi32> -> vector<16xf32>
            %get3A_351 = arith.index_cast %add3A_324 : i32 to index
            %get3A_352 = arith.constant 32 : index
            %get3A_353 = tpu.vector_load %arg24[%get3A_351, %get3A_352] {strides = array<i32>} : memref<80x128xf32, #tpu.memory_space<vmem>>, vector<16xf32>,
            %mul3A_354 = arith.mulf %get3A_353, %gather3A_350 : vector<16xf32>
            %swap3A_355 = arith.index_cast %add3A_324 : i32 to index
            %swap3A_356 = arith.constant 32 : index
            %swap3A_357 = tpu.vector_load %arg24[%swap3A_355, %swap3A_356] {strides = array<i32>} : memref<80x128xf32, #tpu.memory_space<vmem>>, vector<16xf32>,
            tpu.vector_store %arg24[%swap3A_355, %swap3A_356], %mul3A_354 {strides = array<i32>} : memref<80x128xf32, #tpu.memory_space<vmem>>, vector<16xf32>,
            %broadcast_in_dim3A_358 = arith.constant 3 : i32
            %broadcast_in_dim3A_359 = vector.broadcast %broadcast_in_dim3A_358 : i32 to vector<16x1xi32>
            %gather3A_360 = vector.shape_cast %broadcast_in_dim3A_359 : vector<16x1xi32> to vector<16xi32>
            %gather3A_361 = tpu.dynamic_gather %gather3A_318[%gather3A_360] in [0] : vector<16xf32>, vector<16xi32> -> vector<16xf32>
            %get3A_362 = arith.index_cast %add3A_324 : i32 to index
            %get3A_363 = arith.constant 48 : index
            %get3A_364 = tpu.vector_load %arg24[%get3A_362, %get3A_363] {strides = array<i32>} : memref<80x128xf32, #tpu.memory_space<vmem>>, vector<16xf32>,
            %mul3A_365 = arith.mulf %get3A_364, %gather3A_361 : vector<16xf32>
            %swap3A_366 = arith.index_cast %add3A_324 : i32 to index
            %swap3A_367 = arith.constant 48 : index
            %swap3A_368 = tpu.vector_load %arg24[%swap3A_366, %swap3A_367] {strides = array<i32>} : memref<80x128xf32, #tpu.memory_space<vmem>>, vector<16xf32>,
            tpu.vector_store %arg24[%swap3A_366, %swap3A_367], %mul3A_365 {strides = array<i32>} : memref<80x128xf32, #tpu.memory_space<vmem>>, vector<16xf32>,
            %broadcast_in_dim3A_369 = arith.constant 4 : i32
            %broadcast_in_dim3A_370 = vector.broadcast %broadcast_in_dim3A_369 : i32 to vector<16x1xi32>
            %gather3A_371 = vector.shape_cast %broadcast_in_dim3A_370 : vector<16x1xi32> to vector<16xi32>
            %gather3A_372 = tpu.dynamic_gather %gather3A_318[%gather3A_371] in [0] : vector<16xf32>, vector<16xi32> -> vector<16xf32>
            %get3A_373 = arith.index_cast %add3A_324 : i32 to index
            %get3A_374 = arith.constant 64 : index
            %get3A_375 = tpu.vector_load %arg24[%get3A_373, %get3A_374] {strides = array<i32>} : memref<80x128xf32, #tpu.memory_space<vmem>>, vector<16xf32>,
            %mul3A_376 = arith.mulf %get3A_375, %gather3A_372 : vector<16xf32>
            %swap3A_377 = arith.index_cast %add3A_324 : i32 to index
            %swap3A_378 = arith.constant 64 : index
            %swap3A_379 = tpu.vector_load %arg24[%swap3A_377, %swap3A_378] {strides = array<i32>} : memref<80x128xf32, #tpu.memory_space<vmem>>, vector<16xf32>,
            tpu.vector_store %arg24[%swap3A_377, %swap3A_378], %mul3A_376 {strides = array<i32>} : memref<80x128xf32, #tpu.memory_space<vmem>>, vector<16xf32>,
            %broadcast_in_dim3A_380 = arith.constant 5 : i32
            %broadcast_in_dim3A_381 = vector.broadcast %broadcast_in_dim3A_380 : i32 to vector<16x1xi32>
            %gather3A_382 = vector.shape_cast %broadcast_in_dim3A_381 : vector<16x1xi32> to vector<16xi32>
            %gather3A_383 = tpu.dynamic_gather %gather3A_318[%gather3A_382] in [0] : vector<16xf32>, vector<16xi32> -> vector<16xf32>
            %get3A_384 = arith.index_cast %add3A_324 : i32 to index
            %get3A_385 = arith.constant 80 : index
            %get3A_386 = tpu.vector_load %arg24[%get3A_384, %get3A_385] {strides = array<i32>} : memref<80x128xf32, #tpu.memory_space<vmem>>, vector<16xf32>,
            %mul3A_387 = arith.mulf %get3A_386, %gather3A_383 : vector<16xf32>
            %swap3A_388 = arith.index_cast %add3A_324 : i32 to index
            %swap3A_389 = arith.constant 80 : index
            %swap3A_390 = tpu.vector_load %arg24[%swap3A_388, %swap3A_389] {strides = array<i32>} : memref<80x128xf32, #tpu.memory_space<vmem>>, vector<16xf32>,
            tpu.vector_store %arg24[%swap3A_388, %swap3A_389], %mul3A_387 {strides = array<i32>} : memref<80x128xf32, #tpu.memory_space<vmem>>, vector<16xf32>,
            %broadcast_in_dim3A_391 = arith.constant 6 : i32
            %broadcast_in_dim3A_392 = vector.broadcast %broadcast_in_dim3A_391 : i32 to vector<16x1xi32>
            %gather3A_393 = vector.shape_cast %broadcast_in_dim3A_392 : vector<16x1xi32> to vector<16xi32>
            %gather3A_394 = tpu.dynamic_gather %gather3A_318[%gather3A_393] in [0] : vector<16xf32>, vector<16xi32> -> vector<16xf32>
            %get3A_395 = arith.index_cast %add3A_324 : i32 to index
            %get3A_396 = arith.constant 96 : index
            %get3A_397 = tpu.vector_load %arg24[%get3A_395, %get3A_396] {strides = array<i32>} : memref<80x128xf32, #tpu.memory_space<vmem>>, vector<16xf32>,
            %mul3A_398 = arith.mulf %get3A_397, %gather3A_394 : vector<16xf32>
            %swap3A_399 = arith.index_cast %add3A_324 : i32 to index
            %swap3A_400 = arith.constant 96 : index
            %swap3A_401 = tpu.vector_load %arg24[%swap3A_399, %swap3A_400] {strides = array<i32>} : memref<80x128xf32, #tpu.memory_space<vmem>>, vector<16xf32>,
            tpu.vector_store %arg24[%swap3A_399, %swap3A_400], %mul3A_398 {strides = array<i32>} : memref<80x128xf32, #tpu.memory_space<vmem>>, vector<16xf32>,
            %broadcast_in_dim3A_402 = arith.constant 7 : i32
            %broadcast_in_dim3A_403 = vector.broadcast %broadcast_in_dim3A_402 : i32 to vector<16x1xi32>
            %gather3A_404 = vector.shape_cast %broadcast_in_dim3A_403 : vector<16x1xi32> to vector<16xi32>
            %gather3A_405 = tpu.dynamic_gather %gather3A_318[%gather3A_404] in [0] : vector<16xf32>, vector<16xi32> -> vector<16xf32>
            %get3A_406 = arith.index_cast %add3A_324 : i32 to index
            %get3A_407 = arith.constant 112 : index
            %get3A_408 = tpu.vector_load %arg24[%get3A_406, %get3A_407] {strides = array<i32>} : memref<80x128xf32, #tpu.memory_space<vmem>>, vector<16xf32>,
            %mul3A_409 = arith.mulf %get3A_408, %gather3A_405 : vector<16xf32>
            %swap3A_410 = arith.index_cast %add3A_324 : i32 to index
            %swap3A_411 = arith.constant 112 : index
            %swap3A_412 = tpu.vector_load %arg24[%swap3A_410, %swap3A_411] {strides = array<i32>} : memref<80x128xf32, #tpu.memory_space<vmem>>, vector<16xf32>,
            tpu.vector_store %arg24[%swap3A_410, %swap3A_411], %mul3A_409 {strides = array<i32>} : memref<80x128xf32, #tpu.memory_space<vmem>>, vector<16xf32>,
            %mul3A_413 = arith.constant 4 : i32
            %mul3A_414 = arith.muli %mul3A_413, %scan3A_311 : i32
            %add3A_415 = arith.constant 0 : i32
            %add3A_416 = arith.addi %mul3A_414, %add3A_415 : i32
            %add3A_417 = arith.constant 1 : i32
            %add3A_418 = arith.addi %add3A_416, %add3A_417 : i32
            %broadcast_in_dim3A_419 = arith.constant 8 : i32
            %broadcast_in_dim3A_420 = vector.broadcast %broadcast_in_dim3A_419 : i32 to vector<16x1xi32>
            %gather3A_421 = vector.shape_cast %broadcast_in_dim3A_420 : vector<16x1xi32> to vector<16xi32>
            %gather3A_422 = tpu.dynamic_gather %gather3A_318[%gather3A_421] in [0] : vector<16xf32>, vector<16xi32> -> vector<16xf32>
            %get3A_423 = arith.index_cast %add3A_418 : i32 to index
            %get3A_424 = arith.constant 0 : index
            %get3A_425 = tpu.vector_load %arg24[%get3A_423, %get3A_424] {strides = array<i32>} : memref<80x128xf32, #tpu.memory_space<vmem>>, vector<16xf32>,
            %mul3A_426 = arith.mulf %get3A_425, %gather3A_422 : vector<16xf32>
            %swap3A_427 = arith.index_cast %add3A_418 : i32 to index
            %swap3A_428 = arith.constant 0 : index
            %swap3A_429 = tpu.vector_load %arg24[%swap3A_427, %swap3A_428] {strides = array<i32>} : memref<80x128xf32, #tpu.memory_space<vmem>>, vector<16xf32>,
            tpu.vector_store %arg24[%swap3A_427, %swap3A_428], %mul3A_426 {strides = array<i32>} : memref<80x128xf32, #tpu.memory_space<vmem>>, vector<16xf32>,
            %broadcast_in_dim3A_430 = arith.constant 9 : i32
            %broadcast_in_dim3A_431 = vector.broadcast %broadcast_in_dim3A_430 : i32 to vector<16x1xi32>
            %gather3A_432 = vector.shape_cast %broadcast_in_dim3A_431 : vector<16x1xi32> to vector<16xi32>
            %gather3A_433 = tpu.dynamic_gather %gather3A_318[%gather3A_432] in [0] : vector<16xf32>, vector<16xi32> -> vector<16xf32>
            %get3A_434 = arith.index_cast %add3A_418 : i32 to index
            %get3A_435 = arith.constant 16 : index
            %get3A_436 = tpu.vector_load %arg24[%get3A_434, %get3A_435] {strides = array<i32>} : memref<80x128xf32, #tpu.memory_space<vmem>>, vector<16xf32>,
            %mul3A_437 = arith.mulf %get3A_436, %gather3A_433 : vector<16xf32>
            %swap3A_438 = arith.index_cast %add3A_418 : i32 to index
            %swap3A_439 = arith.constant 16 : index
            %swap3A_440 = tpu.vector_load %arg24[%swap3A_438, %swap3A_439] {strides = array<i32>} : memref<80x128xf32, #tpu.memory_space<vmem>>, vector<16xf32>,
            tpu.vector_store %arg24[%swap3A_438, %swap3A_439], %mul3A_437 {strides = array<i32>} : memref<80x128xf32, #tpu.memory_space<vmem>>, vector<16xf32>,
            %broadcast_in_dim3A_441 = arith.constant 10 : i32
            %broadcast_in_dim3A_442 = vector.broadcast %broadcast_in_dim3A_441 : i32 to vector<16x1xi32>
            %gather3A_443 = vector.shape_cast %broadcast_in_dim3A_442 : vector<16x1xi32> to vector<16xi32>
            %gather3A_444 = tpu.dynamic_gather %gather3A_318[%gather3A_443] in [0] : vector<16xf32>, vector<16xi32> -> vector<16xf32>
            %get3A_445 = arith.index_cast %add3A_418 : i32 to index
            %get3A_446 = arith.constant 32 : index
            %get3A_447 = tpu.vector_load %arg24[%get3A_445, %get3A_446] {strides = array<i32>} : memref<80x128xf32, #tpu.memory_space<vmem>>, vector<16xf32>,
            %mul3A_448 = arith.mulf %get3A_447, %gather3A_444 : vector<16xf32>
            %swap3A_449 = arith.index_cast %add3A_418 : i32 to index
            %swap3A_450 = arith.constant 32 : index
            %swap3A_451 = tpu.vector_load %arg24[%swap3A_449, %swap3A_450] {strides = array<i32>} : memref<80x128xf32, #tpu.memory_space<vmem>>, vector<16xf32>,
            tpu.vector_store %arg24[%swap3A_449, %swap3A_450], %mul3A_448 {strides = array<i32>} : memref<80x128xf32, #tpu.memory_space<vmem>>, vector<16xf32>,
            %broadcast_in_dim3A_452 = arith.constant 11 : i32
            %broadcast_in_dim3A_453 = vector.broadcast %broadcast_in_dim3A_452 : i32 to vector<16x1xi32>
            %gather3A_454 = vector.shape_cast %broadcast_in_dim3A_453 : vector<16x1xi32> to vector<16xi32>
            %gather3A_455 = tpu.dynamic_gather %gather3A_318[%gather3A_454] in [0] : vector<16xf32>, vector<16xi32> -> vector<16xf32>
            %get3A_456 = arith.index_cast %add3A_418 : i32 to index
            %get3A_457 = arith.constant 48 : index
            %get3A_458 = tpu.vector_load %arg24[%get3A_456, %get3A_457] {strides = array<i32>} : memref<80x128xf32, #tpu.memory_space<vmem>>, vector<16xf32>,
            %mul3A_459 = arith.mulf %get3A_458, %gather3A_455 : vector<16xf32>
            %swap3A_460 = arith.index_cast %add3A_418 : i32 to index
            %swap3A_461 = arith.constant 48 : index
            %swap3A_462 = tpu.vector_load %arg24[%swap3A_460, %swap3A_461] {strides = array<i32>} : memref<80x128xf32, #tpu.memory_space<vmem>>, vector<16xf32>,
            tpu.vector_store %arg24[%swap3A_460, %swap3A_461], %mul3A_459 {strides = array<i32>} : memref<80x128xf32, #tpu.memory_space<vmem>>, vector<16xf32>,
            %broadcast_in_dim3A_463 = arith.constant 12 : i32
            %broadcast_in_dim3A_464 = vector.broadcast %broadcast_in_dim3A_463 : i32 to vector<16x1xi32>
            %gather3A_465 = vector.shape_cast %broadcast_in_dim3A_464 : vector<16x1xi32> to vector<16xi32>
            %gather3A_466 = tpu.dynamic_gather %gather3A_318[%gather3A_465] in [0] : vector<16xf32>, vector<16xi32> -> vector<16xf32>
            %get3A_467 = arith.index_cast %add3A_418 : i32 to index
            %get3A_468 = arith.constant 64 : index
            %get3A_469 = tpu.vector_load %arg24[%get3A_467, %get3A_468] {strides = array<i32>} : memref<80x128xf32, #tpu.memory_space<vmem>>, vector<16xf32>,
            %mul3A_470 = arith.mulf %get3A_469, %gather3A_466 : vector<16xf32>
            %swap3A_471 = arith.index_cast %add3A_418 : i32 to index
            %swap3A_472 = arith.constant 64 : index
            %swap3A_473 = tpu.vector_load %arg24[%swap3A_471, %swap3A_472] {strides = array<i32>} : memref<80x128xf32, #tpu.memory_space<vmem>>, vector<16xf32>,
            tpu.vector_store %arg24[%swap3A_471, %swap3A_472], %mul3A_470 {strides = array<i32>} : memref<80x128xf32, #tpu.memory_space<vmem>>, vector<16xf32>,
            %broadcast_in_dim3A_474 = arith.constant 13 : i32
            %broadcast_in_dim3A_475 = vector.broadcast %broadcast_in_dim3A_474 : i32 to vector<16x1xi32>
            %gather3A_476 = vector.shape_cast %broadcast_in_dim3A_475 : vector<16x1xi32> to vector<16xi32>
            %gather3A_477 = tpu.dynamic_gather %gather3A_318[%gather3A_476] in [0] : vector<16xf32>, vector<16xi32> -> vector<16xf32>
            %get3A_478 = arith.index_cast %add3A_418 : i32 to index
            %get3A_479 = arith.constant 80 : index
            %get3A_480 = tpu.vector_load %arg24[%get3A_478, %get3A_479] {strides = array<i32>} : memref<80x128xf32, #tpu.memory_space<vmem>>, vector<16xf32>,
            %mul3A_481 = arith.mulf %get3A_480, %gather3A_477 : vector<16xf32>
            %swap3A_482 = arith.index_cast %add3A_418 : i32 to index
            %swap3A_483 = arith.constant 80 : index
            %swap3A_484 = tpu.vector_load %arg24[%swap3A_482, %swap3A_483] {strides = array<i32>} : memref<80x128xf32, #tpu.memory_space<vmem>>, vector<16xf32>,
            tpu.vector_store %arg24[%swap3A_482, %swap3A_483], %mul3A_481 {strides = array<i32>} : memref<80x128xf32, #tpu.memory_space<vmem>>, vector<16xf32>,
            %broadcast_in_dim3A_485 = arith.constant 14 : i32
            %broadcast_in_dim3A_486 = vector.broadcast %broadcast_in_dim3A_485 : i32 to vector<16x1xi32>
            %gather3A_487 = vector.shape_cast %broadcast_in_dim3A_486 : vector<16x1xi32> to vector<16xi32>
            %gather3A_488 = tpu.dynamic_gather %gather3A_318[%gather3A_487] in [0] : vector<16xf32>, vector<16xi32> -> vector<16xf32>
            %get3A_489 = arith.index_cast %add3A_418 : i32 to index
            %get3A_490 = arith.constant 96 : index
            %get3A_491 = tpu.vector_load %arg24[%get3A_489, %get3A_490] {strides = array<i32>} : memref<80x128xf32, #tpu.memory_space<vmem>>, vector<16xf32>,
            %mul3A_492 = arith.mulf %get3A_491, %gather3A_488 : vector<16xf32>
            %swap3A_493 = arith.index_cast %add3A_418 : i32 to index
            %swap3A_494 = arith.constant 96 : index
            %swap3A_495 = tpu.vector_load %arg24[%swap3A_493, %swap3A_494] {strides = array<i32>} : memref<80x128xf32, #tpu.memory_space<vmem>>, vector<16xf32>,
            tpu.vector_store %arg24[%swap3A_493, %swap3A_494], %mul3A_492 {strides = array<i32>} : memref<80x128xf32, #tpu.memory_space<vmem>>, vector<16xf32>,
            %broadcast_in_dim3A_496 = arith.constant 15 : i32
            %broadcast_in_dim3A_497 = vector.broadcast %broadcast_in_dim3A_496 : i32 to vector<16x1xi32>
            %gather3A_498 = vector.shape_cast %broadcast_in_dim3A_497 : vector<16x1xi32> to vector<16xi32>
            %gather3A_499 = tpu.dynamic_gather %gather3A_318[%gather3A_498] in [0] : vector<16xf32>, vector<16xi32> -> vector<16xf32>
            %get3A_500 = arith.index_cast %add3A_418 : i32 to index
            %get3A_501 = arith.constant 112 : index
            %get3A_502 = tpu.vector_load %arg24[%get3A_500, %get3A_501] {strides = array<i32>} : memref<80x128xf32, #tpu.memory_space<vmem>>, vector<16xf32>,
            %mul3A_503 = arith.mulf %get3A_502, %gather3A_499 : vector<16xf32>
            %swap3A_504 = arith.index_cast %add3A_418 : i32 to index
            %swap3A_505 = arith.constant 112 : index
            %swap3A_506 = tpu.vector_load %arg24[%swap3A_504, %swap3A_505] {strides = array<i32>} : memref<80x128xf32, #tpu.memory_space<vmem>>, vector<16xf32>,
            tpu.vector_store %arg24[%swap3A_504, %swap3A_505], %mul3A_503 {strides = array<i32>} : memref<80x128xf32, #tpu.memory_space<vmem>>, vector<16xf32>,
            %mul3A_507 = arith.constant 4 : i32
            %mul3A_508 = arith.muli %mul3A_507, %scan3A_311 : i32
            %add3A_509 = arith.constant 2 : i32
            %add3A_510 = arith.addi %mul3A_508, %add3A_509 : i32
            %add3A_511 = vector.broadcast %add3A_510 : i32 to vector<16xi32>
            %add3A_512 = arith.addi %add3A_511, %select_n3A_41 : vector<16xi32>
            %gather3A_513 = tpu.vector_load_idx %arg25[%add3A_512, %select_n3A_13] : memref<80x8xf32, #tpu.memory_space<vmem>>[vector<16xi32>, vector<16xi32>], vector<16xf32>,
            %mul3A_514 = arith.constant 4 : i32
            %mul3A_515 = arith.muli %mul3A_514, %scan3A_311 : i32
            %add3A_516 = arith.constant 2 : i32
            %add3A_517 = arith.addi %mul3A_515, %add3A_516 : i32
            %add3A_518 = arith.constant 0 : i32
            %add3A_519 = arith.addi %add3A_517, %add3A_518 : i32
            %broadcast_in_dim3A_520 = arith.constant 0 : i32
            %broadcast_in_dim3A_521 = vector.broadcast %broadcast_in_dim3A_520 : i32 to vector<16x1xi32>
            %gather3A_522 = vector.shape_cast %broadcast_in_dim3A_521 : vector<16x1xi32> to vector<16xi32>
            %gather3A_523 = tpu.dynamic_gather %gather3A_513[%gather3A_522] in [0] : vector<16xf32>, vector<16xi32> -> vector<16xf32>
            %get3A_524 = arith.index_cast %add3A_519 : i32 to index
            %get3A_525 = arith.constant 0 : index
            %get3A_526 = tpu.vector_load %arg24[%get3A_524, %get3A_525] {strides = array<i32>} : memref<80x128xf32, #tpu.memory_space<vmem>>, vector<16xf32>,
            %mul3A_527 = arith.mulf %get3A_526, %gather3A_523 : vector<16xf32>
            %swap3A_528 = arith.index_cast %add3A_519 : i32 to index
            %swap3A_529 = arith.constant 0 : index
            %swap3A_530 = tpu.vector_load %arg24[%swap3A_528, %swap3A_529] {strides = array<i32>} : memref<80x128xf32, #tpu.memory_space<vmem>>, vector<16xf32>,
            tpu.vector_store %arg24[%swap3A_528, %swap3A_529], %mul3A_527 {strides = array<i32>} : memref<80x128xf32, #tpu.memory_space<vmem>>, vector<16xf32>,
            %broadcast_in_dim3A_531 = arith.constant 1 : i32
            %broadcast_in_dim3A_532 = vector.broadcast %broadcast_in_dim3A_531 : i32 to vector<16x1xi32>
            %gather3A_533 = vector.shape_cast %broadcast_in_dim3A_532 : vector<16x1xi32> to vector<16xi32>
            %gather3A_534 = tpu.dynamic_gather %gather3A_513[%gather3A_533] in [0] : vector<16xf32>, vector<16xi32> -> vector<16xf32>
            %get3A_535 = arith.index_cast %add3A_519 : i32 to index
            %get3A_536 = arith.constant 16 : index
            %get3A_537 = tpu.vector_load %arg24[%get3A_535, %get3A_536] {strides = array<i32>} : memref<80x128xf32, #tpu.memory_space<vmem>>, vector<16xf32>,
            %mul3A_538 = arith.mulf %get3A_537, %gather3A_534 : vector<16xf32>
            %swap3A_539 = arith.index_cast %add3A_519 : i32 to index
            %swap3A_540 = arith.constant 16 : index
            %swap3A_541 = tpu.vector_load %arg24[%swap3A_539, %swap3A_540] {strides = array<i32>} : memref<80x128xf32, #tpu.memory_space<vmem>>, vector<16xf32>,
            tpu.vector_store %arg24[%swap3A_539, %swap3A_540], %mul3A_538 {strides = array<i32>} : memref<80x128xf32, #tpu.memory_space<vmem>>, vector<16xf32>,
            %broadcast_in_dim3A_542 = arith.constant 2 : i32
            %broadcast_in_dim3A_543 = vector.broadcast %broadcast_in_dim3A_542 : i32 to vector<16x1xi32>
            %gather3A_544 = vector.shape_cast %broadcast_in_dim3A_543 : vector<16x1xi32> to vector<16xi32>
            %gather3A_545 = tpu.dynamic_gather %gather3A_513[%gather3A_544] in [0] : vector<16xf32>, vector<16xi32> -> vector<16xf32>
            %get3A_546 = arith.index_cast %add3A_519 : i32 to index
            %get3A_547 = arith.constant 32 : index
            %get3A_548 = tpu.vector_load %arg24[%get3A_546, %get3A_547] {strides = array<i32>} : memref<80x128xf32, #tpu.memory_space<vmem>>, vector<16xf32>,
            %mul3A_549 = arith.mulf %get3A_548, %gather3A_545 : vector<16xf32>
            %swap3A_550 = arith.index_cast %add3A_519 : i32 to index
            %swap3A_551 = arith.constant 32 : index
            %swap3A_552 = tpu.vector_load %arg24[%swap3A_550, %swap3A_551] {strides = array<i32>} : memref<80x128xf32, #tpu.memory_space<vmem>>, vector<16xf32>,
            tpu.vector_store %arg24[%swap3A_550, %swap3A_551], %mul3A_549 {strides = array<i32>} : memref<80x128xf32, #tpu.memory_space<vmem>>, vector<16xf32>,
            %broadcast_in_dim3A_553 = arith.constant 3 : i32
            %broadcast_in_dim3A_554 = vector.broadcast %broadcast_in_dim3A_553 : i32 to vector<16x1xi32>
            %gather3A_555 = vector.shape_cast %broadcast_in_dim3A_554 : vector<16x1xi32> to vector<16xi32>
            %gather3A_556 = tpu.dynamic_gather %gather3A_513[%gather3A_555] in [0] : vector<16xf32>, vector<16xi32> -> vector<16xf32>
            %get3A_557 = arith.index_cast %add3A_519 : i32 to index
            %get3A_558 = arith.constant 48 : index
            %get3A_559 = tpu.vector_load %arg24[%get3A_557, %get3A_558] {strides = array<i32>} : memref<80x128xf32, #tpu.memory_space<vmem>>, vector<16xf32>,
            %mul3A_560 = arith.mulf %get3A_559, %gather3A_556 : vector<16xf32>
            %swap3A_561 = arith.index_cast %add3A_519 : i32 to index
            %swap3A_562 = arith.constant 48 : index
            %swap3A_563 = tpu.vector_load %arg24[%swap3A_561, %swap3A_562] {strides = array<i32>} : memref<80x128xf32, #tpu.memory_space<vmem>>, vector<16xf32>,
            tpu.vector_store %arg24[%swap3A_561, %swap3A_562], %mul3A_560 {strides = array<i32>} : memref<80x128xf32, #tpu.memory_space<vmem>>, vector<16xf32>,
            %broadcast_in_dim3A_564 = arith.constant 4 : i32
            %broadcast_in_dim3A_565 = vector.broadcast %broadcast_in_dim3A_564 : i32 to vector<16x1xi32>
            %gather3A_566 = vector.shape_cast %broadcast_in_dim3A_565 : vector<16x1xi32> to vector<16xi32>
            %gather3A_567 = tpu.dynamic_gather %gather3A_513[%gather3A_566] in [0] : vector<16xf32>, vector<16xi32> -> vector<16xf32>
            %get3A_568 = arith.index_cast %add3A_519 : i32 to index
            %get3A_569 = arith.constant 64 : index
            %get3A_570 = tpu.vector_load %arg24[%get3A_568, %get3A_569] {strides = array<i32>} : memref<80x128xf32, #tpu.memory_space<vmem>>, vector<16xf32>,
            %mul3A_571 = arith.mulf %get3A_570, %gather3A_567 : vector<16xf32>
            %swap3A_572 = arith.index_cast %add3A_519 : i32 to index
            %swap3A_573 = arith.constant 64 : index
            %swap3A_574 = tpu.vector_load %arg24[%swap3A_572, %swap3A_573] {strides = array<i32>} : memref<80x128xf32, #tpu.memory_space<vmem>>, vector<16xf32>,
            tpu.vector_store %arg24[%swap3A_572, %swap3A_573], %mul3A_571 {strides = array<i32>} : memref<80x128xf32, #tpu.memory_space<vmem>>, vector<16xf32>,
            %broadcast_in_dim3A_575 = arith.constant 5 : i32
            %broadcast_in_dim3A_576 = vector.broadcast %broadcast_in_dim3A_575 : i32 to vector<16x1xi32>
            %gather3A_577 = vector.shape_cast %broadcast_in_dim3A_576 : vector<16x1xi32> to vector<16xi32>
            %gather3A_578 = tpu.dynamic_gather %gather3A_513[%gather3A_577] in [0] : vector<16xf32>, vector<16xi32> -> vector<16xf32>
            %get3A_579 = arith.index_cast %add3A_519 : i32 to index
            %get3A_580 = arith.constant 80 : index
            %get3A_581 = tpu.vector_load %arg24[%get3A_579, %get3A_580] {strides = array<i32>} : memref<80x128xf32, #tpu.memory_space<vmem>>, vector<16xf32>,
            %mul3A_582 = arith.mulf %get3A_581, %gather3A_578 : vector<16xf32>
            %swap3A_583 = arith.index_cast %add3A_519 : i32 to index
            %swap3A_584 = arith.constant 80 : index
            %swap3A_585 = tpu.vector_load %arg24[%swap3A_583, %swap3A_584] {strides = array<i32>} : memref<80x128xf32, #tpu.memory_space<vmem>>, vector<16xf32>,
            tpu.vector_store %arg24[%swap3A_583, %swap3A_584], %mul3A_582 {strides = array<i32>} : memref<80x128xf32, #tpu.memory_space<vmem>>, vector<16xf32>,
            %broadcast_in_dim3A_586 = arith.constant 6 : i32
            %broadcast_in_dim3A_587 = vector.broadcast %broadcast_in_dim3A_586 : i32 to vector<16x1xi32>
            %gather3A_588 = vector.shape_cast %broadcast_in_dim3A_587 : vector<16x1xi32> to vector<16xi32>
            %gather3A_589 = tpu.dynamic_gather %gather3A_513[%gather3A_588] in [0] : vector<16xf32>, vector<16xi32> -> vector<16xf32>
            %get3A_590 = arith.index_cast %add3A_519 : i32 to index
            %get3A_591 = arith.constant 96 : index
            %get3A_592 = tpu.vector_load %arg24[%get3A_590, %get3A_591] {strides = array<i32>} : memref<80x128xf32, #tpu.memory_space<vmem>>, vector<16xf32>,
            %mul3A_593 = arith.mulf %get3A_592, %gather3A_589 : vector<16xf32>
            %swap3A_594 = arith.index_cast %add3A_519 : i32 to index
            %swap3A_595 = arith.constant 96 : index
            %swap3A_596 = tpu.vector_load %arg24[%swap3A_594, %swap3A_595] {strides = array<i32>} : memref<80x128xf32, #tpu.memory_space<vmem>>, vector<16xf32>,
            tpu.vector_store %arg24[%swap3A_594, %swap3A_595], %mul3A_593 {strides = array<i32>} : memref<80x128xf32, #tpu.memory_space<vmem>>, vector<16xf32>,
            %broadcast_in_dim3A_597 = arith.constant 7 : i32
            %broadcast_in_dim3A_598 = vector.broadcast %broadcast_in_dim3A_597 : i32 to vector<16x1xi32>
            %gather3A_599 = vector.shape_cast %broadcast_in_dim3A_598 : vector<16x1xi32> to vector<16xi32>
            %gather3A_600 = tpu.dynamic_gather %gather3A_513[%gather3A_599] in [0] : vector<16xf32>, vector<16xi32> -> vector<16xf32>
            %get3A_601 = arith.index_cast %add3A_519 : i32 to index
            %get3A_602 = arith.constant 112 : index
            %get3A_603 = tpu.vector_load %arg24[%get3A_601, %get3A_602] {strides = array<i32>} : memref<80x128xf32, #tpu.memory_space<vmem>>, vector<16xf32>,
            %mul3A_604 = arith.mulf %get3A_603, %gather3A_600 : vector<16xf32>
            %swap3A_605 = arith.index_cast %add3A_519 : i32 to index
            %swap3A_606 = arith.constant 112 : index
            %swap3A_607 = tpu.vector_load %arg24[%swap3A_605, %swap3A_606] {strides = array<i32>} : memref<80x128xf32, #tpu.memory_space<vmem>>, vector<16xf32>,
            tpu.vector_store %arg24[%swap3A_605, %swap3A_606], %mul3A_604 {strides = array<i32>} : memref<80x128xf32, #tpu.memory_space<vmem>>, vector<16xf32>,
            %mul3A_608 = arith.constant 4 : i32
            %mul3A_609 = arith.muli %mul3A_608, %scan3A_311 : i32
            %add3A_610 = arith.constant 2 : i32
            %add3A_611 = arith.addi %mul3A_609, %add3A_610 : i32
            %add3A_612 = arith.constant 1 : i32
            %add3A_613 = arith.addi %add3A_611, %add3A_612 : i32
            %broadcast_in_dim3A_614 = arith.constant 8 : i32
            %broadcast_in_dim3A_615 = vector.broadcast %broadcast_in_dim3A_614 : i32 to vector<16x1xi32>
            %gather3A_616 = vector.shape_cast %broadcast_in_dim3A_615 : vector<16x1xi32> to vector<16xi32>
            %gather3A_617 = tpu.dynamic_gather %gather3A_513[%gather3A_616] in [0] : vector<16xf32>, vector<16xi32> -> vector<16xf32>
            %get3A_618 = arith.index_cast %add3A_613 : i32 to index
            %get3A_619 = arith.constant 0 : index
            %get3A_620 = tpu.vector_load %arg24[%get3A_618, %get3A_619] {strides = array<i32>} : memref<80x128xf32, #tpu.memory_space<vmem>>, vector<16xf32>,
            %mul3A_621 = arith.mulf %get3A_620, %gather3A_617 : vector<16xf32>
            %swap3A_622 = arith.index_cast %add3A_613 : i32 to index
            %swap3A_623 = arith.constant 0 : index
            %swap3A_624 = tpu.vector_load %arg24[%swap3A_622, %swap3A_623] {strides = array<i32>} : memref<80x128xf32, #tpu.memory_space<vmem>>, vector<16xf32>,
            tpu.vector_store %arg24[%swap3A_622, %swap3A_623], %mul3A_621 {strides = array<i32>} : memref<80x128xf32, #tpu.memory_space<vmem>>, vector<16xf32>,
            %broadcast_in_dim3A_625 = arith.constant 9 : i32
            %broadcast_in_dim3A_626 = vector.broadcast %broadcast_in_dim3A_625 : i32 to vector<16x1xi32>
            %gather3A_627 = vector.shape_cast %broadcast_in_dim3A_626 : vector<16x1xi32> to vector<16xi32>
            %gather3A_628 = tpu.dynamic_gather %gather3A_513[%gather3A_627] in [0] : vector<16xf32>, vector<16xi32> -> vector<16xf32>
            %get3A_629 = arith.index_cast %add3A_613 : i32 to index
            %get3A_630 = arith.constant 16 : index
            %get3A_631 = tpu.vector_load %arg24[%get3A_629, %get3A_630] {strides = array<i32>} : memref<80x128xf32, #tpu.memory_space<vmem>>, vector<16xf32>,
            %mul3A_632 = arith.mulf %get3A_631, %gather3A_628 : vector<16xf32>
            %swap3A_633 = arith.index_cast %add3A_613 : i32 to index
            %swap3A_634 = arith.constant 16 : index
            %swap3A_635 = tpu.vector_load %arg24[%swap3A_633, %swap3A_634] {strides = array<i32>} : memref<80x128xf32, #tpu.memory_space<vmem>>, vector<16xf32>,
            tpu.vector_store %arg24[%swap3A_633, %swap3A_634], %mul3A_632 {strides = array<i32>} : memref<80x128xf32, #tpu.memory_space<vmem>>, vector<16xf32>,
            %broadcast_in_dim3A_636 = arith.constant 10 : i32
            %broadcast_in_dim3A_637 = vector.broadcast %broadcast_in_dim3A_636 : i32 to vector<16x1xi32>
            %gather3A_638 = vector.shape_cast %broadcast_in_dim3A_637 : vector<16x1xi32> to vector<16xi32>
            %gather3A_639 = tpu.dynamic_gather %gather3A_513[%gather3A_638] in [0] : vector<16xf32>, vector<16xi32> -> vector<16xf32>
            %get3A_640 = arith.index_cast %add3A_613 : i32 to index
            %get3A_641 = arith.constant 32 : index
            %get3A_642 = tpu.vector_load %arg24[%get3A_640, %get3A_641] {strides = array<i32>} : memref<80x128xf32, #tpu.memory_space<vmem>>, vector<16xf32>,
            %mul3A_643 = arith.mulf %get3A_642, %gather3A_639 : vector<16xf32>
            %swap3A_644 = arith.index_cast %add3A_613 : i32 to index
            %swap3A_645 = arith.constant 32 : index
            %swap3A_646 = tpu.vector_load %arg24[%swap3A_644, %swap3A_645] {strides = array<i32>} : memref<80x128xf32, #tpu.memory_space<vmem>>, vector<16xf32>,
            tpu.vector_store %arg24[%swap3A_644, %swap3A_645], %mul3A_643 {strides = array<i32>} : memref<80x128xf32, #tpu.memory_space<vmem>>, vector<16xf32>,
            %broadcast_in_dim3A_647 = arith.constant 11 : i32
            %broadcast_in_dim3A_648 = vector.broadcast %broadcast_in_dim3A_647 : i32 to vector<16x1xi32>
            %gather3A_649 = vector.shape_cast %broadcast_in_dim3A_648 : vector<16x1xi32> to vector<16xi32>
            %gather3A_650 = tpu.dynamic_gather %gather3A_513[%gather3A_649] in [0] : vector<16xf32>, vector<16xi32> -> vector<16xf32>
            %get3A_651 = arith.index_cast %add3A_613 : i32 to index
            %get3A_652 = arith.constant 48 : index
            %get3A_653 = tpu.vector_load %arg24[%get3A_651, %get3A_652] {strides = array<i32>} : memref<80x128xf32, #tpu.memory_space<vmem>>, vector<16xf32>,
            %mul3A_654 = arith.mulf %get3A_653, %gather3A_650 : vector<16xf32>
            %swap3A_655 = arith.index_cast %add3A_613 : i32 to index
            %swap3A_656 = arith.constant 48 : index
            %swap3A_657 = tpu.vector_load %arg24[%swap3A_655, %swap3A_656] {strides = array<i32>} : memref<80x128xf32, #tpu.memory_space<vmem>>, vector<16xf32>,
            tpu.vector_store %arg24[%swap3A_655, %swap3A_656], %mul3A_654 {strides = array<i32>} : memref<80x128xf32, #tpu.memory_space<vmem>>, vector<16xf32>,
            %broadcast_in_dim3A_658 = arith.constant 12 : i32
            %broadcast_in_dim3A_659 = vector.broadcast %broadcast_in_dim3A_658 : i32 to vector<16x1xi32>
            %gather3A_660 = vector.shape_cast %broadcast_in_dim3A_659 : vector<16x1xi32> to vector<16xi32>
            %gather3A_661 = tpu.dynamic_gather %gather3A_513[%gather3A_660] in [0] : vector<16xf32>, vector<16xi32> -> vector<16xf32>
            %get3A_662 = arith.index_cast %add3A_613 : i32 to index
            %get3A_663 = arith.constant 64 : index
            %get3A_664 = tpu.vector_load %arg24[%get3A_662, %get3A_663] {strides = array<i32>} : memref<80x128xf32, #tpu.memory_space<vmem>>, vector<16xf32>,
            %mul3A_665 = arith.mulf %get3A_664, %gather3A_661 : vector<16xf32>
            %swap3A_666 = arith.index_cast %add3A_613 : i32 to index
            %swap3A_667 = arith.constant 64 : index
            %swap3A_668 = tpu.vector_load %arg24[%swap3A_666, %swap3A_667] {strides = array<i32>} : memref<80x128xf32, #tpu.memory_space<vmem>>, vector<16xf32>,
            tpu.vector_store %arg24[%swap3A_666, %swap3A_667], %mul3A_665 {strides = array<i32>} : memref<80x128xf32, #tpu.memory_space<vmem>>, vector<16xf32>,
            %broadcast_in_dim3A_669 = arith.constant 13 : i32
            %broadcast_in_dim3A_670 = vector.broadcast %broadcast_in_dim3A_669 : i32 to vector<16x1xi32>
            %gather3A_671 = vector.shape_cast %broadcast_in_dim3A_670 : vector<16x1xi32> to vector<16xi32>
            %gather3A_672 = tpu.dynamic_gather %gather3A_513[%gather3A_671] in [0] : vector<16xf32>, vector<16xi32> -> vector<16xf32>
            %get3A_673 = arith.index_cast %add3A_613 : i32 to index
            %get3A_674 = arith.constant 80 : index
            %get3A_675 = tpu.vector_load %arg24[%get3A_673, %get3A_674] {strides = array<i32>} : memref<80x128xf32, #tpu.memory_space<vmem>>, vector<16xf32>,
            %mul3A_676 = arith.mulf %get3A_675, %gather3A_672 : vector<16xf32>
            %swap3A_677 = arith.index_cast %add3A_613 : i32 to index
            %swap3A_678 = arith.constant 80 : index
            %swap3A_679 = tpu.vector_load %arg24[%swap3A_677, %swap3A_678] {strides = array<i32>} : memref<80x128xf32, #tpu.memory_space<vmem>>, vector<16xf32>,
            tpu.vector_store %arg24[%swap3A_677, %swap3A_678], %mul3A_676 {strides = array<i32>} : memref<80x128xf32, #tpu.memory_space<vmem>>, vector<16xf32>,
            %broadcast_in_dim3A_680 = arith.constant 14 : i32
            %broadcast_in_dim3A_681 = vector.broadcast %broadcast_in_dim3A_680 : i32 to vector<16x1xi32>
            %gather3A_682 = vector.shape_cast %broadcast_in_dim3A_681 : vector<16x1xi32> to vector<16xi32>
            %gather3A_683 = tpu.dynamic_gather %gather3A_513[%gather3A_682] in [0] : vector<16xf32>, vector<16xi32> -> vector<16xf32>
            %get3A_684 = arith.index_cast %add3A_613 : i32 to index
            %get3A_685 = arith.constant 96 : index
            %get3A_686 = tpu.vector_load %arg24[%get3A_684, %get3A_685] {strides = array<i32>} : memref<80x128xf32, #tpu.memory_space<vmem>>, vector<16xf32>,
            %mul3A_687 = arith.mulf %get3A_686, %gather3A_683 : vector<16xf32>
            %swap3A_688 = arith.index_cast %add3A_613 : i32 to index
            %swap3A_689 = arith.constant 96 : index
            %swap3A_690 = tpu.vector_load %arg24[%swap3A_688, %swap3A_689] {strides = array<i32>} : memref<80x128xf32, #tpu.memory_space<vmem>>, vector<16xf32>,
            tpu.vector_store %arg24[%swap3A_688, %swap3A_689], %mul3A_687 {strides = array<i32>} : memref<80x128xf32, #tpu.memory_space<vmem>>, vector<16xf32>,
            %broadcast_in_dim3A_691 = arith.constant 15 : i32
            %broadcast_in_dim3A_692 = vector.broadcast %broadcast_in_dim3A_691 : i32 to vector<16x1xi32>
            %gather3A_693 = vector.shape_cast %broadcast_in_dim3A_692 : vector<16x1xi32> to vector<16xi32>
            %gather3A_694 = tpu.dynamic_gather %gather3A_513[%gather3A_693] in [0] : vector<16xf32>, vector<16xi32> -> vector<16xf32>
            %get3A_695 = arith.index_cast %add3A_613 : i32 to index
            %get3A_696 = arith.constant 112 : index
            %get3A_697 = tpu.vector_load %arg24[%get3A_695, %get3A_696] {strides = array<i32>} : memref<80x128xf32, #tpu.memory_space<vmem>>, vector<16xf32>,
            %mul3A_698 = arith.mulf %get3A_697, %gather3A_694 : vector<16xf32>
            %swap3A_699 = arith.index_cast %add3A_613 : i32 to index
            %swap3A_700 = arith.constant 112 : index
            %swap3A_701 = tpu.vector_load %arg24[%swap3A_699, %swap3A_700] {strides = array<i32>} : memref<80x128xf32, #tpu.memory_space<vmem>>, vector<16xf32>,
            tpu.vector_store %arg24[%swap3A_699, %swap3A_700], %mul3A_698 {strides = array<i32>} : memref<80x128xf32, #tpu.memory_space<vmem>>, vector<16xf32>,
          }
          %scan3A_300 = arith.constant 20 : i32
          %dma_start3A_301 = arith.constant 0 : i32
          %dma_start3A_302 = arith.constant 0 : i32
          %dma_start3A_303 = tpu.memref_slice %arg29[%dma_start3A_301, %dma_start3A_302] : memref<10000x128xf32, #tpu.memory_space<vmem_shared>> -> memref<10000x128xf32, #tpu.memory_space<vmem_shared>>
          tpu.enqueue_indirect_dma source(%arg24 : memref<80x128xf32, #tpu.memory_space<vmem>>) target(%dma_start3A_303 : memref<10000x128xf32, #tpu.memory_space<vmem_shared>>) offsets(%arg21 : memref<80xi32, #tpu.memory_space<vmem>>) semaphore(%arg37 : memref<!tpu.dma_semaphore, #tpu.memory_space<semaphore_mem>>) {add = true}
          %add3A_304 = arith.constant 2 : i32
          %add3A_305 = arith.addi %add3A_225, %add3A_304 : i32
          %lt3A_306 = arith.constant 125 : i32
          %lt3A_307 = arith.cmpi slt, %add3A_305, %lt3A_306 : i32
          %convert_element_type3A_308 = arith.extui %lt3A_307 : i1 to i32
          %cond3A_309 = arith.constant 0 : i32
          %cond3A_310 = arith.cmpi ne, %convert_element_type3A_308, %cond3A_309 : i32
          scf.if %cond3A_310 {
            %add3A_311 = arith.constant 2 : i32
            %add3A_312 = arith.addi %add3A_225, %add3A_311 : i32
            %mul3A_313 = arith.constant 10000 : i32
            %mul3A_314 = arith.muli %arg1, %mul3A_313 : i32
            %mul3A_315 = arith.constant 80 : i32
            %mul3A_316 = arith.muli %add3A_312, %mul3A_315 : i32
            %add3A_317 = arith.addi %mul3A_314, %mul3A_316 : i32
            %dma_start3A_318 = arith.constant 0 : i32
            %dma_start3A_319 = tpu.memref_slice %arg5[%dma_start3A_318, %add3A_317] : memref<2x160000xi32, #tpu.memory_space<hbm>> -> memref<2x80xi32, #tpu.memory_space<hbm>>
            %dma_start3A_320 = arith.constant 0 : i32
            %dma_start3A_321 = tpu.memref_slice %arg5[%dma_start3A_320, %add3A_317] : memref<2x160000xi32, #tpu.memory_space<hbm>> -> memref<2x80xi32, #tpu.memory_space<hbm>>
            tpu.enqueue_dma source(%dma_start3A_321 : memref<2x80xi32, #tpu.memory_space<hbm>>) target(%arg18 : memref<2x80xi32, #tpu.memory_space<vmem>>) target_semaphore(%arg38 : memref<!tpu.dma_semaphore, #tpu.memory_space<semaphore_mem>>)
          } else {
          }
        } else {
        }
        %lt3A_272 = arith.constant 62 : i32
        %lt3A_273 = arith.cmpi slt, %scan3A_221, %lt3A_272 : i32
        %convert_element_type3A_274 = arith.extui %lt3A_273 : i1 to i32
        %cond3A_275 = arith.constant 0 : i32
        %cond3A_276 = arith.cmpi ne, %convert_element_type3A_274, %cond3A_275 : i32
        scf.if %cond3A_276 {
          %dma_wait3A_277 = arith.constant 0 : i32
          %dma_wait3A_278 = arith.constant 0 : i32
          %dma_wait3A_279 = tpu.memref_slice %arg30[%dma_wait3A_277, %dma_wait3A_278] : memref<10000x8xf32, #tpu.memory_space<vmem_shared>> -> memref<10000x8xf32, #tpu.memory_space<vmem_shared>>
          tpu.wait_indirect_dma semaphore(%arg33 : memref<!tpu.dma_semaphore, #tpu.memory_space<semaphore_mem>>) src(%arg17 : memref<80x8xf32, #tpu.memory_space<vmem>>) dst(%dma_wait3A_279 : memref<10000x8xf32, #tpu.memory_space<vmem_shared>>)
          %dma_wait3A_280 = arith.constant 0 : i32
          %dma_wait3A_281 = arith.constant 0 : i32
          %dma_wait3A_282 = tpu.memref_slice %arg29[%dma_wait3A_280, %dma_wait3A_281] : memref<10000x128xf32, #tpu.memory_space<vmem_shared>> -> memref<10000x128xf32, #tpu.memory_space<vmem_shared>>
          tpu.wait_indirect_dma semaphore(%arg33 : memref<!tpu.dma_semaphore, #tpu.memory_space<semaphore_mem>>) src(%arg16 : memref<80x128xf32, #tpu.memory_space<vmem>>) dst(%dma_wait3A_282 : memref<10000x128xf32, #tpu.memory_space<vmem_shared>>)
          %dma_wait3A_283 = arith.constant 0 : i32
          %dma_wait3A_284 = arith.constant 0 : i32
          %dma_wait3A_285 = tpu.memref_slice %arg5[%dma_wait3A_283, %dma_wait3A_284] : memref<2x160000xi32, #tpu.memory_space<hbm>> -> memref<2x80xi32, #tpu.memory_space<hbm>>
          %dma_wait3A_286 = arith.constant 0 : i32
          %dma_wait3A_287 = arith.constant 0 : i32
          %dma_wait3A_288 = tpu.memref_slice %arg5[%dma_wait3A_286, %dma_wait3A_287] : memref<2x160000xi32, #tpu.memory_space<hbm>> -> memref<2x80xi32, #tpu.memory_space<hbm>>
          tpu.wait_dma2 semaphore(%arg34 : memref<!tpu.dma_semaphore, #tpu.memory_space<semaphore_mem>>) src(%dma_wait3A_288 : memref<2x80xi32, #tpu.memory_space<hbm>>) dst(%arg10 : memref<2x80xi32, #tpu.memory_space<vmem>>)
          %get3A_289 = arith.constant 0 : i32
          %get3A_290 = arith.index_cast %get3A_289 : i32 to index
          %get3A_291 = arith.constant 0 : index
          %get3A_292 = tpu.vector_load %arg10[%get3A_290, %get3A_291] {strides = array<i32>} : memref<2x80xi32, #tpu.memory_space<vmem>>, vector<16xi32>,
          %add3A_293 = arith.addi %get3A_292, %broadcast_in_dim3A_81 : vector<16xi32>
          %swap3A_294 = arith.constant 0 : index
          %swap3A_295 = tpu.vector_load %arg11[%swap3A_294] {strides = array<i32>} : memref<80xi32, #tpu.memory_space<vmem>>, vector<16xi32>,
          tpu.vector_store %arg11[%swap3A_294], %add3A_293 {strides = array<i32>} : memref<80xi32, #tpu.memory_space<vmem>>, vector<16xi32>,
          %get3A_296 = arith.constant 1 : i32
          %get3A_297 = arith.index_cast %get3A_296 : i32 to index
          %get3A_298 = arith.constant 0 : index
          %get3A_299 = tpu.vector_load %arg10[%get3A_297, %get3A_298] {strides = array<i32>} : memref<2x80xi32, #tpu.memory_space<vmem>>, vector<16xi32>,
          %add3A_300 = arith.addi %get3A_299, %broadcast_in_dim3A_83 : vector<16xi32>
          %swap3A_301 = arith.constant 0 : index
          %swap3A_302 = tpu.vector_load %arg12[%swap3A_301] {strides = array<i32>} : memref<80xi32, #tpu.memory_space<vmem>>, vector<16xi32>,
          tpu.vector_store %arg12[%swap3A_301], %add3A_300 {strides = array<i32>} : memref<80xi32, #tpu.memory_space<vmem>>, vector<16xi32>,
          %get3A_303 = arith.constant 1 : i32
          %get3A_304 = arith.index_cast %get3A_303 : i32 to index
          %get3A_305 = arith.constant 0 : index
          %get3A_306 = tpu.vector_load %arg10[%get3A_304, %get3A_305] {strides = array<i32>} : memref<2x80xi32, #tpu.memory_space<vmem>>, vector<16xi32>,
          %swap3A_307 = arith.constant 0 : index
          %swap3A_308 = tpu.vector_load %arg13[%swap3A_307] {strides = array<i32>} : memref<80xi32, #tpu.memory_space<vmem>>, vector<16xi32>,
          tpu.vector_store %arg13[%swap3A_307], %get3A_306 {strides = array<i32>} : memref<80xi32, #tpu.memory_space<vmem>>, vector<16xi32>,
          %get3A_309 = arith.constant 0 : i32
          %get3A_310 = arith.index_cast %get3A_309 : i32 to index
          %get3A_311 = arith.constant 16 : index
          %get3A_312 = tpu.vector_load %arg10[%get3A_310, %get3A_311] {strides = array<i32>} : memref<2x80xi32, #tpu.memory_space<vmem>>, vector<16xi32>,
          %add3A_313 = arith.addi %get3A_312, %broadcast_in_dim3A_81 : vector<16xi32>
          %swap3A_314 = arith.constant 16 : index
          %swap3A_315 = tpu.vector_load %arg11[%swap3A_314] {strides = array<i32>} : memref<80xi32, #tpu.memory_space<vmem>>, vector<16xi32>,
          tpu.vector_store %arg11[%swap3A_314], %add3A_313 {strides = array<i32>} : memref<80xi32, #tpu.memory_space<vmem>>, vector<16xi32>,
          %get3A_316 = arith.constant 1 : i32
          %get3A_317 = arith.index_cast %get3A_316 : i32 to index
          %get3A_318 = arith.constant 16 : index
          %get3A_319 = tpu.vector_load %arg10[%get3A_317, %get3A_318] {strides = array<i32>} : memref<2x80xi32, #tpu.memory_space<vmem>>, vector<16xi32>,
          %add3A_320 = arith.addi %get3A_319, %broadcast_in_dim3A_83 : vector<16xi32>
          %swap3A_321 = arith.constant 16 : index
          %swap3A_322 = tpu.vector_load %arg12[%swap3A_321] {strides = array<i32>} : memref<80xi32, #tpu.memory_space<vmem>>, vector<16xi32>,
          tpu.vector_store %arg12[%swap3A_321], %add3A_320 {strides = array<i32>} : memref<80xi32, #tpu.memory_space<vmem>>, vector<16xi32>,
          %get3A_323 = arith.constant 1 : i32
          %get3A_324 = arith.index_cast %get3A_323 : i32 to index
          %get3A_325 = arith.constant 16 : index
          %get3A_326 = tpu.vector_load %arg10[%get3A_324, %get3A_325] {strides = array<i32>} : memref<2x80xi32, #tpu.memory_space<vmem>>, vector<16xi32>,
          %swap3A_327 = arith.constant 16 : index
          %swap3A_328 = tpu.vector_load %arg13[%swap3A_327] {strides = array<i32>} : memref<80xi32, #tpu.memory_space<vmem>>, vector<16xi32>,
          tpu.vector_store %arg13[%swap3A_327], %get3A_326 {strides = array<i32>} : memref<80xi32, #tpu.memory_space<vmem>>, vector<16xi32>,
          %get3A_329 = arith.constant 0 : i32
          %get3A_330 = arith.index_cast %get3A_329 : i32 to index
          %get3A_331 = arith.constant 32 : index
          %get3A_332 = tpu.vector_load %arg10[%get3A_330, %get3A_331] {strides = array<i32>} : memref<2x80xi32, #tpu.memory_space<vmem>>, vector<16xi32>,
          %add3A_333 = arith.addi %get3A_332, %broadcast_in_dim3A_81 : vector<16xi32>
          %swap3A_334 = arith.constant 32 : index
          %swap3A_335 = tpu.vector_load %arg11[%swap3A_334] {strides = array<i32>} : memref<80xi32, #tpu.memory_space<vmem>>, vector<16xi32>,
          tpu.vector_store %arg11[%swap3A_334], %add3A_333 {strides = array<i32>} : memref<80xi32, #tpu.memory_space<vmem>>, vector<16xi32>,
          %get3A_336 = arith.constant 1 : i32
          %get3A_337 = arith.index_cast %get3A_336 : i32 to index
          %get3A_338 = arith.constant 32 : index
          %get3A_339 = tpu.vector_load %arg10[%get3A_337, %get3A_338] {strides = array<i32>} : memref<2x80xi32, #tpu.memory_space<vmem>>, vector<16xi32>,
          %add3A_340 = arith.addi %get3A_339, %broadcast_in_dim3A_83 : vector<16xi32>
          %swap3A_341 = arith.constant 32 : index
          %swap3A_342 = tpu.vector_load %arg12[%swap3A_341] {strides = array<i32>} : memref<80xi32, #tpu.memory_space<vmem>>, vector<16xi32>,
          tpu.vector_store %arg12[%swap3A_341], %add3A_340 {strides = array<i32>} : memref<80xi32, #tpu.memory_space<vmem>>, vector<16xi32>,
          %get3A_343 = arith.constant 1 : i32
          %get3A_344 = arith.index_cast %get3A_343 : i32 to index
          %get3A_345 = arith.constant 32 : index
          %get3A_346 = tpu.vector_load %arg10[%get3A_344, %get3A_345] {strides = array<i32>} : memref<2x80xi32, #tpu.memory_space<vmem>>, vector<16xi32>,
          %swap3A_347 = arith.constant 32 : index
          %swap3A_348 = tpu.vector_load %arg13[%swap3A_347] {strides = array<i32>} : memref<80xi32, #tpu.memory_space<vmem>>, vector<16xi32>,
          tpu.vector_store %arg13[%swap3A_347], %get3A_346 {strides = array<i32>} : memref<80xi32, #tpu.memory_space<vmem>>, vector<16xi32>,
          %get3A_349 = arith.constant 0 : i32
          %get3A_350 = arith.index_cast %get3A_349 : i32 to index
          %get3A_351 = arith.constant 48 : index
          %get3A_352 = tpu.vector_load %arg10[%get3A_350, %get3A_351] {strides = array<i32>} : memref<2x80xi32, #tpu.memory_space<vmem>>, vector<16xi32>,
          %add3A_353 = arith.addi %get3A_352, %broadcast_in_dim3A_81 : vector<16xi32>
          %swap3A_354 = arith.constant 48 : index
          %swap3A_355 = tpu.vector_load %arg11[%swap3A_354] {strides = array<i32>} : memref<80xi32, #tpu.memory_space<vmem>>, vector<16xi32>,
          tpu.vector_store %arg11[%swap3A_354], %add3A_353 {strides = array<i32>} : memref<80xi32, #tpu.memory_space<vmem>>, vector<16xi32>,
          %get3A_356 = arith.constant 1 : i32
          %get3A_357 = arith.index_cast %get3A_356 : i32 to index
          %get3A_358 = arith.constant 48 : index
          %get3A_359 = tpu.vector_load %arg10[%get3A_357, %get3A_358] {strides = array<i32>} : memref<2x80xi32, #tpu.memory_space<vmem>>, vector<16xi32>,
          %add3A_360 = arith.addi %get3A_359, %broadcast_in_dim3A_83 : vector<16xi32>
          %swap3A_361 = arith.constant 48 : index
          %swap3A_362 = tpu.vector_load %arg12[%swap3A_361] {strides = array<i32>} : memref<80xi32, #tpu.memory_space<vmem>>, vector<16xi32>,
          tpu.vector_store %arg12[%swap3A_361], %add3A_360 {strides = array<i32>} : memref<80xi32, #tpu.memory_space<vmem>>, vector<16xi32>,
          %get3A_363 = arith.constant 1 : i32
          %get3A_364 = arith.index_cast %get3A_363 : i32 to index
          %get3A_365 = arith.constant 48 : index
          %get3A_366 = tpu.vector_load %arg10[%get3A_364, %get3A_365] {strides = array<i32>} : memref<2x80xi32, #tpu.memory_space<vmem>>, vector<16xi32>,
          %swap3A_367 = arith.constant 48 : index
          %swap3A_368 = tpu.vector_load %arg13[%swap3A_367] {strides = array<i32>} : memref<80xi32, #tpu.memory_space<vmem>>, vector<16xi32>,
          tpu.vector_store %arg13[%swap3A_367], %get3A_366 {strides = array<i32>} : memref<80xi32, #tpu.memory_space<vmem>>, vector<16xi32>,
          %get3A_369 = arith.constant 0 : i32
          %get3A_370 = arith.index_cast %get3A_369 : i32 to index
          %get3A_371 = arith.constant 64 : index
          %get3A_372 = tpu.vector_load %arg10[%get3A_370, %get3A_371] {strides = array<i32>} : memref<2x80xi32, #tpu.memory_space<vmem>>, vector<16xi32>,
          %add3A_373 = arith.addi %get3A_372, %broadcast_in_dim3A_81 : vector<16xi32>
          %swap3A_374 = arith.constant 64 : index
          %swap3A_375 = tpu.vector_load %arg11[%swap3A_374] {strides = array<i32>} : memref<80xi32, #tpu.memory_space<vmem>>, vector<16xi32>,
          tpu.vector_store %arg11[%swap3A_374], %add3A_373 {strides = array<i32>} : memref<80xi32, #tpu.memory_space<vmem>>, vector<16xi32>,
          %get3A_376 = arith.constant 1 : i32
          %get3A_377 = arith.index_cast %get3A_376 : i32 to index
          %get3A_378 = arith.constant 64 : index
          %get3A_379 = tpu.vector_load %arg10[%get3A_377, %get3A_378] {strides = array<i32>} : memref<2x80xi32, #tpu.memory_space<vmem>>, vector<16xi32>,
          %add3A_380 = arith.addi %get3A_379, %broadcast_in_dim3A_83 : vector<16xi32>
          %swap3A_381 = arith.constant 64 : index
          %swap3A_382 = tpu.vector_load %arg12[%swap3A_381] {strides = array<i32>} : memref<80xi32, #tpu.memory_space<vmem>>, vector<16xi32>,
          tpu.vector_store %arg12[%swap3A_381], %add3A_380 {strides = array<i32>} : memref<80xi32, #tpu.memory_space<vmem>>, vector<16xi32>,
          %get3A_383 = arith.constant 1 : i32
          %get3A_384 = arith.index_cast %get3A_383 : i32 to index
          %get3A_385 = arith.constant 64 : index
          %get3A_386 = tpu.vector_load %arg10[%get3A_384, %get3A_385] {strides = array<i32>} : memref<2x80xi32, #tpu.memory_space<vmem>>, vector<16xi32>,
          %swap3A_387 = arith.constant 64 : index
          %swap3A_388 = tpu.vector_load %arg13[%swap3A_387] {strides = array<i32>} : memref<80xi32, #tpu.memory_space<vmem>>, vector<16xi32>,
          tpu.vector_store %arg13[%swap3A_387], %get3A_386 {strides = array<i32>} : memref<80xi32, #tpu.memory_space<vmem>>, vector<16xi32>,
          %dma_start3A_389 = arith.constant 0 : i32
          %dma_start3A_390 = arith.constant 0 : i32
          %dma_start3A_391 = tpu.memref_slice %arg2[%dma_start3A_389, %dma_start3A_390] : memref<20000x8xf32, #tpu.memory_space<hbm>> -> memref<20000x8xf32, #tpu.memory_space<hbm>>
          tpu.enqueue_indirect_dma source(%dma_start3A_391 : memref<20000x8xf32, #tpu.memory_space<hbm>>) target(%arg14 : memref<80x8xf32, #tpu.memory_space<vmem>>) offsets(%arg11 : memref<80xi32, #tpu.memory_space<vmem>>) semaphore(%arg31 : memref<!tpu.dma_semaphore, #tpu.memory_space<semaphore_mem>>)
          %dma_start3A_392 = arith.constant 0 : i32
          %dma_start3A_393 = arith.constant 0 : i32
          %dma_start3A_394 = tpu.memref_slice %arg3[%dma_start3A_392, %dma_start3A_393] : memref<20000x8xf32, #tpu.memory_space<hbm>> -> memref<20000x8xf32, #tpu.memory_space<hbm>>
          tpu.enqueue_indirect_dma source(%dma_start3A_394 : memref<20000x8xf32, #tpu.memory_space<hbm>>) target(%arg15 : memref<80x8xf32, #tpu.memory_space<vmem>>) offsets(%arg12 : memref<80xi32, #tpu.memory_space<vmem>>) semaphore(%arg31 : memref<!tpu.dma_semaphore, #tpu.memory_space<semaphore_mem>>)
          %dma_start3A_395 = arith.constant 0 : i32
          %dma_start3A_396 = arith.constant 0 : i32
          %dma_start3A_397 = tpu.memref_slice %arg4[%dma_start3A_395, %dma_start3A_396] : memref<20000x128xf32, #tpu.memory_space<hbm>> -> memref<20000x128xf32, #tpu.memory_space<hbm>>
          tpu.enqueue_indirect_dma source(%dma_start3A_397 : memref<20000x128xf32, #tpu.memory_space<hbm>>) target(%arg16 : memref<80x128xf32, #tpu.memory_space<vmem>>) offsets(%arg11 : memref<80xi32, #tpu.memory_space<vmem>>) semaphore(%arg32 : memref<!tpu.dma_semaphore, #tpu.memory_space<semaphore_mem>>)
        } else {
        }
      }
      %scan3A_214 = arith.constant 63 : i32
      %dma_wait3A_215 = arith.constant 0 : i32
      %dma_wait3A_216 = arith.constant 0 : i32
      %dma_wait3A_217 = tpu.memref_slice %arg30[%dma_wait3A_215, %dma_wait3A_216] : memref<10000x8xf32, #tpu.memory_space<vmem_shared>> -> memref<10000x8xf32, #tpu.memory_space<vmem_shared>>
      tpu.wait_indirect_dma semaphore(%arg33 : memref<!tpu.dma_semaphore, #tpu.memory_space<semaphore_mem>>) src(%arg17 : memref<80x8xf32, #tpu.memory_space<vmem>>) dst(%dma_wait3A_217 : memref<10000x8xf32, #tpu.memory_space<vmem_shared>>)
      %dma_wait3A_218 = arith.constant 0 : i32
      %dma_wait3A_219 = arith.constant 0 : i32
      %dma_wait3A_220 = tpu.memref_slice %arg29[%dma_wait3A_218, %dma_wait3A_219] : memref<10000x128xf32, #tpu.memory_space<vmem_shared>> -> memref<10000x128xf32, #tpu.memory_space<vmem_shared>>
      tpu.wait_indirect_dma semaphore(%arg33 : memref<!tpu.dma_semaphore, #tpu.memory_space<semaphore_mem>>) src(%arg16 : memref<80x128xf32, #tpu.memory_space<vmem>>) dst(%dma_wait3A_220 : memref<10000x128xf32, #tpu.memory_space<vmem_shared>>)
    } else {
    }
    %eq3A_65 = arith.constant 1 : i32
    %eq3A_66 = arith.cmpi eq, %arg0, %eq3A_65 : i32
    %convert_element_type3A_67 = arith.extui %eq3A_66 : i1 to i32
    %cond3A_68 = arith.constant 0 : i32
    %cond3A_69 = arith.cmpi ne, %convert_element_type3A_67, %cond3A_68 : i32
    scf.if %cond3A_69 {
      %broadcast_in_dim3A_80 = arith.constant 10000 : i32
      %broadcast_in_dim3A_81 = vector.broadcast %broadcast_in_dim3A_80 : i32 to vector<16xi32>
      %broadcast_in_dim3A_82 = arith.constant 0 : i32
      %broadcast_in_dim3A_83 = vector.broadcast %broadcast_in_dim3A_82 : i32 to vector<16xi32>
      %mul3A_84 = arith.constant 10000 : i32
      %mul3A_85 = arith.muli %arg1, %mul3A_84 : i32
      %add3A_86 = arith.constant 0 : i32
      %add3A_87 = arith.addi %mul3A_85, %add3A_86 : i32
      %dma_start3A = arith.constant 0 : i32
      %dma_start3A_88 = tpu.memref_slice %arg6[%dma_start3A, %add3A_87] : memref<2x160000xi32, #tpu.memory_space<hbm>> -> memref<2x80xi32, #tpu.memory_space<hbm>>
      %dma_start3A_89 = arith.constant 0 : i32
      %dma_start3A_90 = tpu.memref_slice %arg6[%dma_start3A_89, %add3A_87] : memref<2x160000xi32, #tpu.memory_space<hbm>> -> memref<2x80xi32, #tpu.memory_space<hbm>>
      tpu.enqueue_dma source(%dma_start3A_90 : memref<2x80xi32, #tpu.memory_space<hbm>>) target(%arg10 : memref<2x80xi32, #tpu.memory_space<vmem>>) target_semaphore(%arg34 : memref<!tpu.dma_semaphore, #tpu.memory_space<semaphore_mem>>)
      %dma_wait3A = arith.constant 0 : i32
      %dma_wait3A_91 = tpu.memref_slice %arg6[%dma_wait3A, %add3A_87] : memref<2x160000xi32, #tpu.memory_space<hbm>> -> memref<2x80xi32, #tpu.memory_space<hbm>>
      %dma_wait3A_92 = arith.constant 0 : i32
      %dma_wait3A_93 = tpu.memref_slice %arg6[%dma_wait3A_92, %add3A_87] : memref<2x160000xi32, #tpu.memory_space<hbm>> -> memref<2x80xi32, #tpu.memory_space<hbm>>
      tpu.wait_dma2 semaphore(%arg34 : memref<!tpu.dma_semaphore, #tpu.memory_space<semaphore_mem>>) src(%dma_wait3A_93 : memref<2x80xi32, #tpu.memory_space<hbm>>) dst(%arg10 : memref<2x80xi32, #tpu.memory_space<vmem>>)
      %get3A = arith.constant 0 : i32
      %get3A_94 = arith.index_cast %get3A : i32 to index
      %get3A_95 = arith.constant 0 : index
      %get3A_96 = tpu.vector_load %arg10[%get3A_94, %get3A_95] {strides = array<i32>} : memref<2x80xi32, #tpu.memory_space<vmem>>, vector<16xi32>,
      %add3A_97 = arith.addi %get3A_96, %broadcast_in_dim3A_81 : vector<16xi32>
      %swap3A = arith.constant 0 : index
      %swap3A_98 = tpu.vector_load %arg11[%swap3A] {strides = array<i32>} : memref<80xi32, #tpu.memory_space<vmem>>, vector<16xi32>,
      tpu.vector_store %arg11[%swap3A], %add3A_97 {strides = array<i32>} : memref<80xi32, #tpu.memory_space<vmem>>, vector<16xi32>,
      %get3A_99 = arith.constant 1 : i32
      %get3A_100 = arith.index_cast %get3A_99 : i32 to index
      %get3A_101 = arith.constant 0 : index
      %get3A_102 = tpu.vector_load %arg10[%get3A_100, %get3A_101] {strides = array<i32>} : memref<2x80xi32, #tpu.memory_space<vmem>>, vector<16xi32>,
      %add3A_103 = arith.addi %get3A_102, %broadcast_in_dim3A_83 : vector<16xi32>
      %swap3A_104 = arith.constant 0 : index
      %swap3A_105 = tpu.vector_load %arg12[%swap3A_104] {strides = array<i32>} : memref<80xi32, #tpu.memory_space<vmem>>, vector<16xi32>,
      tpu.vector_store %arg12[%swap3A_104], %add3A_103 {strides = array<i32>} : memref<80xi32, #tpu.memory_space<vmem>>, vector<16xi32>,
      %get3A_106 = arith.constant 1 : i32
      %get3A_107 = arith.index_cast %get3A_106 : i32 to index
      %get3A_108 = arith.constant 0 : index
      %get3A_109 = tpu.vector_load %arg10[%get3A_107, %get3A_108] {strides = array<i32>} : memref<2x80xi32, #tpu.memory_space<vmem>>, vector<16xi32>,
      %swap3A_110 = arith.constant 0 : index
      %swap3A_111 = tpu.vector_load %arg13[%swap3A_110] {strides = array<i32>} : memref<80xi32, #tpu.memory_space<vmem>>, vector<16xi32>,
      tpu.vector_store %arg13[%swap3A_110], %get3A_109 {strides = array<i32>} : memref<80xi32, #tpu.memory_space<vmem>>, vector<16xi32>,
      %get3A_112 = arith.constant 0 : i32
      %get3A_113 = arith.index_cast %get3A_112 : i32 to index
      %get3A_114 = arith.constant 16 : index
      %get3A_115 = tpu.vector_load %arg10[%get3A_113, %get3A_114] {strides = array<i32>} : memref<2x80xi32, #tpu.memory_space<vmem>>, vector<16xi32>,
      %add3A_116 = arith.addi %get3A_115, %broadcast_in_dim3A_81 : vector<16xi32>
      %swap3A_117 = arith.constant 16 : index
      %swap3A_118 = tpu.vector_load %arg11[%swap3A_117] {strides = array<i32>} : memref<80xi32, #tpu.memory_space<vmem>>, vector<16xi32>,
      tpu.vector_store %arg11[%swap3A_117], %add3A_116 {strides = array<i32>} : memref<80xi32, #tpu.memory_space<vmem>>, vector<16xi32>,
      %get3A_119 = arith.constant 1 : i32
      %get3A_120 = arith.index_cast %get3A_119 : i32 to index
      %get3A_121 = arith.constant 16 : index
      %get3A_122 = tpu.vector_load %arg10[%get3A_120, %get3A_121] {strides = array<i32>} : memref<2x80xi32, #tpu.memory_space<vmem>>, vector<16xi32>,
      %add3A_123 = arith.addi %get3A_122, %broadcast_in_dim3A_83 : vector<16xi32>
      %swap3A_124 = arith.constant 16 : index
      %swap3A_125 = tpu.vector_load %arg12[%swap3A_124] {strides = array<i32>} : memref<80xi32, #tpu.memory_space<vmem>>, vector<16xi32>,
      tpu.vector_store %arg12[%swap3A_124], %add3A_123 {strides = array<i32>} : memref<80xi32, #tpu.memory_space<vmem>>, vector<16xi32>,
      %get3A_126 = arith.constant 1 : i32
      %get3A_127 = arith.index_cast %get3A_126 : i32 to index
      %get3A_128 = arith.constant 16 : index
      %get3A_129 = tpu.vector_load %arg10[%get3A_127, %get3A_128] {strides = array<i32>} : memref<2x80xi32, #tpu.memory_space<vmem>>, vector<16xi32>,
      %swap3A_130 = arith.constant 16 : index
      %swap3A_131 = tpu.vector_load %arg13[%swap3A_130] {strides = array<i32>} : memref<80xi32, #tpu.memory_space<vmem>>, vector<16xi32>,
      tpu.vector_store %arg13[%swap3A_130], %get3A_129 {strides = array<i32>} : memref<80xi32, #tpu.memory_space<vmem>>, vector<16xi32>,
      %get3A_132 = arith.constant 0 : i32
      %get3A_133 = arith.index_cast %get3A_132 : i32 to index
      %get3A_134 = arith.constant 32 : index
      %get3A_135 = tpu.vector_load %arg10[%get3A_133, %get3A_134] {strides = array<i32>} : memref<2x80xi32, #tpu.memory_space<vmem>>, vector<16xi32>,
      %add3A_136 = arith.addi %get3A_135, %broadcast_in_dim3A_81 : vector<16xi32>
      %swap3A_137 = arith.constant 32 : index
      %swap3A_138 = tpu.vector_load %arg11[%swap3A_137] {strides = array<i32>} : memref<80xi32, #tpu.memory_space<vmem>>, vector<16xi32>,
      tpu.vector_store %arg11[%swap3A_137], %add3A_136 {strides = array<i32>} : memref<80xi32, #tpu.memory_space<vmem>>, vector<16xi32>,
      %get3A_139 = arith.constant 1 : i32
      %get3A_140 = arith.index_cast %get3A_139 : i32 to index
      %get3A_141 = arith.constant 32 : index
      %get3A_142 = tpu.vector_load %arg10[%get3A_140, %get3A_141] {strides = array<i32>} : memref<2x80xi32, #tpu.memory_space<vmem>>, vector<16xi32>,
      %add3A_143 = arith.addi %get3A_142, %broadcast_in_dim3A_83 : vector<16xi32>
      %swap3A_144 = arith.constant 32 : index
      %swap3A_145 = tpu.vector_load %arg12[%swap3A_144] {strides = array<i32>} : memref<80xi32, #tpu.memory_space<vmem>>, vector<16xi32>,
      tpu.vector_store %arg12[%swap3A_144], %add3A_143 {strides = array<i32>} : memref<80xi32, #tpu.memory_space<vmem>>, vector<16xi32>,
      %get3A_146 = arith.constant 1 : i32
      %get3A_147 = arith.index_cast %get3A_146 : i32 to index
      %get3A_148 = arith.constant 32 : index
      %get3A_149 = tpu.vector_load %arg10[%get3A_147, %get3A_148] {strides = array<i32>} : memref<2x80xi32, #tpu.memory_space<vmem>>, vector<16xi32>,
      %swap3A_150 = arith.constant 32 : index
      %swap3A_151 = tpu.vector_load %arg13[%swap3A_150] {strides = array<i32>} : memref<80xi32, #tpu.memory_space<vmem>>, vector<16xi32>,
      tpu.vector_store %arg13[%swap3A_150], %get3A_149 {strides = array<i32>} : memref<80xi32, #tpu.memory_space<vmem>>, vector<16xi32>,
      %get3A_152 = arith.constant 0 : i32
      %get3A_153 = arith.index_cast %get3A_152 : i32 to index
      %get3A_154 = arith.constant 48 : index
      %get3A_155 = tpu.vector_load %arg10[%get3A_153, %get3A_154] {strides = array<i32>} : memref<2x80xi32, #tpu.memory_space<vmem>>, vector<16xi32>,
      %add3A_156 = arith.addi %get3A_155, %broadcast_in_dim3A_81 : vector<16xi32>
      %swap3A_157 = arith.constant 48 : index
      %swap3A_158 = tpu.vector_load %arg11[%swap3A_157] {strides = array<i32>} : memref<80xi32, #tpu.memory_space<vmem>>, vector<16xi32>,
      tpu.vector_store %arg11[%swap3A_157], %add3A_156 {strides = array<i32>} : memref<80xi32, #tpu.memory_space<vmem>>, vector<16xi32>,
      %get3A_159 = arith.constant 1 : i32
      %get3A_160 = arith.index_cast %get3A_159 : i32 to index
      %get3A_161 = arith.constant 48 : index
      %get3A_162 = tpu.vector_load %arg10[%get3A_160, %get3A_161] {strides = array<i32>} : memref<2x80xi32, #tpu.memory_space<vmem>>, vector<16xi32>,
      %add3A_163 = arith.addi %get3A_162, %broadcast_in_dim3A_83 : vector<16xi32>
      %swap3A_164 = arith.constant 48 : index
      %swap3A_165 = tpu.vector_load %arg12[%swap3A_164] {strides = array<i32>} : memref<80xi32, #tpu.memory_space<vmem>>, vector<16xi32>,
      tpu.vector_store %arg12[%swap3A_164], %add3A_163 {strides = array<i32>} : memref<80xi32, #tpu.memory_space<vmem>>, vector<16xi32>,
      %get3A_166 = arith.constant 1 : i32
      %get3A_167 = arith.index_cast %get3A_166 : i32 to index
      %get3A_168 = arith.constant 48 : index
      %get3A_169 = tpu.vector_load %arg10[%get3A_167, %get3A_168] {strides = array<i32>} : memref<2x80xi32, #tpu.memory_space<vmem>>, vector<16xi32>,
      %swap3A_170 = arith.constant 48 : index
      %swap3A_171 = tpu.vector_load %arg13[%swap3A_170] {strides = array<i32>} : memref<80xi32, #tpu.memory_space<vmem>>, vector<16xi32>,
      tpu.vector_store %arg13[%swap3A_170], %get3A_169 {strides = array<i32>} : memref<80xi32, #tpu.memory_space<vmem>>, vector<16xi32>,
      %get3A_172 = arith.constant 0 : i32
      %get3A_173 = arith.index_cast %get3A_172 : i32 to index
      %get3A_174 = arith.constant 64 : index
      %get3A_175 = tpu.vector_load %arg10[%get3A_173, %get3A_174] {strides = array<i32>} : memref<2x80xi32, #tpu.memory_space<vmem>>, vector<16xi32>,
      %add3A_176 = arith.addi %get3A_175, %broadcast_in_dim3A_81 : vector<16xi32>
      %swap3A_177 = arith.constant 64 : index
      %swap3A_178 = tpu.vector_load %arg11[%swap3A_177] {strides = array<i32>} : memref<80xi32, #tpu.memory_space<vmem>>, vector<16xi32>,
      tpu.vector_store %arg11[%swap3A_177], %add3A_176 {strides = array<i32>} : memref<80xi32, #tpu.memory_space<vmem>>, vector<16xi32>,
      %get3A_179 = arith.constant 1 : i32
      %get3A_180 = arith.index_cast %get3A_179 : i32 to index
      %get3A_181 = arith.constant 64 : index
      %get3A_182 = tpu.vector_load %arg10[%get3A_180, %get3A_181] {strides = array<i32>} : memref<2x80xi32, #tpu.memory_space<vmem>>, vector<16xi32>,
      %add3A_183 = arith.addi %get3A_182, %broadcast_in_dim3A_83 : vector<16xi32>
      %swap3A_184 = arith.constant 64 : index
      %swap3A_185 = tpu.vector_load %arg12[%swap3A_184] {strides = array<i32>} : memref<80xi32, #tpu.memory_space<vmem>>, vector<16xi32>,
      tpu.vector_store %arg12[%swap3A_184], %add3A_183 {strides = array<i32>} : memref<80xi32, #tpu.memory_space<vmem>>, vector<16xi32>,
      %get3A_186 = arith.constant 1 : i32
      %get3A_187 = arith.index_cast %get3A_186 : i32 to index
      %get3A_188 = arith.constant 64 : index
      %get3A_189 = tpu.vector_load %arg10[%get3A_187, %get3A_188] {strides = array<i32>} : memref<2x80xi32, #tpu.memory_space<vmem>>, vector<16xi32>,
      %swap3A_190 = arith.constant 64 : index
      %swap3A_191 = tpu.vector_load %arg13[%swap3A_190] {strides = array<i32>} : memref<80xi32, #tpu.memory_space<vmem>>, vector<16xi32>,
      tpu.vector_store %arg13[%swap3A_190], %get3A_189 {strides = array<i32>} : memref<80xi32, #tpu.memory_space<vmem>>, vector<16xi32>,
      %dma_start3A_192 = arith.constant 0 : i32
      %dma_start3A_193 = arith.constant 0 : i32
      %dma_start3A_194 = tpu.memref_slice %arg2[%dma_start3A_192, %dma_start3A_193] : memref<20000x8xf32, #tpu.memory_space<hbm>> -> memref<20000x8xf32, #tpu.memory_space<hbm>>
      tpu.enqueue_indirect_dma source(%dma_start3A_194 : memref<20000x8xf32, #tpu.memory_space<hbm>>) target(%arg14 : memref<80x8xf32, #tpu.memory_space<vmem>>) offsets(%arg11 : memref<80xi32, #tpu.memory_space<vmem>>) semaphore(%arg31 : memref<!tpu.dma_semaphore, #tpu.memory_space<semaphore_mem>>)
      %dma_start3A_195 = arith.constant 0 : i32
      %dma_start3A_196 = arith.constant 0 : i32
      %dma_start3A_197 = tpu.memref_slice %arg3[%dma_start3A_195, %dma_start3A_196] : memref<20000x8xf32, #tpu.memory_space<hbm>> -> memref<20000x8xf32, #tpu.memory_space<hbm>>
      tpu.enqueue_indirect_dma source(%dma_start3A_197 : memref<20000x8xf32, #tpu.memory_space<hbm>>) target(%arg15 : memref<80x8xf32, #tpu.memory_space<vmem>>) offsets(%arg12 : memref<80xi32, #tpu.memory_space<vmem>>) semaphore(%arg31 : memref<!tpu.dma_semaphore, #tpu.memory_space<semaphore_mem>>)
      %dma_start3A_198 = arith.constant 0 : i32
      %dma_start3A_199 = arith.constant 0 : i32
      %dma_start3A_200 = tpu.memref_slice %arg4[%dma_start3A_198, %dma_start3A_199] : memref<20000x128xf32, #tpu.memory_space<hbm>> -> memref<20000x128xf32, #tpu.memory_space<hbm>>
      tpu.enqueue_indirect_dma source(%dma_start3A_200 : memref<20000x128xf32, #tpu.memory_space<hbm>>) target(%arg16 : memref<80x128xf32, #tpu.memory_space<vmem>>) offsets(%arg11 : memref<80xi32, #tpu.memory_space<vmem>>) semaphore(%arg32 : memref<!tpu.dma_semaphore, #tpu.memory_space<semaphore_mem>>)
      %mul3A_201 = arith.constant 10000 : i32
      %mul3A_202 = arith.muli %arg1, %mul3A_201 : i32
      %add3A_203 = arith.constant 80 : i32
      %add3A_204 = arith.addi %mul3A_202, %add3A_203 : i32
      %dma_start3A_205 = arith.constant 0 : i32
      %dma_start3A_206 = tpu.memref_slice %arg6[%dma_start3A_205, %add3A_204] : memref<2x160000xi32, #tpu.memory_space<hbm>> -> memref<2x80xi32, #tpu.memory_space<hbm>>
      %dma_start3A_207 = arith.constant 0 : i32
      %dma_start3A_208 = tpu.memref_slice %arg6[%dma_start3A_207, %add3A_204] : memref<2x160000xi32, #tpu.memory_space<hbm>> -> memref<2x80xi32, #tpu.memory_space<hbm>>
      tpu.enqueue_dma source(%dma_start3A_208 : memref<2x80xi32, #tpu.memory_space<hbm>>) target(%arg18 : memref<2x80xi32, #tpu.memory_space<vmem>>) target_semaphore(%arg38 : memref<!tpu.dma_semaphore, #tpu.memory_space<semaphore_mem>>)
      %scan3A_209 = arith.constant 0 : i32
      %scan3A_210 = arith.constant 0 : i32
      %scan3A_211 = arith.constant 63 : i32
      %scan3A_212 = arith.addi %scan3A_210, %scan3A_211 : i32
      %scan3A_213 = arith.constant 1 : i32
      scf.for %scan3A_221 = %scan3A_210 to %scan3A_212 step %scan3A_213  : i32 {
        %mul3A_222 = arith.constant 2 : i32
        %mul3A_223 = arith.muli %mul3A_222, %scan3A_221 : i32
        %add3A_224 = arith.constant 1 : i32
        %add3A_225 = arith.addi %mul3A_223, %add3A_224 : i32
        %ge3A = arith.constant 1 : i32
        %ge3A_226 = arith.cmpi sge, %scan3A_221, %ge3A : i32
        %convert_element_type3A_227 = arith.extui %ge3A_226 : i1 to i32
        %cond3A_228 = arith.constant 0 : i32
        %cond3A_229 = arith.cmpi ne, %convert_element_type3A_227, %cond3A_228 : i32
        scf.if %cond3A_229 {
          %dma_wait3A_277 = arith.constant 0 : i32
          %dma_wait3A_278 = arith.constant 0 : i32
          %dma_wait3A_279 = tpu.memref_slice %arg30[%dma_wait3A_277, %dma_wait3A_278] : memref<10000x8xf32, #tpu.memory_space<vmem_shared>> -> memref<10000x8xf32, #tpu.memory_space<vmem_shared>>
          tpu.wait_indirect_dma semaphore(%arg37 : memref<!tpu.dma_semaphore, #tpu.memory_space<semaphore_mem>>) src(%arg25 : memref<80x8xf32, #tpu.memory_space<vmem>>) dst(%dma_wait3A_279 : memref<10000x8xf32, #tpu.memory_space<vmem_shared>>)
          %dma_wait3A_280 = arith.constant 0 : i32
          %dma_wait3A_281 = arith.constant 0 : i32
          %dma_wait3A_282 = tpu.memref_slice %arg29[%dma_wait3A_280, %dma_wait3A_281] : memref<10000x128xf32, #tpu.memory_space<vmem_shared>> -> memref<10000x128xf32, #tpu.memory_space<vmem_shared>>
          tpu.wait_indirect_dma semaphore(%arg37 : memref<!tpu.dma_semaphore, #tpu.memory_space<semaphore_mem>>) src(%arg24 : memref<80x128xf32, #tpu.memory_space<vmem>>) dst(%dma_wait3A_282 : memref<10000x128xf32, #tpu.memory_space<vmem_shared>>)
        } else {
        }
        %lt3A_230 = arith.constant 125 : i32
        %lt3A_231 = arith.cmpi slt, %add3A_225, %lt3A_230 : i32
        %convert_element_type3A_232 = arith.extui %lt3A_231 : i1 to i32
        %cond3A_233 = arith.constant 0 : i32
        %cond3A_234 = arith.cmpi ne, %convert_element_type3A_232, %cond3A_233 : i32
        scf.if %cond3A_234 {
          %dma_wait3A_277 = arith.constant 0 : i32
          %dma_wait3A_278 = arith.constant 0 : i32
          %dma_wait3A_279 = tpu.memref_slice %arg6[%dma_wait3A_277, %dma_wait3A_278] : memref<2x160000xi32, #tpu.memory_space<hbm>> -> memref<2x80xi32, #tpu.memory_space<hbm>>
          %dma_wait3A_280 = arith.constant 0 : i32
          %dma_wait3A_281 = arith.constant 0 : i32
          %dma_wait3A_282 = tpu.memref_slice %arg6[%dma_wait3A_280, %dma_wait3A_281] : memref<2x160000xi32, #tpu.memory_space<hbm>> -> memref<2x80xi32, #tpu.memory_space<hbm>>
          tpu.wait_dma2 semaphore(%arg38 : memref<!tpu.dma_semaphore, #tpu.memory_space<semaphore_mem>>) src(%dma_wait3A_282 : memref<2x80xi32, #tpu.memory_space<hbm>>) dst(%arg18 : memref<2x80xi32, #tpu.memory_space<vmem>>)
          %get3A_283 = arith.constant 0 : i32
          %get3A_284 = arith.index_cast %get3A_283 : i32 to index
          %get3A_285 = arith.constant 0 : index
          %get3A_286 = tpu.vector_load %arg18[%get3A_284, %get3A_285] {strides = array<i32>} : memref<2x80xi32, #tpu.memory_space<vmem>>, vector<16xi32>,
          %add3A_287 = arith.addi %get3A_286, %broadcast_in_dim3A_81 : vector<16xi32>
          %swap3A_288 = arith.constant 0 : index
          %swap3A_289 = tpu.vector_load %arg19[%swap3A_288] {strides = array<i32>} : memref<80xi32, #tpu.memory_space<vmem>>, vector<16xi32>,
          tpu.vector_store %arg19[%swap3A_288], %add3A_287 {strides = array<i32>} : memref<80xi32, #tpu.memory_space<vmem>>, vector<16xi32>,
          %get3A_290 = arith.constant 1 : i32
          %get3A_291 = arith.index_cast %get3A_290 : i32 to index
          %get3A_292 = arith.constant 0 : index
          %get3A_293 = tpu.vector_load %arg18[%get3A_291, %get3A_292] {strides = array<i32>} : memref<2x80xi32, #tpu.memory_space<vmem>>, vector<16xi32>,
          %add3A_294 = arith.addi %get3A_293, %broadcast_in_dim3A_83 : vector<16xi32>
          %swap3A_295 = arith.constant 0 : index
          %swap3A_296 = tpu.vector_load %arg20[%swap3A_295] {strides = array<i32>} : memref<80xi32, #tpu.memory_space<vmem>>, vector<16xi32>,
          tpu.vector_store %arg20[%swap3A_295], %add3A_294 {strides = array<i32>} : memref<80xi32, #tpu.memory_space<vmem>>, vector<16xi32>,
          %get3A_297 = arith.constant 1 : i32
          %get3A_298 = arith.index_cast %get3A_297 : i32 to index
          %get3A_299 = arith.constant 0 : index
          %get3A_300 = tpu.vector_load %arg18[%get3A_298, %get3A_299] {strides = array<i32>} : memref<2x80xi32, #tpu.memory_space<vmem>>, vector<16xi32>,
          %swap3A_301 = arith.constant 0 : index
          %swap3A_302 = tpu.vector_load %arg21[%swap3A_301] {strides = array<i32>} : memref<80xi32, #tpu.memory_space<vmem>>, vector<16xi32>,
          tpu.vector_store %arg21[%swap3A_301], %get3A_300 {strides = array<i32>} : memref<80xi32, #tpu.memory_space<vmem>>, vector<16xi32>,
          %get3A_303 = arith.constant 0 : i32
          %get3A_304 = arith.index_cast %get3A_303 : i32 to index
          %get3A_305 = arith.constant 16 : index
          %get3A_306 = tpu.vector_load %arg18[%get3A_304, %get3A_305] {strides = array<i32>} : memref<2x80xi32, #tpu.memory_space<vmem>>, vector<16xi32>,
          %add3A_307 = arith.addi %get3A_306, %broadcast_in_dim3A_81 : vector<16xi32>
          %swap3A_308 = arith.constant 16 : index
          %swap3A_309 = tpu.vector_load %arg19[%swap3A_308] {strides = array<i32>} : memref<80xi32, #tpu.memory_space<vmem>>, vector<16xi32>,
          tpu.vector_store %arg19[%swap3A_308], %add3A_307 {strides = array<i32>} : memref<80xi32, #tpu.memory_space<vmem>>, vector<16xi32>,
          %get3A_310 = arith.constant 1 : i32
          %get3A_311 = arith.index_cast %get3A_310 : i32 to index
          %get3A_312 = arith.constant 16 : index
          %get3A_313 = tpu.vector_load %arg18[%get3A_311, %get3A_312] {strides = array<i32>} : memref<2x80xi32, #tpu.memory_space<vmem>>, vector<16xi32>,
          %add3A_314 = arith.addi %get3A_313, %broadcast_in_dim3A_83 : vector<16xi32>
          %swap3A_315 = arith.constant 16 : index
          %swap3A_316 = tpu.vector_load %arg20[%swap3A_315] {strides = array<i32>} : memref<80xi32, #tpu.memory_space<vmem>>, vector<16xi32>,
          tpu.vector_store %arg20[%swap3A_315], %add3A_314 {strides = array<i32>} : memref<80xi32, #tpu.memory_space<vmem>>, vector<16xi32>,
          %get3A_317 = arith.constant 1 : i32
          %get3A_318 = arith.index_cast %get3A_317 : i32 to index
          %get3A_319 = arith.constant 16 : index
          %get3A_320 = tpu.vector_load %arg18[%get3A_318, %get3A_319] {strides = array<i32>} : memref<2x80xi32, #tpu.memory_space<vmem>>, vector<16xi32>,
          %swap3A_321 = arith.constant 16 : index
          %swap3A_322 = tpu.vector_load %arg21[%swap3A_321] {strides = array<i32>} : memref<80xi32, #tpu.memory_space<vmem>>, vector<16xi32>,
          tpu.vector_store %arg21[%swap3A_321], %get3A_320 {strides = array<i32>} : memref<80xi32, #tpu.memory_space<vmem>>, vector<16xi32>,
          %get3A_323 = arith.constant 0 : i32
          %get3A_324 = arith.index_cast %get3A_323 : i32 to index
          %get3A_325 = arith.constant 32 : index
          %get3A_326 = tpu.vector_load %arg18[%get3A_324, %get3A_325] {strides = array<i32>} : memref<2x80xi32, #tpu.memory_space<vmem>>, vector<16xi32>,
          %add3A_327 = arith.addi %get3A_326, %broadcast_in_dim3A_81 : vector<16xi32>
          %swap3A_328 = arith.constant 32 : index
          %swap3A_329 = tpu.vector_load %arg19[%swap3A_328] {strides = array<i32>} : memref<80xi32, #tpu.memory_space<vmem>>, vector<16xi32>,
          tpu.vector_store %arg19[%swap3A_328], %add3A_327 {strides = array<i32>} : memref<80xi32, #tpu.memory_space<vmem>>, vector<16xi32>,
          %get3A_330 = arith.constant 1 : i32
          %get3A_331 = arith.index_cast %get3A_330 : i32 to index
          %get3A_332 = arith.constant 32 : index
          %get3A_333 = tpu.vector_load %arg18[%get3A_331, %get3A_332] {strides = array<i32>} : memref<2x80xi32, #tpu.memory_space<vmem>>, vector<16xi32>,
          %add3A_334 = arith.addi %get3A_333, %broadcast_in_dim3A_83 : vector<16xi32>
          %swap3A_335 = arith.constant 32 : index
          %swap3A_336 = tpu.vector_load %arg20[%swap3A_335] {strides = array<i32>} : memref<80xi32, #tpu.memory_space<vmem>>, vector<16xi32>,
          tpu.vector_store %arg20[%swap3A_335], %add3A_334 {strides = array<i32>} : memref<80xi32, #tpu.memory_space<vmem>>, vector<16xi32>,
          %get3A_337 = arith.constant 1 : i32
          %get3A_338 = arith.index_cast %get3A_337 : i32 to index
          %get3A_339 = arith.constant 32 : index
          %get3A_340 = tpu.vector_load %arg18[%get3A_338, %get3A_339] {strides = array<i32>} : memref<2x80xi32, #tpu.memory_space<vmem>>, vector<16xi32>,
          %swap3A_341 = arith.constant 32 : index
          %swap3A_342 = tpu.vector_load %arg21[%swap3A_341] {strides = array<i32>} : memref<80xi32, #tpu.memory_space<vmem>>, vector<16xi32>,
          tpu.vector_store %arg21[%swap3A_341], %get3A_340 {strides = array<i32>} : memref<80xi32, #tpu.memory_space<vmem>>, vector<16xi32>,
          %get3A_343 = arith.constant 0 : i32
          %get3A_344 = arith.index_cast %get3A_343 : i32 to index
          %get3A_345 = arith.constant 48 : index
          %get3A_346 = tpu.vector_load %arg18[%get3A_344, %get3A_345] {strides = array<i32>} : memref<2x80xi32, #tpu.memory_space<vmem>>, vector<16xi32>,
          %add3A_347 = arith.addi %get3A_346, %broadcast_in_dim3A_81 : vector<16xi32>
          %swap3A_348 = arith.constant 48 : index
          %swap3A_349 = tpu.vector_load %arg19[%swap3A_348] {strides = array<i32>} : memref<80xi32, #tpu.memory_space<vmem>>, vector<16xi32>,
          tpu.vector_store %arg19[%swap3A_348], %add3A_347 {strides = array<i32>} : memref<80xi32, #tpu.memory_space<vmem>>, vector<16xi32>,
          %get3A_350 = arith.constant 1 : i32
          %get3A_351 = arith.index_cast %get3A_350 : i32 to index
          %get3A_352 = arith.constant 48 : index
          %get3A_353 = tpu.vector_load %arg18[%get3A_351, %get3A_352] {strides = array<i32>} : memref<2x80xi32, #tpu.memory_space<vmem>>, vector<16xi32>,
          %add3A_354 = arith.addi %get3A_353, %broadcast_in_dim3A_83 : vector<16xi32>
          %swap3A_355 = arith.constant 48 : index
          %swap3A_356 = tpu.vector_load %arg20[%swap3A_355] {strides = array<i32>} : memref<80xi32, #tpu.memory_space<vmem>>, vector<16xi32>,
          tpu.vector_store %arg20[%swap3A_355], %add3A_354 {strides = array<i32>} : memref<80xi32, #tpu.memory_space<vmem>>, vector<16xi32>,
          %get3A_357 = arith.constant 1 : i32
          %get3A_358 = arith.index_cast %get3A_357 : i32 to index
          %get3A_359 = arith.constant 48 : index
          %get3A_360 = tpu.vector_load %arg18[%get3A_358, %get3A_359] {strides = array<i32>} : memref<2x80xi32, #tpu.memory_space<vmem>>, vector<16xi32>,
          %swap3A_361 = arith.constant 48 : index
          %swap3A_362 = tpu.vector_load %arg21[%swap3A_361] {strides = array<i32>} : memref<80xi32, #tpu.memory_space<vmem>>, vector<16xi32>,
          tpu.vector_store %arg21[%swap3A_361], %get3A_360 {strides = array<i32>} : memref<80xi32, #tpu.memory_space<vmem>>, vector<16xi32>,
          %get3A_363 = arith.constant 0 : i32
          %get3A_364 = arith.index_cast %get3A_363 : i32 to index
          %get3A_365 = arith.constant 64 : index
          %get3A_366 = tpu.vector_load %arg18[%get3A_364, %get3A_365] {strides = array<i32>} : memref<2x80xi32, #tpu.memory_space<vmem>>, vector<16xi32>,
          %add3A_367 = arith.addi %get3A_366, %broadcast_in_dim3A_81 : vector<16xi32>
          %swap3A_368 = arith.constant 64 : index
          %swap3A_369 = tpu.vector_load %arg19[%swap3A_368] {strides = array<i32>} : memref<80xi32, #tpu.memory_space<vmem>>, vector<16xi32>,
          tpu.vector_store %arg19[%swap3A_368], %add3A_367 {strides = array<i32>} : memref<80xi32, #tpu.memory_space<vmem>>, vector<16xi32>,
          %get3A_370 = arith.constant 1 : i32
          %get3A_371 = arith.index_cast %get3A_370 : i32 to index
          %get3A_372 = arith.constant 64 : index
          %get3A_373 = tpu.vector_load %arg18[%get3A_371, %get3A_372] {strides = array<i32>} : memref<2x80xi32, #tpu.memory_space<vmem>>, vector<16xi32>,
          %add3A_374 = arith.addi %get3A_373, %broadcast_in_dim3A_83 : vector<16xi32>
          %swap3A_375 = arith.constant 64 : index
          %swap3A_376 = tpu.vector_load %arg20[%swap3A_375] {strides = array<i32>} : memref<80xi32, #tpu.memory_space<vmem>>, vector<16xi32>,
          tpu.vector_store %arg20[%swap3A_375], %add3A_374 {strides = array<i32>} : memref<80xi32, #tpu.memory_space<vmem>>, vector<16xi32>,
          %get3A_377 = arith.constant 1 : i32
          %get3A_378 = arith.index_cast %get3A_377 : i32 to index
          %get3A_379 = arith.constant 64 : index
          %get3A_380 = tpu.vector_load %arg18[%get3A_378, %get3A_379] {strides = array<i32>} : memref<2x80xi32, #tpu.memory_space<vmem>>, vector<16xi32>,
          %swap3A_381 = arith.constant 64 : index
          %swap3A_382 = tpu.vector_load %arg21[%swap3A_381] {strides = array<i32>} : memref<80xi32, #tpu.memory_space<vmem>>, vector<16xi32>,
          tpu.vector_store %arg21[%swap3A_381], %get3A_380 {strides = array<i32>} : memref<80xi32, #tpu.memory_space<vmem>>, vector<16xi32>,
          %dma_start3A_383 = arith.constant 0 : i32
          %dma_start3A_384 = arith.constant 0 : i32
          %dma_start3A_385 = tpu.memref_slice %arg2[%dma_start3A_383, %dma_start3A_384] : memref<20000x8xf32, #tpu.memory_space<hbm>> -> memref<20000x8xf32, #tpu.memory_space<hbm>>
          tpu.enqueue_indirect_dma source(%dma_start3A_385 : memref<20000x8xf32, #tpu.memory_space<hbm>>) target(%arg22 : memref<80x8xf32, #tpu.memory_space<vmem>>) offsets(%arg19 : memref<80xi32, #tpu.memory_space<vmem>>) semaphore(%arg35 : memref<!tpu.dma_semaphore, #tpu.memory_space<semaphore_mem>>)
          %dma_start3A_386 = arith.constant 0 : i32
          %dma_start3A_387 = arith.constant 0 : i32
          %dma_start3A_388 = tpu.memref_slice %arg3[%dma_start3A_386, %dma_start3A_387] : memref<20000x8xf32, #tpu.memory_space<hbm>> -> memref<20000x8xf32, #tpu.memory_space<hbm>>
          tpu.enqueue_indirect_dma source(%dma_start3A_388 : memref<20000x8xf32, #tpu.memory_space<hbm>>) target(%arg23 : memref<80x8xf32, #tpu.memory_space<vmem>>) offsets(%arg20 : memref<80xi32, #tpu.memory_space<vmem>>) semaphore(%arg35 : memref<!tpu.dma_semaphore, #tpu.memory_space<semaphore_mem>>)
          %dma_start3A_389 = arith.constant 0 : i32
          %dma_start3A_390 = arith.constant 0 : i32
          %dma_start3A_391 = tpu.memref_slice %arg4[%dma_start3A_389, %dma_start3A_390] : memref<20000x128xf32, #tpu.memory_space<hbm>> -> memref<20000x128xf32, #tpu.memory_space<hbm>>
          tpu.enqueue_indirect_dma source(%dma_start3A_391 : memref<20000x128xf32, #tpu.memory_space<hbm>>) target(%arg24 : memref<80x128xf32, #tpu.memory_space<vmem>>) offsets(%arg19 : memref<80xi32, #tpu.memory_space<vmem>>) semaphore(%arg36 : memref<!tpu.dma_semaphore, #tpu.memory_space<semaphore_mem>>)
        } else {
        }
        %dma_wait3A_235 = arith.constant 0 : i32
        %dma_wait3A_236 = arith.constant 0 : i32
        %dma_wait3A_237 = tpu.memref_slice %arg2[%dma_wait3A_235, %dma_wait3A_236] : memref<20000x8xf32, #tpu.memory_space<hbm>> -> memref<20000x8xf32, #tpu.memory_space<hbm>>
        tpu.wait_indirect_dma semaphore(%arg31 : memref<!tpu.dma_semaphore, #tpu.memory_space<semaphore_mem>>) src(%dma_wait3A_237 : memref<20000x8xf32, #tpu.memory_space<hbm>>) dst(%arg14 : memref<80x8xf32, #tpu.memory_space<vmem>>)
        %dma_wait3A_238 = arith.constant 0 : i32
        %dma_wait3A_239 = arith.constant 0 : i32
        %dma_wait3A_240 = tpu.memref_slice %arg3[%dma_wait3A_238, %dma_wait3A_239] : memref<20000x8xf32, #tpu.memory_space<hbm>> -> memref<20000x8xf32, #tpu.memory_space<hbm>>
        tpu.wait_indirect_dma semaphore(%arg31 : memref<!tpu.dma_semaphore, #tpu.memory_space<semaphore_mem>>) src(%dma_wait3A_240 : memref<20000x8xf32, #tpu.memory_space<hbm>>) dst(%arg15 : memref<80x8xf32, #tpu.memory_space<vmem>>)
        %scan3A_241 = arith.constant 0 : i32
        %scan3A_242 = arith.constant 0 : i32
        %scan3A_243 = arith.constant 10 : i32
        %scan3A_244 = arith.addi %scan3A_242, %scan3A_243 : i32
        %scan3A_245 = arith.constant 1 : i32
        scf.for %scan3A_277 = %scan3A_242 to %scan3A_244 step %scan3A_245  : i32 {
          %mul3A_278 = arith.constant 8 : i32
          %mul3A_279 = arith.muli %mul3A_278, %scan3A_277 : i32
          %add3A_280 = arith.constant 0 : i32
          %add3A_281 = arith.addi %mul3A_279, %add3A_280 : i32
          %add3A_282 = vector.broadcast %add3A_281 : i32 to vector<16xi32>
          %add3A_283 = arith.addi %add3A_282, %select_n3A_41 : vector<16xi32>
          %gather3A_284 = tpu.vector_load_idx %arg14[%add3A_283, %select_n3A_13] : memref<80x8xf32, #tpu.memory_space<vmem>>[vector<16xi32>, vector<16xi32>], vector<16xf32>,
          %gather3A_285 = tpu.vector_load_idx %arg15[%add3A_283, %select_n3A_13] : memref<80x8xf32, #tpu.memory_space<vmem>>[vector<16xi32>, vector<16xi32>], vector<16xf32>,
          %add3A_286 = arith.addf %gather3A_284, %gather3A_285 : vector<16xf32>
          %add3A_287 = arith.addf %add3A_286, %gather3A_42 : vector<16xf32>
          %ge3A_288 = arith.constant 0.000000e+00 : f32
          %ge3A_289 = vector.broadcast %ge3A_288 : f32 to vector<16xf32>
          %ge3A_290 = arith.cmpf oge, %add3A_287, %ge3A_289 : vector<16xf32>
          %mul3A_291 = arith.constant 2.000000e-01 : f32
          %mul3A_292 = vector.broadcast %mul3A_291 : f32 to vector<16xf32>
          %mul3A_293 = arith.mulf %mul3A_292, %add3A_287 : vector<16xf32>
          %select_n3A_294 = arith.select %ge3A_290, %add3A_287, %mul3A_293 : vector<16xi1>, vector<16xf32>
          %sub3A_295 = arith.subf %select_n3A_294, %gather3A : vector<16xf32>
          %exp3A = math.exp %sub3A_295 : vector<16xf32>
          tpu.vector_store_idx %arg17[%add3A_283, %select_n3A_13], %exp3A : memref<80x8xf32, #tpu.memory_space<vmem>>[vector<16xi32>, vector<16xi32>], vector<16xf32>,
          %mul3A_296 = arith.constant 8 : i32
          %mul3A_297 = arith.muli %mul3A_296, %scan3A_277 : i32
          %add3A_298 = arith.constant 2 : i32
          %add3A_299 = arith.addi %mul3A_297, %add3A_298 : i32
          %add3A_300 = vector.broadcast %add3A_299 : i32 to vector<16xi32>
          %add3A_301 = arith.addi %add3A_300, %select_n3A_41 : vector<16xi32>
          %gather3A_302 = tpu.vector_load_idx %arg14[%add3A_301, %select_n3A_13] : memref<80x8xf32, #tpu.memory_space<vmem>>[vector<16xi32>, vector<16xi32>], vector<16xf32>,
          %gather3A_303 = tpu.vector_load_idx %arg15[%add3A_301, %select_n3A_13] : memref<80x8xf32, #tpu.memory_space<vmem>>[vector<16xi32>, vector<16xi32>], vector<16xf32>,
          %add3A_304 = arith.addf %gather3A_302, %gather3A_303 : vector<16xf32>
          %add3A_305 = arith.addf %add3A_304, %gather3A_42 : vector<16xf32>
          %ge3A_306 = arith.constant 0.000000e+00 : f32
          %ge3A_307 = vector.broadcast %ge3A_306 : f32 to vector<16xf32>
          %ge3A_308 = arith.cmpf oge, %add3A_305, %ge3A_307 : vector<16xf32>
          %mul3A_309 = arith.constant 2.000000e-01 : f32
          %mul3A_310 = vector.broadcast %mul3A_309 : f32 to vector<16xf32>
          %mul3A_311 = arith.mulf %mul3A_310, %add3A_305 : vector<16xf32>
          %select_n3A_312 = arith.select %ge3A_308, %add3A_305, %mul3A_311 : vector<16xi1>, vector<16xf32>
          %sub3A_313 = arith.subf %select_n3A_312, %gather3A : vector<16xf32>
          %exp3A_314 = math.exp %sub3A_313 : vector<16xf32>
          tpu.vector_store_idx %arg17[%add3A_301, %select_n3A_13], %exp3A_314 : memref<80x8xf32, #tpu.memory_space<vmem>>[vector<16xi32>, vector<16xi32>], vector<16xf32>,
          %mul3A_315 = arith.constant 8 : i32
          %mul3A_316 = arith.muli %mul3A_315, %scan3A_277 : i32
          %add3A_317 = arith.constant 4 : i32
          %add3A_318 = arith.addi %mul3A_316, %add3A_317 : i32
          %add3A_319 = vector.broadcast %add3A_318 : i32 to vector<16xi32>
          %add3A_320 = arith.addi %add3A_319, %select_n3A_41 : vector<16xi32>
          %gather3A_321 = tpu.vector_load_idx %arg14[%add3A_320, %select_n3A_13] : memref<80x8xf32, #tpu.memory_space<vmem>>[vector<16xi32>, vector<16xi32>], vector<16xf32>,
          %gather3A_322 = tpu.vector_load_idx %arg15[%add3A_320, %select_n3A_13] : memref<80x8xf32, #tpu.memory_space<vmem>>[vector<16xi32>, vector<16xi32>], vector<16xf32>,
          %add3A_323 = arith.addf %gather3A_321, %gather3A_322 : vector<16xf32>
          %add3A_324 = arith.addf %add3A_323, %gather3A_42 : vector<16xf32>
          %ge3A_325 = arith.constant 0.000000e+00 : f32
          %ge3A_326 = vector.broadcast %ge3A_325 : f32 to vector<16xf32>
          %ge3A_327 = arith.cmpf oge, %add3A_324, %ge3A_326 : vector<16xf32>
          %mul3A_328 = arith.constant 2.000000e-01 : f32
          %mul3A_329 = vector.broadcast %mul3A_328 : f32 to vector<16xf32>
          %mul3A_330 = arith.mulf %mul3A_329, %add3A_324 : vector<16xf32>
          %select_n3A_331 = arith.select %ge3A_327, %add3A_324, %mul3A_330 : vector<16xi1>, vector<16xf32>
          %sub3A_332 = arith.subf %select_n3A_331, %gather3A : vector<16xf32>
          %exp3A_333 = math.exp %sub3A_332 : vector<16xf32>
          tpu.vector_store_idx %arg17[%add3A_320, %select_n3A_13], %exp3A_333 : memref<80x8xf32, #tpu.memory_space<vmem>>[vector<16xi32>, vector<16xi32>], vector<16xf32>,
          %mul3A_334 = arith.constant 8 : i32
          %mul3A_335 = arith.muli %mul3A_334, %scan3A_277 : i32
          %add3A_336 = arith.constant 6 : i32
          %add3A_337 = arith.addi %mul3A_335, %add3A_336 : i32
          %add3A_338 = vector.broadcast %add3A_337 : i32 to vector<16xi32>
          %add3A_339 = arith.addi %add3A_338, %select_n3A_41 : vector<16xi32>
          %gather3A_340 = tpu.vector_load_idx %arg14[%add3A_339, %select_n3A_13] : memref<80x8xf32, #tpu.memory_space<vmem>>[vector<16xi32>, vector<16xi32>], vector<16xf32>,
          %gather3A_341 = tpu.vector_load_idx %arg15[%add3A_339, %select_n3A_13] : memref<80x8xf32, #tpu.memory_space<vmem>>[vector<16xi32>, vector<16xi32>], vector<16xf32>,
          %add3A_342 = arith.addf %gather3A_340, %gather3A_341 : vector<16xf32>
          %add3A_343 = arith.addf %add3A_342, %gather3A_42 : vector<16xf32>
          %ge3A_344 = arith.constant 0.000000e+00 : f32
          %ge3A_345 = vector.broadcast %ge3A_344 : f32 to vector<16xf32>
          %ge3A_346 = arith.cmpf oge, %add3A_343, %ge3A_345 : vector<16xf32>
          %mul3A_347 = arith.constant 2.000000e-01 : f32
          %mul3A_348 = vector.broadcast %mul3A_347 : f32 to vector<16xf32>
          %mul3A_349 = arith.mulf %mul3A_348, %add3A_343 : vector<16xf32>
          %select_n3A_350 = arith.select %ge3A_346, %add3A_343, %mul3A_349 : vector<16xi1>, vector<16xf32>
          %sub3A_351 = arith.subf %select_n3A_350, %gather3A : vector<16xf32>
          %exp3A_352 = math.exp %sub3A_351 : vector<16xf32>
          tpu.vector_store_idx %arg17[%add3A_339, %select_n3A_13], %exp3A_352 : memref<80x8xf32, #tpu.memory_space<vmem>>[vector<16xi32>, vector<16xi32>], vector<16xf32>,
        }
        %scan3A_246 = arith.constant 10 : i32
        %dma_start3A_247 = arith.constant 0 : i32
        %dma_start3A_248 = arith.constant 0 : i32
        %dma_start3A_249 = tpu.memref_slice %arg30[%dma_start3A_247, %dma_start3A_248] : memref<10000x8xf32, #tpu.memory_space<vmem_shared>> -> memref<10000x8xf32, #tpu.memory_space<vmem_shared>>
        tpu.enqueue_indirect_dma source(%arg17 : memref<80x8xf32, #tpu.memory_space<vmem>>) target(%dma_start3A_249 : memref<10000x8xf32, #tpu.memory_space<vmem_shared>>) offsets(%arg13 : memref<80xi32, #tpu.memory_space<vmem>>) semaphore(%arg33 : memref<!tpu.dma_semaphore, #tpu.memory_space<semaphore_mem>>) {add = true}
        %dma_wait3A_250 = arith.constant 0 : i32
        %dma_wait3A_251 = arith.constant 0 : i32
        %dma_wait3A_252 = tpu.memref_slice %arg4[%dma_wait3A_250, %dma_wait3A_251] : memref<20000x128xf32, #tpu.memory_space<hbm>> -> memref<20000x128xf32, #tpu.memory_space<hbm>>
        tpu.wait_indirect_dma semaphore(%arg32 : memref<!tpu.dma_semaphore, #tpu.memory_space<semaphore_mem>>) src(%dma_wait3A_252 : memref<20000x128xf32, #tpu.memory_space<hbm>>) dst(%arg16 : memref<80x128xf32, #tpu.memory_space<vmem>>)
        %scan3A_253 = arith.constant 0 : i32
        %scan3A_254 = arith.constant 0 : i32
        %scan3A_255 = arith.constant 20 : i32
        %scan3A_256 = arith.addi %scan3A_254, %scan3A_255 : i32
        %scan3A_257 = arith.constant 1 : i32
        scf.for %scan3A_277 = %scan3A_254 to %scan3A_256 step %scan3A_257  : i32 {
          %mul3A_278 = arith.constant 4 : i32
          %mul3A_279 = arith.muli %mul3A_278, %scan3A_277 : i32
          %add3A_280 = arith.constant 0 : i32
          %add3A_281 = arith.addi %mul3A_279, %add3A_280 : i32
          %add3A_282 = vector.broadcast %add3A_281 : i32 to vector<16xi32>
          %add3A_283 = arith.addi %add3A_282, %select_n3A_41 : vector<16xi32>
          %gather3A_284 = tpu.vector_load_idx %arg17[%add3A_283, %select_n3A_13] : memref<80x8xf32, #tpu.memory_space<vmem>>[vector<16xi32>, vector<16xi32>], vector<16xf32>,
          %mul3A_285 = arith.constant 4 : i32
          %mul3A_286 = arith.muli %mul3A_285, %scan3A_277 : i32
          %add3A_287 = arith.constant 0 : i32
          %add3A_288 = arith.addi %mul3A_286, %add3A_287 : i32
          %add3A_289 = arith.constant 0 : i32
          %add3A_290 = arith.addi %add3A_288, %add3A_289 : i32
          %broadcast_in_dim3A_291 = arith.constant 0 : i32
          %broadcast_in_dim3A_292 = vector.broadcast %broadcast_in_dim3A_291 : i32 to vector<16x1xi32>
          %gather3A_293 = vector.shape_cast %broadcast_in_dim3A_292 : vector<16x1xi32> to vector<16xi32>
          %gather3A_294 = tpu.dynamic_gather %gather3A_284[%gather3A_293] in [0] : vector<16xf32>, vector<16xi32> -> vector<16xf32>
          %get3A_295 = arith.index_cast %add3A_290 : i32 to index
          %get3A_296 = arith.constant 0 : index
          %get3A_297 = tpu.vector_load %arg16[%get3A_295, %get3A_296] {strides = array<i32>} : memref<80x128xf32, #tpu.memory_space<vmem>>, vector<16xf32>,
          %mul3A_298 = arith.mulf %get3A_297, %gather3A_294 : vector<16xf32>
          %swap3A_299 = arith.index_cast %add3A_290 : i32 to index
          %swap3A_300 = arith.constant 0 : index
          %swap3A_301 = tpu.vector_load %arg16[%swap3A_299, %swap3A_300] {strides = array<i32>} : memref<80x128xf32, #tpu.memory_space<vmem>>, vector<16xf32>,
          tpu.vector_store %arg16[%swap3A_299, %swap3A_300], %mul3A_298 {strides = array<i32>} : memref<80x128xf32, #tpu.memory_space<vmem>>, vector<16xf32>,
          %broadcast_in_dim3A_302 = arith.constant 1 : i32
          %broadcast_in_dim3A_303 = vector.broadcast %broadcast_in_dim3A_302 : i32 to vector<16x1xi32>
          %gather3A_304 = vector.shape_cast %broadcast_in_dim3A_303 : vector<16x1xi32> to vector<16xi32>
          %gather3A_305 = tpu.dynamic_gather %gather3A_284[%gather3A_304] in [0] : vector<16xf32>, vector<16xi32> -> vector<16xf32>
          %get3A_306 = arith.index_cast %add3A_290 : i32 to index
          %get3A_307 = arith.constant 16 : index
          %get3A_308 = tpu.vector_load %arg16[%get3A_306, %get3A_307] {strides = array<i32>} : memref<80x128xf32, #tpu.memory_space<vmem>>, vector<16xf32>,
          %mul3A_309 = arith.mulf %get3A_308, %gather3A_305 : vector<16xf32>
          %swap3A_310 = arith.index_cast %add3A_290 : i32 to index
          %swap3A_311 = arith.constant 16 : index
          %swap3A_312 = tpu.vector_load %arg16[%swap3A_310, %swap3A_311] {strides = array<i32>} : memref<80x128xf32, #tpu.memory_space<vmem>>, vector<16xf32>,
          tpu.vector_store %arg16[%swap3A_310, %swap3A_311], %mul3A_309 {strides = array<i32>} : memref<80x128xf32, #tpu.memory_space<vmem>>, vector<16xf32>,
          %broadcast_in_dim3A_313 = arith.constant 2 : i32
          %broadcast_in_dim3A_314 = vector.broadcast %broadcast_in_dim3A_313 : i32 to vector<16x1xi32>
          %gather3A_315 = vector.shape_cast %broadcast_in_dim3A_314 : vector<16x1xi32> to vector<16xi32>
          %gather3A_316 = tpu.dynamic_gather %gather3A_284[%gather3A_315] in [0] : vector<16xf32>, vector<16xi32> -> vector<16xf32>
          %get3A_317 = arith.index_cast %add3A_290 : i32 to index
          %get3A_318 = arith.constant 32 : index
          %get3A_319 = tpu.vector_load %arg16[%get3A_317, %get3A_318] {strides = array<i32>} : memref<80x128xf32, #tpu.memory_space<vmem>>, vector<16xf32>,
          %mul3A_320 = arith.mulf %get3A_319, %gather3A_316 : vector<16xf32>
          %swap3A_321 = arith.index_cast %add3A_290 : i32 to index
          %swap3A_322 = arith.constant 32 : index
          %swap3A_323 = tpu.vector_load %arg16[%swap3A_321, %swap3A_322] {strides = array<i32>} : memref<80x128xf32, #tpu.memory_space<vmem>>, vector<16xf32>,
          tpu.vector_store %arg16[%swap3A_321, %swap3A_322], %mul3A_320 {strides = array<i32>} : memref<80x128xf32, #tpu.memory_space<vmem>>, vector<16xf32>,
          %broadcast_in_dim3A_324 = arith.constant 3 : i32
          %broadcast_in_dim3A_325 = vector.broadcast %broadcast_in_dim3A_324 : i32 to vector<16x1xi32>
          %gather3A_326 = vector.shape_cast %broadcast_in_dim3A_325 : vector<16x1xi32> to vector<16xi32>
          %gather3A_327 = tpu.dynamic_gather %gather3A_284[%gather3A_326] in [0] : vector<16xf32>, vector<16xi32> -> vector<16xf32>
          %get3A_328 = arith.index_cast %add3A_290 : i32 to index
          %get3A_329 = arith.constant 48 : index
          %get3A_330 = tpu.vector_load %arg16[%get3A_328, %get3A_329] {strides = array<i32>} : memref<80x128xf32, #tpu.memory_space<vmem>>, vector<16xf32>,
          %mul3A_331 = arith.mulf %get3A_330, %gather3A_327 : vector<16xf32>
          %swap3A_332 = arith.index_cast %add3A_290 : i32 to index
          %swap3A_333 = arith.constant 48 : index
          %swap3A_334 = tpu.vector_load %arg16[%swap3A_332, %swap3A_333] {strides = array<i32>} : memref<80x128xf32, #tpu.memory_space<vmem>>, vector<16xf32>,
          tpu.vector_store %arg16[%swap3A_332, %swap3A_333], %mul3A_331 {strides = array<i32>} : memref<80x128xf32, #tpu.memory_space<vmem>>, vector<16xf32>,
          %broadcast_in_dim3A_335 = arith.constant 4 : i32
          %broadcast_in_dim3A_336 = vector.broadcast %broadcast_in_dim3A_335 : i32 to vector<16x1xi32>
          %gather3A_337 = vector.shape_cast %broadcast_in_dim3A_336 : vector<16x1xi32> to vector<16xi32>
          %gather3A_338 = tpu.dynamic_gather %gather3A_284[%gather3A_337] in [0] : vector<16xf32>, vector<16xi32> -> vector<16xf32>
          %get3A_339 = arith.index_cast %add3A_290 : i32 to index
          %get3A_340 = arith.constant 64 : index
          %get3A_341 = tpu.vector_load %arg16[%get3A_339, %get3A_340] {strides = array<i32>} : memref<80x128xf32, #tpu.memory_space<vmem>>, vector<16xf32>,
          %mul3A_342 = arith.mulf %get3A_341, %gather3A_338 : vector<16xf32>
          %swap3A_343 = arith.index_cast %add3A_290 : i32 to index
          %swap3A_344 = arith.constant 64 : index
          %swap3A_345 = tpu.vector_load %arg16[%swap3A_343, %swap3A_344] {strides = array<i32>} : memref<80x128xf32, #tpu.memory_space<vmem>>, vector<16xf32>,
          tpu.vector_store %arg16[%swap3A_343, %swap3A_344], %mul3A_342 {strides = array<i32>} : memref<80x128xf32, #tpu.memory_space<vmem>>, vector<16xf32>,
          %broadcast_in_dim3A_346 = arith.constant 5 : i32
          %broadcast_in_dim3A_347 = vector.broadcast %broadcast_in_dim3A_346 : i32 to vector<16x1xi32>
          %gather3A_348 = vector.shape_cast %broadcast_in_dim3A_347 : vector<16x1xi32> to vector<16xi32>
          %gather3A_349 = tpu.dynamic_gather %gather3A_284[%gather3A_348] in [0] : vector<16xf32>, vector<16xi32> -> vector<16xf32>
          %get3A_350 = arith.index_cast %add3A_290 : i32 to index
          %get3A_351 = arith.constant 80 : index
          %get3A_352 = tpu.vector_load %arg16[%get3A_350, %get3A_351] {strides = array<i32>} : memref<80x128xf32, #tpu.memory_space<vmem>>, vector<16xf32>,
          %mul3A_353 = arith.mulf %get3A_352, %gather3A_349 : vector<16xf32>
          %swap3A_354 = arith.index_cast %add3A_290 : i32 to index
          %swap3A_355 = arith.constant 80 : index
          %swap3A_356 = tpu.vector_load %arg16[%swap3A_354, %swap3A_355] {strides = array<i32>} : memref<80x128xf32, #tpu.memory_space<vmem>>, vector<16xf32>,
          tpu.vector_store %arg16[%swap3A_354, %swap3A_355], %mul3A_353 {strides = array<i32>} : memref<80x128xf32, #tpu.memory_space<vmem>>, vector<16xf32>,
          %broadcast_in_dim3A_357 = arith.constant 6 : i32
          %broadcast_in_dim3A_358 = vector.broadcast %broadcast_in_dim3A_357 : i32 to vector<16x1xi32>
          %gather3A_359 = vector.shape_cast %broadcast_in_dim3A_358 : vector<16x1xi32> to vector<16xi32>
          %gather3A_360 = tpu.dynamic_gather %gather3A_284[%gather3A_359] in [0] : vector<16xf32>, vector<16xi32> -> vector<16xf32>
          %get3A_361 = arith.index_cast %add3A_290 : i32 to index
          %get3A_362 = arith.constant 96 : index
          %get3A_363 = tpu.vector_load %arg16[%get3A_361, %get3A_362] {strides = array<i32>} : memref<80x128xf32, #tpu.memory_space<vmem>>, vector<16xf32>,
          %mul3A_364 = arith.mulf %get3A_363, %gather3A_360 : vector<16xf32>
          %swap3A_365 = arith.index_cast %add3A_290 : i32 to index
          %swap3A_366 = arith.constant 96 : index
          %swap3A_367 = tpu.vector_load %arg16[%swap3A_365, %swap3A_366] {strides = array<i32>} : memref<80x128xf32, #tpu.memory_space<vmem>>, vector<16xf32>,
          tpu.vector_store %arg16[%swap3A_365, %swap3A_366], %mul3A_364 {strides = array<i32>} : memref<80x128xf32, #tpu.memory_space<vmem>>, vector<16xf32>,
          %broadcast_in_dim3A_368 = arith.constant 7 : i32
          %broadcast_in_dim3A_369 = vector.broadcast %broadcast_in_dim3A_368 : i32 to vector<16x1xi32>
          %gather3A_370 = vector.shape_cast %broadcast_in_dim3A_369 : vector<16x1xi32> to vector<16xi32>
          %gather3A_371 = tpu.dynamic_gather %gather3A_284[%gather3A_370] in [0] : vector<16xf32>, vector<16xi32> -> vector<16xf32>
          %get3A_372 = arith.index_cast %add3A_290 : i32 to index
          %get3A_373 = arith.constant 112 : index
          %get3A_374 = tpu.vector_load %arg16[%get3A_372, %get3A_373] {strides = array<i32>} : memref<80x128xf32, #tpu.memory_space<vmem>>, vector<16xf32>,
          %mul3A_375 = arith.mulf %get3A_374, %gather3A_371 : vector<16xf32>
          %swap3A_376 = arith.index_cast %add3A_290 : i32 to index
          %swap3A_377 = arith.constant 112 : index
          %swap3A_378 = tpu.vector_load %arg16[%swap3A_376, %swap3A_377] {strides = array<i32>} : memref<80x128xf32, #tpu.memory_space<vmem>>, vector<16xf32>,
          tpu.vector_store %arg16[%swap3A_376, %swap3A_377], %mul3A_375 {strides = array<i32>} : memref<80x128xf32, #tpu.memory_space<vmem>>, vector<16xf32>,
          %mul3A_379 = arith.constant 4 : i32
          %mul3A_380 = arith.muli %mul3A_379, %scan3A_277 : i32
          %add3A_381 = arith.constant 0 : i32
          %add3A_382 = arith.addi %mul3A_380, %add3A_381 : i32
          %add3A_383 = arith.constant 1 : i32
          %add3A_384 = arith.addi %add3A_382, %add3A_383 : i32
          %broadcast_in_dim3A_385 = arith.constant 8 : i32
          %broadcast_in_dim3A_386 = vector.broadcast %broadcast_in_dim3A_385 : i32 to vector<16x1xi32>
          %gather3A_387 = vector.shape_cast %broadcast_in_dim3A_386 : vector<16x1xi32> to vector<16xi32>
          %gather3A_388 = tpu.dynamic_gather %gather3A_284[%gather3A_387] in [0] : vector<16xf32>, vector<16xi32> -> vector<16xf32>
          %get3A_389 = arith.index_cast %add3A_384 : i32 to index
          %get3A_390 = arith.constant 0 : index
          %get3A_391 = tpu.vector_load %arg16[%get3A_389, %get3A_390] {strides = array<i32>} : memref<80x128xf32, #tpu.memory_space<vmem>>, vector<16xf32>,
          %mul3A_392 = arith.mulf %get3A_391, %gather3A_388 : vector<16xf32>
          %swap3A_393 = arith.index_cast %add3A_384 : i32 to index
          %swap3A_394 = arith.constant 0 : index
          %swap3A_395 = tpu.vector_load %arg16[%swap3A_393, %swap3A_394] {strides = array<i32>} : memref<80x128xf32, #tpu.memory_space<vmem>>, vector<16xf32>,
          tpu.vector_store %arg16[%swap3A_393, %swap3A_394], %mul3A_392 {strides = array<i32>} : memref<80x128xf32, #tpu.memory_space<vmem>>, vector<16xf32>,
          %broadcast_in_dim3A_396 = arith.constant 9 : i32
          %broadcast_in_dim3A_397 = vector.broadcast %broadcast_in_dim3A_396 : i32 to vector<16x1xi32>
          %gather3A_398 = vector.shape_cast %broadcast_in_dim3A_397 : vector<16x1xi32> to vector<16xi32>
          %gather3A_399 = tpu.dynamic_gather %gather3A_284[%gather3A_398] in [0] : vector<16xf32>, vector<16xi32> -> vector<16xf32>
          %get3A_400 = arith.index_cast %add3A_384 : i32 to index
          %get3A_401 = arith.constant 16 : index
          %get3A_402 = tpu.vector_load %arg16[%get3A_400, %get3A_401] {strides = array<i32>} : memref<80x128xf32, #tpu.memory_space<vmem>>, vector<16xf32>,
          %mul3A_403 = arith.mulf %get3A_402, %gather3A_399 : vector<16xf32>
          %swap3A_404 = arith.index_cast %add3A_384 : i32 to index
          %swap3A_405 = arith.constant 16 : index
          %swap3A_406 = tpu.vector_load %arg16[%swap3A_404, %swap3A_405] {strides = array<i32>} : memref<80x128xf32, #tpu.memory_space<vmem>>, vector<16xf32>,
          tpu.vector_store %arg16[%swap3A_404, %swap3A_405], %mul3A_403 {strides = array<i32>} : memref<80x128xf32, #tpu.memory_space<vmem>>, vector<16xf32>,
          %broadcast_in_dim3A_407 = arith.constant 10 : i32
          %broadcast_in_dim3A_408 = vector.broadcast %broadcast_in_dim3A_407 : i32 to vector<16x1xi32>
          %gather3A_409 = vector.shape_cast %broadcast_in_dim3A_408 : vector<16x1xi32> to vector<16xi32>
          %gather3A_410 = tpu.dynamic_gather %gather3A_284[%gather3A_409] in [0] : vector<16xf32>, vector<16xi32> -> vector<16xf32>
          %get3A_411 = arith.index_cast %add3A_384 : i32 to index
          %get3A_412 = arith.constant 32 : index
          %get3A_413 = tpu.vector_load %arg16[%get3A_411, %get3A_412] {strides = array<i32>} : memref<80x128xf32, #tpu.memory_space<vmem>>, vector<16xf32>,
          %mul3A_414 = arith.mulf %get3A_413, %gather3A_410 : vector<16xf32>
          %swap3A_415 = arith.index_cast %add3A_384 : i32 to index
          %swap3A_416 = arith.constant 32 : index
          %swap3A_417 = tpu.vector_load %arg16[%swap3A_415, %swap3A_416] {strides = array<i32>} : memref<80x128xf32, #tpu.memory_space<vmem>>, vector<16xf32>,
          tpu.vector_store %arg16[%swap3A_415, %swap3A_416], %mul3A_414 {strides = array<i32>} : memref<80x128xf32, #tpu.memory_space<vmem>>, vector<16xf32>,
          %broadcast_in_dim3A_418 = arith.constant 11 : i32
          %broadcast_in_dim3A_419 = vector.broadcast %broadcast_in_dim3A_418 : i32 to vector<16x1xi32>
          %gather3A_420 = vector.shape_cast %broadcast_in_dim3A_419 : vector<16x1xi32> to vector<16xi32>
          %gather3A_421 = tpu.dynamic_gather %gather3A_284[%gather3A_420] in [0] : vector<16xf32>, vector<16xi32> -> vector<16xf32>
          %get3A_422 = arith.index_cast %add3A_384 : i32 to index
          %get3A_423 = arith.constant 48 : index
          %get3A_424 = tpu.vector_load %arg16[%get3A_422, %get3A_423] {strides = array<i32>} : memref<80x128xf32, #tpu.memory_space<vmem>>, vector<16xf32>,
          %mul3A_425 = arith.mulf %get3A_424, %gather3A_421 : vector<16xf32>
          %swap3A_426 = arith.index_cast %add3A_384 : i32 to index
          %swap3A_427 = arith.constant 48 : index
          %swap3A_428 = tpu.vector_load %arg16[%swap3A_426, %swap3A_427] {strides = array<i32>} : memref<80x128xf32, #tpu.memory_space<vmem>>, vector<16xf32>,
          tpu.vector_store %arg16[%swap3A_426, %swap3A_427], %mul3A_425 {strides = array<i32>} : memref<80x128xf32, #tpu.memory_space<vmem>>, vector<16xf32>,
          %broadcast_in_dim3A_429 = arith.constant 12 : i32
          %broadcast_in_dim3A_430 = vector.broadcast %broadcast_in_dim3A_429 : i32 to vector<16x1xi32>
          %gather3A_431 = vector.shape_cast %broadcast_in_dim3A_430 : vector<16x1xi32> to vector<16xi32>
          %gather3A_432 = tpu.dynamic_gather %gather3A_284[%gather3A_431] in [0] : vector<16xf32>, vector<16xi32> -> vector<16xf32>
          %get3A_433 = arith.index_cast %add3A_384 : i32 to index
          %get3A_434 = arith.constant 64 : index
          %get3A_435 = tpu.vector_load %arg16[%get3A_433, %get3A_434] {strides = array<i32>} : memref<80x128xf32, #tpu.memory_space<vmem>>, vector<16xf32>,
          %mul3A_436 = arith.mulf %get3A_435, %gather3A_432 : vector<16xf32>
          %swap3A_437 = arith.index_cast %add3A_384 : i32 to index
          %swap3A_438 = arith.constant 64 : index
          %swap3A_439 = tpu.vector_load %arg16[%swap3A_437, %swap3A_438] {strides = array<i32>} : memref<80x128xf32, #tpu.memory_space<vmem>>, vector<16xf32>,
          tpu.vector_store %arg16[%swap3A_437, %swap3A_438], %mul3A_436 {strides = array<i32>} : memref<80x128xf32, #tpu.memory_space<vmem>>, vector<16xf32>,
          %broadcast_in_dim3A_440 = arith.constant 13 : i32
          %broadcast_in_dim3A_441 = vector.broadcast %broadcast_in_dim3A_440 : i32 to vector<16x1xi32>
          %gather3A_442 = vector.shape_cast %broadcast_in_dim3A_441 : vector<16x1xi32> to vector<16xi32>
          %gather3A_443 = tpu.dynamic_gather %gather3A_284[%gather3A_442] in [0] : vector<16xf32>, vector<16xi32> -> vector<16xf32>
          %get3A_444 = arith.index_cast %add3A_384 : i32 to index
          %get3A_445 = arith.constant 80 : index
          %get3A_446 = tpu.vector_load %arg16[%get3A_444, %get3A_445] {strides = array<i32>} : memref<80x128xf32, #tpu.memory_space<vmem>>, vector<16xf32>,
          %mul3A_447 = arith.mulf %get3A_446, %gather3A_443 : vector<16xf32>
          %swap3A_448 = arith.index_cast %add3A_384 : i32 to index
          %swap3A_449 = arith.constant 80 : index
          %swap3A_450 = tpu.vector_load %arg16[%swap3A_448, %swap3A_449] {strides = array<i32>} : memref<80x128xf32, #tpu.memory_space<vmem>>, vector<16xf32>,
          tpu.vector_store %arg16[%swap3A_448, %swap3A_449], %mul3A_447 {strides = array<i32>} : memref<80x128xf32, #tpu.memory_space<vmem>>, vector<16xf32>,
          %broadcast_in_dim3A_451 = arith.constant 14 : i32
          %broadcast_in_dim3A_452 = vector.broadcast %broadcast_in_dim3A_451 : i32 to vector<16x1xi32>
          %gather3A_453 = vector.shape_cast %broadcast_in_dim3A_452 : vector<16x1xi32> to vector<16xi32>
          %gather3A_454 = tpu.dynamic_gather %gather3A_284[%gather3A_453] in [0] : vector<16xf32>, vector<16xi32> -> vector<16xf32>
          %get3A_455 = arith.index_cast %add3A_384 : i32 to index
          %get3A_456 = arith.constant 96 : index
          %get3A_457 = tpu.vector_load %arg16[%get3A_455, %get3A_456] {strides = array<i32>} : memref<80x128xf32, #tpu.memory_space<vmem>>, vector<16xf32>,
          %mul3A_458 = arith.mulf %get3A_457, %gather3A_454 : vector<16xf32>
          %swap3A_459 = arith.index_cast %add3A_384 : i32 to index
          %swap3A_460 = arith.constant 96 : index
          %swap3A_461 = tpu.vector_load %arg16[%swap3A_459, %swap3A_460] {strides = array<i32>} : memref<80x128xf32, #tpu.memory_space<vmem>>, vector<16xf32>,
          tpu.vector_store %arg16[%swap3A_459, %swap3A_460], %mul3A_458 {strides = array<i32>} : memref<80x128xf32, #tpu.memory_space<vmem>>, vector<16xf32>,
          %broadcast_in_dim3A_462 = arith.constant 15 : i32
          %broadcast_in_dim3A_463 = vector.broadcast %broadcast_in_dim3A_462 : i32 to vector<16x1xi32>
          %gather3A_464 = vector.shape_cast %broadcast_in_dim3A_463 : vector<16x1xi32> to vector<16xi32>
          %gather3A_465 = tpu.dynamic_gather %gather3A_284[%gather3A_464] in [0] : vector<16xf32>, vector<16xi32> -> vector<16xf32>
          %get3A_466 = arith.index_cast %add3A_384 : i32 to index
          %get3A_467 = arith.constant 112 : index
          %get3A_468 = tpu.vector_load %arg16[%get3A_466, %get3A_467] {strides = array<i32>} : memref<80x128xf32, #tpu.memory_space<vmem>>, vector<16xf32>,
          %mul3A_469 = arith.mulf %get3A_468, %gather3A_465 : vector<16xf32>
          %swap3A_470 = arith.index_cast %add3A_384 : i32 to index
          %swap3A_471 = arith.constant 112 : index
          %swap3A_472 = tpu.vector_load %arg16[%swap3A_470, %swap3A_471] {strides = array<i32>} : memref<80x128xf32, #tpu.memory_space<vmem>>, vector<16xf32>,
          tpu.vector_store %arg16[%swap3A_470, %swap3A_471], %mul3A_469 {strides = array<i32>} : memref<80x128xf32, #tpu.memory_space<vmem>>, vector<16xf32>,
          %mul3A_473 = arith.constant 4 : i32
          %mul3A_474 = arith.muli %mul3A_473, %scan3A_277 : i32
          %add3A_475 = arith.constant 2 : i32
          %add3A_476 = arith.addi %mul3A_474, %add3A_475 : i32
          %add3A_477 = vector.broadcast %add3A_476 : i32 to vector<16xi32>
          %add3A_478 = arith.addi %add3A_477, %select_n3A_41 : vector<16xi32>
          %gather3A_479 = tpu.vector_load_idx %arg17[%add3A_478, %select_n3A_13] : memref<80x8xf32, #tpu.memory_space<vmem>>[vector<16xi32>, vector<16xi32>], vector<16xf32>,
          %mul3A_480 = arith.constant 4 : i32
          %mul3A_481 = arith.muli %mul3A_480, %scan3A_277 : i32
          %add3A_482 = arith.constant 2 : i32
          %add3A_483 = arith.addi %mul3A_481, %add3A_482 : i32
          %add3A_484 = arith.constant 0 : i32
          %add3A_485 = arith.addi %add3A_483, %add3A_484 : i32
          %broadcast_in_dim3A_486 = arith.constant 0 : i32
          %broadcast_in_dim3A_487 = vector.broadcast %broadcast_in_dim3A_486 : i32 to vector<16x1xi32>
          %gather3A_488 = vector.shape_cast %broadcast_in_dim3A_487 : vector<16x1xi32> to vector<16xi32>
          %gather3A_489 = tpu.dynamic_gather %gather3A_479[%gather3A_488] in [0] : vector<16xf32>, vector<16xi32> -> vector<16xf32>
          %get3A_490 = arith.index_cast %add3A_485 : i32 to index
          %get3A_491 = arith.constant 0 : index
          %get3A_492 = tpu.vector_load %arg16[%get3A_490, %get3A_491] {strides = array<i32>} : memref<80x128xf32, #tpu.memory_space<vmem>>, vector<16xf32>,
          %mul3A_493 = arith.mulf %get3A_492, %gather3A_489 : vector<16xf32>
          %swap3A_494 = arith.index_cast %add3A_485 : i32 to index
          %swap3A_495 = arith.constant 0 : index
          %swap3A_496 = tpu.vector_load %arg16[%swap3A_494, %swap3A_495] {strides = array<i32>} : memref<80x128xf32, #tpu.memory_space<vmem>>, vector<16xf32>,
          tpu.vector_store %arg16[%swap3A_494, %swap3A_495], %mul3A_493 {strides = array<i32>} : memref<80x128xf32, #tpu.memory_space<vmem>>, vector<16xf32>,
          %broadcast_in_dim3A_497 = arith.constant 1 : i32
          %broadcast_in_dim3A_498 = vector.broadcast %broadcast_in_dim3A_497 : i32 to vector<16x1xi32>
          %gather3A_499 = vector.shape_cast %broadcast_in_dim3A_498 : vector<16x1xi32> to vector<16xi32>
          %gather3A_500 = tpu.dynamic_gather %gather3A_479[%gather3A_499] in [0] : vector<16xf32>, vector<16xi32> -> vector<16xf32>
          %get3A_501 = arith.index_cast %add3A_485 : i32 to index
          %get3A_502 = arith.constant 16 : index
          %get3A_503 = tpu.vector_load %arg16[%get3A_501, %get3A_502] {strides = array<i32>} : memref<80x128xf32, #tpu.memory_space<vmem>>, vector<16xf32>,
          %mul3A_504 = arith.mulf %get3A_503, %gather3A_500 : vector<16xf32>
          %swap3A_505 = arith.index_cast %add3A_485 : i32 to index
          %swap3A_506 = arith.constant 16 : index
          %swap3A_507 = tpu.vector_load %arg16[%swap3A_505, %swap3A_506] {strides = array<i32>} : memref<80x128xf32, #tpu.memory_space<vmem>>, vector<16xf32>,
          tpu.vector_store %arg16[%swap3A_505, %swap3A_506], %mul3A_504 {strides = array<i32>} : memref<80x128xf32, #tpu.memory_space<vmem>>, vector<16xf32>,
          %broadcast_in_dim3A_508 = arith.constant 2 : i32
          %broadcast_in_dim3A_509 = vector.broadcast %broadcast_in_dim3A_508 : i32 to vector<16x1xi32>
          %gather3A_510 = vector.shape_cast %broadcast_in_dim3A_509 : vector<16x1xi32> to vector<16xi32>
          %gather3A_511 = tpu.dynamic_gather %gather3A_479[%gather3A_510] in [0] : vector<16xf32>, vector<16xi32> -> vector<16xf32>
          %get3A_512 = arith.index_cast %add3A_485 : i32 to index
          %get3A_513 = arith.constant 32 : index
          %get3A_514 = tpu.vector_load %arg16[%get3A_512, %get3A_513] {strides = array<i32>} : memref<80x128xf32, #tpu.memory_space<vmem>>, vector<16xf32>,
          %mul3A_515 = arith.mulf %get3A_514, %gather3A_511 : vector<16xf32>
          %swap3A_516 = arith.index_cast %add3A_485 : i32 to index
          %swap3A_517 = arith.constant 32 : index
          %swap3A_518 = tpu.vector_load %arg16[%swap3A_516, %swap3A_517] {strides = array<i32>} : memref<80x128xf32, #tpu.memory_space<vmem>>, vector<16xf32>,
          tpu.vector_store %arg16[%swap3A_516, %swap3A_517], %mul3A_515 {strides = array<i32>} : memref<80x128xf32, #tpu.memory_space<vmem>>, vector<16xf32>,
          %broadcast_in_dim3A_519 = arith.constant 3 : i32
          %broadcast_in_dim3A_520 = vector.broadcast %broadcast_in_dim3A_519 : i32 to vector<16x1xi32>
          %gather3A_521 = vector.shape_cast %broadcast_in_dim3A_520 : vector<16x1xi32> to vector<16xi32>
          %gather3A_522 = tpu.dynamic_gather %gather3A_479[%gather3A_521] in [0] : vector<16xf32>, vector<16xi32> -> vector<16xf32>
          %get3A_523 = arith.index_cast %add3A_485 : i32 to index
          %get3A_524 = arith.constant 48 : index
          %get3A_525 = tpu.vector_load %arg16[%get3A_523, %get3A_524] {strides = array<i32>} : memref<80x128xf32, #tpu.memory_space<vmem>>, vector<16xf32>,
          %mul3A_526 = arith.mulf %get3A_525, %gather3A_522 : vector<16xf32>
          %swap3A_527 = arith.index_cast %add3A_485 : i32 to index
          %swap3A_528 = arith.constant 48 : index
          %swap3A_529 = tpu.vector_load %arg16[%swap3A_527, %swap3A_528] {strides = array<i32>} : memref<80x128xf32, #tpu.memory_space<vmem>>, vector<16xf32>,
          tpu.vector_store %arg16[%swap3A_527, %swap3A_528], %mul3A_526 {strides = array<i32>} : memref<80x128xf32, #tpu.memory_space<vmem>>, vector<16xf32>,
          %broadcast_in_dim3A_530 = arith.constant 4 : i32
          %broadcast_in_dim3A_531 = vector.broadcast %broadcast_in_dim3A_530 : i32 to vector<16x1xi32>
          %gather3A_532 = vector.shape_cast %broadcast_in_dim3A_531 : vector<16x1xi32> to vector<16xi32>
          %gather3A_533 = tpu.dynamic_gather %gather3A_479[%gather3A_532] in [0] : vector<16xf32>, vector<16xi32> -> vector<16xf32>
          %get3A_534 = arith.index_cast %add3A_485 : i32 to index
          %get3A_535 = arith.constant 64 : index
          %get3A_536 = tpu.vector_load %arg16[%get3A_534, %get3A_535] {strides = array<i32>} : memref<80x128xf32, #tpu.memory_space<vmem>>, vector<16xf32>,
          %mul3A_537 = arith.mulf %get3A_536, %gather3A_533 : vector<16xf32>
          %swap3A_538 = arith.index_cast %add3A_485 : i32 to index
          %swap3A_539 = arith.constant 64 : index
          %swap3A_540 = tpu.vector_load %arg16[%swap3A_538, %swap3A_539] {strides = array<i32>} : memref<80x128xf32, #tpu.memory_space<vmem>>, vector<16xf32>,
          tpu.vector_store %arg16[%swap3A_538, %swap3A_539], %mul3A_537 {strides = array<i32>} : memref<80x128xf32, #tpu.memory_space<vmem>>, vector<16xf32>,
          %broadcast_in_dim3A_541 = arith.constant 5 : i32
          %broadcast_in_dim3A_542 = vector.broadcast %broadcast_in_dim3A_541 : i32 to vector<16x1xi32>
          %gather3A_543 = vector.shape_cast %broadcast_in_dim3A_542 : vector<16x1xi32> to vector<16xi32>
          %gather3A_544 = tpu.dynamic_gather %gather3A_479[%gather3A_543] in [0] : vector<16xf32>, vector<16xi32> -> vector<16xf32>
          %get3A_545 = arith.index_cast %add3A_485 : i32 to index
          %get3A_546 = arith.constant 80 : index
          %get3A_547 = tpu.vector_load %arg16[%get3A_545, %get3A_546] {strides = array<i32>} : memref<80x128xf32, #tpu.memory_space<vmem>>, vector<16xf32>,
          %mul3A_548 = arith.mulf %get3A_547, %gather3A_544 : vector<16xf32>
          %swap3A_549 = arith.index_cast %add3A_485 : i32 to index
          %swap3A_550 = arith.constant 80 : index
          %swap3A_551 = tpu.vector_load %arg16[%swap3A_549, %swap3A_550] {strides = array<i32>} : memref<80x128xf32, #tpu.memory_space<vmem>>, vector<16xf32>,
          tpu.vector_store %arg16[%swap3A_549, %swap3A_550], %mul3A_548 {strides = array<i32>} : memref<80x128xf32, #tpu.memory_space<vmem>>, vector<16xf32>,
          %broadcast_in_dim3A_552 = arith.constant 6 : i32
          %broadcast_in_dim3A_553 = vector.broadcast %broadcast_in_dim3A_552 : i32 to vector<16x1xi32>
          %gather3A_554 = vector.shape_cast %broadcast_in_dim3A_553 : vector<16x1xi32> to vector<16xi32>
          %gather3A_555 = tpu.dynamic_gather %gather3A_479[%gather3A_554] in [0] : vector<16xf32>, vector<16xi32> -> vector<16xf32>
          %get3A_556 = arith.index_cast %add3A_485 : i32 to index
          %get3A_557 = arith.constant 96 : index
          %get3A_558 = tpu.vector_load %arg16[%get3A_556, %get3A_557] {strides = array<i32>} : memref<80x128xf32, #tpu.memory_space<vmem>>, vector<16xf32>,
          %mul3A_559 = arith.mulf %get3A_558, %gather3A_555 : vector<16xf32>
          %swap3A_560 = arith.index_cast %add3A_485 : i32 to index
          %swap3A_561 = arith.constant 96 : index
          %swap3A_562 = tpu.vector_load %arg16[%swap3A_560, %swap3A_561] {strides = array<i32>} : memref<80x128xf32, #tpu.memory_space<vmem>>, vector<16xf32>,
          tpu.vector_store %arg16[%swap3A_560, %swap3A_561], %mul3A_559 {strides = array<i32>} : memref<80x128xf32, #tpu.memory_space<vmem>>, vector<16xf32>,
          %broadcast_in_dim3A_563 = arith.constant 7 : i32
          %broadcast_in_dim3A_564 = vector.broadcast %broadcast_in_dim3A_563 : i32 to vector<16x1xi32>
          %gather3A_565 = vector.shape_cast %broadcast_in_dim3A_564 : vector<16x1xi32> to vector<16xi32>
          %gather3A_566 = tpu.dynamic_gather %gather3A_479[%gather3A_565] in [0] : vector<16xf32>, vector<16xi32> -> vector<16xf32>
          %get3A_567 = arith.index_cast %add3A_485 : i32 to index
          %get3A_568 = arith.constant 112 : index
          %get3A_569 = tpu.vector_load %arg16[%get3A_567, %get3A_568] {strides = array<i32>} : memref<80x128xf32, #tpu.memory_space<vmem>>, vector<16xf32>,
          %mul3A_570 = arith.mulf %get3A_569, %gather3A_566 : vector<16xf32>
          %swap3A_571 = arith.index_cast %add3A_485 : i32 to index
          %swap3A_572 = arith.constant 112 : index
          %swap3A_573 = tpu.vector_load %arg16[%swap3A_571, %swap3A_572] {strides = array<i32>} : memref<80x128xf32, #tpu.memory_space<vmem>>, vector<16xf32>,
          tpu.vector_store %arg16[%swap3A_571, %swap3A_572], %mul3A_570 {strides = array<i32>} : memref<80x128xf32, #tpu.memory_space<vmem>>, vector<16xf32>,
          %mul3A_574 = arith.constant 4 : i32
          %mul3A_575 = arith.muli %mul3A_574, %scan3A_277 : i32
          %add3A_576 = arith.constant 2 : i32
          %add3A_577 = arith.addi %mul3A_575, %add3A_576 : i32
          %add3A_578 = arith.constant 1 : i32
          %add3A_579 = arith.addi %add3A_577, %add3A_578 : i32
          %broadcast_in_dim3A_580 = arith.constant 8 : i32
          %broadcast_in_dim3A_581 = vector.broadcast %broadcast_in_dim3A_580 : i32 to vector<16x1xi32>
          %gather3A_582 = vector.shape_cast %broadcast_in_dim3A_581 : vector<16x1xi32> to vector<16xi32>
          %gather3A_583 = tpu.dynamic_gather %gather3A_479[%gather3A_582] in [0] : vector<16xf32>, vector<16xi32> -> vector<16xf32>
          %get3A_584 = arith.index_cast %add3A_579 : i32 to index
          %get3A_585 = arith.constant 0 : index
          %get3A_586 = tpu.vector_load %arg16[%get3A_584, %get3A_585] {strides = array<i32>} : memref<80x128xf32, #tpu.memory_space<vmem>>, vector<16xf32>,
          %mul3A_587 = arith.mulf %get3A_586, %gather3A_583 : vector<16xf32>
          %swap3A_588 = arith.index_cast %add3A_579 : i32 to index
          %swap3A_589 = arith.constant 0 : index
          %swap3A_590 = tpu.vector_load %arg16[%swap3A_588, %swap3A_589] {strides = array<i32>} : memref<80x128xf32, #tpu.memory_space<vmem>>, vector<16xf32>,
          tpu.vector_store %arg16[%swap3A_588, %swap3A_589], %mul3A_587 {strides = array<i32>} : memref<80x128xf32, #tpu.memory_space<vmem>>, vector<16xf32>,
          %broadcast_in_dim3A_591 = arith.constant 9 : i32
          %broadcast_in_dim3A_592 = vector.broadcast %broadcast_in_dim3A_591 : i32 to vector<16x1xi32>
          %gather3A_593 = vector.shape_cast %broadcast_in_dim3A_592 : vector<16x1xi32> to vector<16xi32>
          %gather3A_594 = tpu.dynamic_gather %gather3A_479[%gather3A_593] in [0] : vector<16xf32>, vector<16xi32> -> vector<16xf32>
          %get3A_595 = arith.index_cast %add3A_579 : i32 to index
          %get3A_596 = arith.constant 16 : index
          %get3A_597 = tpu.vector_load %arg16[%get3A_595, %get3A_596] {strides = array<i32>} : memref<80x128xf32, #tpu.memory_space<vmem>>, vector<16xf32>,
          %mul3A_598 = arith.mulf %get3A_597, %gather3A_594 : vector<16xf32>
          %swap3A_599 = arith.index_cast %add3A_579 : i32 to index
          %swap3A_600 = arith.constant 16 : index
          %swap3A_601 = tpu.vector_load %arg16[%swap3A_599, %swap3A_600] {strides = array<i32>} : memref<80x128xf32, #tpu.memory_space<vmem>>, vector<16xf32>,
          tpu.vector_store %arg16[%swap3A_599, %swap3A_600], %mul3A_598 {strides = array<i32>} : memref<80x128xf32, #tpu.memory_space<vmem>>, vector<16xf32>,
          %broadcast_in_dim3A_602 = arith.constant 10 : i32
          %broadcast_in_dim3A_603 = vector.broadcast %broadcast_in_dim3A_602 : i32 to vector<16x1xi32>
          %gather3A_604 = vector.shape_cast %broadcast_in_dim3A_603 : vector<16x1xi32> to vector<16xi32>
          %gather3A_605 = tpu.dynamic_gather %gather3A_479[%gather3A_604] in [0] : vector<16xf32>, vector<16xi32> -> vector<16xf32>
          %get3A_606 = arith.index_cast %add3A_579 : i32 to index
          %get3A_607 = arith.constant 32 : index
          %get3A_608 = tpu.vector_load %arg16[%get3A_606, %get3A_607] {strides = array<i32>} : memref<80x128xf32, #tpu.memory_space<vmem>>, vector<16xf32>,
          %mul3A_609 = arith.mulf %get3A_608, %gather3A_605 : vector<16xf32>
          %swap3A_610 = arith.index_cast %add3A_579 : i32 to index
          %swap3A_611 = arith.constant 32 : index
          %swap3A_612 = tpu.vector_load %arg16[%swap3A_610, %swap3A_611] {strides = array<i32>} : memref<80x128xf32, #tpu.memory_space<vmem>>, vector<16xf32>,
          tpu.vector_store %arg16[%swap3A_610, %swap3A_611], %mul3A_609 {strides = array<i32>} : memref<80x128xf32, #tpu.memory_space<vmem>>, vector<16xf32>,
          %broadcast_in_dim3A_613 = arith.constant 11 : i32
          %broadcast_in_dim3A_614 = vector.broadcast %broadcast_in_dim3A_613 : i32 to vector<16x1xi32>
          %gather3A_615 = vector.shape_cast %broadcast_in_dim3A_614 : vector<16x1xi32> to vector<16xi32>
          %gather3A_616 = tpu.dynamic_gather %gather3A_479[%gather3A_615] in [0] : vector<16xf32>, vector<16xi32> -> vector<16xf32>
          %get3A_617 = arith.index_cast %add3A_579 : i32 to index
          %get3A_618 = arith.constant 48 : index
          %get3A_619 = tpu.vector_load %arg16[%get3A_617, %get3A_618] {strides = array<i32>} : memref<80x128xf32, #tpu.memory_space<vmem>>, vector<16xf32>,
          %mul3A_620 = arith.mulf %get3A_619, %gather3A_616 : vector<16xf32>
          %swap3A_621 = arith.index_cast %add3A_579 : i32 to index
          %swap3A_622 = arith.constant 48 : index
          %swap3A_623 = tpu.vector_load %arg16[%swap3A_621, %swap3A_622] {strides = array<i32>} : memref<80x128xf32, #tpu.memory_space<vmem>>, vector<16xf32>,
          tpu.vector_store %arg16[%swap3A_621, %swap3A_622], %mul3A_620 {strides = array<i32>} : memref<80x128xf32, #tpu.memory_space<vmem>>, vector<16xf32>,
          %broadcast_in_dim3A_624 = arith.constant 12 : i32
          %broadcast_in_dim3A_625 = vector.broadcast %broadcast_in_dim3A_624 : i32 to vector<16x1xi32>
          %gather3A_626 = vector.shape_cast %broadcast_in_dim3A_625 : vector<16x1xi32> to vector<16xi32>
          %gather3A_627 = tpu.dynamic_gather %gather3A_479[%gather3A_626] in [0] : vector<16xf32>, vector<16xi32> -> vector<16xf32>
          %get3A_628 = arith.index_cast %add3A_579 : i32 to index
          %get3A_629 = arith.constant 64 : index
          %get3A_630 = tpu.vector_load %arg16[%get3A_628, %get3A_629] {strides = array<i32>} : memref<80x128xf32, #tpu.memory_space<vmem>>, vector<16xf32>,
          %mul3A_631 = arith.mulf %get3A_630, %gather3A_627 : vector<16xf32>
          %swap3A_632 = arith.index_cast %add3A_579 : i32 to index
          %swap3A_633 = arith.constant 64 : index
          %swap3A_634 = tpu.vector_load %arg16[%swap3A_632, %swap3A_633] {strides = array<i32>} : memref<80x128xf32, #tpu.memory_space<vmem>>, vector<16xf32>,
          tpu.vector_store %arg16[%swap3A_632, %swap3A_633], %mul3A_631 {strides = array<i32>} : memref<80x128xf32, #tpu.memory_space<vmem>>, vector<16xf32>,
          %broadcast_in_dim3A_635 = arith.constant 13 : i32
          %broadcast_in_dim3A_636 = vector.broadcast %broadcast_in_dim3A_635 : i32 to vector<16x1xi32>
          %gather3A_637 = vector.shape_cast %broadcast_in_dim3A_636 : vector<16x1xi32> to vector<16xi32>
          %gather3A_638 = tpu.dynamic_gather %gather3A_479[%gather3A_637] in [0] : vector<16xf32>, vector<16xi32> -> vector<16xf32>
          %get3A_639 = arith.index_cast %add3A_579 : i32 to index
          %get3A_640 = arith.constant 80 : index
          %get3A_641 = tpu.vector_load %arg16[%get3A_639, %get3A_640] {strides = array<i32>} : memref<80x128xf32, #tpu.memory_space<vmem>>, vector<16xf32>,
          %mul3A_642 = arith.mulf %get3A_641, %gather3A_638 : vector<16xf32>
          %swap3A_643 = arith.index_cast %add3A_579 : i32 to index
          %swap3A_644 = arith.constant 80 : index
          %swap3A_645 = tpu.vector_load %arg16[%swap3A_643, %swap3A_644] {strides = array<i32>} : memref<80x128xf32, #tpu.memory_space<vmem>>, vector<16xf32>,
          tpu.vector_store %arg16[%swap3A_643, %swap3A_644], %mul3A_642 {strides = array<i32>} : memref<80x128xf32, #tpu.memory_space<vmem>>, vector<16xf32>,
          %broadcast_in_dim3A_646 = arith.constant 14 : i32
          %broadcast_in_dim3A_647 = vector.broadcast %broadcast_in_dim3A_646 : i32 to vector<16x1xi32>
          %gather3A_648 = vector.shape_cast %broadcast_in_dim3A_647 : vector<16x1xi32> to vector<16xi32>
          %gather3A_649 = tpu.dynamic_gather %gather3A_479[%gather3A_648] in [0] : vector<16xf32>, vector<16xi32> -> vector<16xf32>
          %get3A_650 = arith.index_cast %add3A_579 : i32 to index
          %get3A_651 = arith.constant 96 : index
          %get3A_652 = tpu.vector_load %arg16[%get3A_650, %get3A_651] {strides = array<i32>} : memref<80x128xf32, #tpu.memory_space<vmem>>, vector<16xf32>,
          %mul3A_653 = arith.mulf %get3A_652, %gather3A_649 : vector<16xf32>
          %swap3A_654 = arith.index_cast %add3A_579 : i32 to index
          %swap3A_655 = arith.constant 96 : index
          %swap3A_656 = tpu.vector_load %arg16[%swap3A_654, %swap3A_655] {strides = array<i32>} : memref<80x128xf32, #tpu.memory_space<vmem>>, vector<16xf32>,
          tpu.vector_store %arg16[%swap3A_654, %swap3A_655], %mul3A_653 {strides = array<i32>} : memref<80x128xf32, #tpu.memory_space<vmem>>, vector<16xf32>,
          %broadcast_in_dim3A_657 = arith.constant 15 : i32
          %broadcast_in_dim3A_658 = vector.broadcast %broadcast_in_dim3A_657 : i32 to vector<16x1xi32>
          %gather3A_659 = vector.shape_cast %broadcast_in_dim3A_658 : vector<16x1xi32> to vector<16xi32>
          %gather3A_660 = tpu.dynamic_gather %gather3A_479[%gather3A_659] in [0] : vector<16xf32>, vector<16xi32> -> vector<16xf32>
          %get3A_661 = arith.index_cast %add3A_579 : i32 to index
          %get3A_662 = arith.constant 112 : index
          %get3A_663 = tpu.vector_load %arg16[%get3A_661, %get3A_662] {strides = array<i32>} : memref<80x128xf32, #tpu.memory_space<vmem>>, vector<16xf32>,
          %mul3A_664 = arith.mulf %get3A_663, %gather3A_660 : vector<16xf32>
          %swap3A_665 = arith.index_cast %add3A_579 : i32 to index
          %swap3A_666 = arith.constant 112 : index
          %swap3A_667 = tpu.vector_load %arg16[%swap3A_665, %swap3A_666] {strides = array<i32>} : memref<80x128xf32, #tpu.memory_space<vmem>>, vector<16xf32>,
          tpu.vector_store %arg16[%swap3A_665, %swap3A_666], %mul3A_664 {strides = array<i32>} : memref<80x128xf32, #tpu.memory_space<vmem>>, vector<16xf32>,
        }
        %scan3A_258 = arith.constant 20 : i32
        %dma_start3A_259 = arith.constant 0 : i32
        %dma_start3A_260 = arith.constant 0 : i32
        %dma_start3A_261 = tpu.memref_slice %arg29[%dma_start3A_259, %dma_start3A_260] : memref<10000x128xf32, #tpu.memory_space<vmem_shared>> -> memref<10000x128xf32, #tpu.memory_space<vmem_shared>>
        tpu.enqueue_indirect_dma source(%arg16 : memref<80x128xf32, #tpu.memory_space<vmem>>) target(%dma_start3A_261 : memref<10000x128xf32, #tpu.memory_space<vmem_shared>>) offsets(%arg13 : memref<80xi32, #tpu.memory_space<vmem>>) semaphore(%arg33 : memref<!tpu.dma_semaphore, #tpu.memory_space<semaphore_mem>>) {add = true}
        %lt3A_262 = arith.constant 62 : i32
        %lt3A_263 = arith.cmpi slt, %scan3A_221, %lt3A_262 : i32
        %convert_element_type3A_264 = arith.extui %lt3A_263 : i1 to i32
        %cond3A_265 = arith.constant 0 : i32
        %cond3A_266 = arith.cmpi ne, %convert_element_type3A_264, %cond3A_265 : i32
        scf.if %cond3A_266 {
          %add3A_277 = arith.constant 2 : i32
          %add3A_278 = arith.addi %mul3A_223, %add3A_277 : i32
          %mul3A_279 = arith.constant 10000 : i32
          %mul3A_280 = arith.muli %arg1, %mul3A_279 : i32
          %mul3A_281 = arith.constant 80 : i32
          %mul3A_282 = arith.muli %add3A_278, %mul3A_281 : i32
          %add3A_283 = arith.addi %mul3A_280, %mul3A_282 : i32
          %dma_start3A_284 = arith.constant 0 : i32
          %dma_start3A_285 = tpu.memref_slice %arg6[%dma_start3A_284, %add3A_283] : memref<2x160000xi32, #tpu.memory_space<hbm>> -> memref<2x80xi32, #tpu.memory_space<hbm>>
          %dma_start3A_286 = arith.constant 0 : i32
          %dma_start3A_287 = tpu.memref_slice %arg6[%dma_start3A_286, %add3A_283] : memref<2x160000xi32, #tpu.memory_space<hbm>> -> memref<2x80xi32, #tpu.memory_space<hbm>>
          tpu.enqueue_dma source(%dma_start3A_287 : memref<2x80xi32, #tpu.memory_space<hbm>>) target(%arg10 : memref<2x80xi32, #tpu.memory_space<vmem>>) target_semaphore(%arg34 : memref<!tpu.dma_semaphore, #tpu.memory_space<semaphore_mem>>)
        } else {
        }
        %lt3A_267 = arith.constant 125 : i32
        %lt3A_268 = arith.cmpi slt, %add3A_225, %lt3A_267 : i32
        %convert_element_type3A_269 = arith.extui %lt3A_268 : i1 to i32
        %cond3A_270 = arith.constant 0 : i32
        %cond3A_271 = arith.cmpi ne, %convert_element_type3A_269, %cond3A_270 : i32
        scf.if %cond3A_271 {
          %dma_wait3A_277 = arith.constant 0 : i32
          %dma_wait3A_278 = arith.constant 0 : i32
          %dma_wait3A_279 = tpu.memref_slice %arg2[%dma_wait3A_277, %dma_wait3A_278] : memref<20000x8xf32, #tpu.memory_space<hbm>> -> memref<20000x8xf32, #tpu.memory_space<hbm>>
          tpu.wait_indirect_dma semaphore(%arg35 : memref<!tpu.dma_semaphore, #tpu.memory_space<semaphore_mem>>) src(%dma_wait3A_279 : memref<20000x8xf32, #tpu.memory_space<hbm>>) dst(%arg22 : memref<80x8xf32, #tpu.memory_space<vmem>>)
          %dma_wait3A_280 = arith.constant 0 : i32
          %dma_wait3A_281 = arith.constant 0 : i32
          %dma_wait3A_282 = tpu.memref_slice %arg3[%dma_wait3A_280, %dma_wait3A_281] : memref<20000x8xf32, #tpu.memory_space<hbm>> -> memref<20000x8xf32, #tpu.memory_space<hbm>>
          tpu.wait_indirect_dma semaphore(%arg35 : memref<!tpu.dma_semaphore, #tpu.memory_space<semaphore_mem>>) src(%dma_wait3A_282 : memref<20000x8xf32, #tpu.memory_space<hbm>>) dst(%arg23 : memref<80x8xf32, #tpu.memory_space<vmem>>)
          %scan3A_283 = arith.constant 0 : i32
          %scan3A_284 = arith.constant 0 : i32
          %scan3A_285 = arith.constant 10 : i32
          %scan3A_286 = arith.addi %scan3A_284, %scan3A_285 : i32
          %scan3A_287 = arith.constant 1 : i32
          scf.for %scan3A_311 = %scan3A_284 to %scan3A_286 step %scan3A_287  : i32 {
            %mul3A_312 = arith.constant 8 : i32
            %mul3A_313 = arith.muli %mul3A_312, %scan3A_311 : i32
            %add3A_314 = arith.constant 0 : i32
            %add3A_315 = arith.addi %mul3A_313, %add3A_314 : i32
            %add3A_316 = vector.broadcast %add3A_315 : i32 to vector<16xi32>
            %add3A_317 = arith.addi %add3A_316, %select_n3A_41 : vector<16xi32>
            %gather3A_318 = tpu.vector_load_idx %arg22[%add3A_317, %select_n3A_13] : memref<80x8xf32, #tpu.memory_space<vmem>>[vector<16xi32>, vector<16xi32>], vector<16xf32>,
            %gather3A_319 = tpu.vector_load_idx %arg23[%add3A_317, %select_n3A_13] : memref<80x8xf32, #tpu.memory_space<vmem>>[vector<16xi32>, vector<16xi32>], vector<16xf32>,
            %add3A_320 = arith.addf %gather3A_318, %gather3A_319 : vector<16xf32>
            %add3A_321 = arith.addf %add3A_320, %gather3A_42 : vector<16xf32>
            %ge3A_322 = arith.constant 0.000000e+00 : f32
            %ge3A_323 = vector.broadcast %ge3A_322 : f32 to vector<16xf32>
            %ge3A_324 = arith.cmpf oge, %add3A_321, %ge3A_323 : vector<16xf32>
            %mul3A_325 = arith.constant 2.000000e-01 : f32
            %mul3A_326 = vector.broadcast %mul3A_325 : f32 to vector<16xf32>
            %mul3A_327 = arith.mulf %mul3A_326, %add3A_321 : vector<16xf32>
            %select_n3A_328 = arith.select %ge3A_324, %add3A_321, %mul3A_327 : vector<16xi1>, vector<16xf32>
            %sub3A_329 = arith.subf %select_n3A_328, %gather3A : vector<16xf32>
            %exp3A = math.exp %sub3A_329 : vector<16xf32>
            tpu.vector_store_idx %arg25[%add3A_317, %select_n3A_13], %exp3A : memref<80x8xf32, #tpu.memory_space<vmem>>[vector<16xi32>, vector<16xi32>], vector<16xf32>,
            %mul3A_330 = arith.constant 8 : i32
            %mul3A_331 = arith.muli %mul3A_330, %scan3A_311 : i32
            %add3A_332 = arith.constant 2 : i32
            %add3A_333 = arith.addi %mul3A_331, %add3A_332 : i32
            %add3A_334 = vector.broadcast %add3A_333 : i32 to vector<16xi32>
            %add3A_335 = arith.addi %add3A_334, %select_n3A_41 : vector<16xi32>
            %gather3A_336 = tpu.vector_load_idx %arg22[%add3A_335, %select_n3A_13] : memref<80x8xf32, #tpu.memory_space<vmem>>[vector<16xi32>, vector<16xi32>], vector<16xf32>,
            %gather3A_337 = tpu.vector_load_idx %arg23[%add3A_335, %select_n3A_13] : memref<80x8xf32, #tpu.memory_space<vmem>>[vector<16xi32>, vector<16xi32>], vector<16xf32>,
            %add3A_338 = arith.addf %gather3A_336, %gather3A_337 : vector<16xf32>
            %add3A_339 = arith.addf %add3A_338, %gather3A_42 : vector<16xf32>
            %ge3A_340 = arith.constant 0.000000e+00 : f32
            %ge3A_341 = vector.broadcast %ge3A_340 : f32 to vector<16xf32>
            %ge3A_342 = arith.cmpf oge, %add3A_339, %ge3A_341 : vector<16xf32>
            %mul3A_343 = arith.constant 2.000000e-01 : f32
            %mul3A_344 = vector.broadcast %mul3A_343 : f32 to vector<16xf32>
            %mul3A_345 = arith.mulf %mul3A_344, %add3A_339 : vector<16xf32>
            %select_n3A_346 = arith.select %ge3A_342, %add3A_339, %mul3A_345 : vector<16xi1>, vector<16xf32>
            %sub3A_347 = arith.subf %select_n3A_346, %gather3A : vector<16xf32>
            %exp3A_348 = math.exp %sub3A_347 : vector<16xf32>
            tpu.vector_store_idx %arg25[%add3A_335, %select_n3A_13], %exp3A_348 : memref<80x8xf32, #tpu.memory_space<vmem>>[vector<16xi32>, vector<16xi32>], vector<16xf32>,
            %mul3A_349 = arith.constant 8 : i32
            %mul3A_350 = arith.muli %mul3A_349, %scan3A_311 : i32
            %add3A_351 = arith.constant 4 : i32
            %add3A_352 = arith.addi %mul3A_350, %add3A_351 : i32
            %add3A_353 = vector.broadcast %add3A_352 : i32 to vector<16xi32>
            %add3A_354 = arith.addi %add3A_353, %select_n3A_41 : vector<16xi32>
            %gather3A_355 = tpu.vector_load_idx %arg22[%add3A_354, %select_n3A_13] : memref<80x8xf32, #tpu.memory_space<vmem>>[vector<16xi32>, vector<16xi32>], vector<16xf32>,
            %gather3A_356 = tpu.vector_load_idx %arg23[%add3A_354, %select_n3A_13] : memref<80x8xf32, #tpu.memory_space<vmem>>[vector<16xi32>, vector<16xi32>], vector<16xf32>,
            %add3A_357 = arith.addf %gather3A_355, %gather3A_356 : vector<16xf32>
            %add3A_358 = arith.addf %add3A_357, %gather3A_42 : vector<16xf32>
            %ge3A_359 = arith.constant 0.000000e+00 : f32
            %ge3A_360 = vector.broadcast %ge3A_359 : f32 to vector<16xf32>
            %ge3A_361 = arith.cmpf oge, %add3A_358, %ge3A_360 : vector<16xf32>
            %mul3A_362 = arith.constant 2.000000e-01 : f32
            %mul3A_363 = vector.broadcast %mul3A_362 : f32 to vector<16xf32>
            %mul3A_364 = arith.mulf %mul3A_363, %add3A_358 : vector<16xf32>
            %select_n3A_365 = arith.select %ge3A_361, %add3A_358, %mul3A_364 : vector<16xi1>, vector<16xf32>
            %sub3A_366 = arith.subf %select_n3A_365, %gather3A : vector<16xf32>
            %exp3A_367 = math.exp %sub3A_366 : vector<16xf32>
            tpu.vector_store_idx %arg25[%add3A_354, %select_n3A_13], %exp3A_367 : memref<80x8xf32, #tpu.memory_space<vmem>>[vector<16xi32>, vector<16xi32>], vector<16xf32>,
            %mul3A_368 = arith.constant 8 : i32
            %mul3A_369 = arith.muli %mul3A_368, %scan3A_311 : i32
            %add3A_370 = arith.constant 6 : i32
            %add3A_371 = arith.addi %mul3A_369, %add3A_370 : i32
            %add3A_372 = vector.broadcast %add3A_371 : i32 to vector<16xi32>
            %add3A_373 = arith.addi %add3A_372, %select_n3A_41 : vector<16xi32>
            %gather3A_374 = tpu.vector_load_idx %arg22[%add3A_373, %select_n3A_13] : memref<80x8xf32, #tpu.memory_space<vmem>>[vector<16xi32>, vector<16xi32>], vector<16xf32>,
            %gather3A_375 = tpu.vector_load_idx %arg23[%add3A_373, %select_n3A_13] : memref<80x8xf32, #tpu.memory_space<vmem>>[vector<16xi32>, vector<16xi32>], vector<16xf32>,
            %add3A_376 = arith.addf %gather3A_374, %gather3A_375 : vector<16xf32>
            %add3A_377 = arith.addf %add3A_376, %gather3A_42 : vector<16xf32>
            %ge3A_378 = arith.constant 0.000000e+00 : f32
            %ge3A_379 = vector.broadcast %ge3A_378 : f32 to vector<16xf32>
            %ge3A_380 = arith.cmpf oge, %add3A_377, %ge3A_379 : vector<16xf32>
            %mul3A_381 = arith.constant 2.000000e-01 : f32
            %mul3A_382 = vector.broadcast %mul3A_381 : f32 to vector<16xf32>
            %mul3A_383 = arith.mulf %mul3A_382, %add3A_377 : vector<16xf32>
            %select_n3A_384 = arith.select %ge3A_380, %add3A_377, %mul3A_383 : vector<16xi1>, vector<16xf32>
            %sub3A_385 = arith.subf %select_n3A_384, %gather3A : vector<16xf32>
            %exp3A_386 = math.exp %sub3A_385 : vector<16xf32>
            tpu.vector_store_idx %arg25[%add3A_373, %select_n3A_13], %exp3A_386 : memref<80x8xf32, #tpu.memory_space<vmem>>[vector<16xi32>, vector<16xi32>], vector<16xf32>,
          }
          %scan3A_288 = arith.constant 10 : i32
          %dma_start3A_289 = arith.constant 0 : i32
          %dma_start3A_290 = arith.constant 0 : i32
          %dma_start3A_291 = tpu.memref_slice %arg30[%dma_start3A_289, %dma_start3A_290] : memref<10000x8xf32, #tpu.memory_space<vmem_shared>> -> memref<10000x8xf32, #tpu.memory_space<vmem_shared>>
          tpu.enqueue_indirect_dma source(%arg25 : memref<80x8xf32, #tpu.memory_space<vmem>>) target(%dma_start3A_291 : memref<10000x8xf32, #tpu.memory_space<vmem_shared>>) offsets(%arg21 : memref<80xi32, #tpu.memory_space<vmem>>) semaphore(%arg37 : memref<!tpu.dma_semaphore, #tpu.memory_space<semaphore_mem>>) {add = true}
          %dma_wait3A_292 = arith.constant 0 : i32
          %dma_wait3A_293 = arith.constant 0 : i32
          %dma_wait3A_294 = tpu.memref_slice %arg4[%dma_wait3A_292, %dma_wait3A_293] : memref<20000x128xf32, #tpu.memory_space<hbm>> -> memref<20000x128xf32, #tpu.memory_space<hbm>>
          tpu.wait_indirect_dma semaphore(%arg36 : memref<!tpu.dma_semaphore, #tpu.memory_space<semaphore_mem>>) src(%dma_wait3A_294 : memref<20000x128xf32, #tpu.memory_space<hbm>>) dst(%arg24 : memref<80x128xf32, #tpu.memory_space<vmem>>)
          %scan3A_295 = arith.constant 0 : i32
          %scan3A_296 = arith.constant 0 : i32
          %scan3A_297 = arith.constant 20 : i32
          %scan3A_298 = arith.addi %scan3A_296, %scan3A_297 : i32
          %scan3A_299 = arith.constant 1 : i32
          scf.for %scan3A_311 = %scan3A_296 to %scan3A_298 step %scan3A_299  : i32 {
            %mul3A_312 = arith.constant 4 : i32
            %mul3A_313 = arith.muli %mul3A_312, %scan3A_311 : i32
            %add3A_314 = arith.constant 0 : i32
            %add3A_315 = arith.addi %mul3A_313, %add3A_314 : i32
            %add3A_316 = vector.broadcast %add3A_315 : i32 to vector<16xi32>
            %add3A_317 = arith.addi %add3A_316, %select_n3A_41 : vector<16xi32>
            %gather3A_318 = tpu.vector_load_idx %arg25[%add3A_317, %select_n3A_13] : memref<80x8xf32, #tpu.memory_space<vmem>>[vector<16xi32>, vector<16xi32>], vector<16xf32>,
            %mul3A_319 = arith.constant 4 : i32
            %mul3A_320 = arith.muli %mul3A_319, %scan3A_311 : i32
            %add3A_321 = arith.constant 0 : i32
            %add3A_322 = arith.addi %mul3A_320, %add3A_321 : i32
            %add3A_323 = arith.constant 0 : i32
            %add3A_324 = arith.addi %add3A_322, %add3A_323 : i32
            %broadcast_in_dim3A_325 = arith.constant 0 : i32
            %broadcast_in_dim3A_326 = vector.broadcast %broadcast_in_dim3A_325 : i32 to vector<16x1xi32>
            %gather3A_327 = vector.shape_cast %broadcast_in_dim3A_326 : vector<16x1xi32> to vector<16xi32>
            %gather3A_328 = tpu.dynamic_gather %gather3A_318[%gather3A_327] in [0] : vector<16xf32>, vector<16xi32> -> vector<16xf32>
            %get3A_329 = arith.index_cast %add3A_324 : i32 to index
            %get3A_330 = arith.constant 0 : index
            %get3A_331 = tpu.vector_load %arg24[%get3A_329, %get3A_330] {strides = array<i32>} : memref<80x128xf32, #tpu.memory_space<vmem>>, vector<16xf32>,
            %mul3A_332 = arith.mulf %get3A_331, %gather3A_328 : vector<16xf32>
            %swap3A_333 = arith.index_cast %add3A_324 : i32 to index
            %swap3A_334 = arith.constant 0 : index
            %swap3A_335 = tpu.vector_load %arg24[%swap3A_333, %swap3A_334] {strides = array<i32>} : memref<80x128xf32, #tpu.memory_space<vmem>>, vector<16xf32>,
            tpu.vector_store %arg24[%swap3A_333, %swap3A_334], %mul3A_332 {strides = array<i32>} : memref<80x128xf32, #tpu.memory_space<vmem>>, vector<16xf32>,
            %broadcast_in_dim3A_336 = arith.constant 1 : i32
            %broadcast_in_dim3A_337 = vector.broadcast %broadcast_in_dim3A_336 : i32 to vector<16x1xi32>
            %gather3A_338 = vector.shape_cast %broadcast_in_dim3A_337 : vector<16x1xi32> to vector<16xi32>
            %gather3A_339 = tpu.dynamic_gather %gather3A_318[%gather3A_338] in [0] : vector<16xf32>, vector<16xi32> -> vector<16xf32>
            %get3A_340 = arith.index_cast %add3A_324 : i32 to index
            %get3A_341 = arith.constant 16 : index
            %get3A_342 = tpu.vector_load %arg24[%get3A_340, %get3A_341] {strides = array<i32>} : memref<80x128xf32, #tpu.memory_space<vmem>>, vector<16xf32>,
            %mul3A_343 = arith.mulf %get3A_342, %gather3A_339 : vector<16xf32>
            %swap3A_344 = arith.index_cast %add3A_324 : i32 to index
            %swap3A_345 = arith.constant 16 : index
            %swap3A_346 = tpu.vector_load %arg24[%swap3A_344, %swap3A_345] {strides = array<i32>} : memref<80x128xf32, #tpu.memory_space<vmem>>, vector<16xf32>,
            tpu.vector_store %arg24[%swap3A_344, %swap3A_345], %mul3A_343 {strides = array<i32>} : memref<80x128xf32, #tpu.memory_space<vmem>>, vector<16xf32>,
            %broadcast_in_dim3A_347 = arith.constant 2 : i32
            %broadcast_in_dim3A_348 = vector.broadcast %broadcast_in_dim3A_347 : i32 to vector<16x1xi32>
            %gather3A_349 = vector.shape_cast %broadcast_in_dim3A_348 : vector<16x1xi32> to vector<16xi32>
            %gather3A_350 = tpu.dynamic_gather %gather3A_318[%gather3A_349] in [0] : vector<16xf32>, vector<16xi32> -> vector<16xf32>
            %get3A_351 = arith.index_cast %add3A_324 : i32 to index
            %get3A_352 = arith.constant 32 : index
            %get3A_353 = tpu.vector_load %arg24[%get3A_351, %get3A_352] {strides = array<i32>} : memref<80x128xf32, #tpu.memory_space<vmem>>, vector<16xf32>,
            %mul3A_354 = arith.mulf %get3A_353, %gather3A_350 : vector<16xf32>
            %swap3A_355 = arith.index_cast %add3A_324 : i32 to index
            %swap3A_356 = arith.constant 32 : index
            %swap3A_357 = tpu.vector_load %arg24[%swap3A_355, %swap3A_356] {strides = array<i32>} : memref<80x128xf32, #tpu.memory_space<vmem>>, vector<16xf32>,
            tpu.vector_store %arg24[%swap3A_355, %swap3A_356], %mul3A_354 {strides = array<i32>} : memref<80x128xf32, #tpu.memory_space<vmem>>, vector<16xf32>,
            %broadcast_in_dim3A_358 = arith.constant 3 : i32
            %broadcast_in_dim3A_359 = vector.broadcast %broadcast_in_dim3A_358 : i32 to vector<16x1xi32>
            %gather3A_360 = vector.shape_cast %broadcast_in_dim3A_359 : vector<16x1xi32> to vector<16xi32>
            %gather3A_361 = tpu.dynamic_gather %gather3A_318[%gather3A_360] in [0] : vector<16xf32>, vector<16xi32> -> vector<16xf32>
            %get3A_362 = arith.index_cast %add3A_324 : i32 to index
            %get3A_363 = arith.constant 48 : index
            %get3A_364 = tpu.vector_load %arg24[%get3A_362, %get3A_363] {strides = array<i32>} : memref<80x128xf32, #tpu.memory_space<vmem>>, vector<16xf32>,
            %mul3A_365 = arith.mulf %get3A_364, %gather3A_361 : vector<16xf32>
            %swap3A_366 = arith.index_cast %add3A_324 : i32 to index
            %swap3A_367 = arith.constant 48 : index
            %swap3A_368 = tpu.vector_load %arg24[%swap3A_366, %swap3A_367] {strides = array<i32>} : memref<80x128xf32, #tpu.memory_space<vmem>>, vector<16xf32>,
            tpu.vector_store %arg24[%swap3A_366, %swap3A_367], %mul3A_365 {strides = array<i32>} : memref<80x128xf32, #tpu.memory_space<vmem>>, vector<16xf32>,
            %broadcast_in_dim3A_369 = arith.constant 4 : i32
            %broadcast_in_dim3A_370 = vector.broadcast %broadcast_in_dim3A_369 : i32 to vector<16x1xi32>
            %gather3A_371 = vector.shape_cast %broadcast_in_dim3A_370 : vector<16x1xi32> to vector<16xi32>
            %gather3A_372 = tpu.dynamic_gather %gather3A_318[%gather3A_371] in [0] : vector<16xf32>, vector<16xi32> -> vector<16xf32>
            %get3A_373 = arith.index_cast %add3A_324 : i32 to index
            %get3A_374 = arith.constant 64 : index
            %get3A_375 = tpu.vector_load %arg24[%get3A_373, %get3A_374] {strides = array<i32>} : memref<80x128xf32, #tpu.memory_space<vmem>>, vector<16xf32>,
            %mul3A_376 = arith.mulf %get3A_375, %gather3A_372 : vector<16xf32>
            %swap3A_377 = arith.index_cast %add3A_324 : i32 to index
            %swap3A_378 = arith.constant 64 : index
            %swap3A_379 = tpu.vector_load %arg24[%swap3A_377, %swap3A_378] {strides = array<i32>} : memref<80x128xf32, #tpu.memory_space<vmem>>, vector<16xf32>,
            tpu.vector_store %arg24[%swap3A_377, %swap3A_378], %mul3A_376 {strides = array<i32>} : memref<80x128xf32, #tpu.memory_space<vmem>>, vector<16xf32>,
            %broadcast_in_dim3A_380 = arith.constant 5 : i32
            %broadcast_in_dim3A_381 = vector.broadcast %broadcast_in_dim3A_380 : i32 to vector<16x1xi32>
            %gather3A_382 = vector.shape_cast %broadcast_in_dim3A_381 : vector<16x1xi32> to vector<16xi32>
            %gather3A_383 = tpu.dynamic_gather %gather3A_318[%gather3A_382] in [0] : vector<16xf32>, vector<16xi32> -> vector<16xf32>
            %get3A_384 = arith.index_cast %add3A_324 : i32 to index
            %get3A_385 = arith.constant 80 : index
            %get3A_386 = tpu.vector_load %arg24[%get3A_384, %get3A_385] {strides = array<i32>} : memref<80x128xf32, #tpu.memory_space<vmem>>, vector<16xf32>,
            %mul3A_387 = arith.mulf %get3A_386, %gather3A_383 : vector<16xf32>
            %swap3A_388 = arith.index_cast %add3A_324 : i32 to index
            %swap3A_389 = arith.constant 80 : index
            %swap3A_390 = tpu.vector_load %arg24[%swap3A_388, %swap3A_389] {strides = array<i32>} : memref<80x128xf32, #tpu.memory_space<vmem>>, vector<16xf32>,
            tpu.vector_store %arg24[%swap3A_388, %swap3A_389], %mul3A_387 {strides = array<i32>} : memref<80x128xf32, #tpu.memory_space<vmem>>, vector<16xf32>,
            %broadcast_in_dim3A_391 = arith.constant 6 : i32
            %broadcast_in_dim3A_392 = vector.broadcast %broadcast_in_dim3A_391 : i32 to vector<16x1xi32>
            %gather3A_393 = vector.shape_cast %broadcast_in_dim3A_392 : vector<16x1xi32> to vector<16xi32>
            %gather3A_394 = tpu.dynamic_gather %gather3A_318[%gather3A_393] in [0] : vector<16xf32>, vector<16xi32> -> vector<16xf32>
            %get3A_395 = arith.index_cast %add3A_324 : i32 to index
            %get3A_396 = arith.constant 96 : index
            %get3A_397 = tpu.vector_load %arg24[%get3A_395, %get3A_396] {strides = array<i32>} : memref<80x128xf32, #tpu.memory_space<vmem>>, vector<16xf32>,
            %mul3A_398 = arith.mulf %get3A_397, %gather3A_394 : vector<16xf32>
            %swap3A_399 = arith.index_cast %add3A_324 : i32 to index
            %swap3A_400 = arith.constant 96 : index
            %swap3A_401 = tpu.vector_load %arg24[%swap3A_399, %swap3A_400] {strides = array<i32>} : memref<80x128xf32, #tpu.memory_space<vmem>>, vector<16xf32>,
            tpu.vector_store %arg24[%swap3A_399, %swap3A_400], %mul3A_398 {strides = array<i32>} : memref<80x128xf32, #tpu.memory_space<vmem>>, vector<16xf32>,
            %broadcast_in_dim3A_402 = arith.constant 7 : i32
            %broadcast_in_dim3A_403 = vector.broadcast %broadcast_in_dim3A_402 : i32 to vector<16x1xi32>
            %gather3A_404 = vector.shape_cast %broadcast_in_dim3A_403 : vector<16x1xi32> to vector<16xi32>
            %gather3A_405 = tpu.dynamic_gather %gather3A_318[%gather3A_404] in [0] : vector<16xf32>, vector<16xi32> -> vector<16xf32>
            %get3A_406 = arith.index_cast %add3A_324 : i32 to index
            %get3A_407 = arith.constant 112 : index
            %get3A_408 = tpu.vector_load %arg24[%get3A_406, %get3A_407] {strides = array<i32>} : memref<80x128xf32, #tpu.memory_space<vmem>>, vector<16xf32>,
            %mul3A_409 = arith.mulf %get3A_408, %gather3A_405 : vector<16xf32>
            %swap3A_410 = arith.index_cast %add3A_324 : i32 to index
            %swap3A_411 = arith.constant 112 : index
            %swap3A_412 = tpu.vector_load %arg24[%swap3A_410, %swap3A_411] {strides = array<i32>} : memref<80x128xf32, #tpu.memory_space<vmem>>, vector<16xf32>,
            tpu.vector_store %arg24[%swap3A_410, %swap3A_411], %mul3A_409 {strides = array<i32>} : memref<80x128xf32, #tpu.memory_space<vmem>>, vector<16xf32>,
            %mul3A_413 = arith.constant 4 : i32
            %mul3A_414 = arith.muli %mul3A_413, %scan3A_311 : i32
            %add3A_415 = arith.constant 0 : i32
            %add3A_416 = arith.addi %mul3A_414, %add3A_415 : i32
            %add3A_417 = arith.constant 1 : i32
            %add3A_418 = arith.addi %add3A_416, %add3A_417 : i32
            %broadcast_in_dim3A_419 = arith.constant 8 : i32
            %broadcast_in_dim3A_420 = vector.broadcast %broadcast_in_dim3A_419 : i32 to vector<16x1xi32>
            %gather3A_421 = vector.shape_cast %broadcast_in_dim3A_420 : vector<16x1xi32> to vector<16xi32>
            %gather3A_422 = tpu.dynamic_gather %gather3A_318[%gather3A_421] in [0] : vector<16xf32>, vector<16xi32> -> vector<16xf32>
            %get3A_423 = arith.index_cast %add3A_418 : i32 to index
            %get3A_424 = arith.constant 0 : index
            %get3A_425 = tpu.vector_load %arg24[%get3A_423, %get3A_424] {strides = array<i32>} : memref<80x128xf32, #tpu.memory_space<vmem>>, vector<16xf32>,
            %mul3A_426 = arith.mulf %get3A_425, %gather3A_422 : vector<16xf32>
            %swap3A_427 = arith.index_cast %add3A_418 : i32 to index
            %swap3A_428 = arith.constant 0 : index
            %swap3A_429 = tpu.vector_load %arg24[%swap3A_427, %swap3A_428] {strides = array<i32>} : memref<80x128xf32, #tpu.memory_space<vmem>>, vector<16xf32>,
            tpu.vector_store %arg24[%swap3A_427, %swap3A_428], %mul3A_426 {strides = array<i32>} : memref<80x128xf32, #tpu.memory_space<vmem>>, vector<16xf32>,
            %broadcast_in_dim3A_430 = arith.constant 9 : i32
            %broadcast_in_dim3A_431 = vector.broadcast %broadcast_in_dim3A_430 : i32 to vector<16x1xi32>
            %gather3A_432 = vector.shape_cast %broadcast_in_dim3A_431 : vector<16x1xi32> to vector<16xi32>
            %gather3A_433 = tpu.dynamic_gather %gather3A_318[%gather3A_432] in [0] : vector<16xf32>, vector<16xi32> -> vector<16xf32>
            %get3A_434 = arith.index_cast %add3A_418 : i32 to index
            %get3A_435 = arith.constant 16 : index
            %get3A_436 = tpu.vector_load %arg24[%get3A_434, %get3A_435] {strides = array<i32>} : memref<80x128xf32, #tpu.memory_space<vmem>>, vector<16xf32>,
            %mul3A_437 = arith.mulf %get3A_436, %gather3A_433 : vector<16xf32>
            %swap3A_438 = arith.index_cast %add3A_418 : i32 to index
            %swap3A_439 = arith.constant 16 : index
            %swap3A_440 = tpu.vector_load %arg24[%swap3A_438, %swap3A_439] {strides = array<i32>} : memref<80x128xf32, #tpu.memory_space<vmem>>, vector<16xf32>,
            tpu.vector_store %arg24[%swap3A_438, %swap3A_439], %mul3A_437 {strides = array<i32>} : memref<80x128xf32, #tpu.memory_space<vmem>>, vector<16xf32>,
            %broadcast_in_dim3A_441 = arith.constant 10 : i32
            %broadcast_in_dim3A_442 = vector.broadcast %broadcast_in_dim3A_441 : i32 to vector<16x1xi32>
            %gather3A_443 = vector.shape_cast %broadcast_in_dim3A_442 : vector<16x1xi32> to vector<16xi32>
            %gather3A_444 = tpu.dynamic_gather %gather3A_318[%gather3A_443] in [0] : vector<16xf32>, vector<16xi32> -> vector<16xf32>
            %get3A_445 = arith.index_cast %add3A_418 : i32 to index
            %get3A_446 = arith.constant 32 : index
            %get3A_447 = tpu.vector_load %arg24[%get3A_445, %get3A_446] {strides = array<i32>} : memref<80x128xf32, #tpu.memory_space<vmem>>, vector<16xf32>,
            %mul3A_448 = arith.mulf %get3A_447, %gather3A_444 : vector<16xf32>
            %swap3A_449 = arith.index_cast %add3A_418 : i32 to index
            %swap3A_450 = arith.constant 32 : index
            %swap3A_451 = tpu.vector_load %arg24[%swap3A_449, %swap3A_450] {strides = array<i32>} : memref<80x128xf32, #tpu.memory_space<vmem>>, vector<16xf32>,
            tpu.vector_store %arg24[%swap3A_449, %swap3A_450], %mul3A_448 {strides = array<i32>} : memref<80x128xf32, #tpu.memory_space<vmem>>, vector<16xf32>,
            %broadcast_in_dim3A_452 = arith.constant 11 : i32
            %broadcast_in_dim3A_453 = vector.broadcast %broadcast_in_dim3A_452 : i32 to vector<16x1xi32>
            %gather3A_454 = vector.shape_cast %broadcast_in_dim3A_453 : vector<16x1xi32> to vector<16xi32>
            %gather3A_455 = tpu.dynamic_gather %gather3A_318[%gather3A_454] in [0] : vector<16xf32>, vector<16xi32> -> vector<16xf32>
            %get3A_456 = arith.index_cast %add3A_418 : i32 to index
            %get3A_457 = arith.constant 48 : index
            %get3A_458 = tpu.vector_load %arg24[%get3A_456, %get3A_457] {strides = array<i32>} : memref<80x128xf32, #tpu.memory_space<vmem>>, vector<16xf32>,
            %mul3A_459 = arith.mulf %get3A_458, %gather3A_455 : vector<16xf32>
            %swap3A_460 = arith.index_cast %add3A_418 : i32 to index
            %swap3A_461 = arith.constant 48 : index
            %swap3A_462 = tpu.vector_load %arg24[%swap3A_460, %swap3A_461] {strides = array<i32>} : memref<80x128xf32, #tpu.memory_space<vmem>>, vector<16xf32>,
            tpu.vector_store %arg24[%swap3A_460, %swap3A_461], %mul3A_459 {strides = array<i32>} : memref<80x128xf32, #tpu.memory_space<vmem>>, vector<16xf32>,
            %broadcast_in_dim3A_463 = arith.constant 12 : i32
            %broadcast_in_dim3A_464 = vector.broadcast %broadcast_in_dim3A_463 : i32 to vector<16x1xi32>
            %gather3A_465 = vector.shape_cast %broadcast_in_dim3A_464 : vector<16x1xi32> to vector<16xi32>
            %gather3A_466 = tpu.dynamic_gather %gather3A_318[%gather3A_465] in [0] : vector<16xf32>, vector<16xi32> -> vector<16xf32>
            %get3A_467 = arith.index_cast %add3A_418 : i32 to index
            %get3A_468 = arith.constant 64 : index
            %get3A_469 = tpu.vector_load %arg24[%get3A_467, %get3A_468] {strides = array<i32>} : memref<80x128xf32, #tpu.memory_space<vmem>>, vector<16xf32>,
            %mul3A_470 = arith.mulf %get3A_469, %gather3A_466 : vector<16xf32>
            %swap3A_471 = arith.index_cast %add3A_418 : i32 to index
            %swap3A_472 = arith.constant 64 : index
            %swap3A_473 = tpu.vector_load %arg24[%swap3A_471, %swap3A_472] {strides = array<i32>} : memref<80x128xf32, #tpu.memory_space<vmem>>, vector<16xf32>,
            tpu.vector_store %arg24[%swap3A_471, %swap3A_472], %mul3A_470 {strides = array<i32>} : memref<80x128xf32, #tpu.memory_space<vmem>>, vector<16xf32>,
            %broadcast_in_dim3A_474 = arith.constant 13 : i32
            %broadcast_in_dim3A_475 = vector.broadcast %broadcast_in_dim3A_474 : i32 to vector<16x1xi32>
            %gather3A_476 = vector.shape_cast %broadcast_in_dim3A_475 : vector<16x1xi32> to vector<16xi32>
            %gather3A_477 = tpu.dynamic_gather %gather3A_318[%gather3A_476] in [0] : vector<16xf32>, vector<16xi32> -> vector<16xf32>
            %get3A_478 = arith.index_cast %add3A_418 : i32 to index
            %get3A_479 = arith.constant 80 : index
            %get3A_480 = tpu.vector_load %arg24[%get3A_478, %get3A_479] {strides = array<i32>} : memref<80x128xf32, #tpu.memory_space<vmem>>, vector<16xf32>,
            %mul3A_481 = arith.mulf %get3A_480, %gather3A_477 : vector<16xf32>
            %swap3A_482 = arith.index_cast %add3A_418 : i32 to index
            %swap3A_483 = arith.constant 80 : index
            %swap3A_484 = tpu.vector_load %arg24[%swap3A_482, %swap3A_483] {strides = array<i32>} : memref<80x128xf32, #tpu.memory_space<vmem>>, vector<16xf32>,
            tpu.vector_store %arg24[%swap3A_482, %swap3A_483], %mul3A_481 {strides = array<i32>} : memref<80x128xf32, #tpu.memory_space<vmem>>, vector<16xf32>,
            %broadcast_in_dim3A_485 = arith.constant 14 : i32
            %broadcast_in_dim3A_486 = vector.broadcast %broadcast_in_dim3A_485 : i32 to vector<16x1xi32>
            %gather3A_487 = vector.shape_cast %broadcast_in_dim3A_486 : vector<16x1xi32> to vector<16xi32>
            %gather3A_488 = tpu.dynamic_gather %gather3A_318[%gather3A_487] in [0] : vector<16xf32>, vector<16xi32> -> vector<16xf32>
            %get3A_489 = arith.index_cast %add3A_418 : i32 to index
            %get3A_490 = arith.constant 96 : index
            %get3A_491 = tpu.vector_load %arg24[%get3A_489, %get3A_490] {strides = array<i32>} : memref<80x128xf32, #tpu.memory_space<vmem>>, vector<16xf32>,
            %mul3A_492 = arith.mulf %get3A_491, %gather3A_488 : vector<16xf32>
            %swap3A_493 = arith.index_cast %add3A_418 : i32 to index
            %swap3A_494 = arith.constant 96 : index
            %swap3A_495 = tpu.vector_load %arg24[%swap3A_493, %swap3A_494] {strides = array<i32>} : memref<80x128xf32, #tpu.memory_space<vmem>>, vector<16xf32>,
            tpu.vector_store %arg24[%swap3A_493, %swap3A_494], %mul3A_492 {strides = array<i32>} : memref<80x128xf32, #tpu.memory_space<vmem>>, vector<16xf32>,
            %broadcast_in_dim3A_496 = arith.constant 15 : i32
            %broadcast_in_dim3A_497 = vector.broadcast %broadcast_in_dim3A_496 : i32 to vector<16x1xi32>
            %gather3A_498 = vector.shape_cast %broadcast_in_dim3A_497 : vector<16x1xi32> to vector<16xi32>
            %gather3A_499 = tpu.dynamic_gather %gather3A_318[%gather3A_498] in [0] : vector<16xf32>, vector<16xi32> -> vector<16xf32>
            %get3A_500 = arith.index_cast %add3A_418 : i32 to index
            %get3A_501 = arith.constant 112 : index
            %get3A_502 = tpu.vector_load %arg24[%get3A_500, %get3A_501] {strides = array<i32>} : memref<80x128xf32, #tpu.memory_space<vmem>>, vector<16xf32>,
            %mul3A_503 = arith.mulf %get3A_502, %gather3A_499 : vector<16xf32>
            %swap3A_504 = arith.index_cast %add3A_418 : i32 to index
            %swap3A_505 = arith.constant 112 : index
            %swap3A_506 = tpu.vector_load %arg24[%swap3A_504, %swap3A_505] {strides = array<i32>} : memref<80x128xf32, #tpu.memory_space<vmem>>, vector<16xf32>,
            tpu.vector_store %arg24[%swap3A_504, %swap3A_505], %mul3A_503 {strides = array<i32>} : memref<80x128xf32, #tpu.memory_space<vmem>>, vector<16xf32>,
            %mul3A_507 = arith.constant 4 : i32
            %mul3A_508 = arith.muli %mul3A_507, %scan3A_311 : i32
            %add3A_509 = arith.constant 2 : i32
            %add3A_510 = arith.addi %mul3A_508, %add3A_509 : i32
            %add3A_511 = vector.broadcast %add3A_510 : i32 to vector<16xi32>
            %add3A_512 = arith.addi %add3A_511, %select_n3A_41 : vector<16xi32>
            %gather3A_513 = tpu.vector_load_idx %arg25[%add3A_512, %select_n3A_13] : memref<80x8xf32, #tpu.memory_space<vmem>>[vector<16xi32>, vector<16xi32>], vector<16xf32>,
            %mul3A_514 = arith.constant 4 : i32
            %mul3A_515 = arith.muli %mul3A_514, %scan3A_311 : i32
            %add3A_516 = arith.constant 2 : i32
            %add3A_517 = arith.addi %mul3A_515, %add3A_516 : i32
            %add3A_518 = arith.constant 0 : i32
            %add3A_519 = arith.addi %add3A_517, %add3A_518 : i32
            %broadcast_in_dim3A_520 = arith.constant 0 : i32
            %broadcast_in_dim3A_521 = vector.broadcast %broadcast_in_dim3A_520 : i32 to vector<16x1xi32>
            %gather3A_522 = vector.shape_cast %broadcast_in_dim3A_521 : vector<16x1xi32> to vector<16xi32>
            %gather3A_523 = tpu.dynamic_gather %gather3A_513[%gather3A_522] in [0] : vector<16xf32>, vector<16xi32> -> vector<16xf32>
            %get3A_524 = arith.index_cast %add3A_519 : i32 to index
            %get3A_525 = arith.constant 0 : index
            %get3A_526 = tpu.vector_load %arg24[%get3A_524, %get3A_525] {strides = array<i32>} : memref<80x128xf32, #tpu.memory_space<vmem>>, vector<16xf32>,
            %mul3A_527 = arith.mulf %get3A_526, %gather3A_523 : vector<16xf32>
            %swap3A_528 = arith.index_cast %add3A_519 : i32 to index
            %swap3A_529 = arith.constant 0 : index
            %swap3A_530 = tpu.vector_load %arg24[%swap3A_528, %swap3A_529] {strides = array<i32>} : memref<80x128xf32, #tpu.memory_space<vmem>>, vector<16xf32>,
            tpu.vector_store %arg24[%swap3A_528, %swap3A_529], %mul3A_527 {strides = array<i32>} : memref<80x128xf32, #tpu.memory_space<vmem>>, vector<16xf32>,
            %broadcast_in_dim3A_531 = arith.constant 1 : i32
            %broadcast_in_dim3A_532 = vector.broadcast %broadcast_in_dim3A_531 : i32 to vector<16x1xi32>
            %gather3A_533 = vector.shape_cast %broadcast_in_dim3A_532 : vector<16x1xi32> to vector<16xi32>
            %gather3A_534 = tpu.dynamic_gather %gather3A_513[%gather3A_533] in [0] : vector<16xf32>, vector<16xi32> -> vector<16xf32>
            %get3A_535 = arith.index_cast %add3A_519 : i32 to index
            %get3A_536 = arith.constant 16 : index
            %get3A_537 = tpu.vector_load %arg24[%get3A_535, %get3A_536] {strides = array<i32>} : memref<80x128xf32, #tpu.memory_space<vmem>>, vector<16xf32>,
            %mul3A_538 = arith.mulf %get3A_537, %gather3A_534 : vector<16xf32>
            %swap3A_539 = arith.index_cast %add3A_519 : i32 to index
            %swap3A_540 = arith.constant 16 : index
            %swap3A_541 = tpu.vector_load %arg24[%swap3A_539, %swap3A_540] {strides = array<i32>} : memref<80x128xf32, #tpu.memory_space<vmem>>, vector<16xf32>,
            tpu.vector_store %arg24[%swap3A_539, %swap3A_540], %mul3A_538 {strides = array<i32>} : memref<80x128xf32, #tpu.memory_space<vmem>>, vector<16xf32>,
            %broadcast_in_dim3A_542 = arith.constant 2 : i32
            %broadcast_in_dim3A_543 = vector.broadcast %broadcast_in_dim3A_542 : i32 to vector<16x1xi32>
            %gather3A_544 = vector.shape_cast %broadcast_in_dim3A_543 : vector<16x1xi32> to vector<16xi32>
            %gather3A_545 = tpu.dynamic_gather %gather3A_513[%gather3A_544] in [0] : vector<16xf32>, vector<16xi32> -> vector<16xf32>
            %get3A_546 = arith.index_cast %add3A_519 : i32 to index
            %get3A_547 = arith.constant 32 : index
            %get3A_548 = tpu.vector_load %arg24[%get3A_546, %get3A_547] {strides = array<i32>} : memref<80x128xf32, #tpu.memory_space<vmem>>, vector<16xf32>,
            %mul3A_549 = arith.mulf %get3A_548, %gather3A_545 : vector<16xf32>
            %swap3A_550 = arith.index_cast %add3A_519 : i32 to index
            %swap3A_551 = arith.constant 32 : index
            %swap3A_552 = tpu.vector_load %arg24[%swap3A_550, %swap3A_551] {strides = array<i32>} : memref<80x128xf32, #tpu.memory_space<vmem>>, vector<16xf32>,
            tpu.vector_store %arg24[%swap3A_550, %swap3A_551], %mul3A_549 {strides = array<i32>} : memref<80x128xf32, #tpu.memory_space<vmem>>, vector<16xf32>,
            %broadcast_in_dim3A_553 = arith.constant 3 : i32
            %broadcast_in_dim3A_554 = vector.broadcast %broadcast_in_dim3A_553 : i32 to vector<16x1xi32>
            %gather3A_555 = vector.shape_cast %broadcast_in_dim3A_554 : vector<16x1xi32> to vector<16xi32>
            %gather3A_556 = tpu.dynamic_gather %gather3A_513[%gather3A_555] in [0] : vector<16xf32>, vector<16xi32> -> vector<16xf32>
            %get3A_557 = arith.index_cast %add3A_519 : i32 to index
            %get3A_558 = arith.constant 48 : index
            %get3A_559 = tpu.vector_load %arg24[%get3A_557, %get3A_558] {strides = array<i32>} : memref<80x128xf32, #tpu.memory_space<vmem>>, vector<16xf32>,
            %mul3A_560 = arith.mulf %get3A_559, %gather3A_556 : vector<16xf32>
            %swap3A_561 = arith.index_cast %add3A_519 : i32 to index
            %swap3A_562 = arith.constant 48 : index
            %swap3A_563 = tpu.vector_load %arg24[%swap3A_561, %swap3A_562] {strides = array<i32>} : memref<80x128xf32, #tpu.memory_space<vmem>>, vector<16xf32>,
            tpu.vector_store %arg24[%swap3A_561, %swap3A_562], %mul3A_560 {strides = array<i32>} : memref<80x128xf32, #tpu.memory_space<vmem>>, vector<16xf32>,
            %broadcast_in_dim3A_564 = arith.constant 4 : i32
            %broadcast_in_dim3A_565 = vector.broadcast %broadcast_in_dim3A_564 : i32 to vector<16x1xi32>
            %gather3A_566 = vector.shape_cast %broadcast_in_dim3A_565 : vector<16x1xi32> to vector<16xi32>
            %gather3A_567 = tpu.dynamic_gather %gather3A_513[%gather3A_566] in [0] : vector<16xf32>, vector<16xi32> -> vector<16xf32>
            %get3A_568 = arith.index_cast %add3A_519 : i32 to index
            %get3A_569 = arith.constant 64 : index
            %get3A_570 = tpu.vector_load %arg24[%get3A_568, %get3A_569] {strides = array<i32>} : memref<80x128xf32, #tpu.memory_space<vmem>>, vector<16xf32>,
            %mul3A_571 = arith.mulf %get3A_570, %gather3A_567 : vector<16xf32>
            %swap3A_572 = arith.index_cast %add3A_519 : i32 to index
            %swap3A_573 = arith.constant 64 : index
            %swap3A_574 = tpu.vector_load %arg24[%swap3A_572, %swap3A_573] {strides = array<i32>} : memref<80x128xf32, #tpu.memory_space<vmem>>, vector<16xf32>,
            tpu.vector_store %arg24[%swap3A_572, %swap3A_573], %mul3A_571 {strides = array<i32>} : memref<80x128xf32, #tpu.memory_space<vmem>>, vector<16xf32>,
            %broadcast_in_dim3A_575 = arith.constant 5 : i32
            %broadcast_in_dim3A_576 = vector.broadcast %broadcast_in_dim3A_575 : i32 to vector<16x1xi32>
            %gather3A_577 = vector.shape_cast %broadcast_in_dim3A_576 : vector<16x1xi32> to vector<16xi32>
            %gather3A_578 = tpu.dynamic_gather %gather3A_513[%gather3A_577] in [0] : vector<16xf32>, vector<16xi32> -> vector<16xf32>
            %get3A_579 = arith.index_cast %add3A_519 : i32 to index
            %get3A_580 = arith.constant 80 : index
            %get3A_581 = tpu.vector_load %arg24[%get3A_579, %get3A_580] {strides = array<i32>} : memref<80x128xf32, #tpu.memory_space<vmem>>, vector<16xf32>,
            %mul3A_582 = arith.mulf %get3A_581, %gather3A_578 : vector<16xf32>
            %swap3A_583 = arith.index_cast %add3A_519 : i32 to index
            %swap3A_584 = arith.constant 80 : index
            %swap3A_585 = tpu.vector_load %arg24[%swap3A_583, %swap3A_584] {strides = array<i32>} : memref<80x128xf32, #tpu.memory_space<vmem>>, vector<16xf32>,
            tpu.vector_store %arg24[%swap3A_583, %swap3A_584], %mul3A_582 {strides = array<i32>} : memref<80x128xf32, #tpu.memory_space<vmem>>, vector<16xf32>,
            %broadcast_in_dim3A_586 = arith.constant 6 : i32
            %broadcast_in_dim3A_587 = vector.broadcast %broadcast_in_dim3A_586 : i32 to vector<16x1xi32>
            %gather3A_588 = vector.shape_cast %broadcast_in_dim3A_587 : vector<16x1xi32> to vector<16xi32>
            %gather3A_589 = tpu.dynamic_gather %gather3A_513[%gather3A_588] in [0] : vector<16xf32>, vector<16xi32> -> vector<16xf32>
            %get3A_590 = arith.index_cast %add3A_519 : i32 to index
            %get3A_591 = arith.constant 96 : index
            %get3A_592 = tpu.vector_load %arg24[%get3A_590, %get3A_591] {strides = array<i32>} : memref<80x128xf32, #tpu.memory_space<vmem>>, vector<16xf32>,
            %mul3A_593 = arith.mulf %get3A_592, %gather3A_589 : vector<16xf32>
            %swap3A_594 = arith.index_cast %add3A_519 : i32 to index
            %swap3A_595 = arith.constant 96 : index
            %swap3A_596 = tpu.vector_load %arg24[%swap3A_594, %swap3A_595] {strides = array<i32>} : memref<80x128xf32, #tpu.memory_space<vmem>>, vector<16xf32>,
            tpu.vector_store %arg24[%swap3A_594, %swap3A_595], %mul3A_593 {strides = array<i32>} : memref<80x128xf32, #tpu.memory_space<vmem>>, vector<16xf32>,
            %broadcast_in_dim3A_597 = arith.constant 7 : i32
            %broadcast_in_dim3A_598 = vector.broadcast %broadcast_in_dim3A_597 : i32 to vector<16x1xi32>
            %gather3A_599 = vector.shape_cast %broadcast_in_dim3A_598 : vector<16x1xi32> to vector<16xi32>
            %gather3A_600 = tpu.dynamic_gather %gather3A_513[%gather3A_599] in [0] : vector<16xf32>, vector<16xi32> -> vector<16xf32>
            %get3A_601 = arith.index_cast %add3A_519 : i32 to index
            %get3A_602 = arith.constant 112 : index
            %get3A_603 = tpu.vector_load %arg24[%get3A_601, %get3A_602] {strides = array<i32>} : memref<80x128xf32, #tpu.memory_space<vmem>>, vector<16xf32>,
            %mul3A_604 = arith.mulf %get3A_603, %gather3A_600 : vector<16xf32>
            %swap3A_605 = arith.index_cast %add3A_519 : i32 to index
            %swap3A_606 = arith.constant 112 : index
            %swap3A_607 = tpu.vector_load %arg24[%swap3A_605, %swap3A_606] {strides = array<i32>} : memref<80x128xf32, #tpu.memory_space<vmem>>, vector<16xf32>,
            tpu.vector_store %arg24[%swap3A_605, %swap3A_606], %mul3A_604 {strides = array<i32>} : memref<80x128xf32, #tpu.memory_space<vmem>>, vector<16xf32>,
            %mul3A_608 = arith.constant 4 : i32
            %mul3A_609 = arith.muli %mul3A_608, %scan3A_311 : i32
            %add3A_610 = arith.constant 2 : i32
            %add3A_611 = arith.addi %mul3A_609, %add3A_610 : i32
            %add3A_612 = arith.constant 1 : i32
            %add3A_613 = arith.addi %add3A_611, %add3A_612 : i32
            %broadcast_in_dim3A_614 = arith.constant 8 : i32
            %broadcast_in_dim3A_615 = vector.broadcast %broadcast_in_dim3A_614 : i32 to vector<16x1xi32>
            %gather3A_616 = vector.shape_cast %broadcast_in_dim3A_615 : vector<16x1xi32> to vector<16xi32>
            %gather3A_617 = tpu.dynamic_gather %gather3A_513[%gather3A_616] in [0] : vector<16xf32>, vector<16xi32> -> vector<16xf32>
            %get3A_618 = arith.index_cast %add3A_613 : i32 to index
            %get3A_619 = arith.constant 0 : index
            %get3A_620 = tpu.vector_load %arg24[%get3A_618, %get3A_619] {strides = array<i32>} : memref<80x128xf32, #tpu.memory_space<vmem>>, vector<16xf32>,
            %mul3A_621 = arith.mulf %get3A_620, %gather3A_617 : vector<16xf32>
            %swap3A_622 = arith.index_cast %add3A_613 : i32 to index
            %swap3A_623 = arith.constant 0 : index
            %swap3A_624 = tpu.vector_load %arg24[%swap3A_622, %swap3A_623] {strides = array<i32>} : memref<80x128xf32, #tpu.memory_space<vmem>>, vector<16xf32>,
            tpu.vector_store %arg24[%swap3A_622, %swap3A_623], %mul3A_621 {strides = array<i32>} : memref<80x128xf32, #tpu.memory_space<vmem>>, vector<16xf32>,
            %broadcast_in_dim3A_625 = arith.constant 9 : i32
            %broadcast_in_dim3A_626 = vector.broadcast %broadcast_in_dim3A_625 : i32 to vector<16x1xi32>
            %gather3A_627 = vector.shape_cast %broadcast_in_dim3A_626 : vector<16x1xi32> to vector<16xi32>
            %gather3A_628 = tpu.dynamic_gather %gather3A_513[%gather3A_627] in [0] : vector<16xf32>, vector<16xi32> -> vector<16xf32>
            %get3A_629 = arith.index_cast %add3A_613 : i32 to index
            %get3A_630 = arith.constant 16 : index
            %get3A_631 = tpu.vector_load %arg24[%get3A_629, %get3A_630] {strides = array<i32>} : memref<80x128xf32, #tpu.memory_space<vmem>>, vector<16xf32>,
            %mul3A_632 = arith.mulf %get3A_631, %gather3A_628 : vector<16xf32>
            %swap3A_633 = arith.index_cast %add3A_613 : i32 to index
            %swap3A_634 = arith.constant 16 : index
            %swap3A_635 = tpu.vector_load %arg24[%swap3A_633, %swap3A_634] {strides = array<i32>} : memref<80x128xf32, #tpu.memory_space<vmem>>, vector<16xf32>,
            tpu.vector_store %arg24[%swap3A_633, %swap3A_634], %mul3A_632 {strides = array<i32>} : memref<80x128xf32, #tpu.memory_space<vmem>>, vector<16xf32>,
            %broadcast_in_dim3A_636 = arith.constant 10 : i32
            %broadcast_in_dim3A_637 = vector.broadcast %broadcast_in_dim3A_636 : i32 to vector<16x1xi32>
            %gather3A_638 = vector.shape_cast %broadcast_in_dim3A_637 : vector<16x1xi32> to vector<16xi32>
            %gather3A_639 = tpu.dynamic_gather %gather3A_513[%gather3A_638] in [0] : vector<16xf32>, vector<16xi32> -> vector<16xf32>
            %get3A_640 = arith.index_cast %add3A_613 : i32 to index
            %get3A_641 = arith.constant 32 : index
            %get3A_642 = tpu.vector_load %arg24[%get3A_640, %get3A_641] {strides = array<i32>} : memref<80x128xf32, #tpu.memory_space<vmem>>, vector<16xf32>,
            %mul3A_643 = arith.mulf %get3A_642, %gather3A_639 : vector<16xf32>
            %swap3A_644 = arith.index_cast %add3A_613 : i32 to index
            %swap3A_645 = arith.constant 32 : index
            %swap3A_646 = tpu.vector_load %arg24[%swap3A_644, %swap3A_645] {strides = array<i32>} : memref<80x128xf32, #tpu.memory_space<vmem>>, vector<16xf32>,
            tpu.vector_store %arg24[%swap3A_644, %swap3A_645], %mul3A_643 {strides = array<i32>} : memref<80x128xf32, #tpu.memory_space<vmem>>, vector<16xf32>,
            %broadcast_in_dim3A_647 = arith.constant 11 : i32
            %broadcast_in_dim3A_648 = vector.broadcast %broadcast_in_dim3A_647 : i32 to vector<16x1xi32>
            %gather3A_649 = vector.shape_cast %broadcast_in_dim3A_648 : vector<16x1xi32> to vector<16xi32>
            %gather3A_650 = tpu.dynamic_gather %gather3A_513[%gather3A_649] in [0] : vector<16xf32>, vector<16xi32> -> vector<16xf32>
            %get3A_651 = arith.index_cast %add3A_613 : i32 to index
            %get3A_652 = arith.constant 48 : index
            %get3A_653 = tpu.vector_load %arg24[%get3A_651, %get3A_652] {strides = array<i32>} : memref<80x128xf32, #tpu.memory_space<vmem>>, vector<16xf32>,
            %mul3A_654 = arith.mulf %get3A_653, %gather3A_650 : vector<16xf32>
            %swap3A_655 = arith.index_cast %add3A_613 : i32 to index
            %swap3A_656 = arith.constant 48 : index
            %swap3A_657 = tpu.vector_load %arg24[%swap3A_655, %swap3A_656] {strides = array<i32>} : memref<80x128xf32, #tpu.memory_space<vmem>>, vector<16xf32>,
            tpu.vector_store %arg24[%swap3A_655, %swap3A_656], %mul3A_654 {strides = array<i32>} : memref<80x128xf32, #tpu.memory_space<vmem>>, vector<16xf32>,
            %broadcast_in_dim3A_658 = arith.constant 12 : i32
            %broadcast_in_dim3A_659 = vector.broadcast %broadcast_in_dim3A_658 : i32 to vector<16x1xi32>
            %gather3A_660 = vector.shape_cast %broadcast_in_dim3A_659 : vector<16x1xi32> to vector<16xi32>
            %gather3A_661 = tpu.dynamic_gather %gather3A_513[%gather3A_660] in [0] : vector<16xf32>, vector<16xi32> -> vector<16xf32>
            %get3A_662 = arith.index_cast %add3A_613 : i32 to index
            %get3A_663 = arith.constant 64 : index
            %get3A_664 = tpu.vector_load %arg24[%get3A_662, %get3A_663] {strides = array<i32>} : memref<80x128xf32, #tpu.memory_space<vmem>>, vector<16xf32>,
            %mul3A_665 = arith.mulf %get3A_664, %gather3A_661 : vector<16xf32>
            %swap3A_666 = arith.index_cast %add3A_613 : i32 to index
            %swap3A_667 = arith.constant 64 : index
            %swap3A_668 = tpu.vector_load %arg24[%swap3A_666, %swap3A_667] {strides = array<i32>} : memref<80x128xf32, #tpu.memory_space<vmem>>, vector<16xf32>,
            tpu.vector_store %arg24[%swap3A_666, %swap3A_667], %mul3A_665 {strides = array<i32>} : memref<80x128xf32, #tpu.memory_space<vmem>>, vector<16xf32>,
            %broadcast_in_dim3A_669 = arith.constant 13 : i32
            %broadcast_in_dim3A_670 = vector.broadcast %broadcast_in_dim3A_669 : i32 to vector<16x1xi32>
            %gather3A_671 = vector.shape_cast %broadcast_in_dim3A_670 : vector<16x1xi32> to vector<16xi32>
            %gather3A_672 = tpu.dynamic_gather %gather3A_513[%gather3A_671] in [0] : vector<16xf32>, vector<16xi32> -> vector<16xf32>
            %get3A_673 = arith.index_cast %add3A_613 : i32 to index
            %get3A_674 = arith.constant 80 : index
            %get3A_675 = tpu.vector_load %arg24[%get3A_673, %get3A_674] {strides = array<i32>} : memref<80x128xf32, #tpu.memory_space<vmem>>, vector<16xf32>,
            %mul3A_676 = arith.mulf %get3A_675, %gather3A_672 : vector<16xf32>
            %swap3A_677 = arith.index_cast %add3A_613 : i32 to index
            %swap3A_678 = arith.constant 80 : index
            %swap3A_679 = tpu.vector_load %arg24[%swap3A_677, %swap3A_678] {strides = array<i32>} : memref<80x128xf32, #tpu.memory_space<vmem>>, vector<16xf32>,
            tpu.vector_store %arg24[%swap3A_677, %swap3A_678], %mul3A_676 {strides = array<i32>} : memref<80x128xf32, #tpu.memory_space<vmem>>, vector<16xf32>,
            %broadcast_in_dim3A_680 = arith.constant 14 : i32
            %broadcast_in_dim3A_681 = vector.broadcast %broadcast_in_dim3A_680 : i32 to vector<16x1xi32>
            %gather3A_682 = vector.shape_cast %broadcast_in_dim3A_681 : vector<16x1xi32> to vector<16xi32>
            %gather3A_683 = tpu.dynamic_gather %gather3A_513[%gather3A_682] in [0] : vector<16xf32>, vector<16xi32> -> vector<16xf32>
            %get3A_684 = arith.index_cast %add3A_613 : i32 to index
            %get3A_685 = arith.constant 96 : index
            %get3A_686 = tpu.vector_load %arg24[%get3A_684, %get3A_685] {strides = array<i32>} : memref<80x128xf32, #tpu.memory_space<vmem>>, vector<16xf32>,
            %mul3A_687 = arith.mulf %get3A_686, %gather3A_683 : vector<16xf32>
            %swap3A_688 = arith.index_cast %add3A_613 : i32 to index
            %swap3A_689 = arith.constant 96 : index
            %swap3A_690 = tpu.vector_load %arg24[%swap3A_688, %swap3A_689] {strides = array<i32>} : memref<80x128xf32, #tpu.memory_space<vmem>>, vector<16xf32>,
            tpu.vector_store %arg24[%swap3A_688, %swap3A_689], %mul3A_687 {strides = array<i32>} : memref<80x128xf32, #tpu.memory_space<vmem>>, vector<16xf32>,
            %broadcast_in_dim3A_691 = arith.constant 15 : i32
            %broadcast_in_dim3A_692 = vector.broadcast %broadcast_in_dim3A_691 : i32 to vector<16x1xi32>
            %gather3A_693 = vector.shape_cast %broadcast_in_dim3A_692 : vector<16x1xi32> to vector<16xi32>
            %gather3A_694 = tpu.dynamic_gather %gather3A_513[%gather3A_693] in [0] : vector<16xf32>, vector<16xi32> -> vector<16xf32>
            %get3A_695 = arith.index_cast %add3A_613 : i32 to index
            %get3A_696 = arith.constant 112 : index
            %get3A_697 = tpu.vector_load %arg24[%get3A_695, %get3A_696] {strides = array<i32>} : memref<80x128xf32, #tpu.memory_space<vmem>>, vector<16xf32>,
            %mul3A_698 = arith.mulf %get3A_697, %gather3A_694 : vector<16xf32>
            %swap3A_699 = arith.index_cast %add3A_613 : i32 to index
            %swap3A_700 = arith.constant 112 : index
            %swap3A_701 = tpu.vector_load %arg24[%swap3A_699, %swap3A_700] {strides = array<i32>} : memref<80x128xf32, #tpu.memory_space<vmem>>, vector<16xf32>,
            tpu.vector_store %arg24[%swap3A_699, %swap3A_700], %mul3A_698 {strides = array<i32>} : memref<80x128xf32, #tpu.memory_space<vmem>>, vector<16xf32>,
          }
          %scan3A_300 = arith.constant 20 : i32
          %dma_start3A_301 = arith.constant 0 : i32
          %dma_start3A_302 = arith.constant 0 : i32
          %dma_start3A_303 = tpu.memref_slice %arg29[%dma_start3A_301, %dma_start3A_302] : memref<10000x128xf32, #tpu.memory_space<vmem_shared>> -> memref<10000x128xf32, #tpu.memory_space<vmem_shared>>
          tpu.enqueue_indirect_dma source(%arg24 : memref<80x128xf32, #tpu.memory_space<vmem>>) target(%dma_start3A_303 : memref<10000x128xf32, #tpu.memory_space<vmem_shared>>) offsets(%arg21 : memref<80xi32, #tpu.memory_space<vmem>>) semaphore(%arg37 : memref<!tpu.dma_semaphore, #tpu.memory_space<semaphore_mem>>) {add = true}
          %add3A_304 = arith.constant 2 : i32
          %add3A_305 = arith.addi %add3A_225, %add3A_304 : i32
          %lt3A_306 = arith.constant 125 : i32
          %lt3A_307 = arith.cmpi slt, %add3A_305, %lt3A_306 : i32
          %convert_element_type3A_308 = arith.extui %lt3A_307 : i1 to i32
          %cond3A_309 = arith.constant 0 : i32
          %cond3A_310 = arith.cmpi ne, %convert_element_type3A_308, %cond3A_309 : i32
          scf.if %cond3A_310 {
            %add3A_311 = arith.constant 2 : i32
            %add3A_312 = arith.addi %add3A_225, %add3A_311 : i32
            %mul3A_313 = arith.constant 10000 : i32
            %mul3A_314 = arith.muli %arg1, %mul3A_313 : i32
            %mul3A_315 = arith.constant 80 : i32
            %mul3A_316 = arith.muli %add3A_312, %mul3A_315 : i32
            %add3A_317 = arith.addi %mul3A_314, %mul3A_316 : i32
            %dma_start3A_318 = arith.constant 0 : i32
            %dma_start3A_319 = tpu.memref_slice %arg6[%dma_start3A_318, %add3A_317] : memref<2x160000xi32, #tpu.memory_space<hbm>> -> memref<2x80xi32, #tpu.memory_space<hbm>>
            %dma_start3A_320 = arith.constant 0 : i32
            %dma_start3A_321 = tpu.memref_slice %arg6[%dma_start3A_320, %add3A_317] : memref<2x160000xi32, #tpu.memory_space<hbm>> -> memref<2x80xi32, #tpu.memory_space<hbm>>
            tpu.enqueue_dma source(%dma_start3A_321 : memref<2x80xi32, #tpu.memory_space<hbm>>) target(%arg18 : memref<2x80xi32, #tpu.memory_space<vmem>>) target_semaphore(%arg38 : memref<!tpu.dma_semaphore, #tpu.memory_space<semaphore_mem>>)
          } else {
          }
        } else {
        }
        %lt3A_272 = arith.constant 62 : i32
        %lt3A_273 = arith.cmpi slt, %scan3A_221, %lt3A_272 : i32
        %convert_element_type3A_274 = arith.extui %lt3A_273 : i1 to i32
        %cond3A_275 = arith.constant 0 : i32
        %cond3A_276 = arith.cmpi ne, %convert_element_type3A_274, %cond3A_275 : i32
        scf.if %cond3A_276 {
          %dma_wait3A_277 = arith.constant 0 : i32
          %dma_wait3A_278 = arith.constant 0 : i32
          %dma_wait3A_279 = tpu.memref_slice %arg30[%dma_wait3A_277, %dma_wait3A_278] : memref<10000x8xf32, #tpu.memory_space<vmem_shared>> -> memref<10000x8xf32, #tpu.memory_space<vmem_shared>>
          tpu.wait_indirect_dma semaphore(%arg33 : memref<!tpu.dma_semaphore, #tpu.memory_space<semaphore_mem>>) src(%arg17 : memref<80x8xf32, #tpu.memory_space<vmem>>) dst(%dma_wait3A_279 : memref<10000x8xf32, #tpu.memory_space<vmem_shared>>)
          %dma_wait3A_280 = arith.constant 0 : i32
          %dma_wait3A_281 = arith.constant 0 : i32
          %dma_wait3A_282 = tpu.memref_slice %arg29[%dma_wait3A_280, %dma_wait3A_281] : memref<10000x128xf32, #tpu.memory_space<vmem_shared>> -> memref<10000x128xf32, #tpu.memory_space<vmem_shared>>
          tpu.wait_indirect_dma semaphore(%arg33 : memref<!tpu.dma_semaphore, #tpu.memory_space<semaphore_mem>>) src(%arg16 : memref<80x128xf32, #tpu.memory_space<vmem>>) dst(%dma_wait3A_282 : memref<10000x128xf32, #tpu.memory_space<vmem_shared>>)
          %dma_wait3A_283 = arith.constant 0 : i32
          %dma_wait3A_284 = arith.constant 0 : i32
          %dma_wait3A_285 = tpu.memref_slice %arg6[%dma_wait3A_283, %dma_wait3A_284] : memref<2x160000xi32, #tpu.memory_space<hbm>> -> memref<2x80xi32, #tpu.memory_space<hbm>>
          %dma_wait3A_286 = arith.constant 0 : i32
          %dma_wait3A_287 = arith.constant 0 : i32
          %dma_wait3A_288 = tpu.memref_slice %arg6[%dma_wait3A_286, %dma_wait3A_287] : memref<2x160000xi32, #tpu.memory_space<hbm>> -> memref<2x80xi32, #tpu.memory_space<hbm>>
          tpu.wait_dma2 semaphore(%arg34 : memref<!tpu.dma_semaphore, #tpu.memory_space<semaphore_mem>>) src(%dma_wait3A_288 : memref<2x80xi32, #tpu.memory_space<hbm>>) dst(%arg10 : memref<2x80xi32, #tpu.memory_space<vmem>>)
          %get3A_289 = arith.constant 0 : i32
          %get3A_290 = arith.index_cast %get3A_289 : i32 to index
          %get3A_291 = arith.constant 0 : index
          %get3A_292 = tpu.vector_load %arg10[%get3A_290, %get3A_291] {strides = array<i32>} : memref<2x80xi32, #tpu.memory_space<vmem>>, vector<16xi32>,
          %add3A_293 = arith.addi %get3A_292, %broadcast_in_dim3A_81 : vector<16xi32>
          %swap3A_294 = arith.constant 0 : index
          %swap3A_295 = tpu.vector_load %arg11[%swap3A_294] {strides = array<i32>} : memref<80xi32, #tpu.memory_space<vmem>>, vector<16xi32>,
          tpu.vector_store %arg11[%swap3A_294], %add3A_293 {strides = array<i32>} : memref<80xi32, #tpu.memory_space<vmem>>, vector<16xi32>,
          %get3A_296 = arith.constant 1 : i32
          %get3A_297 = arith.index_cast %get3A_296 : i32 to index
          %get3A_298 = arith.constant 0 : index
          %get3A_299 = tpu.vector_load %arg10[%get3A_297, %get3A_298] {strides = array<i32>} : memref<2x80xi32, #tpu.memory_space<vmem>>, vector<16xi32>,
          %add3A_300 = arith.addi %get3A_299, %broadcast_in_dim3A_83 : vector<16xi32>
          %swap3A_301 = arith.constant 0 : index
          %swap3A_302 = tpu.vector_load %arg12[%swap3A_301] {strides = array<i32>} : memref<80xi32, #tpu.memory_space<vmem>>, vector<16xi32>,
          tpu.vector_store %arg12[%swap3A_301], %add3A_300 {strides = array<i32>} : memref<80xi32, #tpu.memory_space<vmem>>, vector<16xi32>,
          %get3A_303 = arith.constant 1 : i32
          %get3A_304 = arith.index_cast %get3A_303 : i32 to index
          %get3A_305 = arith.constant 0 : index
          %get3A_306 = tpu.vector_load %arg10[%get3A_304, %get3A_305] {strides = array<i32>} : memref<2x80xi32, #tpu.memory_space<vmem>>, vector<16xi32>,
          %swap3A_307 = arith.constant 0 : index
          %swap3A_308 = tpu.vector_load %arg13[%swap3A_307] {strides = array<i32>} : memref<80xi32, #tpu.memory_space<vmem>>, vector<16xi32>,
          tpu.vector_store %arg13[%swap3A_307], %get3A_306 {strides = array<i32>} : memref<80xi32, #tpu.memory_space<vmem>>, vector<16xi32>,
          %get3A_309 = arith.constant 0 : i32
          %get3A_310 = arith.index_cast %get3A_309 : i32 to index
          %get3A_311 = arith.constant 16 : index
          %get3A_312 = tpu.vector_load %arg10[%get3A_310, %get3A_311] {strides = array<i32>} : memref<2x80xi32, #tpu.memory_space<vmem>>, vector<16xi32>,
          %add3A_313 = arith.addi %get3A_312, %broadcast_in_dim3A_81 : vector<16xi32>
          %swap3A_314 = arith.constant 16 : index
          %swap3A_315 = tpu.vector_load %arg11[%swap3A_314] {strides = array<i32>} : memref<80xi32, #tpu.memory_space<vmem>>, vector<16xi32>,
          tpu.vector_store %arg11[%swap3A_314], %add3A_313 {strides = array<i32>} : memref<80xi32, #tpu.memory_space<vmem>>, vector<16xi32>,
          %get3A_316 = arith.constant 1 : i32
          %get3A_317 = arith.index_cast %get3A_316 : i32 to index
          %get3A_318 = arith.constant 16 : index
          %get3A_319 = tpu.vector_load %arg10[%get3A_317, %get3A_318] {strides = array<i32>} : memref<2x80xi32, #tpu.memory_space<vmem>>, vector<16xi32>,
          %add3A_320 = arith.addi %get3A_319, %broadcast_in_dim3A_83 : vector<16xi32>
          %swap3A_321 = arith.constant 16 : index
          %swap3A_322 = tpu.vector_load %arg12[%swap3A_321] {strides = array<i32>} : memref<80xi32, #tpu.memory_space<vmem>>, vector<16xi32>,
          tpu.vector_store %arg12[%swap3A_321], %add3A_320 {strides = array<i32>} : memref<80xi32, #tpu.memory_space<vmem>>, vector<16xi32>,
          %get3A_323 = arith.constant 1 : i32
          %get3A_324 = arith.index_cast %get3A_323 : i32 to index
          %get3A_325 = arith.constant 16 : index
          %get3A_326 = tpu.vector_load %arg10[%get3A_324, %get3A_325] {strides = array<i32>} : memref<2x80xi32, #tpu.memory_space<vmem>>, vector<16xi32>,
          %swap3A_327 = arith.constant 16 : index
          %swap3A_328 = tpu.vector_load %arg13[%swap3A_327] {strides = array<i32>} : memref<80xi32, #tpu.memory_space<vmem>>, vector<16xi32>,
          tpu.vector_store %arg13[%swap3A_327], %get3A_326 {strides = array<i32>} : memref<80xi32, #tpu.memory_space<vmem>>, vector<16xi32>,
          %get3A_329 = arith.constant 0 : i32
          %get3A_330 = arith.index_cast %get3A_329 : i32 to index
          %get3A_331 = arith.constant 32 : index
          %get3A_332 = tpu.vector_load %arg10[%get3A_330, %get3A_331] {strides = array<i32>} : memref<2x80xi32, #tpu.memory_space<vmem>>, vector<16xi32>,
          %add3A_333 = arith.addi %get3A_332, %broadcast_in_dim3A_81 : vector<16xi32>
          %swap3A_334 = arith.constant 32 : index
          %swap3A_335 = tpu.vector_load %arg11[%swap3A_334] {strides = array<i32>} : memref<80xi32, #tpu.memory_space<vmem>>, vector<16xi32>,
          tpu.vector_store %arg11[%swap3A_334], %add3A_333 {strides = array<i32>} : memref<80xi32, #tpu.memory_space<vmem>>, vector<16xi32>,
          %get3A_336 = arith.constant 1 : i32
          %get3A_337 = arith.index_cast %get3A_336 : i32 to index
          %get3A_338 = arith.constant 32 : index
          %get3A_339 = tpu.vector_load %arg10[%get3A_337, %get3A_338] {strides = array<i32>} : memref<2x80xi32, #tpu.memory_space<vmem>>, vector<16xi32>,
          %add3A_340 = arith.addi %get3A_339, %broadcast_in_dim3A_83 : vector<16xi32>
          %swap3A_341 = arith.constant 32 : index
          %swap3A_342 = tpu.vector_load %arg12[%swap3A_341] {strides = array<i32>} : memref<80xi32, #tpu.memory_space<vmem>>, vector<16xi32>,
          tpu.vector_store %arg12[%swap3A_341], %add3A_340 {strides = array<i32>} : memref<80xi32, #tpu.memory_space<vmem>>, vector<16xi32>,
          %get3A_343 = arith.constant 1 : i32
          %get3A_344 = arith.index_cast %get3A_343 : i32 to index
          %get3A_345 = arith.constant 32 : index
          %get3A_346 = tpu.vector_load %arg10[%get3A_344, %get3A_345] {strides = array<i32>} : memref<2x80xi32, #tpu.memory_space<vmem>>, vector<16xi32>,
          %swap3A_347 = arith.constant 32 : index
          %swap3A_348 = tpu.vector_load %arg13[%swap3A_347] {strides = array<i32>} : memref<80xi32, #tpu.memory_space<vmem>>, vector<16xi32>,
          tpu.vector_store %arg13[%swap3A_347], %get3A_346 {strides = array<i32>} : memref<80xi32, #tpu.memory_space<vmem>>, vector<16xi32>,
          %get3A_349 = arith.constant 0 : i32
          %get3A_350 = arith.index_cast %get3A_349 : i32 to index
          %get3A_351 = arith.constant 48 : index
          %get3A_352 = tpu.vector_load %arg10[%get3A_350, %get3A_351] {strides = array<i32>} : memref<2x80xi32, #tpu.memory_space<vmem>>, vector<16xi32>,
          %add3A_353 = arith.addi %get3A_352, %broadcast_in_dim3A_81 : vector<16xi32>
          %swap3A_354 = arith.constant 48 : index
          %swap3A_355 = tpu.vector_load %arg11[%swap3A_354] {strides = array<i32>} : memref<80xi32, #tpu.memory_space<vmem>>, vector<16xi32>,
          tpu.vector_store %arg11[%swap3A_354], %add3A_353 {strides = array<i32>} : memref<80xi32, #tpu.memory_space<vmem>>, vector<16xi32>,
          %get3A_356 = arith.constant 1 : i32
          %get3A_357 = arith.index_cast %get3A_356 : i32 to index
          %get3A_358 = arith.constant 48 : index
          %get3A_359 = tpu.vector_load %arg10[%get3A_357, %get3A_358] {strides = array<i32>} : memref<2x80xi32, #tpu.memory_space<vmem>>, vector<16xi32>,
          %add3A_360 = arith.addi %get3A_359, %broadcast_in_dim3A_83 : vector<16xi32>
          %swap3A_361 = arith.constant 48 : index
          %swap3A_362 = tpu.vector_load %arg12[%swap3A_361] {strides = array<i32>} : memref<80xi32, #tpu.memory_space<vmem>>, vector<16xi32>,
          tpu.vector_store %arg12[%swap3A_361], %add3A_360 {strides = array<i32>} : memref<80xi32, #tpu.memory_space<vmem>>, vector<16xi32>,
          %get3A_363 = arith.constant 1 : i32
          %get3A_364 = arith.index_cast %get3A_363 : i32 to index
          %get3A_365 = arith.constant 48 : index
          %get3A_366 = tpu.vector_load %arg10[%get3A_364, %get3A_365] {strides = array<i32>} : memref<2x80xi32, #tpu.memory_space<vmem>>, vector<16xi32>,
          %swap3A_367 = arith.constant 48 : index
          %swap3A_368 = tpu.vector_load %arg13[%swap3A_367] {strides = array<i32>} : memref<80xi32, #tpu.memory_space<vmem>>, vector<16xi32>,
          tpu.vector_store %arg13[%swap3A_367], %get3A_366 {strides = array<i32>} : memref<80xi32, #tpu.memory_space<vmem>>, vector<16xi32>,
          %get3A_369 = arith.constant 0 : i32
          %get3A_370 = arith.index_cast %get3A_369 : i32 to index
          %get3A_371 = arith.constant 64 : index
          %get3A_372 = tpu.vector_load %arg10[%get3A_370, %get3A_371] {strides = array<i32>} : memref<2x80xi32, #tpu.memory_space<vmem>>, vector<16xi32>,
          %add3A_373 = arith.addi %get3A_372, %broadcast_in_dim3A_81 : vector<16xi32>
          %swap3A_374 = arith.constant 64 : index
          %swap3A_375 = tpu.vector_load %arg11[%swap3A_374] {strides = array<i32>} : memref<80xi32, #tpu.memory_space<vmem>>, vector<16xi32>,
          tpu.vector_store %arg11[%swap3A_374], %add3A_373 {strides = array<i32>} : memref<80xi32, #tpu.memory_space<vmem>>, vector<16xi32>,
          %get3A_376 = arith.constant 1 : i32
          %get3A_377 = arith.index_cast %get3A_376 : i32 to index
          %get3A_378 = arith.constant 64 : index
          %get3A_379 = tpu.vector_load %arg10[%get3A_377, %get3A_378] {strides = array<i32>} : memref<2x80xi32, #tpu.memory_space<vmem>>, vector<16xi32>,
          %add3A_380 = arith.addi %get3A_379, %broadcast_in_dim3A_83 : vector<16xi32>
          %swap3A_381 = arith.constant 64 : index
          %swap3A_382 = tpu.vector_load %arg12[%swap3A_381] {strides = array<i32>} : memref<80xi32, #tpu.memory_space<vmem>>, vector<16xi32>,
          tpu.vector_store %arg12[%swap3A_381], %add3A_380 {strides = array<i32>} : memref<80xi32, #tpu.memory_space<vmem>>, vector<16xi32>,
          %get3A_383 = arith.constant 1 : i32
          %get3A_384 = arith.index_cast %get3A_383 : i32 to index
          %get3A_385 = arith.constant 64 : index
          %get3A_386 = tpu.vector_load %arg10[%get3A_384, %get3A_385] {strides = array<i32>} : memref<2x80xi32, #tpu.memory_space<vmem>>, vector<16xi32>,
          %swap3A_387 = arith.constant 64 : index
          %swap3A_388 = tpu.vector_load %arg13[%swap3A_387] {strides = array<i32>} : memref<80xi32, #tpu.memory_space<vmem>>, vector<16xi32>,
          tpu.vector_store %arg13[%swap3A_387], %get3A_386 {strides = array<i32>} : memref<80xi32, #tpu.memory_space<vmem>>, vector<16xi32>,
          %dma_start3A_389 = arith.constant 0 : i32
          %dma_start3A_390 = arith.constant 0 : i32
          %dma_start3A_391 = tpu.memref_slice %arg2[%dma_start3A_389, %dma_start3A_390] : memref<20000x8xf32, #tpu.memory_space<hbm>> -> memref<20000x8xf32, #tpu.memory_space<hbm>>
          tpu.enqueue_indirect_dma source(%dma_start3A_391 : memref<20000x8xf32, #tpu.memory_space<hbm>>) target(%arg14 : memref<80x8xf32, #tpu.memory_space<vmem>>) offsets(%arg11 : memref<80xi32, #tpu.memory_space<vmem>>) semaphore(%arg31 : memref<!tpu.dma_semaphore, #tpu.memory_space<semaphore_mem>>)
          %dma_start3A_392 = arith.constant 0 : i32
          %dma_start3A_393 = arith.constant 0 : i32
          %dma_start3A_394 = tpu.memref_slice %arg3[%dma_start3A_392, %dma_start3A_393] : memref<20000x8xf32, #tpu.memory_space<hbm>> -> memref<20000x8xf32, #tpu.memory_space<hbm>>
          tpu.enqueue_indirect_dma source(%dma_start3A_394 : memref<20000x8xf32, #tpu.memory_space<hbm>>) target(%arg15 : memref<80x8xf32, #tpu.memory_space<vmem>>) offsets(%arg12 : memref<80xi32, #tpu.memory_space<vmem>>) semaphore(%arg31 : memref<!tpu.dma_semaphore, #tpu.memory_space<semaphore_mem>>)
          %dma_start3A_395 = arith.constant 0 : i32
          %dma_start3A_396 = arith.constant 0 : i32
          %dma_start3A_397 = tpu.memref_slice %arg4[%dma_start3A_395, %dma_start3A_396] : memref<20000x128xf32, #tpu.memory_space<hbm>> -> memref<20000x128xf32, #tpu.memory_space<hbm>>
          tpu.enqueue_indirect_dma source(%dma_start3A_397 : memref<20000x128xf32, #tpu.memory_space<hbm>>) target(%arg16 : memref<80x128xf32, #tpu.memory_space<vmem>>) offsets(%arg11 : memref<80xi32, #tpu.memory_space<vmem>>) semaphore(%arg32 : memref<!tpu.dma_semaphore, #tpu.memory_space<semaphore_mem>>)
        } else {
        }
      }
      %scan3A_214 = arith.constant 63 : i32
      %dma_wait3A_215 = arith.constant 0 : i32
      %dma_wait3A_216 = arith.constant 0 : i32
      %dma_wait3A_217 = tpu.memref_slice %arg30[%dma_wait3A_215, %dma_wait3A_216] : memref<10000x8xf32, #tpu.memory_space<vmem_shared>> -> memref<10000x8xf32, #tpu.memory_space<vmem_shared>>
      tpu.wait_indirect_dma semaphore(%arg33 : memref<!tpu.dma_semaphore, #tpu.memory_space<semaphore_mem>>) src(%arg17 : memref<80x8xf32, #tpu.memory_space<vmem>>) dst(%dma_wait3A_217 : memref<10000x8xf32, #tpu.memory_space<vmem_shared>>)
      %dma_wait3A_218 = arith.constant 0 : i32
      %dma_wait3A_219 = arith.constant 0 : i32
      %dma_wait3A_220 = tpu.memref_slice %arg29[%dma_wait3A_218, %dma_wait3A_219] : memref<10000x128xf32, #tpu.memory_space<vmem_shared>> -> memref<10000x128xf32, #tpu.memory_space<vmem_shared>>
      tpu.wait_indirect_dma semaphore(%arg33 : memref<!tpu.dma_semaphore, #tpu.memory_space<semaphore_mem>>) src(%arg16 : memref<80x128xf32, #tpu.memory_space<vmem>>) dst(%dma_wait3A_220 : memref<10000x128xf32, #tpu.memory_space<vmem_shared>>)
    } else {
    }
    %barrier3A_70 = arith.constant 0 : index
    tpu.barrier barrier_id(%barrier3A_70)
    %sub3A_71 = arith.constant 1 : i32
    %sub3A_72 = arith.subi %sub3A_71, %arg0 : i32
    %mul3A = arith.constant 10000 : i32
    %mul3A_73 = arith.muli %sub3A_72, %mul3A : i32
    %scan3A_74 = arith.constant 0 : i32
    %scan3A_75 = arith.constant 0 : i32
    %scan3A_76 = arith.constant 8 : i32
    %scan3A_77 = arith.addi %scan3A_75, %scan3A_76 : i32
    %scan3A_78 = arith.constant 1 : i32
    scf.for %scan3A_80 = %scan3A_75 to %scan3A_77 step %scan3A_78  : i32 {
      %mul3A_81 = arith.constant 16 : i32
      %mul3A_82 = arith.muli %scan3A_80, %mul3A_81 : i32
      %add3A_83 = arith.addi %mul3A_82, %arg1 : i32
      %lt3A_84 = arith.constant 125 : i32
      %lt3A_85 = arith.cmpi slt, %add3A_83, %lt3A_84 : i32
      %convert_element_type3A_86 = arith.extui %lt3A_85 : i1 to i32
      %cond3A_87 = arith.constant 0 : i32
      %cond3A_88 = arith.cmpi ne, %convert_element_type3A_86, %cond3A_87 : i32
      scf.if %cond3A_88 {
        %mul3A_89 = arith.constant 80 : i32
        %mul3A_90 = arith.muli %add3A_83, %mul3A_89 : i32
        "tpu.region"() ({
          %run_scoped3A = tpu.sem_alloc : memref<!tpu.dma_semaphore, #tpu.memory_space<semaphore_mem>>
          %dma_start3A = arith.constant 0 : i32
          %dma_start3A_98 = tpu.memref_slice %arg29[%mul3A_90, %dma_start3A] : memref<10000x128xf32, #tpu.memory_space<vmem_shared>> -> memref<80x128xf32, #tpu.memory_space<vmem_shared>>
          %dma_start3A_99 = arith.constant 0 : i32
          %dma_start3A_100 = tpu.memref_slice %arg29[%mul3A_90, %dma_start3A_99] : memref<10000x128xf32, #tpu.memory_space<vmem_shared>> -> memref<80x128xf32, #tpu.memory_space<vmem_shared>>
          tpu.enqueue_dma source(%dma_start3A_100 : memref<80x128xf32, #tpu.memory_space<vmem_shared>>) target(%arg16 : memref<80x128xf32, #tpu.memory_space<vmem>>) target_semaphore(%run_scoped3A : memref<!tpu.dma_semaphore, #tpu.memory_space<semaphore_mem>>)
          %dma_wait3A = arith.constant 0 : i32
          %dma_wait3A_101 = tpu.memref_slice %arg29[%mul3A_90, %dma_wait3A] : memref<10000x128xf32, #tpu.memory_space<vmem_shared>> -> memref<80x128xf32, #tpu.memory_space<vmem_shared>>
          %dma_wait3A_102 = arith.constant 0 : i32
          %dma_wait3A_103 = tpu.memref_slice %arg29[%mul3A_90, %dma_wait3A_102] : memref<10000x128xf32, #tpu.memory_space<vmem_shared>> -> memref<80x128xf32, #tpu.memory_space<vmem_shared>>
          tpu.wait_dma2 semaphore(%run_scoped3A : memref<!tpu.dma_semaphore, #tpu.memory_space<semaphore_mem>>) src(%dma_wait3A_103 : memref<80x128xf32, #tpu.memory_space<vmem_shared>>) dst(%arg16 : memref<80x128xf32, #tpu.memory_space<vmem>>)
          tpu.yield
        }) : () -> ()
        "tpu.region"() ({
          %run_scoped3A = tpu.sem_alloc : memref<!tpu.dma_semaphore, #tpu.memory_space<semaphore_mem>>
          %dma_start3A = arith.constant 0 : i32
          %dma_start3A_98 = tpu.memref_slice %arg30[%mul3A_90, %dma_start3A] : memref<10000x8xf32, #tpu.memory_space<vmem_shared>> -> memref<80x8xf32, #tpu.memory_space<vmem_shared>>
          %dma_start3A_99 = arith.constant 0 : i32
          %dma_start3A_100 = tpu.memref_slice %arg30[%mul3A_90, %dma_start3A_99] : memref<10000x8xf32, #tpu.memory_space<vmem_shared>> -> memref<80x8xf32, #tpu.memory_space<vmem_shared>>
          tpu.enqueue_dma source(%dma_start3A_100 : memref<80x8xf32, #tpu.memory_space<vmem_shared>>) target(%arg28 : memref<80x8xf32, #tpu.memory_space<vmem>>) target_semaphore(%run_scoped3A : memref<!tpu.dma_semaphore, #tpu.memory_space<semaphore_mem>>)
          %dma_wait3A = arith.constant 0 : i32
          %dma_wait3A_101 = tpu.memref_slice %arg30[%mul3A_90, %dma_wait3A] : memref<10000x8xf32, #tpu.memory_space<vmem_shared>> -> memref<80x8xf32, #tpu.memory_space<vmem_shared>>
          %dma_wait3A_102 = arith.constant 0 : i32
          %dma_wait3A_103 = tpu.memref_slice %arg30[%mul3A_90, %dma_wait3A_102] : memref<10000x8xf32, #tpu.memory_space<vmem_shared>> -> memref<80x8xf32, #tpu.memory_space<vmem_shared>>
          tpu.wait_dma2 semaphore(%run_scoped3A : memref<!tpu.dma_semaphore, #tpu.memory_space<semaphore_mem>>) src(%dma_wait3A_103 : memref<80x8xf32, #tpu.memory_space<vmem_shared>>) dst(%arg28 : memref<80x8xf32, #tpu.memory_space<vmem>>)
          tpu.yield
        }) : () -> ()
        %scan3A_91 = arith.constant 0 : i32
        %scan3A_92 = arith.constant 0 : i32
        %scan3A_93 = arith.constant 40 : i32
        %scan3A_94 = arith.addi %scan3A_92, %scan3A_93 : i32
        %scan3A_95 = arith.constant 1 : i32
        scf.for %scan3A_98 = %scan3A_92 to %scan3A_94 step %scan3A_95  : i32 {
          %mul3A_99 = arith.constant 2 : i32
          %mul3A_100 = arith.muli %mul3A_99, %scan3A_98 : i32
          %add3A_101 = vector.broadcast %mul3A_100 : i32 to vector<16xi32>
          %add3A_102 = arith.addi %add3A_101, %select_n3A_41 : vector<16xi32>
          %gather3A_103 = tpu.vector_load_idx %arg28[%add3A_102, %select_n3A_13] : memref<80x8xf32, #tpu.memory_space<vmem>>[vector<16xi32>, vector<16xi32>], vector<16xf32>,
          %max3A = arith.constant 9.99999996E-13 : f32
          %max3A_104 = vector.broadcast %max3A : f32 to vector<16xf32>
          %max3A_105 = arith.maximumf %gather3A_103, %max3A_104 : vector<16xf32>
          %div3A_106 = arith.constant 1.000000e+00 : f32
          %div3A_107 = vector.broadcast %div3A_106 : f32 to vector<16xf32>
          %div3A_108 = arith.divf %div3A_107, %max3A_105 : vector<16xf32>
          %mul3A_109 = arith.constant 2 : i32
          %mul3A_110 = arith.muli %mul3A_109, %scan3A_98 : i32
          %add3A_111 = arith.constant 0 : i32
          %add3A_112 = arith.addi %mul3A_110, %add3A_111 : i32
          %broadcast_in_dim3A_113 = arith.constant 0 : i32
          %broadcast_in_dim3A_114 = vector.broadcast %broadcast_in_dim3A_113 : i32 to vector<16x1xi32>
          %gather3A_115 = vector.shape_cast %broadcast_in_dim3A_114 : vector<16x1xi32> to vector<16xi32>
          %gather3A_116 = tpu.dynamic_gather %div3A_108[%gather3A_115] in [0] : vector<16xf32>, vector<16xi32> -> vector<16xf32>
          %get3A = arith.index_cast %add3A_112 : i32 to index
          %get3A_117 = arith.constant 0 : index
          %get3A_118 = tpu.vector_load %arg16[%get3A, %get3A_117] {strides = array<i32>} : memref<80x128xf32, #tpu.memory_space<vmem>>, vector<16xf32>,
          %mul3A_119 = arith.mulf %get3A_118, %gather3A_116 : vector<16xf32>
          %swap3A = arith.index_cast %add3A_112 : i32 to index
          %swap3A_120 = arith.constant 0 : index
          %swap3A_121 = tpu.vector_load %arg16[%swap3A, %swap3A_120] {strides = array<i32>} : memref<80x128xf32, #tpu.memory_space<vmem>>, vector<16xf32>,
          tpu.vector_store %arg16[%swap3A, %swap3A_120], %mul3A_119 {strides = array<i32>} : memref<80x128xf32, #tpu.memory_space<vmem>>, vector<16xf32>,
          %broadcast_in_dim3A_122 = arith.constant 1 : i32
          %broadcast_in_dim3A_123 = vector.broadcast %broadcast_in_dim3A_122 : i32 to vector<16x1xi32>
          %gather3A_124 = vector.shape_cast %broadcast_in_dim3A_123 : vector<16x1xi32> to vector<16xi32>
          %gather3A_125 = tpu.dynamic_gather %div3A_108[%gather3A_124] in [0] : vector<16xf32>, vector<16xi32> -> vector<16xf32>
          %get3A_126 = arith.index_cast %add3A_112 : i32 to index
          %get3A_127 = arith.constant 16 : index
          %get3A_128 = tpu.vector_load %arg16[%get3A_126, %get3A_127] {strides = array<i32>} : memref<80x128xf32, #tpu.memory_space<vmem>>, vector<16xf32>,
          %mul3A_129 = arith.mulf %get3A_128, %gather3A_125 : vector<16xf32>
          %swap3A_130 = arith.index_cast %add3A_112 : i32 to index
          %swap3A_131 = arith.constant 16 : index
          %swap3A_132 = tpu.vector_load %arg16[%swap3A_130, %swap3A_131] {strides = array<i32>} : memref<80x128xf32, #tpu.memory_space<vmem>>, vector<16xf32>,
          tpu.vector_store %arg16[%swap3A_130, %swap3A_131], %mul3A_129 {strides = array<i32>} : memref<80x128xf32, #tpu.memory_space<vmem>>, vector<16xf32>,
          %broadcast_in_dim3A_133 = arith.constant 2 : i32
          %broadcast_in_dim3A_134 = vector.broadcast %broadcast_in_dim3A_133 : i32 to vector<16x1xi32>
          %gather3A_135 = vector.shape_cast %broadcast_in_dim3A_134 : vector<16x1xi32> to vector<16xi32>
          %gather3A_136 = tpu.dynamic_gather %div3A_108[%gather3A_135] in [0] : vector<16xf32>, vector<16xi32> -> vector<16xf32>
          %get3A_137 = arith.index_cast %add3A_112 : i32 to index
          %get3A_138 = arith.constant 32 : index
          %get3A_139 = tpu.vector_load %arg16[%get3A_137, %get3A_138] {strides = array<i32>} : memref<80x128xf32, #tpu.memory_space<vmem>>, vector<16xf32>,
          %mul3A_140 = arith.mulf %get3A_139, %gather3A_136 : vector<16xf32>
          %swap3A_141 = arith.index_cast %add3A_112 : i32 to index
          %swap3A_142 = arith.constant 32 : index
          %swap3A_143 = tpu.vector_load %arg16[%swap3A_141, %swap3A_142] {strides = array<i32>} : memref<80x128xf32, #tpu.memory_space<vmem>>, vector<16xf32>,
          tpu.vector_store %arg16[%swap3A_141, %swap3A_142], %mul3A_140 {strides = array<i32>} : memref<80x128xf32, #tpu.memory_space<vmem>>, vector<16xf32>,
          %broadcast_in_dim3A_144 = arith.constant 3 : i32
          %broadcast_in_dim3A_145 = vector.broadcast %broadcast_in_dim3A_144 : i32 to vector<16x1xi32>
          %gather3A_146 = vector.shape_cast %broadcast_in_dim3A_145 : vector<16x1xi32> to vector<16xi32>
          %gather3A_147 = tpu.dynamic_gather %div3A_108[%gather3A_146] in [0] : vector<16xf32>, vector<16xi32> -> vector<16xf32>
          %get3A_148 = arith.index_cast %add3A_112 : i32 to index
          %get3A_149 = arith.constant 48 : index
          %get3A_150 = tpu.vector_load %arg16[%get3A_148, %get3A_149] {strides = array<i32>} : memref<80x128xf32, #tpu.memory_space<vmem>>, vector<16xf32>,
          %mul3A_151 = arith.mulf %get3A_150, %gather3A_147 : vector<16xf32>
          %swap3A_152 = arith.index_cast %add3A_112 : i32 to index
          %swap3A_153 = arith.constant 48 : index
          %swap3A_154 = tpu.vector_load %arg16[%swap3A_152, %swap3A_153] {strides = array<i32>} : memref<80x128xf32, #tpu.memory_space<vmem>>, vector<16xf32>,
          tpu.vector_store %arg16[%swap3A_152, %swap3A_153], %mul3A_151 {strides = array<i32>} : memref<80x128xf32, #tpu.memory_space<vmem>>, vector<16xf32>,
          %broadcast_in_dim3A_155 = arith.constant 4 : i32
          %broadcast_in_dim3A_156 = vector.broadcast %broadcast_in_dim3A_155 : i32 to vector<16x1xi32>
          %gather3A_157 = vector.shape_cast %broadcast_in_dim3A_156 : vector<16x1xi32> to vector<16xi32>
          %gather3A_158 = tpu.dynamic_gather %div3A_108[%gather3A_157] in [0] : vector<16xf32>, vector<16xi32> -> vector<16xf32>
          %get3A_159 = arith.index_cast %add3A_112 : i32 to index
          %get3A_160 = arith.constant 64 : index
          %get3A_161 = tpu.vector_load %arg16[%get3A_159, %get3A_160] {strides = array<i32>} : memref<80x128xf32, #tpu.memory_space<vmem>>, vector<16xf32>,
          %mul3A_162 = arith.mulf %get3A_161, %gather3A_158 : vector<16xf32>
          %swap3A_163 = arith.index_cast %add3A_112 : i32 to index
          %swap3A_164 = arith.constant 64 : index
          %swap3A_165 = tpu.vector_load %arg16[%swap3A_163, %swap3A_164] {strides = array<i32>} : memref<80x128xf32, #tpu.memory_space<vmem>>, vector<16xf32>,
          tpu.vector_store %arg16[%swap3A_163, %swap3A_164], %mul3A_162 {strides = array<i32>} : memref<80x128xf32, #tpu.memory_space<vmem>>, vector<16xf32>,
          %broadcast_in_dim3A_166 = arith.constant 5 : i32
          %broadcast_in_dim3A_167 = vector.broadcast %broadcast_in_dim3A_166 : i32 to vector<16x1xi32>
          %gather3A_168 = vector.shape_cast %broadcast_in_dim3A_167 : vector<16x1xi32> to vector<16xi32>
          %gather3A_169 = tpu.dynamic_gather %div3A_108[%gather3A_168] in [0] : vector<16xf32>, vector<16xi32> -> vector<16xf32>
          %get3A_170 = arith.index_cast %add3A_112 : i32 to index
          %get3A_171 = arith.constant 80 : index
          %get3A_172 = tpu.vector_load %arg16[%get3A_170, %get3A_171] {strides = array<i32>} : memref<80x128xf32, #tpu.memory_space<vmem>>, vector<16xf32>,
          %mul3A_173 = arith.mulf %get3A_172, %gather3A_169 : vector<16xf32>
          %swap3A_174 = arith.index_cast %add3A_112 : i32 to index
          %swap3A_175 = arith.constant 80 : index
          %swap3A_176 = tpu.vector_load %arg16[%swap3A_174, %swap3A_175] {strides = array<i32>} : memref<80x128xf32, #tpu.memory_space<vmem>>, vector<16xf32>,
          tpu.vector_store %arg16[%swap3A_174, %swap3A_175], %mul3A_173 {strides = array<i32>} : memref<80x128xf32, #tpu.memory_space<vmem>>, vector<16xf32>,
          %broadcast_in_dim3A_177 = arith.constant 6 : i32
          %broadcast_in_dim3A_178 = vector.broadcast %broadcast_in_dim3A_177 : i32 to vector<16x1xi32>
          %gather3A_179 = vector.shape_cast %broadcast_in_dim3A_178 : vector<16x1xi32> to vector<16xi32>
          %gather3A_180 = tpu.dynamic_gather %div3A_108[%gather3A_179] in [0] : vector<16xf32>, vector<16xi32> -> vector<16xf32>
          %get3A_181 = arith.index_cast %add3A_112 : i32 to index
          %get3A_182 = arith.constant 96 : index
          %get3A_183 = tpu.vector_load %arg16[%get3A_181, %get3A_182] {strides = array<i32>} : memref<80x128xf32, #tpu.memory_space<vmem>>, vector<16xf32>,
          %mul3A_184 = arith.mulf %get3A_183, %gather3A_180 : vector<16xf32>
          %swap3A_185 = arith.index_cast %add3A_112 : i32 to index
          %swap3A_186 = arith.constant 96 : index
          %swap3A_187 = tpu.vector_load %arg16[%swap3A_185, %swap3A_186] {strides = array<i32>} : memref<80x128xf32, #tpu.memory_space<vmem>>, vector<16xf32>,
          tpu.vector_store %arg16[%swap3A_185, %swap3A_186], %mul3A_184 {strides = array<i32>} : memref<80x128xf32, #tpu.memory_space<vmem>>, vector<16xf32>,
          %broadcast_in_dim3A_188 = arith.constant 7 : i32
          %broadcast_in_dim3A_189 = vector.broadcast %broadcast_in_dim3A_188 : i32 to vector<16x1xi32>
          %gather3A_190 = vector.shape_cast %broadcast_in_dim3A_189 : vector<16x1xi32> to vector<16xi32>
          %gather3A_191 = tpu.dynamic_gather %div3A_108[%gather3A_190] in [0] : vector<16xf32>, vector<16xi32> -> vector<16xf32>
          %get3A_192 = arith.index_cast %add3A_112 : i32 to index
          %get3A_193 = arith.constant 112 : index
          %get3A_194 = tpu.vector_load %arg16[%get3A_192, %get3A_193] {strides = array<i32>} : memref<80x128xf32, #tpu.memory_space<vmem>>, vector<16xf32>,
          %mul3A_195 = arith.mulf %get3A_194, %gather3A_191 : vector<16xf32>
          %swap3A_196 = arith.index_cast %add3A_112 : i32 to index
          %swap3A_197 = arith.constant 112 : index
          %swap3A_198 = tpu.vector_load %arg16[%swap3A_196, %swap3A_197] {strides = array<i32>} : memref<80x128xf32, #tpu.memory_space<vmem>>, vector<16xf32>,
          tpu.vector_store %arg16[%swap3A_196, %swap3A_197], %mul3A_195 {strides = array<i32>} : memref<80x128xf32, #tpu.memory_space<vmem>>, vector<16xf32>,
          %mul3A_199 = arith.constant 2 : i32
          %mul3A_200 = arith.muli %mul3A_199, %scan3A_98 : i32
          %add3A_201 = arith.constant 1 : i32
          %add3A_202 = arith.addi %mul3A_200, %add3A_201 : i32
          %broadcast_in_dim3A_203 = arith.constant 8 : i32
          %broadcast_in_dim3A_204 = vector.broadcast %broadcast_in_dim3A_203 : i32 to vector<16x1xi32>
          %gather3A_205 = vector.shape_cast %broadcast_in_dim3A_204 : vector<16x1xi32> to vector<16xi32>
          %gather3A_206 = tpu.dynamic_gather %div3A_108[%gather3A_205] in [0] : vector<16xf32>, vector<16xi32> -> vector<16xf32>
          %get3A_207 = arith.index_cast %add3A_202 : i32 to index
          %get3A_208 = arith.constant 0 : index
          %get3A_209 = tpu.vector_load %arg16[%get3A_207, %get3A_208] {strides = array<i32>} : memref<80x128xf32, #tpu.memory_space<vmem>>, vector<16xf32>,
          %mul3A_210 = arith.mulf %get3A_209, %gather3A_206 : vector<16xf32>
          %swap3A_211 = arith.index_cast %add3A_202 : i32 to index
          %swap3A_212 = arith.constant 0 : index
          %swap3A_213 = tpu.vector_load %arg16[%swap3A_211, %swap3A_212] {strides = array<i32>} : memref<80x128xf32, #tpu.memory_space<vmem>>, vector<16xf32>,
          tpu.vector_store %arg16[%swap3A_211, %swap3A_212], %mul3A_210 {strides = array<i32>} : memref<80x128xf32, #tpu.memory_space<vmem>>, vector<16xf32>,
          %broadcast_in_dim3A_214 = arith.constant 9 : i32
          %broadcast_in_dim3A_215 = vector.broadcast %broadcast_in_dim3A_214 : i32 to vector<16x1xi32>
          %gather3A_216 = vector.shape_cast %broadcast_in_dim3A_215 : vector<16x1xi32> to vector<16xi32>
          %gather3A_217 = tpu.dynamic_gather %div3A_108[%gather3A_216] in [0] : vector<16xf32>, vector<16xi32> -> vector<16xf32>
          %get3A_218 = arith.index_cast %add3A_202 : i32 to index
          %get3A_219 = arith.constant 16 : index
          %get3A_220 = tpu.vector_load %arg16[%get3A_218, %get3A_219] {strides = array<i32>} : memref<80x128xf32, #tpu.memory_space<vmem>>, vector<16xf32>,
          %mul3A_221 = arith.mulf %get3A_220, %gather3A_217 : vector<16xf32>
          %swap3A_222 = arith.index_cast %add3A_202 : i32 to index
          %swap3A_223 = arith.constant 16 : index
          %swap3A_224 = tpu.vector_load %arg16[%swap3A_222, %swap3A_223] {strides = array<i32>} : memref<80x128xf32, #tpu.memory_space<vmem>>, vector<16xf32>,
          tpu.vector_store %arg16[%swap3A_222, %swap3A_223], %mul3A_221 {strides = array<i32>} : memref<80x128xf32, #tpu.memory_space<vmem>>, vector<16xf32>,
          %broadcast_in_dim3A_225 = arith.constant 10 : i32
          %broadcast_in_dim3A_226 = vector.broadcast %broadcast_in_dim3A_225 : i32 to vector<16x1xi32>
          %gather3A_227 = vector.shape_cast %broadcast_in_dim3A_226 : vector<16x1xi32> to vector<16xi32>
          %gather3A_228 = tpu.dynamic_gather %div3A_108[%gather3A_227] in [0] : vector<16xf32>, vector<16xi32> -> vector<16xf32>
          %get3A_229 = arith.index_cast %add3A_202 : i32 to index
          %get3A_230 = arith.constant 32 : index
          %get3A_231 = tpu.vector_load %arg16[%get3A_229, %get3A_230] {strides = array<i32>} : memref<80x128xf32, #tpu.memory_space<vmem>>, vector<16xf32>,
          %mul3A_232 = arith.mulf %get3A_231, %gather3A_228 : vector<16xf32>
          %swap3A_233 = arith.index_cast %add3A_202 : i32 to index
          %swap3A_234 = arith.constant 32 : index
          %swap3A_235 = tpu.vector_load %arg16[%swap3A_233, %swap3A_234] {strides = array<i32>} : memref<80x128xf32, #tpu.memory_space<vmem>>, vector<16xf32>,
          tpu.vector_store %arg16[%swap3A_233, %swap3A_234], %mul3A_232 {strides = array<i32>} : memref<80x128xf32, #tpu.memory_space<vmem>>, vector<16xf32>,
          %broadcast_in_dim3A_236 = arith.constant 11 : i32
          %broadcast_in_dim3A_237 = vector.broadcast %broadcast_in_dim3A_236 : i32 to vector<16x1xi32>
          %gather3A_238 = vector.shape_cast %broadcast_in_dim3A_237 : vector<16x1xi32> to vector<16xi32>
          %gather3A_239 = tpu.dynamic_gather %div3A_108[%gather3A_238] in [0] : vector<16xf32>, vector<16xi32> -> vector<16xf32>
          %get3A_240 = arith.index_cast %add3A_202 : i32 to index
          %get3A_241 = arith.constant 48 : index
          %get3A_242 = tpu.vector_load %arg16[%get3A_240, %get3A_241] {strides = array<i32>} : memref<80x128xf32, #tpu.memory_space<vmem>>, vector<16xf32>,
          %mul3A_243 = arith.mulf %get3A_242, %gather3A_239 : vector<16xf32>
          %swap3A_244 = arith.index_cast %add3A_202 : i32 to index
          %swap3A_245 = arith.constant 48 : index
          %swap3A_246 = tpu.vector_load %arg16[%swap3A_244, %swap3A_245] {strides = array<i32>} : memref<80x128xf32, #tpu.memory_space<vmem>>, vector<16xf32>,
          tpu.vector_store %arg16[%swap3A_244, %swap3A_245], %mul3A_243 {strides = array<i32>} : memref<80x128xf32, #tpu.memory_space<vmem>>, vector<16xf32>,
          %broadcast_in_dim3A_247 = arith.constant 12 : i32
          %broadcast_in_dim3A_248 = vector.broadcast %broadcast_in_dim3A_247 : i32 to vector<16x1xi32>
          %gather3A_249 = vector.shape_cast %broadcast_in_dim3A_248 : vector<16x1xi32> to vector<16xi32>
          %gather3A_250 = tpu.dynamic_gather %div3A_108[%gather3A_249] in [0] : vector<16xf32>, vector<16xi32> -> vector<16xf32>
          %get3A_251 = arith.index_cast %add3A_202 : i32 to index
          %get3A_252 = arith.constant 64 : index
          %get3A_253 = tpu.vector_load %arg16[%get3A_251, %get3A_252] {strides = array<i32>} : memref<80x128xf32, #tpu.memory_space<vmem>>, vector<16xf32>,
          %mul3A_254 = arith.mulf %get3A_253, %gather3A_250 : vector<16xf32>
          %swap3A_255 = arith.index_cast %add3A_202 : i32 to index
          %swap3A_256 = arith.constant 64 : index
          %swap3A_257 = tpu.vector_load %arg16[%swap3A_255, %swap3A_256] {strides = array<i32>} : memref<80x128xf32, #tpu.memory_space<vmem>>, vector<16xf32>,
          tpu.vector_store %arg16[%swap3A_255, %swap3A_256], %mul3A_254 {strides = array<i32>} : memref<80x128xf32, #tpu.memory_space<vmem>>, vector<16xf32>,
          %broadcast_in_dim3A_258 = arith.constant 13 : i32
          %broadcast_in_dim3A_259 = vector.broadcast %broadcast_in_dim3A_258 : i32 to vector<16x1xi32>
          %gather3A_260 = vector.shape_cast %broadcast_in_dim3A_259 : vector<16x1xi32> to vector<16xi32>
          %gather3A_261 = tpu.dynamic_gather %div3A_108[%gather3A_260] in [0] : vector<16xf32>, vector<16xi32> -> vector<16xf32>
          %get3A_262 = arith.index_cast %add3A_202 : i32 to index
          %get3A_263 = arith.constant 80 : index
          %get3A_264 = tpu.vector_load %arg16[%get3A_262, %get3A_263] {strides = array<i32>} : memref<80x128xf32, #tpu.memory_space<vmem>>, vector<16xf32>,
          %mul3A_265 = arith.mulf %get3A_264, %gather3A_261 : vector<16xf32>
          %swap3A_266 = arith.index_cast %add3A_202 : i32 to index
          %swap3A_267 = arith.constant 80 : index
          %swap3A_268 = tpu.vector_load %arg16[%swap3A_266, %swap3A_267] {strides = array<i32>} : memref<80x128xf32, #tpu.memory_space<vmem>>, vector<16xf32>,
          tpu.vector_store %arg16[%swap3A_266, %swap3A_267], %mul3A_265 {strides = array<i32>} : memref<80x128xf32, #tpu.memory_space<vmem>>, vector<16xf32>,
          %broadcast_in_dim3A_269 = arith.constant 14 : i32
          %broadcast_in_dim3A_270 = vector.broadcast %broadcast_in_dim3A_269 : i32 to vector<16x1xi32>
          %gather3A_271 = vector.shape_cast %broadcast_in_dim3A_270 : vector<16x1xi32> to vector<16xi32>
          %gather3A_272 = tpu.dynamic_gather %div3A_108[%gather3A_271] in [0] : vector<16xf32>, vector<16xi32> -> vector<16xf32>
          %get3A_273 = arith.index_cast %add3A_202 : i32 to index
          %get3A_274 = arith.constant 96 : index
          %get3A_275 = tpu.vector_load %arg16[%get3A_273, %get3A_274] {strides = array<i32>} : memref<80x128xf32, #tpu.memory_space<vmem>>, vector<16xf32>,
          %mul3A_276 = arith.mulf %get3A_275, %gather3A_272 : vector<16xf32>
          %swap3A_277 = arith.index_cast %add3A_202 : i32 to index
          %swap3A_278 = arith.constant 96 : index
          %swap3A_279 = tpu.vector_load %arg16[%swap3A_277, %swap3A_278] {strides = array<i32>} : memref<80x128xf32, #tpu.memory_space<vmem>>, vector<16xf32>,
          tpu.vector_store %arg16[%swap3A_277, %swap3A_278], %mul3A_276 {strides = array<i32>} : memref<80x128xf32, #tpu.memory_space<vmem>>, vector<16xf32>,
          %broadcast_in_dim3A_280 = arith.constant 15 : i32
          %broadcast_in_dim3A_281 = vector.broadcast %broadcast_in_dim3A_280 : i32 to vector<16x1xi32>
          %gather3A_282 = vector.shape_cast %broadcast_in_dim3A_281 : vector<16x1xi32> to vector<16xi32>
          %gather3A_283 = tpu.dynamic_gather %div3A_108[%gather3A_282] in [0] : vector<16xf32>, vector<16xi32> -> vector<16xf32>
          %get3A_284 = arith.index_cast %add3A_202 : i32 to index
          %get3A_285 = arith.constant 112 : index
          %get3A_286 = tpu.vector_load %arg16[%get3A_284, %get3A_285] {strides = array<i32>} : memref<80x128xf32, #tpu.memory_space<vmem>>, vector<16xf32>,
          %mul3A_287 = arith.mulf %get3A_286, %gather3A_283 : vector<16xf32>
          %swap3A_288 = arith.index_cast %add3A_202 : i32 to index
          %swap3A_289 = arith.constant 112 : index
          %swap3A_290 = tpu.vector_load %arg16[%swap3A_288, %swap3A_289] {strides = array<i32>} : memref<80x128xf32, #tpu.memory_space<vmem>>, vector<16xf32>,
          tpu.vector_store %arg16[%swap3A_288, %swap3A_289], %mul3A_287 {strides = array<i32>} : memref<80x128xf32, #tpu.memory_space<vmem>>, vector<16xf32>,
        }
        %scan3A_96 = arith.constant 40 : i32
        %add3A_97 = arith.addi %mul3A_73, %mul3A_90 : i32
        "tpu.region"() ({
          %run_scoped3A = tpu.sem_alloc : memref<!tpu.dma_semaphore, #tpu.memory_space<semaphore_mem>>
          %dma_start3A = arith.constant 0 : i32
          %dma_start3A_98 = tpu.memref_slice %arg9[%add3A_97, %dma_start3A] : memref<20000x128xf32, #tpu.memory_space<hbm>> -> memref<80x128xf32, #tpu.memory_space<hbm>>
          %dma_start3A_99 = arith.constant 0 : i32
          %dma_start3A_100 = tpu.memref_slice %arg9[%add3A_97, %dma_start3A_99] : memref<20000x128xf32, #tpu.memory_space<hbm>> -> memref<80x128xf32, #tpu.memory_space<hbm>>
          tpu.enqueue_dma source(%arg16 : memref<80x128xf32, #tpu.memory_space<vmem>>) target(%dma_start3A_100 : memref<80x128xf32, #tpu.memory_space<hbm>>) target_semaphore(%run_scoped3A : memref<!tpu.dma_semaphore, #tpu.memory_space<semaphore_mem>>)
          %dma_wait3A = arith.constant 0 : i32
          %dma_wait3A_101 = tpu.memref_slice %arg9[%add3A_97, %dma_wait3A] : memref<20000x128xf32, #tpu.memory_space<hbm>> -> memref<80x128xf32, #tpu.memory_space<hbm>>
          %dma_wait3A_102 = arith.constant 0 : i32
          %dma_wait3A_103 = tpu.memref_slice %arg9[%add3A_97, %dma_wait3A_102] : memref<20000x128xf32, #tpu.memory_space<hbm>> -> memref<80x128xf32, #tpu.memory_space<hbm>>
          tpu.wait_dma2 semaphore(%run_scoped3A : memref<!tpu.dma_semaphore, #tpu.memory_space<semaphore_mem>>) src(%arg16 : memref<80x128xf32, #tpu.memory_space<vmem>>) dst(%dma_wait3A_103 : memref<80x128xf32, #tpu.memory_space<hbm>>)
          tpu.yield
        }) : () -> ()
      } else {
      }
    }
    %scan3A_79 = arith.constant 8 : i32
    return
  }
}

module attributes {stable_mosaic.version = 14 : i64} {
  func.func @_tc_pre_body(%arg0: i32, %arg1: memref<1000x128xf32, #tpu.memory_space<vmem>>, %arg2: memref<128x128xf32, #tpu.memory_space<vmem>>, %arg3: memref<128x8xf32, #tpu.memory_space<vmem>>, %arg4: memref<128x8xf32, #tpu.memory_space<vmem>>, %arg5: memref<128x8xf32, #tpu.memory_space<vmem>>, %arg6: memref<2x128xf32, #tpu.memory_space<vmem>>, %arg7: memref<128x128xf32, #tpu.memory_space<vmem>>, %arg8: memref<1000x128xf32, #tpu.memory_space<vmem>>, %arg9: memref<1000x8xf32, #tpu.memory_space<vmem>>, %arg10: memref<1000x8xf32, #tpu.memory_space<vmem>>, %arg11: memref<2x8xf32, #tpu.memory_space<vmem>>, %arg12: memref<2x8xf32, #tpu.memory_space<vmem>>, %arg13: memref<4x8xf32, #tpu.memory_space<vmem>>) attributes {dimension_semantics = [#tpu.dimension_semantics<arbitrary>], iteration_bounds = array<i64: 20>, scalar_prefetch = 0 : i64, scratch_operands = 1 : i64, tpu.core_type = #tpu.core_type<tc>, window_params = [{transform_indices = @transform_0, window_bounds = array<i64: 1000, 128>}, {pipeline_mode = #tpu.pipeline_mode<synchronous>, transform_indices = @transform_1, window_bounds = array<i64: 128, 128>}, {pipeline_mode = #tpu.pipeline_mode<synchronous>, transform_indices = @transform_2, window_bounds = array<i64: 128, 8>}, {pipeline_mode = #tpu.pipeline_mode<synchronous>, transform_indices = @transform_3, window_bounds = array<i64: 128, 8>}, {pipeline_mode = #tpu.pipeline_mode<synchronous>, transform_indices = @transform_4, window_bounds = array<i64: 128, 8>}, {pipeline_mode = #tpu.pipeline_mode<synchronous>, transform_indices = @transform_5, window_bounds = array<i64: 2, 128>}, {pipeline_mode = #tpu.pipeline_mode<synchronous>, transform_indices = @transform_6, window_bounds = array<i64: 128, 128>}, {transform_indices = @transform_7, window_bounds = array<i64: 1000, 128>}, {transform_indices = @transform_8, window_bounds = array<i64: 1000, 8>}, {transform_indices = @transform_9, window_bounds = array<i64: 1000, 8>}, {pipeline_mode = #tpu.pipeline_mode<synchronous>, transform_indices = @transform_10, window_bounds = array<i64: 2, 8>}, {pipeline_mode = #tpu.pipeline_mode<synchronous>, transform_indices = @transform_11, window_bounds = array<i64: 2, 8>}]} {
    %get3A = arith.constant 0 : index
    %get3A_0 = arith.constant 0 : index
    %get3A_1 = vector.load %arg1[%get3A, %get3A_0] : memref<1000x128xf32, #tpu.memory_space<vmem>>, vector<1000x128xf32>
    %get3A_2 = arith.constant 0 : index
    %get3A_3 = arith.constant 0 : index
    %get3A_4 = vector.load %arg2[%get3A_2, %get3A_3] : memref<128x128xf32, #tpu.memory_space<vmem>>, vector<128x128xf32>
    %dot_general3A = arith.constant dense<0.000000e+00> : vector<1000x128xf32>
    %dot_general3A_5 = tpu.matmul %get3A_1, %get3A_4, %dot_general3A {dimension_numbers = #tpu.dot_dimension_numbers<[1], [0], [0], [1], [0, 0, 1, 1], [], []>, transpose_lhs_hint = false} : vector<1000x128xf32>, vector<128x128xf32>, vector<1000x128xf32> -> vector<1000x128xf32>
    %swap3A = arith.constant 0 : index
    %swap3A_6 = arith.constant 0 : index
    %swap3A_7 = vector.load %arg8[%swap3A, %swap3A_6] : memref<1000x128xf32, #tpu.memory_space<vmem>>, vector<1000x128xf32>
    tpu.vector_store %arg8[%swap3A, %swap3A_6], %dot_general3A_5 {strides = array<i32>} : memref<1000x128xf32, #tpu.memory_space<vmem>>, vector<1000x128xf32>,
    %get3A_8 = arith.constant 0 : index
    %get3A_9 = arith.constant 0 : index
    %get3A_10 = vector.load %arg3[%get3A_8, %get3A_9] : memref<128x8xf32, #tpu.memory_space<vmem>>, vector<128x8xf32>
    %dot_general3A_11 = arith.constant dense<0.000000e+00> : vector<1000x8xf32>
    %dot_general3A_12 = tpu.matmul %dot_general3A_5, %get3A_10, %dot_general3A_11 {dimension_numbers = #tpu.dot_dimension_numbers<[1], [0], [0], [1], [0, 0, 1, 1], [], []>, transpose_lhs_hint = false} : vector<1000x128xf32>, vector<128x8xf32>, vector<1000x8xf32> -> vector<1000x8xf32>
    %get3A_13 = arith.constant 0 : index
    %get3A_14 = arith.constant 0 : index
    %get3A_15 = vector.load %arg4[%get3A_13, %get3A_14] : memref<128x8xf32, #tpu.memory_space<vmem>>, vector<128x8xf32>
    %dot_general3A_16 = arith.constant dense<0.000000e+00> : vector<1000x8xf32>
    %dot_general3A_17 = tpu.matmul %dot_general3A_5, %get3A_15, %dot_general3A_16 {dimension_numbers = #tpu.dot_dimension_numbers<[1], [0], [0], [1], [0, 0, 1, 1], [], []>, transpose_lhs_hint = false} : vector<1000x128xf32>, vector<128x8xf32>, vector<1000x8xf32> -> vector<1000x8xf32>
    %swap3A_18 = arith.constant 0 : index
    %swap3A_19 = arith.constant 0 : index
    %swap3A_20 = vector.load %arg9[%swap3A_18, %swap3A_19] : memref<1000x8xf32, #tpu.memory_space<vmem>>, vector<1000x8xf32>
    tpu.vector_store %arg9[%swap3A_18, %swap3A_19], %dot_general3A_12 {strides = array<i32>} : memref<1000x8xf32, #tpu.memory_space<vmem>>, vector<1000x8xf32>,
    %swap3A_21 = arith.constant 0 : index
    %swap3A_22 = arith.constant 0 : index
    %swap3A_23 = vector.load %arg10[%swap3A_21, %swap3A_22] : memref<1000x8xf32, #tpu.memory_space<vmem>>, vector<1000x8xf32>
    tpu.vector_store %arg10[%swap3A_21, %swap3A_22], %dot_general3A_17 {strides = array<i32>} : memref<1000x8xf32, #tpu.memory_space<vmem>>, vector<1000x8xf32>,
    %reduce_max3A = arith.constant dense<0xFF800000> : vector<8xf32>
    %reduce_max3A_24 = vector.multi_reduction <maximumf>, %dot_general3A_12, %reduce_max3A [0] : vector<1000x8xf32> to vector<8xf32>
    %broadcast_in_dim3A = vector.shape_cast %reduce_max3A_24 : vector<8xf32> to vector<1x8xf32>
    %reduce_max3A_25 = arith.constant dense<0xFF800000> : vector<8xf32>
    %reduce_max3A_26 = vector.multi_reduction <maximumf>, %dot_general3A_17, %reduce_max3A_25 [0] : vector<1000x8xf32> to vector<8xf32>
    %broadcast_in_dim3A_27 = vector.shape_cast %reduce_max3A_26 : vector<8xf32> to vector<1x8xf32>
    %eq3A = arith.constant 0 : i32
    %eq3A_28 = arith.cmpi eq, %arg0, %eq3A : i32
    %convert_element_type3A = arith.extui %eq3A_28 : i1 to i32
    %cond3A = arith.constant 0 : i32
    %cond3A_29 = arith.cmpi ne, %convert_element_type3A, %cond3A : i32
    scf.if %cond3A_29 {
      %broadcast_in_dim3A_43 = arith.constant 0xFF800000 : f32
      %broadcast_in_dim3A_44 = vector.broadcast %broadcast_in_dim3A_43 : f32 to vector<4x8xf32>
      %swap3A_45 = arith.constant 0 : index
      %swap3A_46 = arith.constant 0 : index
      %swap3A_47 = vector.load %arg13[%swap3A_45, %swap3A_46] : memref<4x8xf32, #tpu.memory_space<vmem>>, vector<4x8xf32>
      tpu.vector_store %arg13[%swap3A_45, %swap3A_46], %broadcast_in_dim3A_44 {strides = array<i32>} : memref<4x8xf32, #tpu.memory_space<vmem>>, vector<4x8xf32>,
    } else {
    }
    %lt3A = arith.constant 10 : i32
    %lt3A_30 = arith.cmpi slt, %arg0, %lt3A : i32
    %convert_element_type3A_31 = arith.extui %lt3A_30 : i1 to i32
    %cond3A_32 = arith.constant 0 : i32
    %cond3A_33 = arith.cmpi ne, %convert_element_type3A_31, %cond3A_32 : i32
    scf.if %cond3A_33 {
      %get3A_43 = arith.constant 0 : index
      %get3A_44 = arith.constant 0 : index
      %get3A_45 = vector.load %arg13[%get3A_43, %get3A_44] : memref<4x8xf32, #tpu.memory_space<vmem>>, vector<1x8xf32>
      %max3A = arith.maximumf %get3A_45, %broadcast_in_dim3A : vector<1x8xf32>
      %swap3A_46 = arith.constant 0 : index
      %swap3A_47 = arith.constant 0 : index
      %swap3A_48 = vector.load %arg13[%swap3A_46, %swap3A_47] : memref<4x8xf32, #tpu.memory_space<vmem>>, vector<1x8xf32>
      tpu.vector_store %arg13[%swap3A_46, %swap3A_47], %max3A {strides = array<i32>} : memref<4x8xf32, #tpu.memory_space<vmem>>, vector<1x8xf32>,
      %get3A_49 = arith.constant 2 : index
      %get3A_50 = arith.constant 0 : index
      %get3A_51 = vector.load %arg13[%get3A_49, %get3A_50] : memref<4x8xf32, #tpu.memory_space<vmem>>, vector<1x8xf32>
      %max3A_52 = arith.maximumf %get3A_51, %broadcast_in_dim3A_27 : vector<1x8xf32>
      %swap3A_53 = arith.constant 2 : index
      %swap3A_54 = arith.constant 0 : index
      %swap3A_55 = vector.load %arg13[%swap3A_53, %swap3A_54] : memref<4x8xf32, #tpu.memory_space<vmem>>, vector<1x8xf32>
      tpu.vector_store %arg13[%swap3A_53, %swap3A_54], %max3A_52 {strides = array<i32>} : memref<4x8xf32, #tpu.memory_space<vmem>>, vector<1x8xf32>,
    } else {
    }
    %ge3A = arith.constant 10 : i32
    %ge3A_34 = arith.cmpi sge, %arg0, %ge3A : i32
    %convert_element_type3A_35 = arith.extui %ge3A_34 : i1 to i32
    %cond3A_36 = arith.constant 0 : i32
    %cond3A_37 = arith.cmpi ne, %convert_element_type3A_35, %cond3A_36 : i32
    scf.if %cond3A_37 {
      %get3A_43 = arith.constant 1 : index
      %get3A_44 = arith.constant 0 : index
      %get3A_45 = vector.load %arg13[%get3A_43, %get3A_44] : memref<4x8xf32, #tpu.memory_space<vmem>>, vector<1x8xf32>
      %max3A = arith.maximumf %get3A_45, %broadcast_in_dim3A : vector<1x8xf32>
      %swap3A_46 = arith.constant 1 : index
      %swap3A_47 = arith.constant 0 : index
      %swap3A_48 = vector.load %arg13[%swap3A_46, %swap3A_47] : memref<4x8xf32, #tpu.memory_space<vmem>>, vector<1x8xf32>
      tpu.vector_store %arg13[%swap3A_46, %swap3A_47], %max3A {strides = array<i32>} : memref<4x8xf32, #tpu.memory_space<vmem>>, vector<1x8xf32>,
      %get3A_49 = arith.constant 3 : index
      %get3A_50 = arith.constant 0 : index
      %get3A_51 = vector.load %arg13[%get3A_49, %get3A_50] : memref<4x8xf32, #tpu.memory_space<vmem>>, vector<1x8xf32>
      %max3A_52 = arith.maximumf %get3A_51, %broadcast_in_dim3A_27 : vector<1x8xf32>
      %swap3A_53 = arith.constant 3 : index
      %swap3A_54 = arith.constant 0 : index
      %swap3A_55 = vector.load %arg13[%swap3A_53, %swap3A_54] : memref<4x8xf32, #tpu.memory_space<vmem>>, vector<1x8xf32>
      tpu.vector_store %arg13[%swap3A_53, %swap3A_54], %max3A_52 {strides = array<i32>} : memref<4x8xf32, #tpu.memory_space<vmem>>, vector<1x8xf32>,
    } else {
    }
    %eq3A_38 = arith.constant 19 : i32
    %eq3A_39 = arith.cmpi eq, %arg0, %eq3A_38 : i32
    %convert_element_type3A_40 = arith.extui %eq3A_39 : i1 to i32
    %cond3A_41 = arith.constant 0 : i32
    %cond3A_42 = arith.cmpi ne, %convert_element_type3A_40, %cond3A_41 : i32
    scf.if %cond3A_42 {
      %get3A_43 = arith.constant 0 : index
      %get3A_44 = arith.constant 0 : index
      %get3A_45 = vector.load %arg6[%get3A_43, %get3A_44] : memref<2x128xf32, #tpu.memory_space<vmem>>, vector<2x128xf32>
      %get3A_46 = arith.constant 0 : index
      %get3A_47 = arith.constant 0 : index
      %get3A_48 = vector.load %arg7[%get3A_46, %get3A_47] : memref<128x128xf32, #tpu.memory_space<vmem>>, vector<128x128xf32>
      %dot_general3A_49 = arith.constant dense<0.000000e+00> : vector<2x128xf32>
      %dot_general3A_50 = tpu.matmul %get3A_45, %get3A_48, %dot_general3A_49 {dimension_numbers = #tpu.dot_dimension_numbers<[1], [0], [0], [1], [0, 0, 1, 1], [], []>, transpose_lhs_hint = false} : vector<2x128xf32>, vector<128x128xf32>, vector<2x128xf32> -> vector<2x128xf32>
      %get3A_51 = arith.constant 0 : index
      %get3A_52 = arith.constant 0 : index
      %get3A_53 = vector.load %arg5[%get3A_51, %get3A_52] : memref<128x8xf32, #tpu.memory_space<vmem>>, vector<128x8xf32>
      %dot_general3A_54 = arith.constant dense<0.000000e+00> : vector<2x8xf32>
      %dot_general3A_55 = tpu.matmul %dot_general3A_50, %get3A_53, %dot_general3A_54 {dimension_numbers = #tpu.dot_dimension_numbers<[1], [0], [0], [1], [0, 0, 1, 1], [], []>, transpose_lhs_hint = false} : vector<2x128xf32>, vector<128x8xf32>, vector<2x8xf32> -> vector<2x8xf32>
      %swap3A_56 = arith.constant 0 : index
      %swap3A_57 = arith.constant 0 : index
      %swap3A_58 = vector.load %arg12[%swap3A_56, %swap3A_57] : memref<2x8xf32, #tpu.memory_space<vmem>>, vector<2x8xf32>
      tpu.vector_store %arg12[%swap3A_56, %swap3A_57], %dot_general3A_55 {strides = array<i32>} : memref<2x8xf32, #tpu.memory_space<vmem>>, vector<2x8xf32>,
      %get3A_59 = arith.constant 0 : index
      %get3A_60 = arith.constant 0 : index
      %get3A_61 = vector.load %arg13[%get3A_59, %get3A_60] : memref<4x8xf32, #tpu.memory_space<vmem>>, vector<1x8xf32>
      %get3A_62 = arith.constant 3 : index
      %get3A_63 = arith.constant 0 : index
      %get3A_64 = vector.load %arg13[%get3A_62, %get3A_63] : memref<4x8xf32, #tpu.memory_space<vmem>>, vector<1x8xf32>
      %add3A = arith.addf %get3A_61, %get3A_64 : vector<1x8xf32>
      %slice3A = vector.extract_strided_slice %dot_general3A_55 {offsets = [0, 0], sizes = [1, 8], strides = [1, 1]} : vector<2x8xf32> to vector<1x8xf32>
      %add3A_65 = arith.addf %add3A, %slice3A : vector<1x8xf32>
      %get3A_66 = arith.constant 1 : index
      %get3A_67 = arith.constant 0 : index
      %get3A_68 = vector.load %arg13[%get3A_66, %get3A_67] : memref<4x8xf32, #tpu.memory_space<vmem>>, vector<1x8xf32>
      %get3A_69 = arith.constant 2 : index
      %get3A_70 = arith.constant 0 : index
      %get3A_71 = vector.load %arg13[%get3A_69, %get3A_70] : memref<4x8xf32, #tpu.memory_space<vmem>>, vector<1x8xf32>
      %add3A_72 = arith.addf %get3A_68, %get3A_71 : vector<1x8xf32>
      %slice3A_73 = vector.extract_strided_slice %dot_general3A_55 {offsets = [1, 0], sizes = [1, 8], strides = [1, 1]} : vector<2x8xf32> to vector<1x8xf32>
      %add3A_74 = arith.addf %add3A_72, %slice3A_73 : vector<1x8xf32>
      %concatenate3A = tpu.concatenate %add3A_65, %add3A_74 in 0 : vector<1x8xf32>, vector<1x8xf32> -> vector<2x8xf32>
      %ge3A_75 = arith.constant 0.000000e+00 : f32
      %ge3A_76 = vector.broadcast %ge3A_75 : f32 to vector<2x8xf32>
      %ge3A_77 = arith.cmpf oge, %concatenate3A, %ge3A_76 : vector<2x8xf32>
      %mul3A = arith.constant 2.000000e-01 : f32
      %mul3A_78 = vector.broadcast %mul3A : f32 to vector<2x8xf32>
      %mul3A_79 = arith.mulf %mul3A_78, %concatenate3A : vector<2x8xf32>
      %select_n3A = arith.select %ge3A_77, %concatenate3A, %mul3A_79 : vector<2x8xi1>, vector<2x8xf32>
      %swap3A_80 = arith.constant 0 : index
      %swap3A_81 = arith.constant 0 : index
      %swap3A_82 = vector.load %arg11[%swap3A_80, %swap3A_81] : memref<2x8xf32, #tpu.memory_space<vmem>>, vector<2x8xf32>
      tpu.vector_store %arg11[%swap3A_80, %swap3A_81], %select_n3A {strides = array<i32>} : memref<2x8xf32, #tpu.memory_space<vmem>>, vector<2x8xf32>,
    } else {
    }
    return
  }
  func.func @transform_0(%arg0: i32) -> (i32, i32) {
    %c0_i32 = arith.constant 0 : i32
    %c0_i32_0 = arith.constant 0 : i32
    return %arg0, %c0_i32 : i32, i32
  }
  func.func @transform_1(%arg0: i32) -> (i32, i32) {
    %c0_i32 = arith.constant 0 : i32
    %c0_i32_0 = arith.constant 0 : i32
    %c0_i32_1 = arith.constant 0 : i32
    return %c0_i32, %c0_i32_0 : i32, i32
  }
  func.func @transform_2(%arg0: i32) -> (i32, i32) {
    %c0_i32 = arith.constant 0 : i32
    %c0_i32_0 = arith.constant 0 : i32
    %c0_i32_1 = arith.constant 0 : i32
    return %c0_i32, %c0_i32_0 : i32, i32
  }
  func.func @transform_3(%arg0: i32) -> (i32, i32) {
    %c0_i32 = arith.constant 0 : i32
    %c0_i32_0 = arith.constant 0 : i32
    %c0_i32_1 = arith.constant 0 : i32
    return %c0_i32, %c0_i32_0 : i32, i32
  }
  func.func @transform_4(%arg0: i32) -> (i32, i32) {
    %c0_i32 = arith.constant 0 : i32
    %c0_i32_0 = arith.constant 0 : i32
    %c0_i32_1 = arith.constant 0 : i32
    return %c0_i32, %c0_i32_0 : i32, i32
  }
  func.func @transform_5(%arg0: i32) -> (i32, i32) {
    %c0_i32 = arith.constant 0 : i32
    %c0_i32_0 = arith.constant 0 : i32
    %c0_i32_1 = arith.constant 0 : i32
    return %c0_i32, %c0_i32_0 : i32, i32
  }
  func.func @transform_6(%arg0: i32) -> (i32, i32) {
    %c0_i32 = arith.constant 0 : i32
    %c0_i32_0 = arith.constant 0 : i32
    %c0_i32_1 = arith.constant 0 : i32
    return %c0_i32, %c0_i32_0 : i32, i32
  }
  func.func @transform_7(%arg0: i32) -> (i32, i32) {
    %c0_i32 = arith.constant 0 : i32
    %c0_i32_0 = arith.constant 0 : i32
    return %arg0, %c0_i32 : i32, i32
  }
  func.func @transform_8(%arg0: i32) -> (i32, i32) {
    %c0_i32 = arith.constant 0 : i32
    %c0_i32_0 = arith.constant 0 : i32
    return %arg0, %c0_i32 : i32, i32
  }
  func.func @transform_9(%arg0: i32) -> (i32, i32) {
    %c0_i32 = arith.constant 0 : i32
    %c0_i32_0 = arith.constant 0 : i32
    return %arg0, %c0_i32 : i32, i32
  }
  func.func @transform_10(%arg0: i32) -> (i32, i32) {
    %c0_i32 = arith.constant 0 : i32
    %c0_i32_0 = arith.constant 0 : i32
    %c0_i32_1 = arith.constant 0 : i32
    return %c0_i32, %c0_i32_0 : i32, i32
  }
  func.func @transform_11(%arg0: i32) -> (i32, i32) {
    %c0_i32 = arith.constant 0 : i32
    %c0_i32_0 = arith.constant 0 : i32
    %c0_i32_1 = arith.constant 0 : i32
    return %c0_i32, %c0_i32_0 : i32, i32
  }
}

module attributes {stable_mosaic.version = 14 : i64} {
  func.func @_tc_post_body(%arg0: i32, %arg1: memref<1000x128xf32, #tpu.memory_space<vmem>>, %arg2: memref<1000x128xf32, #tpu.memory_space<vmem>>, %arg3: memref<1x128xf32, #tpu.memory_space<vmem>>, %arg4: memref<1x128xf32, #tpu.memory_space<vmem>>, %arg5: memref<1000x128xf32, #tpu.memory_space<vmem>>) attributes {dimension_semantics = [#tpu.dimension_semantics<arbitrary>], iteration_bounds = array<i64: 20>, scalar_prefetch = 0 : i64, scratch_operands = 0 : i64, tpu.core_type = #tpu.core_type<tc>, window_params = [{transform_indices = @transform_0, window_bounds = array<i64: 1000, 128>}, {transform_indices = @transform_1, window_bounds = array<i64: 1000, 128>}, {pipeline_mode = #tpu.pipeline_mode<synchronous>, transform_indices = @transform_2, window_bounds = array<i64: 1, 128>}, {pipeline_mode = #tpu.pipeline_mode<synchronous>, transform_indices = @transform_3, window_bounds = array<i64: 1, 128>}, {transform_indices = @transform_4, window_bounds = array<i64: 1000, 128>}]} {
    %get3A = arith.constant 0 : index
    %get3A_0 = arith.constant 0 : index
    %get3A_1 = vector.load %arg1[%get3A, %get3A_0] : memref<1000x128xf32, #tpu.memory_space<vmem>>, vector<1000x128xf32>
    %get3A_2 = arith.constant 0 : index
    %get3A_3 = arith.constant 0 : index
    %get3A_4 = vector.load %arg2[%get3A_2, %get3A_3] : memref<1000x128xf32, #tpu.memory_space<vmem>>, vector<1000x128xf32>
    %add3A = arith.addf %get3A_1, %get3A_4 : vector<1000x128xf32>
    %ge3A = arith.constant 0.000000e+00 : f32
    %ge3A_5 = vector.broadcast %ge3A : f32 to vector<1000x128xf32>
    %ge3A_6 = arith.cmpf oge, %add3A, %ge3A_5 : vector<1000x128xf32>
    %mul3A = arith.constant 2.000000e-01 : f32
    %mul3A_7 = vector.broadcast %mul3A : f32 to vector<1000x128xf32>
    %mul3A_8 = arith.mulf %mul3A_7, %add3A : vector<1000x128xf32>
    %select_n3A = arith.select %ge3A_6, %add3A, %mul3A_8 : vector<1000x128xi1>, vector<1000x128xf32>
    %reduce_sum3A = arith.constant dense<0.000000e+00> : vector<1000xf32>
    %reduce_sum3A_9 = vector.multi_reduction <add>, %select_n3A, %reduce_sum3A [1] : vector<1000x128xf32> to vector<1000xf32>
    %broadcast_in_dim3A = vector.shape_cast %reduce_sum3A_9 : vector<1000xf32> to vector<1000x1xf32>
    %div3A = arith.constant 1.280000e+02 : f32
    %div3A_10 = vector.broadcast %div3A : f32 to vector<1000x1xf32>
    %div3A_11 = arith.divf %broadcast_in_dim3A, %div3A_10 : vector<1000x1xf32>
    %sub3A = vector.broadcast %div3A_11 : vector<1000x1xf32> to vector<1000x128xf32>
    %sub3A_12 = arith.subf %select_n3A, %sub3A : vector<1000x128xf32>
    %mul3A_13 = arith.mulf %sub3A_12, %sub3A_12 : vector<1000x128xf32>
    %reduce_sum3A_14 = arith.constant dense<0.000000e+00> : vector<1000xf32>
    %reduce_sum3A_15 = vector.multi_reduction <add>, %mul3A_13, %reduce_sum3A_14 [1] : vector<1000x128xf32> to vector<1000xf32>
    %broadcast_in_dim3A_16 = vector.shape_cast %reduce_sum3A_15 : vector<1000xf32> to vector<1000x1xf32>
    %div3A_17 = arith.constant 1.280000e+02 : f32
    %div3A_18 = vector.broadcast %div3A_17 : f32 to vector<1000x1xf32>
    %div3A_19 = arith.divf %broadcast_in_dim3A_16, %div3A_18 : vector<1000x1xf32>
    %get3A_20 = arith.constant 0 : index
    %get3A_21 = arith.constant 0 : index
    %get3A_22 = vector.load %arg3[%get3A_20, %get3A_21] : memref<1x128xf32, #tpu.memory_space<vmem>>, vector<1x128xf32>
    %mul3A_23 = vector.broadcast %get3A_22 : vector<1x128xf32> to vector<1000x128xf32>
    %mul3A_24 = arith.mulf %mul3A_23, %sub3A_12 : vector<1000x128xf32>
    %add3A_25 = arith.constant 9.99999974E-6 : f32
    %add3A_26 = vector.broadcast %add3A_25 : f32 to vector<1000x1xf32>
    %add3A_27 = arith.addf %div3A_19, %add3A_26 : vector<1000x1xf32>
    %rsqrt3A = math.rsqrt %add3A_27 : vector<1000x1xf32>
    %mul3A_28 = vector.broadcast %rsqrt3A : vector<1000x1xf32> to vector<1000x128xf32>
    %mul3A_29 = arith.mulf %mul3A_24, %mul3A_28 : vector<1000x128xf32>
    %get3A_30 = arith.constant 0 : index
    %get3A_31 = arith.constant 0 : index
    %get3A_32 = vector.load %arg4[%get3A_30, %get3A_31] : memref<1x128xf32, #tpu.memory_space<vmem>>, vector<1x128xf32>
    %add3A_33 = vector.broadcast %get3A_32 : vector<1x128xf32> to vector<1000x128xf32>
    %add3A_34 = arith.addf %mul3A_29, %add3A_33 : vector<1000x128xf32>
    %swap3A = arith.constant 0 : index
    %swap3A_35 = arith.constant 0 : index
    %swap3A_36 = vector.load %arg5[%swap3A, %swap3A_35] : memref<1000x128xf32, #tpu.memory_space<vmem>>, vector<1000x128xf32>
    tpu.vector_store %arg5[%swap3A, %swap3A_35], %add3A_34 {strides = array<i32>} : memref<1000x128xf32, #tpu.memory_space<vmem>>, vector<1000x128xf32>,
    return
  }
  func.func @transform_0(%arg0: i32) -> (i32, i32) {
    %c0_i32 = arith.constant 0 : i32
    %c0_i32_0 = arith.constant 0 : i32
    return %arg0, %c0_i32 : i32, i32
  }
  func.func @transform_1(%arg0: i32) -> (i32, i32) {
    %c0_i32 = arith.constant 0 : i32
    %c0_i32_0 = arith.constant 0 : i32
    return %arg0, %c0_i32 : i32, i32
  }
  func.func @transform_2(%arg0: i32) -> (i32, i32) {
    %c0_i32 = arith.constant 0 : i32
    %c0_i32_0 = arith.constant 0 : i32
    %c0_i32_1 = arith.constant 0 : i32
    return %c0_i32, %c0_i32_0 : i32, i32
  }
  func.func @transform_3(%arg0: i32) -> (i32, i32) {
    %c0_i32 = arith.constant 0 : i32
    %c0_i32_0 = arith.constant 0 : i32
    %c0_i32_1 = arith.constant 0 : i32
    return %c0_i32, %c0_i32_0 : i32, i32
  }
  func.func @transform_4(%arg0: i32) -> (i32, i32) {
    %c0_i32 = arith.constant 0 : i32
    %c0_i32_0 = arith.constant 0 : i32
    return %arg0, %c0_i32 : i32, i32
  }
}

</mosaic_0001>

<sc_bundles>
// kernel: kernel.5.cloned.1.call-start
scs
__scs_entry_jumppad:
0x0: {  	(pc) =	sbr.rel $0x88, $3  }
0x1: {  	(tag) =	ssettag $0x0;
	lr =	simm.s32 $0x1  }
0x2: {  	[smem:$0x3F95] =	sst lr;
	_ =	strace $0xD0000000  }
0x3: {  	_ = 	snop  }
0x4: {  	_ = 	snop  }
0x5: {  	_ = 	snop  }
0x6: {  	_ = 	snop  }
0x7: {  	_ = 	snop  }
__scs_overlays_trampoline_lowered:
0x8: {  	[smem:$0x3FA4] =	sst s0  }
0x9: {  	[smem:$0x3FA5] =	sst s1  }
0xa: {  	[smem:$0x3FA6] =	sst s2  }
0xb: {  	[smem:$0x3FA7] =	sst s3  }
0xc: {  	[smem:$0x3FA8] =	sst s4  }
0xd: {  	[smem:$0x3FA9] =	sst s5  }
0xe: {  	[smem:$0x3FAA] =	sst s6  }
0xf: {  	[smem:$0x3FAB] =	sst s7  }
0x10: {  	[smem:$0x3FAC] =	sst s8  }
0x11: {  	[smem:$0x3FAD] =	sst s9;
	s0 =	simm.s32 @!p0 $0x0  }
0x12: {  	s1 =	sld [smem:$0x3F93];
	s0 =	simm.s32 @p0 $0x1  }
0x13: {  	[smem:$0x3FAE] =	sst s0;
	s0 =	simm.s32 @!p1 $0x0  }
0x14: {  	s2 =	sld [smem:$0x3F92];
	s0 =	simm.s32 @p1 $0x1  }
0x15: {  	[smem:$0x3FAF] =	sst s0;
	s0 =	simm.s32 @!p2 $0x0  }
0x16: {  	s3 =	sld [smem:$0x3FDB];
	s0 =	simm.s32 @p2 $0x1  }
0x17: {  	s4 =	simm.s32 $0x1BF5;
	[smem:$0x3FB1] =	sst s0  }
0x18: {  	s0 =	sld [smem:$0x3F94];
	_ =	swait.ge [sflag:s4], $0x0  }
0x19: {  	s7 =	sld [smem:$0x3F95]  }
0x1a: {  	s8 =	sadd.s32 $0xFFFFE003, lr  }
0x1b: {  	s9 =	sadd.s32 $0xFFFFFEF7, lr;
	s5 =	simm.s32 $0xFFFFFFFF;
	p2 =	slt.u32 s8, $0xFFFFF086  }
0x1c: {  	p1 =	slt.u32 s9, $0xF7A;
	s5 =	simm.s32 @!p2 $0x0  }
0x1d: {  	s5 =	simm.s32 @p1 $0x1;
	p0 =	seq.s32 s7, s2  }
0x1e: {  	s7 =	smul.u32 @!p0 $0xF7A, s2;
	p2 =	seq.s32 @!p0 s5, $0x0  }
0x1f: {  	s9 =	smul.u32 $0xF7A, s1;
	s8 =	simm.s32 @!p0 $0x1BF5;
	p2 =	por !p2, p0  }
0x20: {  	[sflag:s8] =	ssyncset.s32 @!p0 $0xFFFFF086;
	s6 =	sadd.s32 @!p0 s3, s7;
	s7 =	simm.s32 @!p0 $0x108  }
0x21: {  	s3 =	sadd.s32 s3, s9;
	s6 =	sadd.s32 @!p0 $0x88, s6;
	s7 =	simm.s32 @p2 $0x1082  }
0x22: {  	[simem:s7], [sflag:s8] =	dma.local @!p0 [hbm:s6], $0xF7A  }
0x23: {  	s9 =	sor.u32 $0xD0000000, s2;
	s6 =	simm.s32 $0x108;
	_ =	swait.ge @!p0 [sflag:s8], $0x0  }
0x24: {  	s3 =	sadd.s32 $0x88, s3;
	s6 =	simm.s32 @!p1 $0x1082;
	[sflag:s4] =	ssyncset.s32 $0xFFFFF086  }
0x25: {  	[simem:s6], [sflag:s4] =	dma.local [hbm:s3], $0xF7A  }
0x26: {  	[smem:$0x3F95] =	sst s1;
	(tag) =	ssettag s2;
	_ =	strace s9  }
0x27: {  	s1 =	sld [smem:$0x3FA5]  }
0x28: {  	s2 =	sld [smem:$0x3FA6]  }
0x29: {  	s4 =	sld [smem:$0x3FA8]  }
0x2a: {  	p0 =	seq.s32 s5, $0x0;
	s5 =	sld [smem:$0x3FA9]  }
0x2b: {  	s6 =	sld [smem:$0x3FAA]  }
0x2c: {  	s7 =	sld [smem:$0x3FAB]  }
0x2d: {  	s3 =	simm.s32 $0x108;
	s8 =	sld [smem:$0x3FAC]  }
0x2e: {  	s3 =	simm.s32 @!p0 $0x1082;
	s9 =	sld [smem:$0x3FAD]  }
0x2f: {  	lr =	sadd.s32 s0, s3;
	s0 =	sld [smem:$0x3FA4]  }
0x30: {  	s3 =	sld [smem:$0x3FA7]  }
0x31: {  	[smem:$0x3FB0] =	sst s10  }
0x32: {  	s10 =	sld [smem:$0x3FAE];
	_ =	sdelay $0x3  }
0x33: {  	p0 =	seq.s32 s10, $0x1;
	s10 =	sld [smem:$0x3FB0];
	_ =	sdelay $0x3  }
0x34: {  	[smem:$0x3FB0] =	sst s10  }
0x35: {  	s10 =	sld [smem:$0x3FAF];
	_ =	sdelay $0x3  }
0x36: {  	p1 =	seq.s32 s10, $0x1;
	s10 =	sld [smem:$0x3FB0];
	_ =	sdelay $0x3  }
0x37: {  	[smem:$0x3FB0] =	sst s10  }
0x38: {  	s10 =	sld [smem:$0x3FB1]  }
0x39: {  	_ = 	snop;
	(pc) =	sbr.ind lr, $3  }
0x3a: {  	_ = 	snop  }
0x3b: {  	_ = 	snop  }
0x3c: {  	p2 =	seq.s32 s10, $0x1;
	s10 =	sld [smem:$0x3FB0]  }
0x3d: {  	_ =	shalt  }
0x3e: {  	_ =	shalt  }
0x3f: {  	_ =	shalt  }
0x40: {  	_ =	shalt  }
0x41: {  	_ =	shalt  }
0x42: {  	_ =	shalt  }
0x43: {  	_ =	shalt  }
0x44: {  	_ =	shalt  }
0x45: {  	_ =	shalt  }
0x46: {  	_ =	shalt  }
0x47: {  	_ =	shalt  }
0x48: {  	_ =	shalt  }
0x49: {  	_ =	shalt  }
0x4a: {  	_ =	shalt  }
0x4b: {  	_ =	shalt  }
0x4c: {  	_ =	shalt  }
0x4d: {  	_ =	shalt  }
0x4e: {  	_ =	shalt  }
0x4f: {  	_ =	shalt  }
0x50: {  	_ =	shalt  }
0x51: {  	_ =	shalt  }
0x52: {  	_ =	shalt  }
0x53: {  	_ =	shalt  }
0x54: {  	_ =	shalt  }
0x55: {  	_ =	shalt  }
0x56: {  	_ =	shalt  }
0x57: {  	_ =	shalt  }
0x58: {  	_ =	shalt  }
0x59: {  	_ =	shalt  }
0x5a: {  	_ =	shalt  }
0x5b: {  	_ =	shalt  }
0x5c: {  	_ =	shalt  }
0x5d: {  	_ =	shalt  }
0x5e: {  	_ =	shalt  }
0x5f: {  	_ =	shalt  }
0x60: {  	_ =	shalt  }
0x61: {  	_ =	shalt  }
0x62: {  	_ =	shalt  }
0x63: {  	_ =	shalt  }
0x64: {  	_ =	shalt  }
0x65: {  	_ =	shalt  }
0x66: {  	_ =	shalt  }
0x67: {  	_ =	shalt  }
0x68: {  	_ =	shalt  }
0x69: {  	_ =	shalt  }
0x6a: {  	_ =	shalt  }
0x6b: {  	_ =	shalt  }
0x6c: {  	_ =	shalt  }
0x6d: {  	_ =	shalt  }
0x6e: {  	_ =	shalt  }
0x6f: {  	_ =	shalt  }
0x70: {  	_ =	shalt  }
0x71: {  	_ =	shalt  }
0x72: {  	_ =	shalt  }
0x73: {  	_ =	shalt  }
0x74: {  	_ =	shalt  }
0x75: {  	_ =	shalt  }
0x76: {  	_ =	shalt  }
0x77: {  	_ =	shalt  }
0x78: {  	_ =	shalt  }
0x79: {  	_ =	shalt  }
0x7a: {  	_ =	shalt  }
0x7b: {  	_ =	shalt  }
0x7c: {  	_ =	shalt  }
0x7d: {  	_ =	shalt  }
0x7e: {  	_ =	shalt  }
0x7f: {  	_ =	shalt  }
0x80: {  	_ =	shalt  }
0x81: {  	_ =	shalt  }
0x82: {  	_ =	shalt  }
0x83: {  	_ =	shalt  }
0x84: {  	_ =	shalt  }
0x85: {  	_ =	shalt  }
0x86: {  	_ =	shalt  }
0x87: {  	_ =	shalt  }
.Lfunc_end0:
.L_simem_size_0:
called_computation_lowered:
.L_overlay_start_0:
0x88: {  	s2 =	sld [smem:$0x3FD9]  }
0x89: {  	s3 =	sld [smem:$0x3FFE];
	_ =	sdelay $0x1  }
0x8a: {  	s1 =	srdreg.scid  }
0x8b: {  	s0 =	sand.u32 $0x1, s1  }
0x8c: {  	s14 =	sshll.u32 s0, $0xA;
	s2 =	sadd.s32 s3, s2  }
0x8d: {  	s2 =	sadd.s32 s2, s14  }
0x8e: {  	[smem:$0x3FBC] =	sst s2  }
0x8f: {  	_ = 	snop  }
0x90: {  	s2 =	sld [smem:$0x3FD0];
	_ =	sdelay $0x2  }
0x91: {  	s15 =	simm.s32 $0xA;
	s4 =	simm.s32 $0x10  }
0x92: {  	[smem:s4], [sflag:s15] =	dma.local [hbm:s2], $0x1  }
0x93: {  	_ =	swait.eq [sflag:s15], $0x1  }
0x94: {  	[sflag:s15] =	ssyncset.done $0x0  }
0x95: {  	s16 =	sld [smem:$0x10];
	[sflag:s15] =	ssyncadd.s32 $0xFFFFFFFF  }
0x96: {  	s17 =	sld [smem:$0x11];
	(tm) =	ssettm $0x1  }
0x97: {  	s18 =	sld [smem:$0x3FFB];
	_ =	sdelay $0x3  }
0x98: {  	_ =	strace s18  }
0x99: {  	s4 =	sld [smem:$0x3FFC];
	_ =	sdelay $0x3  }
0x9a: {  	_ =	strace s4  }
0x9b: {  	s4 =	sld [smem:$0x3FFD];
	_ =	sdelay $0x3  }
0x9c: {  	_ =	strace s4  }
0x9d: {  	_ =	strace $0x8FFFFFFF  }
0x9e: {  	s19 =	sld [smem:$0x3FDB];
	_ =	sdelay $0x1  }
0x9f: {  	s5 =	simm.s32 $_scs_section_size  }
0xa0: {  	s6 =	simm.s32 $_size__tile_overlayer_lowered;
	s7 =	simm.s32 $_tile_overlayer_lowered  }
0xa1: {  	s22 =	simm.s32 $0x1BFF;
	s21 =	sshll.u32 s7, $0x1;
	s4 =	sadd.s32 s5, s19  }
0xa2: {  	s8 =	simm.s32 $0x0;
	s20 =	sshll.u32 s6, $0x1;
	s6 =	sadd.s32 s21, s4  }
0xa3: {  	[timem:s8], [sflag:s22] =	dma.local [hbm:s6], s20  }
0xa4: {  	_ =	swait.ge [sflag:s22], s20  }
0xa5: {  	s5 =	ssub.s32 $0x0, s20;
	[sflag:s22] =	ssyncset.done $0x0  }
0xa6: {  	[sflag:s22] =	ssyncadd.s32 s5;
	_ =	sdelay $0x1  }
0xa7: {  	s23 =	simm.s32 $0x1B8B  }
0xa8: {  	_ =	swait.ge [sflag:s23], $0x1  }
0xa9: {  	[sflag:s23] =	ssyncset.done $0x0  }
0xaa: {  	s25 =	simm.s32 $0x1B8E;
	s24 =	sld [smem:$0x3FFE];
	[sflag:s23] =	ssyncadd.s32 $0xFFFFFFFF  }
0xab: {  	s26 =	simm.s32 $execute0_lowered;
	[smem:$0x3FD2] =	sst s25  }
0xac: {  	s6 =	sshll.u32 s26, $0x1;
	_ =	strace $0x80000046;
	[dreg:$0x1] =	wrdreg $0xFFFFFFFF  }
0xad: {  	s28 =	simm.s32 $_size_execute0_lowered;
	s4 =	sadd.s32 s4, s6;
	[dreg:$0x0] =	wrdreg $0x0  }
0xae: {  	s6 =	sshll.u32 s28, $0x1;
	[dreg:$0x2] =	wrdreg s4  }
0xaf: {  	[dreg:$0x3] =	wrdreg s6  }
0xb0: {  	[dreg:$0x4] =	wrdreg $0xC0  }
0xb1: {  	_ =	task [dreg:s8], $0x5FFFF  }
0xb2: {  	[dreg:$0x1] =	wrdreg $0xFFFFFFFF  }
0xb3: {  	[dreg:$0x0] =	wrdreg $0x60  }
0xb4: {  	[dreg:$0x2] =	wrdreg s24  }
0xb5: {  	[dreg:$0x3] =	wrdreg s16  }
0xb6: {  	[dreg:$0x4] =	wrdreg s17  }
0xb7: {  	[dreg:$0x5] =	wrdreg $0x64C00  }
0xb8: {  	[dreg:$0x6] =	wrdreg $0x19D400  }
0xb9: {  	[dreg:$0x7] =	wrdreg $0x9  }
0xba: {  	_ =	task.clear_ibuf [dreg:s8], $0x8FFFF;
	_ =	strace $0x90000046  }
0xbb: {  	s29 =	simm.s32 $0x9;
	_ =	strace $0x80000048  }
0xbc: {  	_ =	swait.ge [sflag:s29], $0x1  }
0xbd: {  	[sflag:s29] =	ssyncadd.s32 $0xFFFFFFFF  }
0xbe: {  	_ =	strace $0x90000048  }
0xbf: {  	_ =	sfence  }
0xc0: {  	s30 =	sld [smem:$0x0];
	_ =	sdelay $0x2  }
0xc1: {  	s31 =	sshll.u32 s1, $0xD;
	s1 =	sshrl.u32 s1, $0x2  }
0xc2: {  	s3 =	sand.u32 $0x4000, s31;
	s1 =	sadd.s32 s1, s30  }
0xc3: {  	s0 =	sor.u32 s3, s0;
	s1 =	sshll.u32 s1, $0x11  }
0xc4: {  	s0 =	sor.u32 s1, s0  }
0xc5: {  	s0 =	sadd.s32 $0x8F2B, s0  }
0xc6: {  	[sflag:s0] =	ssyncadd.remote.s32 $0x1  }
0xc7: {  	_ =	sfence.sel $0xFFFF  }
0xc8: {  	[dreg:$0x0] =	wrdreg $0xFFFFFFFF;
	(pc) =	sbr.abs _section_cstart, $3  }
0xc9: {  	[dreg:$0x1] =	wrdreg $0xFFFFFFFF  }
0xca: {  	_ =	task.clear_ibuf [dreg:s8], $0x2FFFF;
	_ =	strace $0x9FFFFFFF  }
0xcb: {  	(tm) =	ssettm $0x7FFFFFFF  }
tec
execute0_lowered:
.L_overlay_start_1:
0x0: {  	(tag) =	ssettag $0x1  }
0x1: {  	s0 =	rddreg [dreg:$0x0]  }
0x2: {  	s12 =	rddreg [dreg:$0x1]  }
0x3: {  	s13 =	rddreg [dreg:$0x2]  }
0x4: {  	s3 =	rddreg [dreg:$0x3]  }
0x5: {  	s4 =	rddreg [dreg:$0x4];
	s5 =	simm.s32 $0x0  }
0x6: {  	s1 =	srdreg.scid;
	s14 =	stileid.u32;
	s28 =	simm.s32 $0x190  }
0x7: {  	s30 =	simm.s32 $0x410;
	s31 =	simm.s32 $0x8;
	[smem:$0x7FF] =	sst s5  }
0x8: {  	s7 =	sadd.s32 $0x4FE00, s0;
	s8 =	sadd.s32 $0x9E000, s0;
	s9 =	sadd.s32 $0x1C00, s0  }
0x9: {  	s1 =	sand.u32 $0x1, s1;
	s2 =	sadd.s32 $0x55000, s0;
	s6 =	smul.u32 $0x2710, s14  }
0xa: {  	s10 =	sadd.s32 $0x54E00, s0;
	_ =	strace $0x80000047;
	[dreg:$0x6] =	wrdreg s2  }
0xb: {  	s0 =	sadd.s32 $0xA3000, s0;
	s26 =	smul.u32 $0xA000, s14;
	[dreg:$0x7] =	wrdreg s10  }
0xc: {  	s18 =	sor.u32 $0x20, s14;
	s21 =	ssub.s32 $0x2, s1;
	[dreg:$0x8] =	wrdreg s0  }
0xd: {  	s0 =	sshll.u32 s1, $0x3;
	p0 =	seq.s32 s1, $0x1;
	s10 =	smul.u32 $0xA00, s14  }
0xe: {  	s1 =	sxor.u32 $0x1, s1;
	s20 =	smul.u32 $0xA000, s18;
	s22 =	sshrl.u32 s21, $0x1  }
0xf: {  	s23 =	sshrl.u32 s6, $0x3;
	s1 =	smul.u32 $0x2710, s1;
	s24 =	sadd.s32 $0xA0, s6  }
0x10: {  	s25 =	sadd.s32 $0xF0, s6;
	s2 =	ssub.s32 s21, s22;
	[dreg:$0xc] =	wrdreg s24  }
0x11: {  	s11 =	sadd.s32 $0xA, s23;
	s15 =	sadd.s32 s12, s23;
	[dreg:$0xd] =	wrdreg s25  }
0x12: {  	s29 =	sadd.s32 s13, s23;
	s22 =	smul.u32 $0xA00, s18;
	[dreg:$0x9] =	wrdreg s15  }
0x13: {  	s23 =	sor.u32 $0x30, s14;
	s12 =	sadd.s32 s12, s11;
	[dreg:$0xb] =	wrdreg s1  }
0x14: {  	[dreg:$0xe] =	wrdreg s29;
	s11 =	sadd.s32 s13, s11;
	s1 =	sshrl.u32 s26, $0x2  }
0x15: {  	s2 =	smax.u32 s2, $0x1;
	s24 =	smul.u32 $0xA000, s23;
	[dreg:$0xa] =	wrdreg s12  }
0x16: {  	s15 =	sshrl.u32 s10, $0x2;
	s25 =	smul.u32 $0xA00, s23;
	[dreg:$0xf] =	wrdreg s11  }
0x17: {  	s26 =	sor.u32 $0x40, s14;
	s12 =	sor.u32 $0x10, s14;
	[dreg:$0x10] =	wrdreg s2  }
0x18: {  	s1 =	sadd.s32 s1, s3;
	s6 =	sshrl.u32 s22, $0x2;
	s29 =	smul.u32 $0xA000, s26  }
0x19: {  	s22 =	sor.u32 $0x70, s14;
	s11 =	simm.s32 $0x9;
	s13 =	smul.u32 $0xA000, s12  }
0x1a: {  	[dreg:$0x11] =	wrdreg s1;
	s17 =	smul.u32 $0xA00, s12;
	s1 =	sadd.s32 s15, s4  }
0x1b: {  	s6 =	sadd.s32 s6, s4;
	s15 =	sor.u32 $0x50, s14;
	[dreg:$0x12] =	wrdreg s1  }
0x1c: {  	p1 =	sgt.u32 s22, $0x7C;
	s1 =	sshrl.u32 s20, $0x2;
	[dreg:$0x16] =	wrdreg s6  }
0x1d: {  	s12 =	sshrl.u32 s29, $0x2;
	s16 =	sshrl.u32 s13, $0x2;
	s13 =	smul.u32 $0xA00, s26  }
0x1e: {  	s20 =	sor.u32 $0x60, s14;
	s21 =	sshrl.u32 s17, $0x2;
	s17 =	smul.u32 $0xA000, s15  }
0x1f: {  	s14 =	simm.s32 $0x5;
	s1 =	sadd.s32 s1, s3;
	s10 =	smul.u32 $0xA00, s20  }
0x20: {  	s19 =	sadd.s32 s16, s3;
	s2 =	sadd.s32 s21, s4;
	[dreg:$0x15] =	wrdreg s1  }
0x21: {  	s1 =	sshrl.u32 s25, $0x2;
	s16 =	sadd.s32 s12, s3;
	s21 =	smul.u32 $0xA000, s20  }
0x22: {  	s25 =	smul.u32 $0xA00, s22;
	s20 =	simm.s32 $0x6240;
	[dreg:$0x13] =	wrdreg s19  }
0x23: {  	s12 =	simm.s32 $0x6;
	[dreg:$0x14] =	wrdreg s2;
	s2 =	sshrl.u32 s24, $0x2  }
0x24: {  	s1 =	sadd.s32 s1, s4;
	[dreg:$0x19] =	wrdreg s16;
	s19 =	smul.u32 $0xA00, s15  }
0x25: {  	s18 =	sshrl.u32 s13, $0x2;
	s24 =	smul.u32 $0xA000, s22;
	s26 =	sshrl.u32 s10, $0x2  }
0x26: {  	s22 =	simm.s32 $0xA;
	s13 =	simm.s32 $0x32A0;
	s10 =	simm.s32 $0x1  }
0x27: {  	s15 =	simm.s32 $0x3;
	s2 =	sadd.s32 s2, s3;
	[dreg:$0x18] =	wrdreg s1  }
0x28: {  	s1 =	sshrl.u32 s17, $0x2;
	s29 =	sshrl.u32 s25, $0x2;
	s25 =	simm.s32 $0x4  }
0x29: {  	[dreg:$0x17] =	wrdreg s2;
	s2 =	sadd.s32 s18, s4;
	s6 =	sshrl.u32 s19, $0x2  }
0x2a: {  	v2 =	vlaneseq.u32;
	s1 =	sadd.s32 s1, s3;
	s18 =	simm.s32 $0x3520;
	[dreg:$0x1a] =	wrdreg s2  }
0x2b: {  	v4 =	vimm.s32 $0x8;
	v5 =	vimm.s32 $0x3;
	v6 =	vimm.s32 $0x0;
	[dreg:$0x1b] =	wrdreg s1;
	s23 =	sadd.s32 s6, s4;
	s2 =	sshrl.u32 s21, $0x2  }
0x2c: {  	v7 =	vimm.s32 $0x1;
	v8 =	vimm.s32 $0x2;
	v9 =	vimm.s32 $0x4;
	s1 =	sshrl.u32 s24, $0x2;
	s21 =	simm.s32 $0x690;
	s24 =	simm.s32 $0x5FA0  }
.Ltmp0:
0x2d: {  	v10 =	vimm.s32 $0x5;
	v11 =	vimm.s32 $0x6;
	v12 =	vimm.s32 $0x7;
	[dreg:$0x1c] =	wrdreg s23;
	s2 =	sadd.s32 s2, s3;
	(pc) =	sbr.rel .LBB2_1-.Ltmp0, $4  }
0x2e: {  	v13 =	vimm.s32 $0x9;
	v14 =	vimm.s32 $0xA;
	v15 =	vimm.s32 $0xB;
	s6 =	simm.s32 $0x0;
	s1 =	sadd.s32 s1, s3;
	[dreg:$0x1d] =	wrdreg s2  }
0x2f: {  	v16 =	vimm.s32 $0xC;
	v17 =	vimm.s32 $0xD;
	v18 =	vimm.s32 $0xE;
	s23 =	simm.s32 $0x50;
	s2 =	sadd.s32 s26, s4;
	[dreg:$0x1f] =	wrdreg s1  }
0x30: {  	v19 =	vimm.s32 $0xF;
	v0 =	vand.u32 $0x7, v2;
	v3 =	vshrl.u32 v2, $0x3;
	s1 =	sadd.s32 s29, s4;
	s26 =	simm.s32 $0xA0;
	[dreg:$0x1e] =	wrdreg s2  }
0x31: {  	v2 =	vimm.f32 $0.0e+00;
	v3 =	vmul.u32 $0x8, v3;
	v1 =	vor.u32 s0, v0;
	[smem:$0x7FD] =	sst s1;
	s1 =	simm.s32 $0x2E90;
	s2 =	simm.s32 $0x140  }
.LBB2_42:
0x32: {  	s6 =	sld [smem:$0x7FC];
	_ =	sdelay $0x2  }
0x33: {  	s0 =	rddreg [dreg:$0x10];
	s6 =	sadd.s32 $0x1, s6  }
0x34: {  	p2 =	sne.s32 s6, s0  }
.Ltmp1:
0x35: {  	_ = 	snop;
	(pc) =	sbr.rel @!p2 .LBB2_43-.Ltmp1, $1  }
0x36: {  	_ =	sdelay $0x3  }
.LBB2_1:
0x37: {  	[smem:$0x7FC] =	sst s6  }
0x38: {  	s0 =	rddreg [dreg:$0x6];
	s19 =	simm.s32 $0x6220  }
0x39: {  	[tilespmem:s19], [sflag:$0x9] =	stream.linear.gather [hbm4b:s0+s5], $0x10, $0x38;
	[tilespmem:$0x1B0C8] =	vst v63  }
0x3a: {  	_ =	swait.ge [sflag:s11], $0x10  }
0x3b: {  	[sflag:s11] =	ssyncset.done $0x0  }
0x3c: {  	s16 =	simm.s32 $0x6230;
	s29 =	rddreg [dreg:$0x7];
	[sflag:s11] =	ssyncadd.s32 $0xFFFFFFF0  }
0x3d: {  	[tilespmem:s16], [sflag:$0x9] =	stream.linear.gather [hbm4b:s29+s5], $0x10, $0x38;
	[tilespmem:$0x1B0C8] =	vst v63  }
0x3e: {  	_ =	swait.ge [sflag:s11], $0x10  }
0x3f: {  	[sflag:s11] =	ssyncset.done $0x0  }
0x40: {  	[sflag:s11] =	ssyncadd.s32 $0xFFFFFFF0  }
0x41: {  	v20 =	vld.idx.msk [tilespmem:v1+s19+$0x0], $0xffff  }
0x42: {  	s6 =	simm.s32 $0x200;
	s0 =	simm.s32 $0x0;
	v21 =	vld.idx.msk [tilespmem:v1+s16+$0x0], $0xffff  }
.LBB2_2:
0x43: {  	p2 =	sne.s32 s6, $0x9E00;
	[tilespmem:s0+$0x700] =	vst v2  }
0x44: {  	[tilespmem:s0+$0x690] =	vst v2  }
0x45: {  	[tilespmem:s0+$0x6A0] =	vst v2  }
.Ltmp2:
0x46: {  	[tilespmem:s0+$0x6B0] =	vst v2;
	(pc) =	sbr.rel @p2 .LBB2_2-.Ltmp2, $4  }
0x47: {  	[tilespmem:s0+$0x6C0] =	vst v2  }
0x48: {  	[tilespmem:s0+$0x6D0] =	vst v2  }
0x49: {  	[tilespmem:s0+$0x6E0] =	vst v2  }
0x4a: {  	[tilespmem:s0+$0x6F0] =	vst v2;
	s0 =	sshra.s32 s6, $0x2;
	s6 =	sadd.s32 $0x200, s6  }
0x4b: {  	[tilespmem:s0+$0x700] =	vst v2  }
0x4c: {  	[tilespmem:s0+$0x690] =	vst v2  }
0x4d: {  	[tilespmem:s0+$0x6A0] =	vst v2  }
0x4e: {  	[tilespmem:s0+$0x6B0] =	vst v2;
	s6 =	simm.s32 $0x0  }
0x4f: {  	[tilespmem:s0+$0x6C0] =	vst v2;
	v22 =	vmov s6  }
0x50: {  	[tilespmem:s0+$0x6D0] =	vst v2;
	v22 =	vshll.u32 v22, $0x3  }
0x51: {  	[tilespmem:s0+$0x6E0] =	vst v2;
	v22 =	vor.u32 v3, v22  }
0x52: {  	[tilespmem:s0+$0x6F0] =	vst v2;
	s0 =	simm.s32 $0x2;
	v22 =	vor.u32 v0, v22  }
.LBB2_4:
0x53: {  	p2 =	sne.s32 s0, $0x4E  }
.Ltmp3:
0x54: {  	_ = 	snop;
	(pc) =	sbr.rel @p2 .LBB2_4-.Ltmp3, $4  }
0x55: {  	v23 =	vmov s0  }
0x56: {  	v23 =	vshll.u32 v23, $0x3  }
0x57: {  	v23 =	vor.u32 v3, v23  }
0x58: {  	s0 =	sadd.s32 $0x2, s0;
	[tilespmem:v22+s20+$0x0] =	vst.idx.msk $0xffff, v2;
	v22 =	vor.u32 v0, v23  }
0x59: {  	_ =	sdelay $0x3  }
0x5a: {  	[tilespmem:v22+s20+$0x0] =	vst.idx.msk $0xffff, v2;
	s0 =	rddreg [dreg:$0x11]  }
0x5b: {  	[spmem:s0] =	stream.linear.scatter [tilespmem:s21], [sflag:$0xA], $0x2800, $0x38;
	[tilespmem:$0x1B0C8] =	vst v63  }
0x5c: {  	_ =	swait.ge [sflag:s22], $0x2800  }
0x5d: {  	[sflag:s22] =	ssyncset.done $0x0  }
0x5e: {  	s17 =	rddreg [dreg:$0x12];
	[sflag:s22] =	ssyncadd.s32 $0xFFFFD800  }
0x5f: {  	[spmem:s17] =	stream.linear.scatter [tilespmem:s20], [sflag:$0x9], $0x280, $0x38;
	[tilespmem:$0x1B0C8] =	vst v63  }
0x60: {  	_ =	swait.ge [sflag:s11], $0x280  }
0x61: {  	[sflag:s11] =	ssyncset.done $0x0  }
0x62: {  	s19 =	rddreg [dreg:$0x13];
	[sflag:s11] =	ssyncadd.s32 $0xFFFFFD80  }
0x63: {  	[spmem:s19] =	stream.linear.scatter [tilespmem:s21], [sflag:$0xA], $0x2800, $0x38;
	[tilespmem:$0x1B0C8] =	vst v63  }
0x64: {  	_ =	swait.ge [sflag:s22], $0x2800  }
0x65: {  	[sflag:s22] =	ssyncset.done $0x0  }
0x66: {  	s29 =	rddreg [dreg:$0x14];
	[sflag:s22] =	ssyncadd.s32 $0xFFFFD800  }
0x67: {  	[spmem:s29] =	stream.linear.scatter [tilespmem:s20], [sflag:$0x9], $0x280, $0x38;
	[tilespmem:$0x1B0C8] =	vst v63  }
0x68: {  	_ =	swait.ge [sflag:s11], $0x280  }
0x69: {  	[sflag:s11] =	ssyncset.done $0x0  }
0x6a: {  	s6 =	rddreg [dreg:$0x15];
	[sflag:s11] =	ssyncadd.s32 $0xFFFFFD80  }
0x6b: {  	[spmem:s6] =	stream.linear.scatter [tilespmem:s21], [sflag:$0xA], $0x2800, $0x38;
	[tilespmem:$0x1B0C8] =	vst v63  }
0x6c: {  	_ =	swait.ge [sflag:s22], $0x2800  }
0x6d: {  	[sflag:s22] =	ssyncset.done $0x0  }
0x6e: {  	s16 =	rddreg [dreg:$0x16];
	[sflag:s22] =	ssyncadd.s32 $0xFFFFD800  }
0x6f: {  	[spmem:s16] =	stream.linear.scatter [tilespmem:s20], [sflag:$0x9], $0x280, $0x38;
	[tilespmem:$0x1B0C8] =	vst v63  }
0x70: {  	_ =	swait.ge [sflag:s11], $0x280  }
0x71: {  	[sflag:s11] =	ssyncset.done $0x0  }
0x72: {  	s17 =	rddreg [dreg:$0x17];
	[sflag:s11] =	ssyncadd.s32 $0xFFFFFD80  }
0x73: {  	[spmem:s17] =	stream.linear.scatter [tilespmem:s21], [sflag:$0xA], $0x2800, $0x38;
	[tilespmem:$0x1B0C8] =	vst v63  }
0x74: {  	_ =	swait.ge [sflag:s22], $0x2800  }
0x75: {  	[sflag:s22] =	ssyncset.done $0x0  }
0x76: {  	s19 =	rddreg [dreg:$0x18];
	[sflag:s22] =	ssyncadd.s32 $0xFFFFD800  }
0x77: {  	[spmem:s19] =	stream.linear.scatter [tilespmem:s20], [sflag:$0x9], $0x280, $0x38;
	[tilespmem:$0x1B0C8] =	vst v63  }
0x78: {  	_ =	swait.ge [sflag:s11], $0x280  }
0x79: {  	[sflag:s11] =	ssyncset.done $0x0  }
0x7a: {  	s29 =	rddreg [dreg:$0x19];
	[sflag:s11] =	ssyncadd.s32 $0xFFFFFD80  }
0x7b: {  	[spmem:s29] =	stream.linear.scatter [tilespmem:s21], [sflag:$0xA], $0x2800, $0x38;
	[tilespmem:$0x1B0C8] =	vst v63  }
0x7c: {  	_ =	swait.ge [sflag:s22], $0x2800  }
0x7d: {  	[sflag:s22] =	ssyncset.done $0x0  }
0x7e: {  	s6 =	rddreg [dreg:$0x1a];
	[sflag:s22] =	ssyncadd.s32 $0xFFFFD800  }
0x7f: {  	[spmem:s6] =	stream.linear.scatter [tilespmem:s20], [sflag:$0x9], $0x280, $0x38;
	[tilespmem:$0x1B0C8] =	vst v63  }
0x80: {  	_ =	swait.ge [sflag:s11], $0x280  }
0x81: {  	[sflag:s11] =	ssyncset.done $0x0  }
0x82: {  	s16 =	rddreg [dreg:$0x1b];
	[sflag:s11] =	ssyncadd.s32 $0xFFFFFD80  }
0x83: {  	[spmem:s16] =	stream.linear.scatter [tilespmem:s21], [sflag:$0xA], $0x2800, $0x38;
	[tilespmem:$0x1B0C8] =	vst v63  }
0x84: {  	_ =	swait.ge [sflag:s22], $0x2800  }
0x85: {  	[sflag:s22] =	ssyncset.done $0x0  }
0x86: {  	s17 =	rddreg [dreg:$0x1c];
	[sflag:s22] =	ssyncadd.s32 $0xFFFFD800  }
0x87: {  	[spmem:s17] =	stream.linear.scatter [tilespmem:s20], [sflag:$0x9], $0x280, $0x38;
	[tilespmem:$0x1B0C8] =	vst v63  }
0x88: {  	_ =	swait.ge [sflag:s11], $0x280  }
0x89: {  	[sflag:s11] =	ssyncset.done $0x0  }
0x8a: {  	s19 =	rddreg [dreg:$0x1d];
	[sflag:s11] =	ssyncadd.s32 $0xFFFFFD80  }
0x8b: {  	[spmem:s19] =	stream.linear.scatter [tilespmem:s21], [sflag:$0xA], $0x2800, $0x38;
	[tilespmem:$0x1B0C8] =	vst v63  }
0x8c: {  	_ =	swait.ge [sflag:s22], $0x2800  }
0x8d: {  	[sflag:s22] =	ssyncset.done $0x0  }
0x8e: {  	s29 =	rddreg [dreg:$0x1e];
	[sflag:s22] =	ssyncadd.s32 $0xFFFFD800  }
0x8f: {  	[spmem:s29] =	stream.linear.scatter [tilespmem:s20], [sflag:$0x9], $0x280, $0x38;
	[tilespmem:$0x1B0C8] =	vst v63  }
0x90: {  	_ =	swait.ge [sflag:s11], $0x280  }
0x91: {  	[sflag:s11] =	ssyncset.done $0x0  }
0x92: {  	s0 =	simm.s32 @!p1 $0x690;
	s6 =	rddreg [dreg:$0x1f];
	[sflag:s11] =	ssyncadd.s32 $0xFFFFFD80  }
0x93: {  	[spmem:s6] =	stream.linear.scatter @!p1 [tilespmem:s0], [sflag:$0xA], $0x2800, $0x38;
	[tilespmem:$0x1B0C8] =	vst v63  }
0x94: {  	s0 =	simm.s32 @!p1 $0xA  }
0x95: {  	_ =	swait.ge @!p1 [sflag:s0], $0x2800  }
0x96: {  	s6 =	sld [smem:$0x7FD]  }
0x97: {  	[sflag:s0] =	ssyncset.done @!p1 $0x0  }
0x98: {  	[sflag:s0] =	ssyncadd.s32 @!p1 $0xFFFFD800;
	s0 =	simm.s32 @!p1 $0x6240  }
0x99: {  	[spmem:s6] =	stream.linear.scatter @!p1 [tilespmem:s0], [sflag:$0x9], $0x280, $0x38;
	[tilespmem:$0x1B0C8] =	vst v63  }
0x9a: {  	s0 =	simm.s32 @!p1 $0x9  }
.Ltmp4:
0x9b: {  	_ =	swait.ge @!p1 [sflag:s0], $0x280;
	(pc) =	sbr.rel @!p0 .LBB2_6-.Ltmp4, $4  }
0x9c: {  	[sflag:s0] =	ssyncset.done @!p1 $0x0  }
0x9d: {  	[sflag:s0] =	ssyncadd.s32 @!p1 $0xFFFFFD80  }
0x9e: {  	[bflag:$0x0] =	sbarrier.arrive $0xFFFF  }
0x9f: {  	s16 =	simm.s32 $0x0  }
0xa0: {  	s0 =	rddreg [dreg:$0xe];
	s6 =	simm.s32 $0x27100  }
0xa1: {  	[tilespmem:s16], [sflag:$0x4] =	stream.strided.gather [hbm4b:s0+s23], $0xA0, s6, s23, $0x38;
	[tilespmem:$0x1B0C8] =	vst v63  }
0xa2: {  	_ =	swait.ge [sflag:s25], $0xA0  }
0xa3: {  	[sflag:s25] =	ssyncset.done $0x0  }
0xa4: {  	[sflag:s25] =	ssyncadd.s32 $0xFFFFFF60  }
0xa5: {  	v23 =	vld [tilespmem:$0x50]  }
0xa6: {  	v22 =	vld [tilespmem:$0x0];
	_ =	sdelay $0x1  }
0xa7: {  	v25 =	vld [tilespmem:$0x60];
	_ =	sdelay $0x1  }
0xa8: {  	v61 =	vld [tilespmem:$0x70];
	[tilespmem:$0xF0] =	vst v23  }
0xa9: {  	v24 =	vld [tilespmem:$0x10];
	v22 =	vadd.s32 $0x2710, v22;
	[tilespmem:$0x140] =	vst v23  }
0xaa: {  	[tilespmem:$0xA0] =	vst v22;
	v22 =	vld [tilespmem:$0x20]  }
0xab: {  	[tilespmem:$0x100] =	vst v25  }
0xac: {  	v62 =	vld [tilespmem:$0x80];
	[tilespmem:$0x150] =	vst v25  }
0xad: {  	[tilespmem:$0x110] =	vst v61  }
0xae: {  	v63 =	vld [tilespmem:$0x90];
	v23 =	vadd.s32 $0x2710, v24;
	[tilespmem:$0x160] =	vst v61  }
0xaf: {  	[tilespmem:$0xB0] =	vst v23;
	v23 =	vld [tilespmem:$0x30];
	v22 =	vadd.s32 $0x2710, v22  }
0xb0: {  	[tilespmem:$0xC0] =	vst v22;
	v22 =	vld [tilespmem:$0x40]  }
0xb1: {  	[tilespmem:$0x120] =	vst v62  }
0xb2: {  	[tilespmem:$0x170] =	vst v62  }
0xb3: {  	[tilespmem:$0x130] =	vst v63  }
0xb4: {  	[tilespmem:$0x180] =	vst v63;
	v23 =	vadd.s32 $0x2710, v23  }
0xb5: {  	[tilespmem:$0xD0] =	vst v23;
	v22 =	vadd.s32 $0x2710, v22  }
0xb6: {  	[tilespmem:$0xE0] =	vst v22  }
0xb7: {  	[tilespmem:s28], [sflag:$0x1] =	stream.indirect.gather [hbm4b:s7+s23], $0x8, s26, s23, $0xb8;
	[tilespmem:$0x1B0C8] =	vst v63  }
0xb8: {  	s19 =	simm.s32 $0xF0  }
0xb9: {  	[tilespmem:s30], [sflag:$0x1] =	stream.indirect.gather [hbm4b:s8+s23], $0x8, s19, s23, $0xb8;
	[tilespmem:$0x1B0C8] =	vst v63  }
.Ltmp5:
0xba: {  	_ = 	snop;
	(pc) =	sbr.rel .LBB2_22-.Ltmp5, $4  }
0xbb: {  	_ = 	snop  }
0xbc: {  	[tilespmem:s21], [sflag:$0x2] =	stream.indirect.gather [hbm4b:s9+s23], $0x80, s26, s23, $0xb8;
	[tilespmem:$0x1B0C8] =	vst v63  }
0xbd: {  	s17 =	simm.s32 $0x3110;
	s29 =	rddreg [dreg:$0xf]  }
0xbe: {  	[tilespmem:s17], [sflag:$0x8] =	stream.strided.gather [hbm4b:s29+s23], $0xA0, s6, s23, $0x38;
	[tilespmem:$0x1B0C8] =	vst v63  }
.LBB2_34:
0xbf: {  	_ =	swait.ge [sflag:s15], $0x280  }
0xc0: {  	[sflag:s15] =	ssyncset.done $0x0  }
0xc1: {  	[sflag:s15] =	ssyncadd.s32 $0xFFFFFD80  }
0xc2: {  	_ =	swait.ge [sflag:s15], $0x2800  }
0xc3: {  	[sflag:s15] =	ssyncset.done $0x0  }
0xc4: {  	[sflag:s15] =	ssyncadd.s32 $0xFFFFD800  }
0xc5: {  	_ =	swait.ge [sflag:s25], $0xA0  }
0xc6: {  	[sflag:s25] =	ssyncset.done $0x0  }
0xc7: {  	[sflag:s25] =	ssyncadd.s32 $0xFFFFFF60  }
0xc8: {  	v23 =	vld [tilespmem:$0x50]  }
0xc9: {  	v22 =	vld [tilespmem:$0x0];
	_ =	sdelay $0x1  }
0xca: {  	v25 =	vld [tilespmem:$0x60];
	_ =	sdelay $0x1  }
0xcb: {  	v61 =	vld [tilespmem:$0x70];
	[tilespmem:$0xF0] =	vst v23  }
0xcc: {  	v24 =	vld [tilespmem:$0x10];
	v22 =	vadd.s32 $0x2710, v22;
	[tilespmem:$0x140] =	vst v23  }
0xcd: {  	[tilespmem:$0xA0] =	vst v22;
	v22 =	vld [tilespmem:$0x20]  }
0xce: {  	[tilespmem:$0x100] =	vst v25  }
0xcf: {  	v62 =	vld [tilespmem:$0x80];
	[tilespmem:$0x150] =	vst v25  }
0xd0: {  	[tilespmem:$0x110] =	vst v61  }
0xd1: {  	v63 =	vld [tilespmem:$0x90];
	v23 =	vadd.s32 $0x2710, v24;
	[tilespmem:$0x160] =	vst v61  }
0xd2: {  	[tilespmem:$0xB0] =	vst v23;
	v23 =	vld [tilespmem:$0x30];
	v22 =	vadd.s32 $0x2710, v22  }
0xd3: {  	[tilespmem:$0xC0] =	vst v22;
	v22 =	vld [tilespmem:$0x40]  }
0xd4: {  	[tilespmem:$0x120] =	vst v62  }
0xd5: {  	[tilespmem:$0x170] =	vst v62  }
0xd6: {  	[tilespmem:$0x130] =	vst v63  }
0xd7: {  	[tilespmem:$0x180] =	vst v63;
	v23 =	vadd.s32 $0x2710, v23  }
0xd8: {  	[tilespmem:$0xD0] =	vst v23;
	v22 =	vadd.s32 $0x2710, v22  }
0xd9: {  	[tilespmem:$0xE0] =	vst v22  }
0xda: {  	[tilespmem:s28], [sflag:$0x1] =	stream.indirect.gather [hbm4b:s7+s23], $0x8, s26, s23, $0xb8;
	[tilespmem:$0x1B0C8] =	vst v63  }
0xdb: {  	s0 =	simm.s32 $0xF0  }
0xdc: {  	[tilespmem:s30], [sflag:$0x1] =	stream.indirect.gather [hbm4b:s8+s23], $0x8, s0, s23, $0xb8;
	[tilespmem:$0x1B0C8] =	vst v63  }
0xdd: {  	_ = 	snop  }
0xde: {  	[tilespmem:s21], [sflag:$0x2] =	stream.indirect.gather [hbm4b:s9+s23], $0x80, s26, s23, $0xb8;
	[tilespmem:$0x1B0C8] =	vst v63  }
.LBB2_35:
0xdf: {  	s16 =	sadd.s32 $0x1, s16  }
0xe0: {  	p2 =	sne.s32 s16, $0x3F  }
.Ltmp6:
0xe1: {  	_ = 	snop;
	(pc) =	sbr.rel @!p2 .LBB2_36-.Ltmp6, $1  }
0xe2: {  	_ =	sdelay $0x3  }
.LBB2_22:
0xe3: {  	p2 =	seq.s32 s16, $0x0  }
0xe4: {  	s0 =	simm.s32 @!p2 $0x7  }
0xe5: {  	_ =	swait.ge @!p2 [sflag:s0], $0x280  }
0xe6: {  	[sflag:s0] =	ssyncset.done @!p2 $0x0  }
0xe7: {  	[sflag:s0] =	ssyncadd.s32 @!p2 $0xFFFFFD80  }
0xe8: {  	_ =	swait.ge @!p2 [sflag:s0], $0x2800  }
0xe9: {  	p3 =	sgt.u32 @!p2 s16, $0x3D;
	[sflag:s0] =	ssyncset.done @!p2 $0x0  }
0xea: {  	p3 =	por p2, !p3;
	[sflag:s0] =	ssyncadd.s32 @!p2 $0xFFFFD800  }
0xeb: {  	_ =	swait.ge @p3 [sflag:s31], $0xA0  }
0xec: {  	[sflag:s31] =	ssyncset.done @p3 $0x0  }
0xed: {  	[sflag:s31] =	ssyncadd.s32 @p3 $0xFFFFFF60  }
0xee: {  	v22 =	vld @p3 [tilespmem:$0x3110]  }
0xef: {  	v23 =	vld @p3 [tilespmem:$0x3160]  }
0xf0: {  	v24 =	vld @p3 [tilespmem:$0x3120];
	_ =	sdelay $0x1  }
0xf1: {  	v25 =	vld @p3 [tilespmem:$0x3170];
	_ =	sdelay $0x1  }
0xf2: {  	[tilespmem:$0x3200] =	vst @p3 v23  }
0xf3: {  	v22 =	vadd.s32 @p3 $0x2710, v22;
	[tilespmem:$0x3250] =	vst @p3 v23;
	v23 =	vadd.s32 @p3 $0x2710, v24;
	v24 =	vld @p3 [tilespmem:$0x3180]  }
0xf4: {  	[tilespmem:$0x31B0] =	vst @p3 v22;
	v22 =	vld @p3 [tilespmem:$0x3130]  }
0xf5: {  	[tilespmem:$0x3210] =	vst @p3 v25  }
0xf6: {  	[tilespmem:$0x3260] =	vst @p3 v25;
	v25 =	vld @p3 [tilespmem:$0x3190]  }
0xf7: {  	[tilespmem:$0x31C0] =	vst @p3 v23;
	v23 =	vld @p3 [tilespmem:$0x3140]  }
0xf8: {  	[tilespmem:$0x3220] =	vst @p3 v24  }
0xf9: {  	[tilespmem:$0x3270] =	vst @p3 v24;
	v24 =	vld @p3 [tilespmem:$0x31A0];
	v22 =	vadd.s32 @p3 $0x2710, v22  }
0xfa: {  	[tilespmem:$0x31D0] =	vst @p3 v22;
	v22 =	vld @p3 [tilespmem:$0x3150]  }
0xfb: {  	[tilespmem:$0x3230] =	vst @p3 v25  }
0xfc: {  	[tilespmem:$0x3280] =	vst @p3 v25;
	v23 =	vadd.s32 @p3 $0x2710, v23  }
0xfd: {  	[tilespmem:$0x31E0] =	vst @p3 v23  }
0xfe: {  	[tilespmem:$0x3240] =	vst @p3 v24  }
0xff: {  	[tilespmem:$0x3290] =	vst @p3 v24;
	v22 =	vadd.s32 @p3 $0x2710, v22  }
0x100: {  	s0 =	simm.s32 @p3 $0x31B0;
	[tilespmem:$0x31F0] =	vst @p3 v22  }
0x101: {  	[tilespmem:s13], [sflag:$0x5] =	stream.indirect.gather @p3 [hbm4b:s7+s23], $0x8, s0, s23, $0xb8;
	[tilespmem:$0x1B0C8] =	vst v63  }
0x102: {  	s29 =	simm.s32 $0x0;
	s6 =	simm.s32 @p3 $0x3200  }
0x103: {  	[tilespmem:s18], [sflag:$0x5] =	stream.indirect.gather @p3 [hbm4b:s8+s23], $0x8, s6, s23, $0xb8;
	[tilespmem:$0x1B0C8] =	vst v63  }
0x104: {  	v22 =	vmov s29;
	s6 =	simm.s32 @p3 $0x37A0  }
0x105: {  	v22 =	vshll.u32 v22, $0x3;
	[tilespmem:s6], [sflag:$0x6] =	stream.indirect.gather @p3 [hbm4b:s9+s23], $0x80, s0, s23, $0xb8;
	[tilespmem:$0x1B0C8] =	vst v63  }
0x106: {  	v22 =	vor.u32 v3, v22;
	_ =	swait.ge [sflag:s10], $0x280  }
0x107: {  	v22 =	vor.u32 v0, v22;
	[sflag:s10] =	ssyncset.done $0x0  }
0x108: {  	[sflag:s10] =	ssyncadd.s32 $0xFFFFFD80  }
0x109: {  	_ =	swait.ge [sflag:s10], $0x280  }
0x10a: {  	[sflag:s10] =	ssyncset.done $0x0  }
0x10b: {  	[sflag:s10] =	ssyncadd.s32 $0xFFFFFD80  }
0x10c: {  	v23 =	vld.idx.msk [tilespmem:v22+s28+$0x0], $0xffff  }
0x10d: {  	v57 =	vld.idx.msk [tilespmem:v22+s30+$0x0], $0xffff;
	_ =	sdelay $0x4  }
0x10e: {  	v23 =	vadd.f32 v57, v23;
	_ =	sdelay $0x1  }
0x10f: {  	v23 =	vadd.f32 v23, v21;
	_ =	sdelay $0x1  }
0x110: {  	v58 =	vmul.f32 $2.000000030e-01, v23  }
0x111: {  	vm0 =	vge.f32 v23, $0.0e+00  }
0x112: {  	v23 =	vsel vm0, v23, v58  }
0x113: {  	v23 =	vsub.f32 v23, v20;
	_ =	sdelay $0x1  }
0x114: {  	v23 =	vmul.f32 $1.442695020e+00, v23;
	_ =	sdelay $0x1  }
0x115: {  	(erf) = vpow2.f32 v23;
	_ =	sdelay $0x1  }
0x116: {  	s6 =	simm.s32 $0x2  }
0x117: {  	v23 =	vmov s6  }
0x118: {  	v23 =	vshll.u32 v23, $0x3  }
0x119: {  	v23 =	vor.u32 v3, v23  }
0x11a: {  	v23 =	vor.u32 v0, v23;
	_ =	sdelay $0x2  }
0x11b: {  	v59 =	vpop (erf)  }
0x11c: {  	[tilespmem:v22+s1+$0x0] =	vst.idx.msk $0xffff, v59  }
0x11d: {  	v22 =	vld.idx.msk [tilespmem:v23+s28+$0x0], $0xffff  }
0x11e: {  	v24 =	vld.idx.msk [tilespmem:v23+s30+$0x0], $0xffff;
	_ =	sdelay $0x4  }
0x11f: {  	v22 =	vadd.f32 v24, v22;
	_ =	sdelay $0x1  }
0x120: {  	v22 =	vadd.f32 v22, v21;
	_ =	sdelay $0x1  }
0x121: {  	v60 =	vmul.f32 $2.000000030e-01, v22  }
0x122: {  	vm13 =	vge.f32 v22, $0.0e+00  }
0x123: {  	v22 =	vsel vm13, v22, v60  }
0x124: {  	v22 =	vsub.f32 v22, v20;
	_ =	sdelay $0x1  }
0x125: {  	v22 =	vmul.f32 $1.442695020e+00, v22;
	_ =	sdelay $0x1  }
0x126: {  	(erf) = vpow2.f32 v22;
	_ =	sdelay $0x1  }
0x127: {  	s17 =	simm.s32 $0x4  }
0x128: {  	v22 =	vmov s17  }
0x129: {  	v22 =	vshll.u32 v22, $0x3  }
0x12a: {  	v22 =	vor.u32 v3, v22  }
0x12b: {  	v61 =	vor.u32 v0, v22;
	_ =	sdelay $0x2  }
0x12c: {  	v22 =	vpop (erf)  }
0x12d: {  	[tilespmem:v23+s1+$0x0] =	vst.idx.msk $0xffff, v22  }
0x12e: {  	v22 =	vld.idx.msk [tilespmem:v61+s28+$0x0], $0xffff  }
0x12f: {  	v23 =	vld.idx.msk [tilespmem:v61+s30+$0x0], $0xffff;
	_ =	sdelay $0x4  }
0x130: {  	v22 =	vadd.f32 v23, v22;
	_ =	sdelay $0x1  }
0x131: {  	v22 =	vadd.f32 v22, v21;
	_ =	sdelay $0x1  }
0x132: {  	v23 =	vmul.f32 $2.000000030e-01, v22  }
0x133: {  	vm14 =	vge.f32 v22, $0.0e+00  }
0x134: {  	v22 =	vsel vm14, v22, v23  }
0x135: {  	v22 =	vsub.f32 v22, v20;
	_ =	sdelay $0x1  }
0x136: {  	v22 =	vmul.f32 $1.442695020e+00, v22;
	_ =	sdelay $0x1  }
0x137: {  	(erf) = vpow2.f32 v22;
	_ =	sdelay $0x1  }
0x138: {  	s19 =	simm.s32 $0x6  }
0x139: {  	v22 =	vmov s19  }
0x13a: {  	v22 =	vshll.u32 v22, $0x3  }
0x13b: {  	v22 =	vor.u32 v3, v22  }
0x13c: {  	v22 =	vor.u32 v0, v22;
	_ =	sdelay $0x2  }
0x13d: {  	v23 =	vpop (erf)  }
0x13e: {  	[tilespmem:v61+s1+$0x0] =	vst.idx.msk $0xffff, v23  }
0x13f: {  	v23 =	vld.idx.msk [tilespmem:v22+s28+$0x0], $0xffff  }
0x140: {  	v24 =	vld.idx.msk [tilespmem:v22+s30+$0x0], $0xffff;
	_ =	sdelay $0x4  }
0x141: {  	v23 =	vadd.f32 v24, v23;
	_ =	sdelay $0x1  }
0x142: {  	v23 =	vadd.f32 v23, v21;
	_ =	sdelay $0x1  }
0x143: {  	v62 =	vmul.f32 $2.000000030e-01, v23  }
0x144: {  	vm15 =	vge.f32 v23, $0.0e+00  }
0x145: {  	v23 =	vsel vm15, v23, v62  }
0x146: {  	v23 =	vsub.f32 v23, v20;
	_ =	sdelay $0x1  }
0x147: {  	v23 =	vmul.f32 $1.442695020e+00, v23;
	_ =	sdelay $0x1  }
0x148: {  	(erf) = vpow2.f32 v23;
	_ =	sdelay $0x1  }
0x149: {  	s29 =	simm.s32 $0x8  }
0x14a: {  	v63 =	vmov s29  }
0x14b: {  	p2 =	por @!p2 $0x0, $0x0;
	v24 =	vshll.u32 v63, $0x3  }
0x14c: {  	p2 =	por @p3 $0x1, $0x1;
	s0 =	simm.s32 $0x16;
	s6 =	simm.s32 $0xE;
	v23 =	vor.u32 v3, v24  }
.LBB2_23:
0x14d: {  	p3 =	sne.s32 s0, $0x4E;
	v23 =	vor.u32 v0, v23;
	s17 =	smov.u32 s0;
	s0 =	sadd.s32 $0x8, s0  }
0x14e: {  	_ =	sdelay $0x1  }
0x14f: {  	v24 =	vpop (erf)  }
0x150: {  	[tilespmem:v22+s1+$0x0] =	vst.idx.msk $0xffff, v24  }
0x151: {  	v22 =	vld.idx.msk [tilespmem:v23+s28+$0x0], $0xffff  }
0x152: {  	v24 =	vld.idx.msk [tilespmem:v23+s30+$0x0], $0xffff;
	_ =	sdelay $0x5  }
0x153: {  	v22 =	vadd.f32 v24, v22;
	_ =	sdelay $0x1  }
0x154: {  	v22 =	vadd.f32 v22, v21;
	_ =	sdelay $0x1  }
0x155: {  	vm0 =	vge.f32 v22, $0.0e+00;
	v24 =	vmul.f32 $2.000000030e-01, v22;
	_ =	sdelay $0x1  }
0x156: {  	v22 =	vsel vm0, v22, v24  }
0x157: {  	v22 =	vsub.f32 v22, v20;
	_ =	sdelay $0x1  }
0x158: {  	v22 =	vmul.f32 $1.442695020e+00, v22;
	_ =	sdelay $0x1  }
0x159: {  	(erf) = vpow2.f32 v22;
	_ =	sdelay $0x1  }
0x15a: {  	s19 =	sadd.s32 $0xFFFFFFFC, s6  }
0x15b: {  	v22 =	vmov s19  }
0x15c: {  	v22 =	vshll.u32 v22, $0x3  }
0x15d: {  	v22 =	vor.u32 v3, v22  }
0x15e: {  	v22 =	vor.u32 v0, v22;
	_ =	sdelay $0x2  }
0x15f: {  	v24 =	vpop (erf)  }
0x160: {  	[tilespmem:v23+s1+$0x0] =	vst.idx.msk $0xffff, v24  }
0x161: {  	v23 =	vld.idx.msk [tilespmem:v22+s28+$0x0], $0xffff  }
0x162: {  	v24 =	vld.idx.msk [tilespmem:v22+s30+$0x0], $0xffff;
	_ =	sdelay $0x5  }
0x163: {  	v23 =	vadd.f32 v24, v23;
	_ =	sdelay $0x1  }
0x164: {  	v23 =	vadd.f32 v23, v21;
	_ =	sdelay $0x1  }
0x165: {  	vm0 =	vge.f32 v23, $0.0e+00;
	v24 =	vmul.f32 $2.000000030e-01, v23;
	_ =	sdelay $0x1  }
0x166: {  	v23 =	vsel vm0, v23, v24  }
0x167: {  	v23 =	vsub.f32 v23, v20;
	_ =	sdelay $0x1  }
0x168: {  	v23 =	vmul.f32 $1.442695020e+00, v23;
	_ =	sdelay $0x1  }
0x169: {  	(erf) = vpow2.f32 v23;
	_ =	sdelay $0x1  }
0x16a: {  	s19 =	sadd.s32 $0xFFFFFFFE, s6  }
0x16b: {  	v23 =	vmov s19  }
0x16c: {  	v23 =	vshll.u32 v23, $0x3  }
0x16d: {  	v23 =	vor.u32 v3, v23  }
0x16e: {  	v23 =	vor.u32 v0, v23;
	_ =	sdelay $0x2  }
0x16f: {  	v24 =	vpop (erf)  }
0x170: {  	[tilespmem:v22+s1+$0x0] =	vst.idx.msk $0xffff, v24  }
0x171: {  	v22 =	vld.idx.msk [tilespmem:v23+s28+$0x0], $0xffff  }
0x172: {  	v24 =	vld.idx.msk [tilespmem:v23+s30+$0x0], $0xffff;
	_ =	sdelay $0x5  }
0x173: {  	v22 =	vadd.f32 v24, v22;
	_ =	sdelay $0x1  }
0x174: {  	v22 =	vadd.f32 v22, v21;
	_ =	sdelay $0x1  }
0x175: {  	vm0 =	vge.f32 v22, $0.0e+00;
	v24 =	vmul.f32 $2.000000030e-01, v22;
	_ =	sdelay $0x1  }
0x176: {  	v22 =	vsel vm0, v22, v24  }
0x177: {  	v22 =	vsub.f32 v22, v20;
	_ =	sdelay $0x1  }
0x178: {  	v22 =	vmul.f32 $1.442695020e+00, v22;
	_ =	sdelay $0x1  }
0x179: {  	(erf) = vpow2.f32 v22;
	_ =	sdelay $0x2  }
0x17a: {  	v22 =	vmov s6;
	s6 =	smov.u32 s17  }
0x17b: {  	v22 =	vshll.u32 v22, $0x3  }
0x17c: {  	v22 =	vor.u32 v3, v22  }
0x17d: {  	v22 =	vor.u32 v0, v22;
	_ =	sdelay $0x2  }
0x17e: {  	v24 =	vpop (erf)  }
0x17f: {  	[tilespmem:v23+s1+$0x0] =	vst.idx.msk $0xffff, v24  }
0x180: {  	v23 =	vld.idx.msk [tilespmem:v22+s28+$0x0], $0xffff  }
0x181: {  	v24 =	vld.idx.msk [tilespmem:v22+s30+$0x0], $0xffff;
	_ =	sdelay $0x5  }
0x182: {  	v23 =	vadd.f32 v24, v23;
	_ =	sdelay $0x1  }
0x183: {  	v23 =	vadd.f32 v23, v21;
	_ =	sdelay $0x1  }
0x184: {  	vm0 =	vge.f32 v23, $0.0e+00;
	v24 =	vmul.f32 $2.000000030e-01, v23;
	_ =	sdelay $0x1  }
0x185: {  	v23 =	vsel vm0, v23, v24  }
0x186: {  	v23 =	vsub.f32 v23, v20;
	_ =	sdelay $0x1  }
0x187: {  	v23 =	vmul.f32 $1.442695020e+00, v23;
	_ =	sdelay $0x1  }
0x188: {  	(erf) = vpow2.f32 v23  }
.Ltmp7:
0x189: {  	(pc) =	sbr.rel @p3 .LBB2_23-.Ltmp7, $4  }
0x18a: {  	s17 =	sadd.s32 $0xFFFFFFFA, s6  }
0x18b: {  	v23 =	vmov s17  }
0x18c: {  	v23 =	vshll.u32 v23, $0x3  }
0x18d: {  	v23 =	vor.u32 v3, v23  }
0x18e: {  	v23 =	vor.u32 v0, v23;
	_ =	sdelay $0x2  }
0x18f: {  	v24 =	vpop (erf)  }
0x190: {  	[tilespmem:v22+s1+$0x0] =	vst.idx.msk $0xffff, v24  }
0x191: {  	v22 =	vld.idx.msk [tilespmem:v23+s28+$0x0], $0xffff  }
0x192: {  	v24 =	vld.idx.msk [tilespmem:v23+s30+$0x0], $0xffff;
	_ =	sdelay $0x4  }
0x193: {  	v22 =	vadd.f32 v24, v22;
	_ =	sdelay $0x1  }
0x194: {  	v22 =	vadd.f32 v22, v21;
	_ =	sdelay $0x1  }
0x195: {  	v24 =	vmul.f32 $2.000000030e-01, v22  }
0x196: {  	vm0 =	vge.f32 v22, $0.0e+00  }
0x197: {  	v22 =	vsel vm0, v22, v24  }
0x198: {  	v22 =	vsub.f32 v22, v20;
	_ =	sdelay $0x1  }
0x199: {  	v22 =	vmul.f32 $1.442695020e+00, v22;
	_ =	sdelay $0x1  }
0x19a: {  	(erf) = vpow2.f32 v22;
	_ =	sdelay $0x1  }
0x19b: {  	s0 =	sadd.s32 $0xFFFFFFFC, s6  }
0x19c: {  	v22 =	vmov s0  }
0x19d: {  	v22 =	vshll.u32 v22, $0x3  }
0x19e: {  	v22 =	vor.u32 v3, v22  }
0x19f: {  	v22 =	vor.u32 v0, v22;
	_ =	sdelay $0x2  }
0x1a0: {  	v24 =	vpop (erf)  }
0x1a1: {  	[tilespmem:v23+s1+$0x0] =	vst.idx.msk $0xffff, v24  }
0x1a2: {  	v23 =	vld.idx.msk [tilespmem:v22+s28+$0x0], $0xffff  }
0x1a3: {  	v24 =	vld.idx.msk [tilespmem:v22+s30+$0x0], $0xffff;
	_ =	sdelay $0x4  }
0x1a4: {  	v23 =	vadd.f32 v24, v23;
	_ =	sdelay $0x1  }
0x1a5: {  	v23 =	vadd.f32 v23, v21;
	_ =	sdelay $0x1  }
0x1a6: {  	v24 =	vmul.f32 $2.000000030e-01, v23  }
0x1a7: {  	vm13 =	vge.f32 v23, $0.0e+00  }
0x1a8: {  	v23 =	vsel vm13, v23, v24  }
0x1a9: {  	v23 =	vsub.f32 v23, v20;
	_ =	sdelay $0x1  }
0x1aa: {  	v23 =	vmul.f32 $1.442695020e+00, v23;
	_ =	sdelay $0x1  }
0x1ab: {  	(erf) = vpow2.f32 v23;
	_ =	sdelay $0x1  }
0x1ac: {  	s19 =	sadd.s32 $0xFFFFFFFE, s6  }
0x1ad: {  	v23 =	vmov s19  }
0x1ae: {  	v23 =	vshll.u32 v23, $0x3  }
0x1af: {  	v23 =	vor.u32 v3, v23  }
0x1b0: {  	v23 =	vor.u32 v0, v23;
	_ =	sdelay $0x2  }
0x1b1: {  	v24 =	vpop (erf)  }
0x1b2: {  	[tilespmem:v22+s1+$0x0] =	vst.idx.msk $0xffff, v24  }
0x1b3: {  	v22 =	vld.idx.msk [tilespmem:v23+s28+$0x0], $0xffff  }
0x1b4: {  	v24 =	vld.idx.msk [tilespmem:v23+s30+$0x0], $0xffff;
	_ =	sdelay $0x4  }
0x1b5: {  	v22 =	vadd.f32 v24, v22;
	_ =	sdelay $0x1  }
0x1b6: {  	v22 =	vadd.f32 v22, v21;
	_ =	sdelay $0x1  }
0x1b7: {  	v24 =	vmul.f32 $2.000000030e-01, v22  }
0x1b8: {  	vm14 =	vge.f32 v22, $0.0e+00  }
0x1b9: {  	v22 =	vsel vm14, v22, v24  }
0x1ba: {  	v22 =	vsub.f32 v22, v20;
	_ =	sdelay $0x1  }
0x1bb: {  	v22 =	vmul.f32 $1.442695020e+00, v22;
	_ =	sdelay $0x1  }
0x1bc: {  	(erf) = vpow2.f32 v22;
	_ =	sdelay $0x2  }
0x1bd: {  	v22 =	vmov s6  }
0x1be: {  	v22 =	vshll.u32 v22, $0x3  }
0x1bf: {  	v22 =	vor.u32 v3, v22  }
0x1c0: {  	v22 =	vor.u32 v0, v22;
	_ =	sdelay $0x2  }
0x1c1: {  	v24 =	vpop (erf)  }
0x1c2: {  	[tilespmem:v23+s1+$0x0] =	vst.idx.msk $0xffff, v24  }
0x1c3: {  	v23 =	vld.idx.msk [tilespmem:v22+s28+$0x0], $0xffff  }
0x1c4: {  	v24 =	vld.idx.msk [tilespmem:v22+s30+$0x0], $0xffff;
	_ =	sdelay $0x4  }
0x1c5: {  	v23 =	vadd.f32 v24, v23;
	_ =	sdelay $0x1  }
0x1c6: {  	v23 =	vadd.f32 v23, v21;
	_ =	sdelay $0x1  }
0x1c7: {  	v24 =	vmul.f32 $2.000000030e-01, v23  }
0x1c8: {  	vm15 =	vge.f32 v23, $0.0e+00  }
0x1c9: {  	v23 =	vsel vm15, v23, v24  }
0x1ca: {  	v23 =	vsub.f32 v23, v20;
	_ =	sdelay $0x1  }
0x1cb: {  	v23 =	vmul.f32 $1.442695020e+00, v23;
	_ =	sdelay $0x1  }
0x1cc: {  	(erf) = vpow2.f32 v23;
	_ =	sdelay $0x6  }
0x1cd: {  	s29 =	simm.s32 $0x0  }
0x1ce: {  	v23 =	vmov s29  }
0x1cf: {  	v23 =	vshll.u32 v23, $0x3;
	v24 =	vpop (erf)  }
0x1d0: {  	[tilespmem:v22+s1+$0x0] =	vst.idx.msk $0xffff, v24;
	v22 =	vor.u32 v3, v23  }
0x1d1: {  	s6 =	simm.s32 $0x2;
	v22 =	vor.u32 v0, v22  }
0x1d2: {  	[spmem:s4] =	stream.indirect.scatter.add.f32 [tilespmem:s1], [sflag:$0x3], $0x8, s2, s23, $0xb8;
	[tilespmem:$0x1B0C8] =	vst v63  }
0x1d3: {  	_ =	swait.ge [sflag:s6], $0x2800  }
0x1d4: {  	[sflag:s6] =	ssyncset.done $0x0  }
0x1d5: {  	[sflag:s6] =	ssyncadd.s32 $0xFFFFD800  }
0x1d6: {  	s17 =	simm.s32 $0x790;
	v22 =	vld.idx.msk [tilespmem:v22+s1+$0x0], $0xffff  }
0x1d7: {  	v24 =	vld [tilespmem:s17+$0xFFFFFF70]  }
0x1d8: {  	v26 =	vld [tilespmem:s17+$0xFFFFFF20]  }
0x1d9: {  	v28 =	vld [tilespmem:s17+$0xFFFFFF40]  }
0x1da: {  	v25 =	vld [tilespmem:s17+$0xFFFFFF50]  }
0x1db: {  	s0 =	simm.s32 $0x6;
	s19 =	simm.s32 $0x790;
	v27 =	vld [tilespmem:s17+$0xFFFFFFB0];
	v29 =	vperm.xlane v22, v9;
	v23 =	vperm.xlane v22, v4  }
.LBB2_25:
0x1dc: {  	p3 =	sne.s32 s0, $0x4E  }
0x1dd: {  	v30 =	vperm.xlane v22, v8;
	v31 =	vperm.xlane v22, v10;
	v32 =	vld [tilespmem:s17+$0xFFFFFFA0];
	s19 =	sadd.s32 $0x200, s19;
	s29 =	smov.u32 s0;
	s0 =	sadd.s32 $0x4, s0  }
0x1de: {  	v33 =	vperm.xlane v22, v15;
	v35 =	vperm.xlane v22, v19;
	v34 =	vld [tilespmem:s17+$0xFFFFFFD0]  }
0x1df: {  	v28 =	vmul.f32 v28, v29;
	v29 =	vperm.xlane v22, v12;
	v36 =	vld [tilespmem:s17+$0xFFFFFF90]  }
0x1e0: {  	v26 =	vmul.f32 v26, v30;
	v25 =	vmul.f32 v25, v31;
	v30 =	vld [tilespmem:s17+$0xFFFFFF60]  }
0x1e1: {  	v31 =	vld [tilespmem:s17+$0xFFFFFF30];
	[tilespmem:s17+$0xFFFFFF40] =	vst v28;
	v27 =	vmul.f32 v27, v33;
	v28 =	vperm.xlane v22, v17  }
0x1e2: {  	v33 =	vperm.xlane v22, v14;
	[tilespmem:s17+$0xFFFFFF20] =	vst v26;
	v26 =	vperm.xlane v22, v13;
	v37 =	vld [tilespmem:s17+$0xFFFFFFC0]  }
0x1e3: {  	v24 =	vmul.f32 v24, v29;
	[tilespmem:s17+$0xFFFFFFB0] =	vst v27;
	v27 =	vmul.f32 v34, v28;
	v28 =	vld [tilespmem:s17+$0xFFFFFFE0]  }
0x1e4: {  	[tilespmem:s17+$0xFFFFFF50] =	vst v25;
	v25 =	vmul.f32 v36, v26;
	v26 =	vmul.f32 v32, v33;
	v29 =	vld [tilespmem:s17+$0xFFFFFFF0]  }
0x1e5: {  	v34 =	vperm.xlane v22, v11;
	v33 =	vperm.xlane v22, v5;
	v32 =	vld [tilespmem:s17+$0xFFFFFF00];
	[tilespmem:s17+$0xFFFFFF70] =	vst v24  }
0x1e6: {  	v36 =	vperm.xlane v22, v18;
	v24 =	vld [tilespmem:s17+$0xFFFFFF80];
	[tilespmem:s17+$0xFFFFFF90] =	vst v25;
	v25 =	vperm.xlane v22, v16  }
0x1e7: {  	v30 =	vmul.f32 v30, v34;
	v31 =	vmul.f32 v31, v33;
	v38 =	vld [tilespmem:s17+$0xFFFFFF10];
	[tilespmem:s17+$0xFFFFFFA0] =	vst v26  }
0x1e8: {  	v25 =	vmul.f32 v37, v25;
	[tilespmem:s17+$0xFFFFFFD0] =	vst v27;
	v26 =	vmul.f32 v28, v36  }
0x1e9: {  	v27 =	vperm.xlane v22, v6;
	[tilespmem:s17+$0xFFFFFF60] =	vst v30;
	v28 =	vmul.f32 v29, v35;
	v29 =	vmov s6;
	s6 =	smov.u32 s29  }
0x1ea: {  	v22 =	vperm.xlane v22, v7;
	[tilespmem:s17+$0xFFFFFF30] =	vst v31;
	v29 =	vshll.u32 v29, $0x3  }
0x1eb: {  	v27 =	vmul.f32 v32, v27;
	v23 =	vmul.f32 v24, v23;
	[tilespmem:s17+$0xFFFFFFF0] =	vst v28;
	v24 =	vor.u32 v3, v29  }
0x1ec: {  	v22 =	vmul.f32 v38, v22;
	[tilespmem:s17+$0xFFFFFFC0] =	vst v25;
	v24 =	vor.u32 v0, v24  }
0x1ed: {  	[tilespmem:s17+$0xFFFFFF00] =	vst v27  }
0x1ee: {  	[tilespmem:s17+$0xFFFFFF10] =	vst v22  }
0x1ef: {  	[tilespmem:s17+$0xFFFFFF80] =	vst v23  }
0x1f0: {  	[tilespmem:s17+$0xFFFFFFE0] =	vst v26  }
0x1f1: {  	v22 =	vld.idx.msk [tilespmem:v24+s1+$0x0], $0xffff;
	_ =	sdelay $0x1  }
0x1f2: {  	v23 =	vld [tilespmem:s17+$0xC0]  }
0x1f3: {  	v24 =	vld [tilespmem:s17+$0x10]  }
0x1f4: {  	v25 =	vld [tilespmem:s17+$0x30]  }
0x1f5: {  	s29 =	sadd.s32 $0xFFFFFFFE, s6;
	v26 =	vld [tilespmem:s17+$0x70]  }
0x1f6: {  	v27 =	vmov s29;
	v28 =	vperm.xlane v22, v6;
	v29 =	vperm.xlane v22, v8;
	v30 =	vld [tilespmem:s17+$0x50]  }
0x1f7: {  	v27 =	vshll.u32 v27, $0x3;
	v31 =	vperm.xlane v22, v7;
	v33 =	vperm.xlane v22, v11;
	v32 =	vld [tilespmem:s17+$0x20]  }
0x1f8: {  	v27 =	vor.u32 v3, v27;
	v34 =	vperm.xlane v22, v5;
	v36 =	vperm.xlane v22, v16;
	v35 =	vld [tilespmem:s17+$0xB0]  }
0x1f9: {  	v27 =	vor.u32 v0, v27;
	v37 =	vperm.xlane v22, v10;
	v38 =	vperm.xlane v22, v12;
	v39 =	vld [tilespmem:s17+$0x80]  }
0x1fa: {  	v24 =	vmul.f32 v24, v31;
	v25 =	vmul.f32 v25, v34;
	v31 =	vld [tilespmem:s17+$0x90]  }
0x1fb: {  	v26 =	vmul.f32 v26, v38;
	v30 =	vmul.f32 v30, v37;
	v34 =	vld [tilespmem:s17+$0xA0]  }
0x1fc: {  	v29 =	vmul.f32 v32, v29;
	[tilespmem:s17+$0x30] =	vst v25;
	v25 =	vperm.xlane v22, v9;
	v32 =	vld [tilespmem:s17+$0x60]  }
0x1fd: {  	v38 =	vperm.xlane v22, v13;
	v37 =	vld [tilespmem:s17+$0x40];
	[tilespmem:s17+$0x50] =	vst v30;
	v30 =	vperm.xlane v22, v4  }
0x1fe: {  	v40 =	vperm.xlane v22, v15;
	[tilespmem:s17+$0x70] =	vst v26;
	v26 =	vperm.xlane v22, v14;
	v41 =	vld [tilespmem:s17+$0xD0]  }
0x1ff: {  	v42 =	vld [tilespmem:s17+$0x0];
	[tilespmem:s17+$0x10] =	vst v24;
	v24 =	vmul.f32 v39, v30;
	v30 =	vmul.f32 v31, v38  }
0x200: {  	[tilespmem:s17+$0x20] =	vst v29;
	v26 =	vmul.f32 v34, v26;
	v29 =	vmul.f32 v35, v40;
	v31 =	vld [tilespmem:s17+$0xE0]  }
0x201: {  	v23 =	vmul.f32 v23, v36;
	[tilespmem:s17+$0x80] =	vst v24;
	v24 =	vperm.xlane v22, v17;
	v34 =	vld [tilespmem:s17+$0xF0]  }
0x202: {  	v32 =	vmul.f32 v32, v33;
	v25 =	vmul.f32 v37, v25;
	[tilespmem:s17+$0xA0] =	vst v26  }
0x203: {  	v26 =	vperm.xlane v22, v18;
	[tilespmem:s17+$0xB0] =	vst v29;
	v24 =	vmul.f32 v41, v24  }
0x204: {  	v22 =	vperm.xlane v22, v19;
	v28 =	vmul.f32 v42, v28;
	[tilespmem:s17+$0xC0] =	vst v23  }
0x205: {  	[tilespmem:s17+$0xD0] =	vst v24;
	v23 =	vmul.f32 v31, v26  }
0x206: {  	[tilespmem:s17+$0x90] =	vst v30;
	v22 =	vmul.f32 v34, v22  }
0x207: {  	[tilespmem:s17+$0x40] =	vst v25  }
0x208: {  	[tilespmem:s17+$0x60] =	vst v32  }
0x209: {  	[tilespmem:s17+$0xE0] =	vst v23  }
0x20a: {  	[tilespmem:s17+$0xF0] =	vst v22  }
0x20b: {  	[tilespmem:s17+$0x0] =	vst v28;
	s17 =	smov.u32 s19  }
0x20c: {  	v22 =	vld.idx.msk [tilespmem:v27+s1+$0x0], $0xffff;
	_ =	sdelay $0x1  }
.Ltmp8:
0x20d: {  	v24 =	vld [tilespmem:s19+$0xFFFFFF70];
	(pc) =	sbr.rel @p3 .LBB2_25-.Ltmp8, $4  }
0x20e: {  	v26 =	vld [tilespmem:s19+$0xFFFFFF20]  }
0x20f: {  	v28 =	vld [tilespmem:s19+$0xFFFFFF40]  }
0x210: {  	v25 =	vld [tilespmem:s19+$0xFFFFFF50]  }
0x211: {  	v29 =	vperm.xlane v22, v9;
	v23 =	vperm.xlane v22, v4;
	v27 =	vld [tilespmem:s19+$0xFFFFFFB0]  }
0x212: {  	_ = 	snop  }
0x213: {  	v31 =	vperm.xlane v22, v8;
	v33 =	vperm.xlane v22, v15  }
0x214: {  	v32 =	vld [tilespmem:s17+$0xFFFFFF90];
	v36 =	vperm.xlane v22, v12;
	v28 =	vmul.f32 v28, v29  }
0x215: {  	v30 =	vld [tilespmem:s17+$0xFFFFFFA0];
	v34 =	vperm.xlane v22, v10;
	v26 =	vmul.f32 v26, v31  }
0x216: {  	v35 =	vld [tilespmem:s17+$0xFFFFFFD0];
	v58 =	vperm.xlane v22, v13;
	v24 =	vmul.f32 v24, v36;
	[tilespmem:s17+$0xFFFFFF40] =	vst v28  }
0x217: {  	v56 =	vld [tilespmem:s17+$0xFFFFFF30];
	v59 =	vperm.xlane v22, v14;
	v25 =	vmul.f32 v25, v34;
	[tilespmem:s17+$0xFFFFFF20] =	vst v26  }
0x218: {  	v61 =	vperm.xlane v22, v17;
	v62 =	vld [tilespmem:s17+$0xFFFFFFF0];
	v27 =	vmul.f32 v27, v33;
	[tilespmem:s17+$0xFFFFFF70] =	vst v24  }
0x219: {  	v57 =	vld [tilespmem:s17+$0xFFFFFFC0];
	v40 =	vperm.xlane v22, v11;
	[tilespmem:s17+$0xFFFFFF50] =	vst v25;
	v28 =	vmul.f32 v32, v58  }
0x21a: {  	v43 =	vperm.xlane v22, v5;
	v45 =	vld [tilespmem:s17+$0xFFFFFF10];
	v63 =	vmul.f32 v30, v59;
	[tilespmem:s17+$0xFFFFFFB0] =	vst v27  }
0x21b: {  	v41 =	vld [tilespmem:s17+$0xFFFFFF80];
	v44 =	vperm.xlane v22, v19;
	v25 =	vmul.f32 v35, v61;
	[tilespmem:s17+$0xFFFFFF90] =	vst v28  }
0x21c: {  	v60 =	vld [tilespmem:s17+$0xFFFFFFE0];
	v46 =	vperm.xlane v22, v16;
	v47 =	vmul.f32 v56, v43;
	[tilespmem:s17+$0xFFFFFFA0] =	vst v63  }
0x21d: {  	v55 =	vld [tilespmem:s17+$0xFFFFFF60];
	v51 =	vperm.xlane v22, v7;
	v49 =	vmul.f32 v62, v44;
	[tilespmem:s17+$0xFFFFFFD0] =	vst v25  }
0x21e: {  	v42 =	vld [tilespmem:s17+$0xFFFFFF00];
	v48 =	vperm.xlane v22, v6;
	v50 =	vmov s6;
	v24 =	vmul.f32 v57, v46;
	[tilespmem:s17+$0xFFFFFF30] =	vst v47  }
0x21f: {  	v22 =	vperm.xlane v22, v18;
	v26 =	vmul.f32 v45, v51;
	v28 =	vshll.u32 v50, $0x3;
	[tilespmem:s17+$0xFFFFFFF0] =	vst v49  }
0x220: {  	v23 =	vmul.f32 v41, v23;
	[tilespmem:s17+$0xFFFFFFC0] =	vst v24;
	v52 =	vor.u32 v3, v28  }
0x221: {  	v22 =	vmul.f32 v60, v22;
	[tilespmem:s17+$0xFFFFFF10] =	vst v26;
	v53 =	vor.u32 v0, v52  }
0x222: {  	v27 =	vmul.f32 v55, v40;
	[tilespmem:s17+$0xFFFFFF80] =	vst v23  }
0x223: {  	v25 =	vmul.f32 v42, v48;
	[tilespmem:s17+$0xFFFFFFE0] =	vst v22  }
0x224: {  	[tilespmem:s17+$0xFFFFFF60] =	vst v27  }
0x225: {  	[tilespmem:s17+$0xFFFFFF00] =	vst v25  }
0x226: {  	v22 =	vld.idx.msk [tilespmem:v53+s1+$0x0], $0xffff  }
0x227: {  	v54 =	vld [tilespmem:s17+$0x10]  }
0x228: {  	v55 =	vld [tilespmem:s17+$0x30]  }
0x229: {  	v57 =	vld [tilespmem:s17+$0x50]  }
0x22a: {  	v56 =	vld [tilespmem:s17+$0x70]  }
0x22b: {  	v58 =	vld [tilespmem:s17+$0x20];
	v59 =	vperm.xlane v22, v5;
	v62 =	vperm.xlane v22, v10  }
0x22c: {  	v60 =	vld [tilespmem:s17+$0xB0];
	v40 =	vperm.xlane v22, v12;
	v42 =	vperm.xlane v22, v7  }
0x22d: {  	v61 =	vld [tilespmem:s17+$0x80];
	v44 =	vperm.xlane v22, v8;
	v25 =	vmul.f32 v55, v59  }
0x22e: {  	v41 =	vld [tilespmem:s17+$0xA0];
	v46 =	vperm.xlane v22, v4;
	v27 =	vmul.f32 v57, v62  }
0x22f: {  	v23 =	vld [tilespmem:s17+$0xC0];
	v48 =	vperm.xlane v22, v14;
	v26 =	vmul.f32 v56, v40;
	[tilespmem:s17+$0x30] =	vst v25  }
0x230: {  	v45 =	vld [tilespmem:s17+$0x40];
	v50 =	vperm.xlane v22, v15;
	v24 =	vmul.f32 v54, v42;
	[tilespmem:s17+$0x50] =	vst v27  }
0x231: {  	v47 =	vld [tilespmem:s17+$0xD0];
	v52 =	vperm.xlane v22, v16;
	v28 =	vmul.f32 v58, v44;
	[tilespmem:s17+$0x70] =	vst v26  }
0x232: {  	v63 =	vld [tilespmem:s17+$0x90];
	v51 =	vmul.f32 v61, v46;
	v53 =	vmul.f32 v60, v50;
	[tilespmem:s17+$0x10] =	vst v24  }
0x233: {  	v54 =	vperm.xlane v22, v17;
	v55 =	vperm.xlane v22, v13;
	[tilespmem:s17+$0x20] =	vst v28  }
0x234: {  	v43 =	vld [tilespmem:s17+$0x60];
	v23 =	vmul.f32 v23, v52;
	v57 =	vperm.xlane v22, v9;
	[tilespmem:s17+$0x80] =	vst v51  }
0x235: {  	v49 =	vld [tilespmem:s17+$0x0];
	v59 =	vperm.xlane v22, v11;
	v26 =	vmul.f32 v41, v48;
	[tilespmem:s17+$0xB0] =	vst v53  }
0x236: {  	v56 =	vld [tilespmem:s17+$0xE0];
	v61 =	vperm.xlane v22, v18;
	v24 =	vmul.f32 v47, v54;
	[tilespmem:s17+$0xC0] =	vst v23  }
0x237: {  	v58 =	vld [tilespmem:s17+$0xF0];
	v60 =	vmul.f32 v63, v55;
	v23 =	vmul.f32 v45, v57;
	[tilespmem:s17+$0xA0] =	vst v26  }
0x238: {  	v63 =	vperm.xlane v22, v19;
	v22 =	vperm.xlane v22, v6;
	[tilespmem:s17+$0xD0] =	vst v24  }
0x239: {  	v62 =	vmul.f32 v43, v59;
	[tilespmem:s17+$0x90] =	vst v60  }
0x23a: {  	p3 =	sne.s32 s16, $0x3E;
	[tilespmem:s17+$0x40] =	vst v23;
	v22 =	vmul.f32 v49, v22  }
.Ltmp9:
0x23b: {  	[tilespmem:s17+$0x60] =	vst v62;
	v25 =	vmul.f32 v56, v61;
	(pc) =	sbr.rel @p3 .LBB2_28-.Ltmp9, $4  }
0x23c: {  	v23 =	vmul.f32 v58, v63;
	[tilespmem:s17+$0x0] =	vst v22  }
0x23d: {  	[tilespmem:s17+$0xE0] =	vst v25  }
0x23e: {  	[tilespmem:s17+$0xF0] =	vst v23  }
0x23f: {  	[spmem:s3] =	stream.indirect.scatter.add.f32 [tilespmem:s21], [sflag:$0x3], $0x80, s2, s23, $0xb8;
	[tilespmem:$0x1B0C8] =	vst v63  }
.Ltmp10:
0x240: {  	(pc) =	sbr.rel @p2 .LBB2_29-.Ltmp10, $4  }
.Ltmp11:
0x241: {  	(pc) =	sbr.rel @!p2 .LBB2_35-.Ltmp11, $4  }
0x242: {  	_ = 	snop  }
0x243: {  	_ = 	snop  }
0x244: {  	_ = 	snop  }
0x245: {  	_ = 	snop  }
.LBB2_28:
0x246: {  	s0 =	smul.u32 $0xA0, s16  }
.Ltmp12:
0x247: {  	s6 =	rddreg [dreg:$0xc];
	(pc) =	sbr.rel @!p2 .LBB2_34-.Ltmp12, $4  }
0x248: {  	s0 =	sadd.s32 s0, s6  }
0x249: {  	s19 =	rddreg [dreg:$0x2];
	s0 =	sshrl.u32 s0, $0x3  }
0x24a: {  	s29 =	simm.s32 $0x27100;
	s0 =	sadd.s32 s19, s0  }
0x24b: {  	[tilespmem:s5], [sflag:$0x4] =	stream.strided.gather [hbm4b:s0+s23], $0xA0, s29, s23, $0x38;
	[tilespmem:$0x1B0C8] =	vst v63  }
.LBB2_29:
0x24c: {  	s0 =	simm.s32 $0x0  }
0x24d: {  	v22 =	vmov s0  }
0x24e: {  	v22 =	vshll.u32 v22, $0x3  }
0x24f: {  	_ =	swait.ge [sflag:s14], $0x280;
	v22 =	vor.u32 v3, v22  }
0x250: {  	[sflag:s14] =	ssyncset.done $0x0;
	v22 =	vor.u32 v0, v22  }
0x251: {  	[sflag:s14] =	ssyncadd.s32 $0xFFFFFD80  }
0x252: {  	_ =	swait.ge [sflag:s14], $0x280  }
0x253: {  	[sflag:s14] =	ssyncset.done $0x0  }
0x254: {  	[sflag:s14] =	ssyncadd.s32 $0xFFFFFD80  }
0x255: {  	v23 =	vld.idx.msk [tilespmem:v22+s13+$0x0], $0xffff  }
0x256: {  	v24 =	vld.idx.msk [tilespmem:v22+s18+$0x0], $0xffff;
	_ =	sdelay $0x4  }
0x257: {  	v23 =	vadd.f32 v24, v23;
	_ =	sdelay $0x1  }
0x258: {  	v23 =	vadd.f32 v23, v21;
	_ =	sdelay $0x1  }
0x259: {  	v58 =	vmul.f32 $2.000000030e-01, v23  }
0x25a: {  	vm0 =	vge.f32 v23, $0.0e+00  }
0x25b: {  	v23 =	vsel vm0, v23, v58  }
0x25c: {  	v23 =	vsub.f32 v23, v20;
	_ =	sdelay $0x1  }
0x25d: {  	v23 =	vmul.f32 $1.442695020e+00, v23;
	_ =	sdelay $0x1  }
0x25e: {  	(erf) = vpow2.f32 v23;
	_ =	sdelay $0x1  }
0x25f: {  	s6 =	simm.s32 $0x2  }
0x260: {  	v23 =	vmov s6  }
0x261: {  	v23 =	vshll.u32 v23, $0x3  }
0x262: {  	v23 =	vor.u32 v3, v23  }
0x263: {  	v23 =	vor.u32 v0, v23;
	_ =	sdelay $0x2  }
0x264: {  	v59 =	vpop (erf)  }
0x265: {  	[tilespmem:v22+s24+$0x0] =	vst.idx.msk $0xffff, v59  }
0x266: {  	v22 =	vld.idx.msk [tilespmem:v23+s13+$0x0], $0xffff  }
0x267: {  	v24 =	vld.idx.msk [tilespmem:v23+s18+$0x0], $0xffff;
	_ =	sdelay $0x4  }
0x268: {  	v22 =	vadd.f32 v24, v22;
	_ =	sdelay $0x1  }
0x269: {  	v22 =	vadd.f32 v22, v21;
	_ =	sdelay $0x1  }
0x26a: {  	v60 =	vmul.f32 $2.000000030e-01, v22  }
0x26b: {  	vm13 =	vge.f32 v22, $0.0e+00  }
0x26c: {  	v22 =	vsel vm13, v22, v60  }
0x26d: {  	v22 =	vsub.f32 v22, v20;
	_ =	sdelay $0x1  }
0x26e: {  	v22 =	vmul.f32 $1.442695020e+00, v22;
	_ =	sdelay $0x1  }
0x26f: {  	(erf) = vpow2.f32 v22;
	_ =	sdelay $0x1  }
0x270: {  	s17 =	simm.s32 $0x4  }
0x271: {  	v22 =	vmov s17  }
0x272: {  	v22 =	vshll.u32 v22, $0x3  }
0x273: {  	v22 =	vor.u32 v3, v22  }
0x274: {  	v61 =	vor.u32 v0, v22;
	_ =	sdelay $0x2  }
0x275: {  	v22 =	vpop (erf)  }
0x276: {  	[tilespmem:v23+s24+$0x0] =	vst.idx.msk $0xffff, v22  }
0x277: {  	v22 =	vld.idx.msk [tilespmem:v61+s13+$0x0], $0xffff  }
0x278: {  	v23 =	vld.idx.msk [tilespmem:v61+s18+$0x0], $0xffff;
	_ =	sdelay $0x4  }
0x279: {  	v22 =	vadd.f32 v23, v22;
	_ =	sdelay $0x1  }
0x27a: {  	v22 =	vadd.f32 v22, v21;
	_ =	sdelay $0x1  }
0x27b: {  	v23 =	vmul.f32 $2.000000030e-01, v22  }
0x27c: {  	vm14 =	vge.f32 v22, $0.0e+00  }
0x27d: {  	v22 =	vsel vm14, v22, v23  }
0x27e: {  	v22 =	vsub.f32 v22, v20;
	_ =	sdelay $0x1  }
0x27f: {  	v22 =	vmul.f32 $1.442695020e+00, v22;
	_ =	sdelay $0x1  }
0x280: {  	(erf) = vpow2.f32 v22;
	_ =	sdelay $0x1  }
0x281: {  	s19 =	simm.s32 $0x6  }
0x282: {  	v22 =	vmov s19  }
0x283: {  	v22 =	vshll.u32 v22, $0x3  }
0x284: {  	v22 =	vor.u32 v3, v22  }
0x285: {  	v22 =	vor.u32 v0, v22;
	_ =	sdelay $0x2  }
0x286: {  	v23 =	vpop (erf)  }
0x287: {  	[tilespmem:v61+s24+$0x0] =	vst.idx.msk $0xffff, v23  }
0x288: {  	v23 =	vld.idx.msk [tilespmem:v22+s13+$0x0], $0xffff  }
0x289: {  	v24 =	vld.idx.msk [tilespmem:v22+s18+$0x0], $0xffff;
	_ =	sdelay $0x4  }
0x28a: {  	v23 =	vadd.f32 v24, v23;
	_ =	sdelay $0x1  }
0x28b: {  	v23 =	vadd.f32 v23, v21;
	_ =	sdelay $0x1  }
0x28c: {  	v62 =	vmul.f32 $2.000000030e-01, v23  }
0x28d: {  	vm15 =	vge.f32 v23, $0.0e+00  }
0x28e: {  	v23 =	vsel vm15, v23, v62  }
0x28f: {  	v23 =	vsub.f32 v23, v20;
	_ =	sdelay $0x1  }
0x290: {  	v23 =	vmul.f32 $1.442695020e+00, v23;
	_ =	sdelay $0x1  }
0x291: {  	(erf) = vpow2.f32 v23;
	_ =	sdelay $0x1  }
0x292: {  	s29 =	simm.s32 $0x8  }
0x293: {  	v63 =	vmov s29  }
0x294: {  	v24 =	vshll.u32 v63, $0x3  }
0x295: {  	s0 =	simm.s32 $0x16;
	s6 =	simm.s32 $0xE;
	v23 =	vor.u32 v3, v24  }
.LBB2_30:
0x296: {  	p2 =	sne.s32 s0, $0x4E;
	v23 =	vor.u32 v0, v23;
	s17 =	smov.u32 s0;
	s0 =	sadd.s32 $0x8, s0  }
0x297: {  	_ =	sdelay $0x1  }
0x298: {  	v24 =	vpop (erf)  }
0x299: {  	[tilespmem:v22+s24+$0x0] =	vst.idx.msk $0xffff, v24  }
0x29a: {  	v22 =	vld.idx.msk [tilespmem:v23+s13+$0x0], $0xffff  }
0x29b: {  	v24 =	vld.idx.msk [tilespmem:v23+s18+$0x0], $0xffff;
	_ =	sdelay $0x5  }
0x29c: {  	v22 =	vadd.f32 v24, v22;
	_ =	sdelay $0x1  }
0x29d: {  	v22 =	vadd.f32 v22, v21;
	_ =	sdelay $0x1  }
0x29e: {  	vm0 =	vge.f32 v22, $0.0e+00;
	v24 =	vmul.f32 $2.000000030e-01, v22;
	_ =	sdelay $0x1  }
0x29f: {  	v22 =	vsel vm0, v22, v24  }
0x2a0: {  	v22 =	vsub.f32 v22, v20;
	_ =	sdelay $0x1  }
0x2a1: {  	v22 =	vmul.f32 $1.442695020e+00, v22;
	_ =	sdelay $0x1  }
0x2a2: {  	(erf) = vpow2.f32 v22;
	_ =	sdelay $0x1  }
0x2a3: {  	s19 =	sadd.s32 $0xFFFFFFFC, s6  }
0x2a4: {  	v22 =	vmov s19  }
0x2a5: {  	v22 =	vshll.u32 v22, $0x3  }
0x2a6: {  	v22 =	vor.u32 v3, v22  }
0x2a7: {  	v22 =	vor.u32 v0, v22;
	_ =	sdelay $0x2  }
0x2a8: {  	v24 =	vpop (erf)  }
0x2a9: {  	[tilespmem:v23+s24+$0x0] =	vst.idx.msk $0xffff, v24  }
0x2aa: {  	v23 =	vld.idx.msk [tilespmem:v22+s13+$0x0], $0xffff  }
0x2ab: {  	v24 =	vld.idx.msk [tilespmem:v22+s18+$0x0], $0xffff;
	_ =	sdelay $0x5  }
0x2ac: {  	v23 =	vadd.f32 v24, v23;
	_ =	sdelay $0x1  }
0x2ad: {  	v23 =	vadd.f32 v23, v21;
	_ =	sdelay $0x1  }
0x2ae: {  	vm0 =	vge.f32 v23, $0.0e+00;
	v24 =	vmul.f32 $2.000000030e-01, v23;
	_ =	sdelay $0x1  }
0x2af: {  	v23 =	vsel vm0, v23, v24  }
0x2b0: {  	v23 =	vsub.f32 v23, v20;
	_ =	sdelay $0x1  }
0x2b1: {  	v23 =	vmul.f32 $1.442695020e+00, v23;
	_ =	sdelay $0x1  }
0x2b2: {  	(erf) = vpow2.f32 v23;
	_ =	sdelay $0x1  }
0x2b3: {  	s19 =	sadd.s32 $0xFFFFFFFE, s6  }
0x2b4: {  	v23 =	vmov s19  }
0x2b5: {  	v23 =	vshll.u32 v23, $0x3  }
0x2b6: {  	v23 =	vor.u32 v3, v23  }
0x2b7: {  	v23 =	vor.u32 v0, v23;
	_ =	sdelay $0x2  }
0x2b8: {  	v24 =	vpop (erf)  }
0x2b9: {  	[tilespmem:v22+s24+$0x0] =	vst.idx.msk $0xffff, v24  }
0x2ba: {  	v22 =	vld.idx.msk [tilespmem:v23+s13+$0x0], $0xffff  }
0x2bb: {  	v24 =	vld.idx.msk [tilespmem:v23+s18+$0x0], $0xffff;
	_ =	sdelay $0x5  }
0x2bc: {  	v22 =	vadd.f32 v24, v22;
	_ =	sdelay $0x1  }
0x2bd: {  	v22 =	vadd.f32 v22, v21;
	_ =	sdelay $0x1  }
0x2be: {  	vm0 =	vge.f32 v22, $0.0e+00;
	v24 =	vmul.f32 $2.000000030e-01, v22;
	_ =	sdelay $0x1  }
0x2bf: {  	v22 =	vsel vm0, v22, v24  }
0x2c0: {  	v22 =	vsub.f32 v22, v20;
	_ =	sdelay $0x1  }
0x2c1: {  	v22 =	vmul.f32 $1.442695020e+00, v22;
	_ =	sdelay $0x1  }
0x2c2: {  	(erf) = vpow2.f32 v22;
	_ =	sdelay $0x2  }
0x2c3: {  	v22 =	vmov s6;
	s6 =	smov.u32 s17  }
0x2c4: {  	v22 =	vshll.u32 v22, $0x3  }
0x2c5: {  	v22 =	vor.u32 v3, v22  }
0x2c6: {  	v22 =	vor.u32 v0, v22;
	_ =	sdelay $0x2  }
0x2c7: {  	v24 =	vpop (erf)  }
0x2c8: {  	[tilespmem:v23+s24+$0x0] =	vst.idx.msk $0xffff, v24  }
0x2c9: {  	v23 =	vld.idx.msk [tilespmem:v22+s13+$0x0], $0xffff  }
0x2ca: {  	v24 =	vld.idx.msk [tilespmem:v22+s18+$0x0], $0xffff;
	_ =	sdelay $0x5  }
0x2cb: {  	v23 =	vadd.f32 v24, v23;
	_ =	sdelay $0x1  }
0x2cc: {  	v23 =	vadd.f32 v23, v21;
	_ =	sdelay $0x1  }
0x2cd: {  	vm0 =	vge.f32 v23, $0.0e+00;
	v24 =	vmul.f32 $2.000000030e-01, v23;
	_ =	sdelay $0x1  }
0x2ce: {  	v23 =	vsel vm0, v23, v24  }
0x2cf: {  	v23 =	vsub.f32 v23, v20;
	_ =	sdelay $0x1  }
0x2d0: {  	v23 =	vmul.f32 $1.442695020e+00, v23;
	_ =	sdelay $0x1  }
0x2d1: {  	(erf) = vpow2.f32 v23  }
.Ltmp13:
0x2d2: {  	(pc) =	sbr.rel @p2 .LBB2_30-.Ltmp13, $4  }
0x2d3: {  	s17 =	sadd.s32 $0xFFFFFFFA, s6  }
0x2d4: {  	v23 =	vmov s17  }
0x2d5: {  	v23 =	vshll.u32 v23, $0x3  }
0x2d6: {  	v23 =	vor.u32 v3, v23  }
0x2d7: {  	v23 =	vor.u32 v0, v23;
	_ =	sdelay $0x2  }
0x2d8: {  	v24 =	vpop (erf)  }
0x2d9: {  	[tilespmem:v22+s24+$0x0] =	vst.idx.msk $0xffff, v24  }
0x2da: {  	v22 =	vld.idx.msk [tilespmem:v23+s13+$0x0], $0xffff  }
0x2db: {  	v24 =	vld.idx.msk [tilespmem:v23+s18+$0x0], $0xffff;
	_ =	sdelay $0x4  }
0x2dc: {  	v22 =	vadd.f32 v24, v22;
	_ =	sdelay $0x1  }
0x2dd: {  	v22 =	vadd.f32 v22, v21;
	_ =	sdelay $0x1  }
0x2de: {  	v24 =	vmul.f32 $2.000000030e-01, v22  }
0x2df: {  	vm0 =	vge.f32 v22, $0.0e+00  }
0x2e0: {  	v22 =	vsel vm0, v22, v24  }
0x2e1: {  	v22 =	vsub.f32 v22, v20;
	_ =	sdelay $0x1  }
0x2e2: {  	v22 =	vmul.f32 $1.442695020e+00, v22;
	_ =	sdelay $0x1  }
0x2e3: {  	(erf) = vpow2.f32 v22;
	_ =	sdelay $0x1  }
0x2e4: {  	s0 =	sadd.s32 $0xFFFFFFFC, s6  }
0x2e5: {  	v22 =	vmov s0  }
0x2e6: {  	v22 =	vshll.u32 v22, $0x3  }
0x2e7: {  	v22 =	vor.u32 v3, v22  }
0x2e8: {  	v22 =	vor.u32 v0, v22;
	_ =	sdelay $0x2  }
0x2e9: {  	v24 =	vpop (erf)  }
0x2ea: {  	[tilespmem:v23+s24+$0x0] =	vst.idx.msk $0xffff, v24  }
0x2eb: {  	v23 =	vld.idx.msk [tilespmem:v22+s13+$0x0], $0xffff  }
0x2ec: {  	v24 =	vld.idx.msk [tilespmem:v22+s18+$0x0], $0xffff;
	_ =	sdelay $0x4  }
0x2ed: {  	v23 =	vadd.f32 v24, v23;
	_ =	sdelay $0x1  }
0x2ee: {  	v23 =	vadd.f32 v23, v21;
	_ =	sdelay $0x1  }
0x2ef: {  	v24 =	vmul.f32 $2.000000030e-01, v23  }
0x2f0: {  	vm13 =	vge.f32 v23, $0.0e+00  }
0x2f1: {  	v23 =	vsel vm13, v23, v24  }
0x2f2: {  	v23 =	vsub.f32 v23, v20;
	_ =	sdelay $0x1  }
0x2f3: {  	v23 =	vmul.f32 $1.442695020e+00, v23;
	_ =	sdelay $0x1  }
0x2f4: {  	(erf) = vpow2.f32 v23;
	_ =	sdelay $0x1  }
0x2f5: {  	s17 =	sadd.s32 $0xFFFFFFFE, s6  }
0x2f6: {  	v23 =	vmov s17  }
0x2f7: {  	v23 =	vshll.u32 v23, $0x3  }
0x2f8: {  	v23 =	vor.u32 v3, v23  }
0x2f9: {  	v23 =	vor.u32 v0, v23;
	_ =	sdelay $0x2  }
0x2fa: {  	v24 =	vpop (erf)  }
0x2fb: {  	[tilespmem:v22+s24+$0x0] =	vst.idx.msk $0xffff, v24  }
0x2fc: {  	v22 =	vld.idx.msk [tilespmem:v23+s13+$0x0], $0xffff  }
0x2fd: {  	v24 =	vld.idx.msk [tilespmem:v23+s18+$0x0], $0xffff;
	_ =	sdelay $0x4  }
0x2fe: {  	v22 =	vadd.f32 v24, v22;
	_ =	sdelay $0x1  }
0x2ff: {  	v22 =	vadd.f32 v22, v21;
	_ =	sdelay $0x1  }
0x300: {  	v24 =	vmul.f32 $2.000000030e-01, v22  }
0x301: {  	vm14 =	vge.f32 v22, $0.0e+00  }
0x302: {  	v22 =	vsel vm14, v22, v24  }
0x303: {  	v22 =	vsub.f32 v22, v20;
	_ =	sdelay $0x1  }
0x304: {  	v22 =	vmul.f32 $1.442695020e+00, v22;
	_ =	sdelay $0x1  }
0x305: {  	(erf) = vpow2.f32 v22;
	_ =	sdelay $0x2  }
0x306: {  	v22 =	vmov s6  }
0x307: {  	v22 =	vshll.u32 v22, $0x3  }
0x308: {  	v22 =	vor.u32 v3, v22  }
0x309: {  	v22 =	vor.u32 v0, v22;
	_ =	sdelay $0x2  }
0x30a: {  	v24 =	vpop (erf)  }
0x30b: {  	[tilespmem:v23+s24+$0x0] =	vst.idx.msk $0xffff, v24  }
0x30c: {  	v23 =	vld.idx.msk [tilespmem:v22+s13+$0x0], $0xffff  }
0x30d: {  	v24 =	vld.idx.msk [tilespmem:v22+s18+$0x0], $0xffff;
	_ =	sdelay $0x4  }
0x30e: {  	v23 =	vadd.f32 v24, v23;
	_ =	sdelay $0x1  }
0x30f: {  	v23 =	vadd.f32 v23, v21;
	_ =	sdelay $0x1  }
0x310: {  	v24 =	vmul.f32 $2.000000030e-01, v23  }
0x311: {  	vm15 =	vge.f32 v23, $0.0e+00  }
0x312: {  	v23 =	vsel vm15, v23, v24  }
0x313: {  	v23 =	vsub.f32 v23, v20;
	_ =	sdelay $0x1  }
0x314: {  	v23 =	vmul.f32 $1.442695020e+00, v23;
	_ =	sdelay $0x1  }
0x315: {  	(erf) = vpow2.f32 v23;
	_ =	sdelay $0x5  }
0x316: {  	s19 =	simm.s32 $0x0  }
0x317: {  	v23 =	vmov s19  }
0x318: {  	v23 =	vshll.u32 v23, $0x3  }
0x319: {  	v23 =	vor.u32 v3, v23;
	v24 =	vpop (erf)  }
0x31a: {  	s29 =	simm.s32 $0x3250;
	[tilespmem:v22+s24+$0x0] =	vst.idx.msk $0xffff, v24;
	v22 =	vor.u32 v0, v23  }
0x31b: {  	[spmem:s4] =	stream.indirect.scatter.add.f32 [tilespmem:s24], [sflag:$0x7], $0x8, s29, s23, $0xb8;
	[tilespmem:$0x1B0C8] =	vst v63  }
0x31c: {  	_ =	swait.ge [sflag:s12], $0x2800  }
0x31d: {  	[sflag:s12] =	ssyncset.done $0x0  }
0x31e: {  	[sflag:s12] =	ssyncadd.s32 $0xFFFFD800  }
0x31f: {  	s17 =	simm.s32 $0x38A0;
	v22 =	vld.idx.msk [tilespmem:v22+s24+$0x0], $0xffff  }
0x320: {  	v24 =	vld [tilespmem:s17+$0xFFFFFF70]  }
0x321: {  	v26 =	vld [tilespmem:s17+$0xFFFFFF20]  }
0x322: {  	v28 =	vld [tilespmem:s17+$0xFFFFFF40]  }
0x323: {  	v25 =	vld [tilespmem:s17+$0xFFFFFF50]  }
0x324: {  	s0 =	simm.s32 $0x6;
	s6 =	simm.s32 $0x2;
	s19 =	simm.s32 $0x38A0;
	v27 =	vld [tilespmem:s17+$0xFFFFFFB0];
	v29 =	vperm.xlane v22, v9;
	v23 =	vperm.xlane v22, v4  }
.LBB2_32:
0x325: {  	p2 =	sne.s32 s0, $0x4E  }
0x326: {  	v30 =	vperm.xlane v22, v8;
	v31 =	vperm.xlane v22, v10;
	v32 =	vld [tilespmem:s17+$0xFFFFFFA0];
	s19 =	sadd.s32 $0x200, s19;
	s29 =	smov.u32 s0;
	s0 =	sadd.s32 $0x4, s0  }
0x327: {  	v33 =	vperm.xlane v22, v15;
	v35 =	vperm.xlane v22, v19;
	v34 =	vld [tilespmem:s17+$0xFFFFFFD0]  }
0x328: {  	v28 =	vmul.f32 v28, v29;
	v29 =	vperm.xlane v22, v12;
	v36 =	vld [tilespmem:s17+$0xFFFFFF90]  }
0x329: {  	v26 =	vmul.f32 v26, v30;
	v25 =	vmul.f32 v25, v31;
	v30 =	vld [tilespmem:s17+$0xFFFFFF60]  }
0x32a: {  	v31 =	vld [tilespmem:s17+$0xFFFFFF30];
	[tilespmem:s17+$0xFFFFFF40] =	vst v28;
	v27 =	vmul.f32 v27, v33;
	v28 =	vperm.xlane v22, v17  }
0x32b: {  	v33 =	vperm.xlane v22, v14;
	[tilespmem:s17+$0xFFFFFF20] =	vst v26;
	v26 =	vperm.xlane v22, v13;
	v37 =	vld [tilespmem:s17+$0xFFFFFFC0]  }
0x32c: {  	v24 =	vmul.f32 v24, v29;
	[tilespmem:s17+$0xFFFFFFB0] =	vst v27;
	v27 =	vmul.f32 v34, v28;
	v28 =	vld [tilespmem:s17+$0xFFFFFFE0]  }
0x32d: {  	[tilespmem:s17+$0xFFFFFF50] =	vst v25;
	v25 =	vmul.f32 v36, v26;
	v26 =	vmul.f32 v32, v33;
	v29 =	vld [tilespmem:s17+$0xFFFFFFF0]  }
0x32e: {  	v34 =	vperm.xlane v22, v11;
	v33 =	vperm.xlane v22, v5;
	v32 =	vld [tilespmem:s17+$0xFFFFFF00];
	[tilespmem:s17+$0xFFFFFF70] =	vst v24  }
0x32f: {  	v36 =	vperm.xlane v22, v18;
	v24 =	vld [tilespmem:s17+$0xFFFFFF80];
	[tilespmem:s17+$0xFFFFFF90] =	vst v25;
	v25 =	vperm.xlane v22, v16  }
0x330: {  	v30 =	vmul.f32 v30, v34;
	v31 =	vmul.f32 v31, v33;
	v38 =	vld [tilespmem:s17+$0xFFFFFF10];
	[tilespmem:s17+$0xFFFFFFA0] =	vst v26  }
0x331: {  	v25 =	vmul.f32 v37, v25;
	[tilespmem:s17+$0xFFFFFFD0] =	vst v27;
	v26 =	vmul.f32 v28, v36  }
0x332: {  	v27 =	vperm.xlane v22, v6;
	[tilespmem:s17+$0xFFFFFF60] =	vst v30;
	v28 =	vmul.f32 v29, v35;
	v29 =	vmov s6;
	s6 =	smov.u32 s29  }
0x333: {  	v22 =	vperm.xlane v22, v7;
	[tilespmem:s17+$0xFFFFFF30] =	vst v31;
	v29 =	vshll.u32 v29, $0x3  }
0x334: {  	v27 =	vmul.f32 v32, v27;
	v23 =	vmul.f32 v24, v23;
	[tilespmem:s17+$0xFFFFFFF0] =	vst v28;
	v24 =	vor.u32 v3, v29  }
0x335: {  	v22 =	vmul.f32 v38, v22;
	[tilespmem:s17+$0xFFFFFFC0] =	vst v25;
	v24 =	vor.u32 v0, v24  }
0x336: {  	[tilespmem:s17+$0xFFFFFF00] =	vst v27  }
0x337: {  	[tilespmem:s17+$0xFFFFFF10] =	vst v22  }
0x338: {  	[tilespmem:s17+$0xFFFFFF80] =	vst v23  }
0x339: {  	[tilespmem:s17+$0xFFFFFFE0] =	vst v26  }
0x33a: {  	v22 =	vld.idx.msk [tilespmem:v24+s24+$0x0], $0xffff;
	_ =	sdelay $0x1  }
0x33b: {  	v23 =	vld [tilespmem:s17+$0xC0]  }
0x33c: {  	v24 =	vld [tilespmem:s17+$0x10]  }
0x33d: {  	v25 =	vld [tilespmem:s17+$0x30]  }
0x33e: {  	s29 =	sadd.s32 $0xFFFFFFFE, s6;
	v26 =	vld [tilespmem:s17+$0x70]  }
0x33f: {  	v27 =	vmov s29;
	v28 =	vperm.xlane v22, v6;
	v29 =	vperm.xlane v22, v8;
	v30 =	vld [tilespmem:s17+$0x50]  }
0x340: {  	v27 =	vshll.u32 v27, $0x3;
	v31 =	vperm.xlane v22, v7;
	v33 =	vperm.xlane v22, v11;
	v32 =	vld [tilespmem:s17+$0x20]  }
0x341: {  	v27 =	vor.u32 v3, v27;
	v34 =	vperm.xlane v22, v5;
	v36 =	vperm.xlane v22, v16;
	v35 =	vld [tilespmem:s17+$0xB0]  }
0x342: {  	v27 =	vor.u32 v0, v27;
	v37 =	vperm.xlane v22, v10;
	v38 =	vperm.xlane v22, v12;
	v39 =	vld [tilespmem:s17+$0x80]  }
0x343: {  	v24 =	vmul.f32 v24, v31;
	v25 =	vmul.f32 v25, v34;
	v31 =	vld [tilespmem:s17+$0x90]  }
0x344: {  	v26 =	vmul.f32 v26, v38;
	v30 =	vmul.f32 v30, v37;
	v34 =	vld [tilespmem:s17+$0xA0]  }
0x345: {  	v29 =	vmul.f32 v32, v29;
	[tilespmem:s17+$0x30] =	vst v25;
	v25 =	vperm.xlane v22, v9;
	v32 =	vld [tilespmem:s17+$0x60]  }
0x346: {  	v38 =	vperm.xlane v22, v13;
	v37 =	vld [tilespmem:s17+$0x40];
	[tilespmem:s17+$0x50] =	vst v30;
	v30 =	vperm.xlane v22, v4  }
0x347: {  	v40 =	vperm.xlane v22, v15;
	[tilespmem:s17+$0x70] =	vst v26;
	v26 =	vperm.xlane v22, v14;
	v41 =	vld [tilespmem:s17+$0xD0]  }
0x348: {  	v42 =	vld [tilespmem:s17+$0x0];
	[tilespmem:s17+$0x10] =	vst v24;
	v24 =	vmul.f32 v39, v30;
	v30 =	vmul.f32 v31, v38  }
0x349: {  	[tilespmem:s17+$0x20] =	vst v29;
	v26 =	vmul.f32 v34, v26;
	v29 =	vmul.f32 v35, v40;
	v31 =	vld [tilespmem:s17+$0xE0]  }
0x34a: {  	v23 =	vmul.f32 v23, v36;
	[tilespmem:s17+$0x80] =	vst v24;
	v24 =	vperm.xlane v22, v17;
	v34 =	vld [tilespmem:s17+$0xF0]  }
0x34b: {  	v32 =	vmul.f32 v32, v33;
	v25 =	vmul.f32 v37, v25;
	[tilespmem:s17+$0xA0] =	vst v26  }
0x34c: {  	v26 =	vperm.xlane v22, v18;
	[tilespmem:s17+$0xB0] =	vst v29;
	v24 =	vmul.f32 v41, v24  }
0x34d: {  	v22 =	vperm.xlane v22, v19;
	v28 =	vmul.f32 v42, v28;
	[tilespmem:s17+$0xC0] =	vst v23  }
0x34e: {  	[tilespmem:s17+$0xD0] =	vst v24;
	v23 =	vmul.f32 v31, v26  }
0x34f: {  	[tilespmem:s17+$0x90] =	vst v30;
	v22 =	vmul.f32 v34, v22  }
0x350: {  	[tilespmem:s17+$0x40] =	vst v25  }
0x351: {  	[tilespmem:s17+$0x60] =	vst v32  }
0x352: {  	[tilespmem:s17+$0xE0] =	vst v23  }
0x353: {  	[tilespmem:s17+$0xF0] =	vst v22  }
0x354: {  	[tilespmem:s17+$0x0] =	vst v28;
	s17 =	smov.u32 s19  }
0x355: {  	v22 =	vld.idx.msk [tilespmem:v27+s24+$0x0], $0xffff;
	_ =	sdelay $0x1  }
.Ltmp14:
0x356: {  	v24 =	vld [tilespmem:s19+$0xFFFFFF70];
	(pc) =	sbr.rel @p2 .LBB2_32-.Ltmp14, $4  }
0x357: {  	v26 =	vld [tilespmem:s19+$0xFFFFFF20]  }
0x358: {  	v28 =	vld [tilespmem:s19+$0xFFFFFF40]  }
0x359: {  	v25 =	vld [tilespmem:s19+$0xFFFFFF50]  }
0x35a: {  	v29 =	vperm.xlane v22, v9;
	v23 =	vperm.xlane v22, v4;
	v27 =	vld [tilespmem:s19+$0xFFFFFFB0]  }
0x35b: {  	_ = 	snop  }
0x35c: {  	v31 =	vperm.xlane v22, v8;
	v33 =	vperm.xlane v22, v15  }
0x35d: {  	v32 =	vld [tilespmem:s17+$0xFFFFFF90];
	v36 =	vperm.xlane v22, v12;
	v28 =	vmul.f32 v28, v29  }
0x35e: {  	v30 =	vld [tilespmem:s17+$0xFFFFFFA0];
	v34 =	vperm.xlane v22, v10;
	v26 =	vmul.f32 v26, v31  }
0x35f: {  	v35 =	vld [tilespmem:s17+$0xFFFFFFD0];
	v58 =	vperm.xlane v22, v13;
	v24 =	vmul.f32 v24, v36;
	[tilespmem:s17+$0xFFFFFF40] =	vst v28  }
0x360: {  	v56 =	vld [tilespmem:s17+$0xFFFFFF30];
	v59 =	vperm.xlane v22, v14;
	v25 =	vmul.f32 v25, v34;
	[tilespmem:s17+$0xFFFFFF20] =	vst v26  }
0x361: {  	v61 =	vperm.xlane v22, v17;
	v62 =	vld [tilespmem:s17+$0xFFFFFFF0];
	v27 =	vmul.f32 v27, v33;
	[tilespmem:s17+$0xFFFFFF70] =	vst v24  }
0x362: {  	v57 =	vld [tilespmem:s17+$0xFFFFFFC0];
	v40 =	vperm.xlane v22, v11;
	[tilespmem:s17+$0xFFFFFF50] =	vst v25;
	v28 =	vmul.f32 v32, v58  }
0x363: {  	v43 =	vperm.xlane v22, v5;
	v45 =	vld [tilespmem:s17+$0xFFFFFF10];
	v63 =	vmul.f32 v30, v59;
	[tilespmem:s17+$0xFFFFFFB0] =	vst v27  }
0x364: {  	v41 =	vld [tilespmem:s17+$0xFFFFFF80];
	v44 =	vperm.xlane v22, v19;
	v25 =	vmul.f32 v35, v61;
	[tilespmem:s17+$0xFFFFFF90] =	vst v28  }
0x365: {  	v60 =	vld [tilespmem:s17+$0xFFFFFFE0];
	v46 =	vperm.xlane v22, v16;
	v47 =	vmul.f32 v56, v43;
	[tilespmem:s17+$0xFFFFFFA0] =	vst v63  }
0x366: {  	v55 =	vld [tilespmem:s17+$0xFFFFFF60];
	v51 =	vperm.xlane v22, v7;
	v49 =	vmul.f32 v62, v44;
	[tilespmem:s17+$0xFFFFFFD0] =	vst v25  }
0x367: {  	v42 =	vld [tilespmem:s17+$0xFFFFFF00];
	v48 =	vperm.xlane v22, v6;
	v50 =	vmov s6;
	v24 =	vmul.f32 v57, v46;
	[tilespmem:s17+$0xFFFFFF30] =	vst v47  }
0x368: {  	v22 =	vperm.xlane v22, v18;
	v26 =	vmul.f32 v45, v51;
	v28 =	vshll.u32 v50, $0x3;
	[tilespmem:s17+$0xFFFFFFF0] =	vst v49  }
0x369: {  	v23 =	vmul.f32 v41, v23;
	[tilespmem:s17+$0xFFFFFFC0] =	vst v24;
	v52 =	vor.u32 v3, v28  }
0x36a: {  	v22 =	vmul.f32 v60, v22;
	[tilespmem:s17+$0xFFFFFF10] =	vst v26;
	v53 =	vor.u32 v0, v52  }
0x36b: {  	v27 =	vmul.f32 v55, v40;
	[tilespmem:s17+$0xFFFFFF80] =	vst v23  }
0x36c: {  	v25 =	vmul.f32 v42, v48;
	[tilespmem:s17+$0xFFFFFFE0] =	vst v22  }
0x36d: {  	[tilespmem:s17+$0xFFFFFF60] =	vst v27  }
0x36e: {  	[tilespmem:s17+$0xFFFFFF00] =	vst v25  }
0x36f: {  	v22 =	vld.idx.msk [tilespmem:v53+s24+$0x0], $0xffff  }
0x370: {  	v54 =	vld [tilespmem:s17+$0x10]  }
0x371: {  	v55 =	vld [tilespmem:s17+$0x30]  }
0x372: {  	v57 =	vld [tilespmem:s17+$0x50]  }
0x373: {  	v56 =	vld [tilespmem:s17+$0x70]  }
0x374: {  	v58 =	vld [tilespmem:s17+$0x20];
	v59 =	vperm.xlane v22, v5;
	v62 =	vperm.xlane v22, v10  }
0x375: {  	v60 =	vld [tilespmem:s17+$0xB0];
	v40 =	vperm.xlane v22, v12;
	v42 =	vperm.xlane v22, v7  }
0x376: {  	v61 =	vld [tilespmem:s17+$0x80];
	v44 =	vperm.xlane v22, v8;
	v25 =	vmul.f32 v55, v59  }
0x377: {  	v41 =	vld [tilespmem:s17+$0xA0];
	v46 =	vperm.xlane v22, v4;
	v27 =	vmul.f32 v57, v62  }
0x378: {  	v23 =	vld [tilespmem:s17+$0xC0];
	v48 =	vperm.xlane v22, v14;
	v26 =	vmul.f32 v56, v40;
	[tilespmem:s17+$0x30] =	vst v25  }
0x379: {  	v45 =	vld [tilespmem:s17+$0x40];
	v50 =	vperm.xlane v22, v15;
	v24 =	vmul.f32 v54, v42;
	[tilespmem:s17+$0x50] =	vst v27  }
0x37a: {  	v47 =	vld [tilespmem:s17+$0xD0];
	v52 =	vperm.xlane v22, v16;
	v28 =	vmul.f32 v58, v44;
	[tilespmem:s17+$0x70] =	vst v26  }
0x37b: {  	v63 =	vld [tilespmem:s17+$0x90];
	v51 =	vmul.f32 v61, v46;
	v53 =	vmul.f32 v60, v50;
	[tilespmem:s17+$0x10] =	vst v24  }
0x37c: {  	v54 =	vperm.xlane v22, v17;
	v55 =	vperm.xlane v22, v13;
	[tilespmem:s17+$0x20] =	vst v28  }
0x37d: {  	v43 =	vld [tilespmem:s17+$0x60];
	v23 =	vmul.f32 v23, v52;
	v57 =	vperm.xlane v22, v9;
	[tilespmem:s17+$0x80] =	vst v51  }
0x37e: {  	v49 =	vld [tilespmem:s17+$0x0];
	v59 =	vperm.xlane v22, v11;
	v26 =	vmul.f32 v41, v48;
	[tilespmem:s17+$0xB0] =	vst v53  }
0x37f: {  	v56 =	vld [tilespmem:s17+$0xE0];
	v61 =	vperm.xlane v22, v18;
	v24 =	vmul.f32 v47, v54;
	[tilespmem:s17+$0xC0] =	vst v23  }
0x380: {  	v58 =	vld [tilespmem:s17+$0xF0];
	v60 =	vmul.f32 v63, v55;
	v23 =	vmul.f32 v45, v57;
	[tilespmem:s17+$0xA0] =	vst v26  }
0x381: {  	v63 =	vperm.xlane v22, v19;
	v22 =	vperm.xlane v22, v6;
	[tilespmem:s17+$0xD0] =	vst v24  }
0x382: {  	p2 =	seq.s32 s16, $0x3D;
	v62 =	vmul.f32 v43, v59;
	[tilespmem:s17+$0x90] =	vst v60  }
0x383: {  	s0 =	smul.u32 @!p2 $0xA0, s16;
	[tilespmem:s17+$0x40] =	vst v23;
	v22 =	vmul.f32 v49, v22  }
0x384: {  	s6 =	rddreg [dreg:$0xd];
	[tilespmem:s17+$0x60] =	vst v62;
	v25 =	vmul.f32 v56, v61  }
0x385: {  	s0 =	sadd.s32 @!p2 s0, s6;
	v23 =	vmul.f32 v58, v63;
	[tilespmem:s17+$0x0] =	vst v22  }
.Ltmp15:
0x386: {  	s6 =	rddreg [dreg:$0x2];
	s0 =	sshrl.u32 @!p2 s0, $0x3;
	[tilespmem:s17+$0xE0] =	vst v25;
	(pc) =	sbr.rel .LBB2_34-.Ltmp15, $4  }
0x387: {  	s19 =	simm.s32 $0x37A0;
	s29 =	simm.s32 $0x3250;
	s0 =	sadd.s32 @!p2 s6, s0;
	[tilespmem:s17+$0xF0] =	vst v23  }
0x388: {  	[spmem:s3] =	stream.indirect.scatter.add.f32 [tilespmem:s19], [sflag:$0x7], $0x80, s29, s23, $0xb8;
	[tilespmem:$0x1B0C8] =	vst v63  }
0x389: {  	s6 =	simm.s32 @!p2 $0x50;
	s17 =	simm.s32 @!p2 $0x27100;
	s19 =	simm.s32 @!p2 $0x3110  }
0x38a: {  	[tilespmem:s19], [sflag:$0x8] =	stream.strided.gather @!p2 [hbm4b:s0+s6], $0xA0, s17, s6, $0x38;
	[tilespmem:$0x1B0C8] =	vst v63  }
.LBB2_6:
0x38b: {  	s0 =	rddreg [dreg:$0x9];
	s6 =	simm.s32 $0x27100  }
0x38c: {  	[tilespmem:s16], [sflag:$0x4] =	stream.strided.gather [hbm4b:s0+s23], $0xA0, s6, s23, $0x38;
	[tilespmem:$0x1B0C8] =	vst v63  }
0x38d: {  	_ =	swait.ge [sflag:s25], $0xA0  }
0x38e: {  	[sflag:s25] =	ssyncset.done $0x0  }
0x38f: {  	[sflag:s25] =	ssyncadd.s32 $0xFFFFFF60  }
0x390: {  	v22 =	vld [tilespmem:$0x0]  }
0x391: {  	v23 =	vld [tilespmem:$0x50]  }
0x392: {  	v24 =	vld [tilespmem:$0x50]  }
0x393: {  	v25 =	vld [tilespmem:$0x10]  }
0x394: {  	v27 =	vld [tilespmem:$0x60]  }
0x395: {  	v57 =	vld [tilespmem:$0x70]  }
0x396: {  	v59 =	vld [tilespmem:$0x30];
	[tilespmem:$0xA0] =	vst v22  }
0x397: {  	v22 =	vadd.s32 $0x2710, v23;
	v23 =	vld [tilespmem:$0x20];
	[tilespmem:$0x140] =	vst v24  }
0x398: {  	[tilespmem:$0xF0] =	vst v22;
	v22 =	vld [tilespmem:$0x70]  }
0x399: {  	v26 =	vld [tilespmem:$0x60];
	[tilespmem:$0xB0] =	vst v25  }
0x39a: {  	v61 =	vld [tilespmem:$0x80];
	[tilespmem:$0x150] =	vst v27  }
0x39b: {  	v63 =	vld [tilespmem:$0x90];
	[tilespmem:$0x160] =	vst v57  }
0x39c: {  	v60 =	vld [tilespmem:$0x80];
	[tilespmem:$0xD0] =	vst v59  }
0x39d: {  	[tilespmem:$0xC0] =	vst v23;
	v23 =	vld [tilespmem:$0x40];
	v22 =	vadd.s32 $0x2710, v22  }
0x39e: {  	[tilespmem:$0x110] =	vst v22;
	v22 =	vld [tilespmem:$0x90]  }
0x39f: {  	[tilespmem:$0x170] =	vst v61  }
0x3a0: {  	v58 =	vadd.s32 $0x2710, v26;
	[tilespmem:$0x180] =	vst v63  }
0x3a1: {  	v62 =	vadd.s32 $0x2710, v60;
	[tilespmem:$0x100] =	vst v58  }
0x3a2: {  	[tilespmem:$0x120] =	vst v62  }
0x3a3: {  	[tilespmem:$0xE0] =	vst v23;
	v22 =	vadd.s32 $0x2710, v22  }
0x3a4: {  	[tilespmem:$0x130] =	vst v22  }
0x3a5: {  	[tilespmem:s28], [sflag:$0x1] =	stream.indirect.gather [hbm4b:s7+s23], $0x8, s26, s23, $0xb8;
	[tilespmem:$0x1B0C8] =	vst v63  }
0x3a6: {  	s19 =	simm.s32 $0xF0  }
0x3a7: {  	[tilespmem:s30], [sflag:$0x1] =	stream.indirect.gather [hbm4b:s8+s23], $0x8, s19, s23, $0xb8;
	[tilespmem:$0x1B0C8] =	vst v63  }
.Ltmp16:
0x3a8: {  	_ = 	snop;
	(pc) =	sbr.rel .LBB2_7-.Ltmp16, $4  }
0x3a9: {  	_ = 	snop  }
0x3aa: {  	[tilespmem:s21], [sflag:$0x2] =	stream.indirect.gather [hbm4b:s9+s23], $0x80, s26, s23, $0xb8;
	[tilespmem:$0x1B0C8] =	vst v63  }
0x3ab: {  	s17 =	simm.s32 $0x3110;
	s29 =	rddreg [dreg:$0xa]  }
0x3ac: {  	[tilespmem:s17], [sflag:$0x8] =	stream.strided.gather [hbm4b:s29+s23], $0xA0, s6, s23, $0x38;
	[tilespmem:$0x1B0C8] =	vst v63  }
.LBB2_18:
0x3ad: {  	v31 =	vperm.xlane v22, v8  }
0x3ae: {  	v32 =	vld [tilespmem:s17+$0xFFFFFF90];
	v33 =	vperm.xlane v22, v15;
	v28 =	vmul.f32 v28, v29  }
0x3af: {  	v30 =	vld [tilespmem:s17+$0xFFFFFFA0];
	v34 =	vperm.xlane v22, v10;
	v26 =	vmul.f32 v26, v31  }
0x3b0: {  	v35 =	vld [tilespmem:s17+$0xFFFFFFD0];
	v36 =	vperm.xlane v22, v12;
	[tilespmem:s17+$0xFFFFFF40] =	vst v28;
	v27 =	vmul.f32 v27, v33  }
0x3b1: {  	v55 =	vld [tilespmem:s17+$0xFFFFFF60];
	v58 =	vperm.xlane v22, v13;
	v25 =	vmul.f32 v25, v34;
	[tilespmem:s17+$0xFFFFFF20] =	vst v26  }
0x3b2: {  	v56 =	vld [tilespmem:s17+$0xFFFFFF30];
	v59 =	vperm.xlane v22, v14;
	v24 =	vmul.f32 v24, v36;
	[tilespmem:s17+$0xFFFFFFB0] =	vst v27  }
0x3b3: {  	v61 =	vperm.xlane v22, v17;
	v62 =	vld [tilespmem:s17+$0xFFFFFFF0];
	[tilespmem:s17+$0xFFFFFF50] =	vst v25;
	v28 =	vmul.f32 v32, v58  }
0x3b4: {  	v57 =	vld [tilespmem:s17+$0xFFFFFFC0];
	v40 =	vperm.xlane v22, v11;
	[tilespmem:s17+$0xFFFFFF70] =	vst v24;
	v63 =	vmul.f32 v30, v59  }
0x3b5: {  	v43 =	vperm.xlane v22, v5;
	v45 =	vld [tilespmem:s17+$0xFFFFFF10];
	v25 =	vmul.f32 v35, v61;
	[tilespmem:s17+$0xFFFFFF90] =	vst v28  }
0x3b6: {  	v41 =	vld [tilespmem:s17+$0xFFFFFF80];
	v44 =	vperm.xlane v22, v19;
	v27 =	vmul.f32 v55, v40;
	[tilespmem:s17+$0xFFFFFFA0] =	vst v63  }
0x3b7: {  	v60 =	vld [tilespmem:s17+$0xFFFFFFE0];
	v46 =	vperm.xlane v22, v16;
	v47 =	vmul.f32 v56, v43;
	[tilespmem:s17+$0xFFFFFFD0] =	vst v25  }
0x3b8: {  	v42 =	vld [tilespmem:s17+$0xFFFFFF00];
	v50 =	vmov s6;
	v51 =	vperm.xlane v22, v7;
	v49 =	vmul.f32 v62, v44;
	[tilespmem:s17+$0xFFFFFF60] =	vst v27  }
0x3b9: {  	v48 =	vperm.xlane v22, v6;
	v24 =	vmul.f32 v57, v46;
	[tilespmem:s17+$0xFFFFFF30] =	vst v47;
	v28 =	vshll.u32 v50, $0x3  }
0x3ba: {  	v22 =	vperm.xlane v22, v18;
	v26 =	vmul.f32 v45, v51;
	[tilespmem:s17+$0xFFFFFFF0] =	vst v49;
	v52 =	vor.u32 v3, v28  }
0x3bb: {  	v23 =	vmul.f32 v41, v23;
	[tilespmem:s17+$0xFFFFFFC0] =	vst v24;
	v53 =	vor.u32 v0, v52  }
0x3bc: {  	v22 =	vmul.f32 v60, v22;
	[tilespmem:s17+$0xFFFFFF10] =	vst v26  }
0x3bd: {  	v25 =	vmul.f32 v42, v48;
	[tilespmem:s17+$0xFFFFFF80] =	vst v23  }
0x3be: {  	[tilespmem:s17+$0xFFFFFFE0] =	vst v22  }
0x3bf: {  	[tilespmem:s17+$0xFFFFFF00] =	vst v25  }
0x3c0: {  	v22 =	vld.idx.msk [tilespmem:v53+s24+$0x0], $0xffff  }
0x3c1: {  	v54 =	vld [tilespmem:s17+$0x10]  }
0x3c2: {  	v55 =	vld [tilespmem:s17+$0x30]  }
0x3c3: {  	v57 =	vld [tilespmem:s17+$0x50]  }
0x3c4: {  	v56 =	vld [tilespmem:s17+$0x70]  }
0x3c5: {  	v58 =	vld [tilespmem:s17+$0x20];
	v59 =	vperm.xlane v22, v5;
	v62 =	vperm.xlane v22, v10  }
0x3c6: {  	v60 =	vld [tilespmem:s17+$0xB0];
	v40 =	vperm.xlane v22, v12;
	v42 =	vperm.xlane v22, v7  }
0x3c7: {  	v61 =	vld [tilespmem:s17+$0x80];
	v44 =	vperm.xlane v22, v8;
	v25 =	vmul.f32 v55, v59  }
0x3c8: {  	v41 =	vld [tilespmem:s17+$0xA0];
	v46 =	vperm.xlane v22, v4;
	v27 =	vmul.f32 v57, v62  }
0x3c9: {  	v23 =	vld [tilespmem:s17+$0xC0];
	v48 =	vperm.xlane v22, v14;
	v26 =	vmul.f32 v56, v40;
	[tilespmem:s17+$0x30] =	vst v25  }
0x3ca: {  	v45 =	vld [tilespmem:s17+$0x40];
	v50 =	vperm.xlane v22, v15;
	v24 =	vmul.f32 v54, v42;
	[tilespmem:s17+$0x50] =	vst v27  }
0x3cb: {  	v47 =	vld [tilespmem:s17+$0xD0];
	v52 =	vperm.xlane v22, v16;
	v28 =	vmul.f32 v58, v44;
	[tilespmem:s17+$0x70] =	vst v26  }
0x3cc: {  	v63 =	vld [tilespmem:s17+$0x90];
	v51 =	vmul.f32 v61, v46;
	v53 =	vmul.f32 v60, v50;
	[tilespmem:s17+$0x10] =	vst v24  }
0x3cd: {  	v54 =	vperm.xlane v22, v17;
	v55 =	vperm.xlane v22, v13;
	[tilespmem:s17+$0x20] =	vst v28  }
0x3ce: {  	v43 =	vld [tilespmem:s17+$0x60];
	v23 =	vmul.f32 v23, v52;
	v57 =	vperm.xlane v22, v9;
	[tilespmem:s17+$0x80] =	vst v51  }
0x3cf: {  	v49 =	vld [tilespmem:s17+$0x0];
	v59 =	vperm.xlane v22, v11;
	v26 =	vmul.f32 v41, v48;
	[tilespmem:s17+$0xB0] =	vst v53  }
0x3d0: {  	v56 =	vld [tilespmem:s17+$0xE0];
	v61 =	vperm.xlane v22, v18;
	v24 =	vmul.f32 v47, v54;
	[tilespmem:s17+$0xC0] =	vst v23  }
0x3d1: {  	v58 =	vld [tilespmem:s17+$0xF0];
	v60 =	vmul.f32 v63, v55;
	v23 =	vmul.f32 v45, v57;
	[tilespmem:s17+$0xA0] =	vst v26  }
0x3d2: {  	v63 =	vperm.xlane v22, v19;
	v22 =	vperm.xlane v22, v6;
	[tilespmem:s17+$0xD0] =	vst v24  }
0x3d3: {  	p2 =	seq.s32 s16, $0x3D;
	v62 =	vmul.f32 v43, v59;
	[tilespmem:s17+$0x90] =	vst v60  }
0x3d4: {  	s0 =	smul.u32 @!p2 $0xA0, s16;
	[tilespmem:s17+$0x40] =	vst v23;
	v22 =	vmul.f32 v49, v22  }
0x3d5: {  	s6 =	rddreg [dreg:$0xd];
	[tilespmem:s17+$0x60] =	vst v62;
	v25 =	vmul.f32 v56, v61  }
0x3d6: {  	s0 =	sadd.s32 @!p2 s0, s6;
	v23 =	vmul.f32 v58, v63;
	[tilespmem:s17+$0x0] =	vst v22  }
0x3d7: {  	s6 =	rddreg [dreg:$0x1];
	s0 =	sshrl.u32 @!p2 s0, $0x3;
	[tilespmem:s17+$0xE0] =	vst v25  }
0x3d8: {  	s19 =	simm.s32 $0x37A0;
	s29 =	simm.s32 $0x3250;
	s0 =	sadd.s32 @!p2 s6, s0;
	[tilespmem:s17+$0xF0] =	vst v23  }
0x3d9: {  	[spmem:s3] =	stream.indirect.scatter.add.f32 [tilespmem:s19], [sflag:$0x7], $0x80, s29, s23, $0xb8;
	[tilespmem:$0x1B0C8] =	vst v63  }
0x3da: {  	s6 =	simm.s32 @!p2 $0x50;
	s17 =	simm.s32 @!p2 $0x27100;
	s19 =	simm.s32 @!p2 $0x3110  }
0x3db: {  	[tilespmem:s19], [sflag:$0x8] =	stream.strided.gather @!p2 [hbm4b:s0+s6], $0xA0, s17, s6, $0x38;
	[tilespmem:$0x1B0C8] =	vst v63  }
.LBB2_19:
0x3dc: {  	_ =	swait.ge [sflag:s15], $0x280  }
0x3dd: {  	[sflag:s15] =	ssyncset.done $0x0  }
0x3de: {  	[sflag:s15] =	ssyncadd.s32 $0xFFFFFD80  }
0x3df: {  	_ =	swait.ge [sflag:s15], $0x2800  }
0x3e0: {  	[sflag:s15] =	ssyncset.done $0x0  }
0x3e1: {  	[sflag:s15] =	ssyncadd.s32 $0xFFFFD800  }
0x3e2: {  	_ =	swait.ge [sflag:s25], $0xA0  }
0x3e3: {  	[sflag:s25] =	ssyncset.done $0x0  }
0x3e4: {  	[sflag:s25] =	ssyncadd.s32 $0xFFFFFF60  }
0x3e5: {  	v22 =	vld [tilespmem:$0x0]  }
0x3e6: {  	v23 =	vld [tilespmem:$0x50]  }
0x3e7: {  	v24 =	vld [tilespmem:$0x50]  }
0x3e8: {  	v25 =	vld [tilespmem:$0x10]  }
0x3e9: {  	v27 =	vld [tilespmem:$0x60]  }
0x3ea: {  	v57 =	vld [tilespmem:$0x70]  }
0x3eb: {  	v59 =	vld [tilespmem:$0x30];
	[tilespmem:$0xA0] =	vst v22  }
0x3ec: {  	v22 =	vadd.s32 $0x2710, v23;
	v23 =	vld [tilespmem:$0x20];
	[tilespmem:$0x140] =	vst v24  }
0x3ed: {  	[tilespmem:$0xF0] =	vst v22;
	v22 =	vld [tilespmem:$0x70]  }
0x3ee: {  	v26 =	vld [tilespmem:$0x60];
	[tilespmem:$0xB0] =	vst v25  }
0x3ef: {  	v61 =	vld [tilespmem:$0x80];
	[tilespmem:$0x150] =	vst v27  }
0x3f0: {  	v63 =	vld [tilespmem:$0x90];
	[tilespmem:$0x160] =	vst v57  }
0x3f1: {  	v60 =	vld [tilespmem:$0x80];
	[tilespmem:$0xD0] =	vst v59  }
0x3f2: {  	[tilespmem:$0xC0] =	vst v23;
	v23 =	vld [tilespmem:$0x40];
	v22 =	vadd.s32 $0x2710, v22  }
0x3f3: {  	[tilespmem:$0x110] =	vst v22;
	v22 =	vld [tilespmem:$0x90]  }
0x3f4: {  	[tilespmem:$0x170] =	vst v61  }
0x3f5: {  	v58 =	vadd.s32 $0x2710, v26;
	[tilespmem:$0x180] =	vst v63  }
0x3f6: {  	v62 =	vadd.s32 $0x2710, v60;
	[tilespmem:$0x100] =	vst v58  }
0x3f7: {  	[tilespmem:$0x120] =	vst v62  }
0x3f8: {  	[tilespmem:$0xE0] =	vst v23;
	v22 =	vadd.s32 $0x2710, v22  }
0x3f9: {  	[tilespmem:$0x130] =	vst v22  }
0x3fa: {  	[tilespmem:s28], [sflag:$0x1] =	stream.indirect.gather [hbm4b:s7+s23], $0x8, s26, s23, $0xb8;
	[tilespmem:$0x1B0C8] =	vst v63  }
0x3fb: {  	s0 =	simm.s32 $0xF0  }
0x3fc: {  	[tilespmem:s30], [sflag:$0x1] =	stream.indirect.gather [hbm4b:s8+s23], $0x8, s0, s23, $0xb8;
	[tilespmem:$0x1B0C8] =	vst v63  }
0x3fd: {  	_ = 	snop  }
0x3fe: {  	[tilespmem:s21], [sflag:$0x2] =	stream.indirect.gather [hbm4b:s9+s23], $0x80, s26, s23, $0xb8;
	[tilespmem:$0x1B0C8] =	vst v63  }
.LBB2_20:
0x3ff: {  	s16 =	sadd.s32 $0x1, s16  }
0x400: {  	p2 =	seq.s32 s16, $0x3F  }
.Ltmp17:
0x401: {  	_ = 	snop;
	(pc) =	sbr.rel @p2 .LBB2_36-.Ltmp17, $1  }
0x402: {  	_ =	sdelay $0x3  }
.LBB2_7:
0x403: {  	p2 =	seq.s32 s16, $0x0  }
0x404: {  	s0 =	simm.s32 @!p2 $0x7  }
0x405: {  	_ =	swait.ge @!p2 [sflag:s0], $0x280  }
0x406: {  	[sflag:s0] =	ssyncset.done @!p2 $0x0  }
0x407: {  	[sflag:s0] =	ssyncadd.s32 @!p2 $0xFFFFFD80  }
0x408: {  	_ =	swait.ge @!p2 [sflag:s0], $0x2800  }
0x409: {  	p3 =	sgt.u32 @!p2 s16, $0x3D;
	[sflag:s0] =	ssyncset.done @!p2 $0x0  }
0x40a: {  	p3 =	por p2, !p3;
	[sflag:s0] =	ssyncadd.s32 @!p2 $0xFFFFD800  }
0x40b: {  	_ =	swait.ge @p3 [sflag:s31], $0xA0  }
0x40c: {  	[sflag:s31] =	ssyncset.done @p3 $0x0  }
0x40d: {  	[sflag:s31] =	ssyncadd.s32 @p3 $0xFFFFFF60  }
0x40e: {  	v22 =	vld @p3 [tilespmem:$0x3110]  }
0x40f: {  	v23 =	vld @p3 [tilespmem:$0x3160]  }
0x410: {  	v24 =	vld @p3 [tilespmem:$0x3160]  }
0x411: {  	v25 =	vld @p3 [tilespmem:$0x3120]  }
0x412: {  	v26 =	vld @p3 [tilespmem:$0x3170];
	_ =	sdelay $0x1  }
0x413: {  	v27 =	vld @p3 [tilespmem:$0x3170];
	[tilespmem:$0x31B0] =	vst @p3 v22  }
0x414: {  	v22 =	vadd.s32 @p3 $0x2710, v23;
	v23 =	vld @p3 [tilespmem:$0x3130];
	[tilespmem:$0x3250] =	vst @p3 v24  }
0x415: {  	v24 =	vld @p3 [tilespmem:$0x3180];
	[tilespmem:$0x31C0] =	vst @p3 v25  }
0x416: {  	v25 =	vadd.s32 @p3 $0x2710, v26;
	[tilespmem:$0x3200] =	vst @p3 v22;
	v22 =	vld @p3 [tilespmem:$0x3180]  }
0x417: {  	[tilespmem:$0x3210] =	vst @p3 v25;
	v25 =	vld @p3 [tilespmem:$0x3190];
	_ =	sdelay $0x1  }
0x418: {  	v26 =	vld @p3 [tilespmem:$0x3140]  }
0x419: {  	[tilespmem:$0x3260] =	vst @p3 v27;
	v27 =	vld @p3 [tilespmem:$0x3190]  }
0x41a: {  	[tilespmem:$0x31D0] =	vst @p3 v23;
	v23 =	vld @p3 [tilespmem:$0x3150]  }
0x41b: {  	[tilespmem:$0x3270] =	vst @p3 v24;
	v22 =	vadd.s32 @p3 $0x2710, v22;
	v24 =	vadd.s32 @p3 $0x2710, v25;
	v25 =	vld @p3 [tilespmem:$0x31A0]  }
0x41c: {  	[tilespmem:$0x3220] =	vst @p3 v22;
	v22 =	vld @p3 [tilespmem:$0x31A0]  }
0x41d: {  	[tilespmem:$0x31E0] =	vst @p3 v26  }
0x41e: {  	[tilespmem:$0x3280] =	vst @p3 v27  }
0x41f: {  	[tilespmem:$0x3230] =	vst @p3 v24  }
0x420: {  	[tilespmem:$0x31F0] =	vst @p3 v23  }
0x421: {  	[tilespmem:$0x3290] =	vst @p3 v25;
	v22 =	vadd.s32 @p3 $0x2710, v22  }
0x422: {  	s0 =	simm.s32 @p3 $0x31B0;
	[tilespmem:$0x3240] =	vst @p3 v22  }
0x423: {  	[tilespmem:s13], [sflag:$0x5] =	stream.indirect.gather @p3 [hbm4b:s7+s23], $0x8, s0, s23, $0xb8;
	[tilespmem:$0x1B0C8] =	vst v63  }
0x424: {  	s29 =	simm.s32 $0x0;
	s6 =	simm.s32 @p3 $0x3200  }
0x425: {  	[tilespmem:s18], [sflag:$0x5] =	stream.indirect.gather @p3 [hbm4b:s8+s23], $0x8, s6, s23, $0xb8;
	[tilespmem:$0x1B0C8] =	vst v63  }
0x426: {  	v22 =	vmov s29;
	s6 =	simm.s32 @p3 $0x37A0  }
0x427: {  	v22 =	vshll.u32 v22, $0x3;
	[tilespmem:s6], [sflag:$0x6] =	stream.indirect.gather @p3 [hbm4b:s9+s23], $0x80, s0, s23, $0xb8;
	[tilespmem:$0x1B0C8] =	vst v63  }
0x428: {  	v22 =	vor.u32 v3, v22;
	_ =	swait.ge [sflag:s10], $0x280  }
0x429: {  	v22 =	vor.u32 v0, v22;
	[sflag:s10] =	ssyncset.done $0x0  }
0x42a: {  	[sflag:s10] =	ssyncadd.s32 $0xFFFFFD80  }
0x42b: {  	_ =	swait.ge [sflag:s10], $0x280  }
0x42c: {  	[sflag:s10] =	ssyncset.done $0x0  }
0x42d: {  	[sflag:s10] =	ssyncadd.s32 $0xFFFFFD80  }
0x42e: {  	v23 =	vld.idx.msk [tilespmem:v22+s28+$0x0], $0xffff  }
0x42f: {  	v57 =	vld.idx.msk [tilespmem:v22+s30+$0x0], $0xffff;
	_ =	sdelay $0x4  }
0x430: {  	v23 =	vadd.f32 v57, v23;
	_ =	sdelay $0x1  }
0x431: {  	v23 =	vadd.f32 v23, v21;
	_ =	sdelay $0x1  }
0x432: {  	v58 =	vmul.f32 $2.000000030e-01, v23  }
0x433: {  	vm0 =	vge.f32 v23, $0.0e+00  }
0x434: {  	v23 =	vsel vm0, v23, v58  }
0x435: {  	v23 =	vsub.f32 v23, v20;
	_ =	sdelay $0x1  }
0x436: {  	v23 =	vmul.f32 $1.442695020e+00, v23;
	_ =	sdelay $0x1  }
0x437: {  	(erf) = vpow2.f32 v23;
	_ =	sdelay $0x1  }
0x438: {  	s6 =	simm.s32 $0x2  }
0x439: {  	v23 =	vmov s6  }
0x43a: {  	v23 =	vshll.u32 v23, $0x3  }
0x43b: {  	v23 =	vor.u32 v3, v23  }
0x43c: {  	v23 =	vor.u32 v0, v23;
	_ =	sdelay $0x2  }
0x43d: {  	v59 =	vpop (erf)  }
0x43e: {  	[tilespmem:v22+s1+$0x0] =	vst.idx.msk $0xffff, v59  }
0x43f: {  	v22 =	vld.idx.msk [tilespmem:v23+s28+$0x0], $0xffff  }
0x440: {  	v24 =	vld.idx.msk [tilespmem:v23+s30+$0x0], $0xffff;
	_ =	sdelay $0x4  }
0x441: {  	v22 =	vadd.f32 v24, v22;
	_ =	sdelay $0x1  }
0x442: {  	v22 =	vadd.f32 v22, v21;
	_ =	sdelay $0x1  }
0x443: {  	v60 =	vmul.f32 $2.000000030e-01, v22  }
0x444: {  	vm13 =	vge.f32 v22, $0.0e+00  }
0x445: {  	v22 =	vsel vm13, v22, v60  }
0x446: {  	v22 =	vsub.f32 v22, v20;
	_ =	sdelay $0x1  }
0x447: {  	v22 =	vmul.f32 $1.442695020e+00, v22;
	_ =	sdelay $0x1  }
0x448: {  	(erf) = vpow2.f32 v22;
	_ =	sdelay $0x1  }
0x449: {  	s17 =	simm.s32 $0x4  }
0x44a: {  	v22 =	vmov s17  }
0x44b: {  	v22 =	vshll.u32 v22, $0x3  }
0x44c: {  	v22 =	vor.u32 v3, v22  }
0x44d: {  	v61 =	vor.u32 v0, v22;
	_ =	sdelay $0x2  }
0x44e: {  	v22 =	vpop (erf)  }
0x44f: {  	[tilespmem:v23+s1+$0x0] =	vst.idx.msk $0xffff, v22  }
0x450: {  	v22 =	vld.idx.msk [tilespmem:v61+s28+$0x0], $0xffff  }
0x451: {  	v23 =	vld.idx.msk [tilespmem:v61+s30+$0x0], $0xffff;
	_ =	sdelay $0x4  }
0x452: {  	v22 =	vadd.f32 v23, v22;
	_ =	sdelay $0x1  }
0x453: {  	v22 =	vadd.f32 v22, v21;
	_ =	sdelay $0x1  }
0x454: {  	v23 =	vmul.f32 $2.000000030e-01, v22  }
0x455: {  	vm14 =	vge.f32 v22, $0.0e+00  }
0x456: {  	v22 =	vsel vm14, v22, v23  }
0x457: {  	v22 =	vsub.f32 v22, v20;
	_ =	sdelay $0x1  }
0x458: {  	v22 =	vmul.f32 $1.442695020e+00, v22;
	_ =	sdelay $0x1  }
0x459: {  	(erf) = vpow2.f32 v22;
	_ =	sdelay $0x1  }
0x45a: {  	s19 =	simm.s32 $0x6  }
0x45b: {  	v22 =	vmov s19  }
0x45c: {  	v22 =	vshll.u32 v22, $0x3  }
0x45d: {  	v22 =	vor.u32 v3, v22  }
0x45e: {  	v22 =	vor.u32 v0, v22;
	_ =	sdelay $0x2  }
0x45f: {  	v23 =	vpop (erf)  }
0x460: {  	[tilespmem:v61+s1+$0x0] =	vst.idx.msk $0xffff, v23  }
0x461: {  	v23 =	vld.idx.msk [tilespmem:v22+s28+$0x0], $0xffff  }
0x462: {  	v24 =	vld.idx.msk [tilespmem:v22+s30+$0x0], $0xffff;
	_ =	sdelay $0x4  }
0x463: {  	v23 =	vadd.f32 v24, v23;
	_ =	sdelay $0x1  }
0x464: {  	v23 =	vadd.f32 v23, v21;
	_ =	sdelay $0x1  }
0x465: {  	v62 =	vmul.f32 $2.000000030e-01, v23  }
0x466: {  	vm15 =	vge.f32 v23, $0.0e+00  }
0x467: {  	v23 =	vsel vm15, v23, v62  }
0x468: {  	v23 =	vsub.f32 v23, v20;
	_ =	sdelay $0x1  }
0x469: {  	v23 =	vmul.f32 $1.442695020e+00, v23;
	_ =	sdelay $0x1  }
0x46a: {  	(erf) = vpow2.f32 v23;
	_ =	sdelay $0x1  }
0x46b: {  	s29 =	simm.s32 $0x8  }
0x46c: {  	v63 =	vmov s29  }
0x46d: {  	p2 =	por @!p2 $0x0, $0x0;
	v24 =	vshll.u32 v63, $0x3  }
0x46e: {  	p2 =	por @p3 $0x1, $0x1;
	s0 =	simm.s32 $0x16;
	s6 =	simm.s32 $0xE;
	v23 =	vor.u32 v3, v24  }
.LBB2_8:
0x46f: {  	p3 =	sne.s32 s0, $0x4E;
	v23 =	vor.u32 v0, v23;
	s17 =	smov.u32 s0;
	s0 =	sadd.s32 $0x8, s0  }
0x470: {  	_ =	sdelay $0x1  }
0x471: {  	v24 =	vpop (erf)  }
0x472: {  	[tilespmem:v22+s1+$0x0] =	vst.idx.msk $0xffff, v24  }
0x473: {  	v22 =	vld.idx.msk [tilespmem:v23+s28+$0x0], $0xffff  }
0x474: {  	v24 =	vld.idx.msk [tilespmem:v23+s30+$0x0], $0xffff;
	_ =	sdelay $0x5  }
0x475: {  	v22 =	vadd.f32 v24, v22;
	_ =	sdelay $0x1  }
0x476: {  	v22 =	vadd.f32 v22, v21;
	_ =	sdelay $0x1  }
0x477: {  	vm0 =	vge.f32 v22, $0.0e+00;
	v24 =	vmul.f32 $2.000000030e-01, v22;
	_ =	sdelay $0x1  }
0x478: {  	v22 =	vsel vm0, v22, v24  }
0x479: {  	v22 =	vsub.f32 v22, v20;
	_ =	sdelay $0x1  }
0x47a: {  	v22 =	vmul.f32 $1.442695020e+00, v22;
	_ =	sdelay $0x1  }
0x47b: {  	(erf) = vpow2.f32 v22;
	_ =	sdelay $0x1  }
0x47c: {  	s19 =	sadd.s32 $0xFFFFFFFC, s6  }
0x47d: {  	v22 =	vmov s19  }
0x47e: {  	v22 =	vshll.u32 v22, $0x3  }
0x47f: {  	v22 =	vor.u32 v3, v22  }
0x480: {  	v22 =	vor.u32 v0, v22;
	_ =	sdelay $0x2  }
0x481: {  	v24 =	vpop (erf)  }
0x482: {  	[tilespmem:v23+s1+$0x0] =	vst.idx.msk $0xffff, v24  }
0x483: {  	v23 =	vld.idx.msk [tilespmem:v22+s28+$0x0], $0xffff  }
0x484: {  	v24 =	vld.idx.msk [tilespmem:v22+s30+$0x0], $0xffff;
	_ =	sdelay $0x5  }
0x485: {  	v23 =	vadd.f32 v24, v23;
	_ =	sdelay $0x1  }
0x486: {  	v23 =	vadd.f32 v23, v21;
	_ =	sdelay $0x1  }
0x487: {  	vm0 =	vge.f32 v23, $0.0e+00;
	v24 =	vmul.f32 $2.000000030e-01, v23;
	_ =	sdelay $0x1  }
0x488: {  	v23 =	vsel vm0, v23, v24  }
0x489: {  	v23 =	vsub.f32 v23, v20;
	_ =	sdelay $0x1  }
0x48a: {  	v23 =	vmul.f32 $1.442695020e+00, v23;
	_ =	sdelay $0x1  }
0x48b: {  	(erf) = vpow2.f32 v23;
	_ =	sdelay $0x1  }
0x48c: {  	s19 =	sadd.s32 $0xFFFFFFFE, s6  }
0x48d: {  	v23 =	vmov s19  }
0x48e: {  	v23 =	vshll.u32 v23, $0x3  }
0x48f: {  	v23 =	vor.u32 v3, v23  }
0x490: {  	v23 =	vor.u32 v0, v23;
	_ =	sdelay $0x2  }
0x491: {  	v24 =	vpop (erf)  }
0x492: {  	[tilespmem:v22+s1+$0x0] =	vst.idx.msk $0xffff, v24  }
0x493: {  	v22 =	vld.idx.msk [tilespmem:v23+s28+$0x0], $0xffff  }
0x494: {  	v24 =	vld.idx.msk [tilespmem:v23+s30+$0x0], $0xffff;
	_ =	sdelay $0x5  }
0x495: {  	v22 =	vadd.f32 v24, v22;
	_ =	sdelay $0x1  }
0x496: {  	v22 =	vadd.f32 v22, v21;
	_ =	sdelay $0x1  }
0x497: {  	vm0 =	vge.f32 v22, $0.0e+00;
	v24 =	vmul.f32 $2.000000030e-01, v22;
	_ =	sdelay $0x1  }
0x498: {  	v22 =	vsel vm0, v22, v24  }
0x499: {  	v22 =	vsub.f32 v22, v20;
	_ =	sdelay $0x1  }
0x49a: {  	v22 =	vmul.f32 $1.442695020e+00, v22;
	_ =	sdelay $0x1  }
0x49b: {  	(erf) = vpow2.f32 v22;
	_ =	sdelay $0x2  }
0x49c: {  	v22 =	vmov s6;
	s6 =	smov.u32 s17  }
0x49d: {  	v22 =	vshll.u32 v22, $0x3  }
0x49e: {  	v22 =	vor.u32 v3, v22  }
0x49f: {  	v22 =	vor.u32 v0, v22;
	_ =	sdelay $0x2  }
0x4a0: {  	v24 =	vpop (erf)  }
0x4a1: {  	[tilespmem:v23+s1+$0x0] =	vst.idx.msk $0xffff, v24  }
0x4a2: {  	v23 =	vld.idx.msk [tilespmem:v22+s28+$0x0], $0xffff  }
0x4a3: {  	v24 =	vld.idx.msk [tilespmem:v22+s30+$0x0], $0xffff;
	_ =	sdelay $0x5  }
0x4a4: {  	v23 =	vadd.f32 v24, v23;
	_ =	sdelay $0x1  }
0x4a5: {  	v23 =	vadd.f32 v23, v21;
	_ =	sdelay $0x1  }
0x4a6: {  	vm0 =	vge.f32 v23, $0.0e+00;
	v24 =	vmul.f32 $2.000000030e-01, v23;
	_ =	sdelay $0x1  }
0x4a7: {  	v23 =	vsel vm0, v23, v24  }
0x4a8: {  	v23 =	vsub.f32 v23, v20;
	_ =	sdelay $0x1  }
0x4a9: {  	v23 =	vmul.f32 $1.442695020e+00, v23;
	_ =	sdelay $0x1  }
0x4aa: {  	(erf) = vpow2.f32 v23  }
.Ltmp18:
0x4ab: {  	(pc) =	sbr.rel @p3 .LBB2_8-.Ltmp18, $4  }
0x4ac: {  	s17 =	sadd.s32 $0xFFFFFFFA, s6  }
0x4ad: {  	v23 =	vmov s17  }
0x4ae: {  	v23 =	vshll.u32 v23, $0x3  }
0x4af: {  	v23 =	vor.u32 v3, v23  }
0x4b0: {  	v23 =	vor.u32 v0, v23;
	_ =	sdelay $0x2  }
0x4b1: {  	v24 =	vpop (erf)  }
0x4b2: {  	[tilespmem:v22+s1+$0x0] =	vst.idx.msk $0xffff, v24  }
0x4b3: {  	v22 =	vld.idx.msk [tilespmem:v23+s28+$0x0], $0xffff  }
0x4b4: {  	v24 =	vld.idx.msk [tilespmem:v23+s30+$0x0], $0xffff;
	_ =	sdelay $0x4  }
0x4b5: {  	v22 =	vadd.f32 v24, v22;
	_ =	sdelay $0x1  }
0x4b6: {  	v22 =	vadd.f32 v22, v21;
	_ =	sdelay $0x1  }
0x4b7: {  	v24 =	vmul.f32 $2.000000030e-01, v22  }
0x4b8: {  	vm0 =	vge.f32 v22, $0.0e+00  }
0x4b9: {  	v22 =	vsel vm0, v22, v24  }
0x4ba: {  	v22 =	vsub.f32 v22, v20;
	_ =	sdelay $0x1  }
0x4bb: {  	v22 =	vmul.f32 $1.442695020e+00, v22;
	_ =	sdelay $0x1  }
0x4bc: {  	(erf) = vpow2.f32 v22;
	_ =	sdelay $0x1  }
0x4bd: {  	s0 =	sadd.s32 $0xFFFFFFFC, s6  }
0x4be: {  	v22 =	vmov s0  }
0x4bf: {  	v22 =	vshll.u32 v22, $0x3  }
0x4c0: {  	v22 =	vor.u32 v3, v22  }
0x4c1: {  	v22 =	vor.u32 v0, v22;
	_ =	sdelay $0x2  }
0x4c2: {  	v24 =	vpop (erf)  }
0x4c3: {  	[tilespmem:v23+s1+$0x0] =	vst.idx.msk $0xffff, v24  }
0x4c4: {  	v23 =	vld.idx.msk [tilespmem:v22+s28+$0x0], $0xffff  }
0x4c5: {  	v24 =	vld.idx.msk [tilespmem:v22+s30+$0x0], $0xffff;
	_ =	sdelay $0x4  }
0x4c6: {  	v23 =	vadd.f32 v24, v23;
	_ =	sdelay $0x1  }
0x4c7: {  	v23 =	vadd.f32 v23, v21;
	_ =	sdelay $0x1  }
0x4c8: {  	v24 =	vmul.f32 $2.000000030e-01, v23  }
0x4c9: {  	vm13 =	vge.f32 v23, $0.0e+00  }
0x4ca: {  	v23 =	vsel vm13, v23, v24  }
0x4cb: {  	v23 =	vsub.f32 v23, v20;
	_ =	sdelay $0x1  }
0x4cc: {  	v23 =	vmul.f32 $1.442695020e+00, v23;
	_ =	sdelay $0x1  }
0x4cd: {  	(erf) = vpow2.f32 v23;
	_ =	sdelay $0x1  }
0x4ce: {  	s19 =	sadd.s32 $0xFFFFFFFE, s6  }
0x4cf: {  	v23 =	vmov s19  }
0x4d0: {  	v23 =	vshll.u32 v23, $0x3  }
0x4d1: {  	v23 =	vor.u32 v3, v23  }
0x4d2: {  	v23 =	vor.u32 v0, v23;
	_ =	sdelay $0x2  }
0x4d3: {  	v24 =	vpop (erf)  }
0x4d4: {  	[tilespmem:v22+s1+$0x0] =	vst.idx.msk $0xffff, v24  }
0x4d5: {  	v22 =	vld.idx.msk [tilespmem:v23+s28+$0x0], $0xffff  }
0x4d6: {  	v24 =	vld.idx.msk [tilespmem:v23+s30+$0x0], $0xffff;
	_ =	sdelay $0x4  }
0x4d7: {  	v22 =	vadd.f32 v24, v22;
	_ =	sdelay $0x1  }
0x4d8: {  	v22 =	vadd.f32 v22, v21;
	_ =	sdelay $0x1  }
0x4d9: {  	v24 =	vmul.f32 $2.000000030e-01, v22  }
0x4da: {  	vm14 =	vge.f32 v22, $0.0e+00  }
0x4db: {  	v22 =	vsel vm14, v22, v24  }
0x4dc: {  	v22 =	vsub.f32 v22, v20;
	_ =	sdelay $0x1  }
0x4dd: {  	v22 =	vmul.f32 $1.442695020e+00, v22;
	_ =	sdelay $0x1  }
0x4de: {  	(erf) = vpow2.f32 v22;
	_ =	sdelay $0x2  }
0x4df: {  	v22 =	vmov s6  }
0x4e0: {  	v22 =	vshll.u32 v22, $0x3  }
0x4e1: {  	v22 =	vor.u32 v3, v22  }
0x4e2: {  	v22 =	vor.u32 v0, v22;
	_ =	sdelay $0x2  }
0x4e3: {  	v24 =	vpop (erf)  }
0x4e4: {  	[tilespmem:v23+s1+$0x0] =	vst.idx.msk $0xffff, v24  }
0x4e5: {  	v23 =	vld.idx.msk [tilespmem:v22+s28+$0x0], $0xffff  }
0x4e6: {  	v24 =	vld.idx.msk [tilespmem:v22+s30+$0x0], $0xffff;
	_ =	sdelay $0x4  }
0x4e7: {  	v23 =	vadd.f32 v24, v23;
	_ =	sdelay $0x1  }
0x4e8: {  	v23 =	vadd.f32 v23, v21;
	_ =	sdelay $0x1  }
0x4e9: {  	v24 =	vmul.f32 $2.000000030e-01, v23  }
0x4ea: {  	vm15 =	vge.f32 v23, $0.0e+00  }
0x4eb: {  	v23 =	vsel vm15, v23, v24  }
0x4ec: {  	v23 =	vsub.f32 v23, v20;
	_ =	sdelay $0x1  }
0x4ed: {  	v23 =	vmul.f32 $1.442695020e+00, v23;
	_ =	sdelay $0x1  }
0x4ee: {  	(erf) = vpow2.f32 v23;
	_ =	sdelay $0x6  }
0x4ef: {  	s29 =	simm.s32 $0x0  }
0x4f0: {  	v23 =	vmov s29  }
0x4f1: {  	v23 =	vshll.u32 v23, $0x3;
	v24 =	vpop (erf)  }
0x4f2: {  	[tilespmem:v22+s1+$0x0] =	vst.idx.msk $0xffff, v24;
	v22 =	vor.u32 v3, v23  }
0x4f3: {  	s6 =	simm.s32 $0x2;
	v22 =	vor.u32 v0, v22  }
0x4f4: {  	[spmem:s4] =	stream.indirect.scatter.add.f32 [tilespmem:s1], [sflag:$0x3], $0x8, s2, s23, $0xb8;
	[tilespmem:$0x1B0C8] =	vst v63  }
0x4f5: {  	_ =	swait.ge [sflag:s6], $0x2800  }
0x4f6: {  	[sflag:s6] =	ssyncset.done $0x0  }
0x4f7: {  	[sflag:s6] =	ssyncadd.s32 $0xFFFFD800  }
0x4f8: {  	s17 =	simm.s32 $0x790;
	v22 =	vld.idx.msk [tilespmem:v22+s1+$0x0], $0xffff  }
0x4f9: {  	v24 =	vld [tilespmem:s17+$0xFFFFFF70]  }
0x4fa: {  	v26 =	vld [tilespmem:s17+$0xFFFFFF20]  }
0x4fb: {  	v28 =	vld [tilespmem:s17+$0xFFFFFF40]  }
0x4fc: {  	v25 =	vld [tilespmem:s17+$0xFFFFFF50]  }
0x4fd: {  	s0 =	simm.s32 $0x6;
	s19 =	simm.s32 $0x790;
	v27 =	vld [tilespmem:s17+$0xFFFFFFB0];
	v29 =	vperm.xlane v22, v9;
	v23 =	vperm.xlane v22, v4  }
.LBB2_10:
0x4fe: {  	p3 =	sne.s32 s0, $0x4E  }
0x4ff: {  	v30 =	vperm.xlane v22, v8;
	v31 =	vperm.xlane v22, v10;
	v32 =	vld [tilespmem:s17+$0xFFFFFFA0];
	s19 =	sadd.s32 $0x200, s19;
	s29 =	smov.u32 s0;
	s0 =	sadd.s32 $0x4, s0  }
0x500: {  	v33 =	vperm.xlane v22, v15;
	v35 =	vperm.xlane v22, v19;
	v34 =	vld [tilespmem:s17+$0xFFFFFFD0]  }
0x501: {  	v28 =	vmul.f32 v28, v29;
	v29 =	vperm.xlane v22, v12;
	v36 =	vld [tilespmem:s17+$0xFFFFFF90]  }
0x502: {  	v26 =	vmul.f32 v26, v30;
	v25 =	vmul.f32 v25, v31;
	v30 =	vld [tilespmem:s17+$0xFFFFFF60]  }
0x503: {  	v31 =	vld [tilespmem:s17+$0xFFFFFF30];
	[tilespmem:s17+$0xFFFFFF40] =	vst v28;
	v27 =	vmul.f32 v27, v33;
	v28 =	vperm.xlane v22, v17  }
0x504: {  	v33 =	vperm.xlane v22, v14;
	[tilespmem:s17+$0xFFFFFF20] =	vst v26;
	v26 =	vperm.xlane v22, v13;
	v37 =	vld [tilespmem:s17+$0xFFFFFFC0]  }
0x505: {  	v24 =	vmul.f32 v24, v29;
	[tilespmem:s17+$0xFFFFFFB0] =	vst v27;
	v27 =	vmul.f32 v34, v28;
	v28 =	vld [tilespmem:s17+$0xFFFFFFE0]  }
0x506: {  	[tilespmem:s17+$0xFFFFFF50] =	vst v25;
	v25 =	vmul.f32 v36, v26;
	v26 =	vmul.f32 v32, v33;
	v29 =	vld [tilespmem:s17+$0xFFFFFFF0]  }
0x507: {  	v34 =	vperm.xlane v22, v11;
	v33 =	vperm.xlane v22, v5;
	v32 =	vld [tilespmem:s17+$0xFFFFFF00];
	[tilespmem:s17+$0xFFFFFF70] =	vst v24  }
0x508: {  	v36 =	vperm.xlane v22, v18;
	v24 =	vld [tilespmem:s17+$0xFFFFFF80];
	[tilespmem:s17+$0xFFFFFF90] =	vst v25;
	v25 =	vperm.xlane v22, v16  }
0x509: {  	v30 =	vmul.f32 v30, v34;
	v31 =	vmul.f32 v31, v33;
	v38 =	vld [tilespmem:s17+$0xFFFFFF10];
	[tilespmem:s17+$0xFFFFFFA0] =	vst v26  }
0x50a: {  	v25 =	vmul.f32 v37, v25;
	[tilespmem:s17+$0xFFFFFFD0] =	vst v27;
	v26 =	vmul.f32 v28, v36  }
0x50b: {  	v27 =	vperm.xlane v22, v6;
	[tilespmem:s17+$0xFFFFFF60] =	vst v30;
	v28 =	vmul.f32 v29, v35;
	v29 =	vmov s6;
	s6 =	smov.u32 s29  }
0x50c: {  	v22 =	vperm.xlane v22, v7;
	[tilespmem:s17+$0xFFFFFF30] =	vst v31;
	v29 =	vshll.u32 v29, $0x3  }
0x50d: {  	v27 =	vmul.f32 v32, v27;
	v23 =	vmul.f32 v24, v23;
	[tilespmem:s17+$0xFFFFFFF0] =	vst v28;
	v24 =	vor.u32 v3, v29  }
0x50e: {  	v22 =	vmul.f32 v38, v22;
	[tilespmem:s17+$0xFFFFFFC0] =	vst v25;
	v24 =	vor.u32 v0, v24  }
0x50f: {  	[tilespmem:s17+$0xFFFFFF00] =	vst v27  }
0x510: {  	[tilespmem:s17+$0xFFFFFF10] =	vst v22  }
0x511: {  	[tilespmem:s17+$0xFFFFFF80] =	vst v23  }
0x512: {  	[tilespmem:s17+$0xFFFFFFE0] =	vst v26  }
0x513: {  	v22 =	vld.idx.msk [tilespmem:v24+s1+$0x0], $0xffff;
	_ =	sdelay $0x1  }
0x514: {  	v23 =	vld [tilespmem:s17+$0xC0]  }
0x515: {  	v24 =	vld [tilespmem:s17+$0x10]  }
0x516: {  	v25 =	vld [tilespmem:s17+$0x30]  }
0x517: {  	s29 =	sadd.s32 $0xFFFFFFFE, s6;
	v26 =	vld [tilespmem:s17+$0x70]  }
0x518: {  	v27 =	vmov s29;
	v28 =	vperm.xlane v22, v6;
	v29 =	vperm.xlane v22, v8;
	v30 =	vld [tilespmem:s17+$0x50]  }
0x519: {  	v27 =	vshll.u32 v27, $0x3;
	v31 =	vperm.xlane v22, v7;
	v33 =	vperm.xlane v22, v11;
	v32 =	vld [tilespmem:s17+$0x20]  }
0x51a: {  	v27 =	vor.u32 v3, v27;
	v34 =	vperm.xlane v22, v5;
	v36 =	vperm.xlane v22, v16;
	v35 =	vld [tilespmem:s17+$0xB0]  }
0x51b: {  	v27 =	vor.u32 v0, v27;
	v37 =	vperm.xlane v22, v10;
	v38 =	vperm.xlane v22, v12;
	v39 =	vld [tilespmem:s17+$0x80]  }
0x51c: {  	v24 =	vmul.f32 v24, v31;
	v25 =	vmul.f32 v25, v34;
	v31 =	vld [tilespmem:s17+$0x90]  }
0x51d: {  	v26 =	vmul.f32 v26, v38;
	v30 =	vmul.f32 v30, v37;
	v34 =	vld [tilespmem:s17+$0xA0]  }
0x51e: {  	v29 =	vmul.f32 v32, v29;
	[tilespmem:s17+$0x30] =	vst v25;
	v25 =	vperm.xlane v22, v9;
	v32 =	vld [tilespmem:s17+$0x60]  }
0x51f: {  	v38 =	vperm.xlane v22, v13;
	v37 =	vld [tilespmem:s17+$0x40];
	[tilespmem:s17+$0x50] =	vst v30;
	v30 =	vperm.xlane v22, v4  }
0x520: {  	v40 =	vperm.xlane v22, v15;
	[tilespmem:s17+$0x70] =	vst v26;
	v26 =	vperm.xlane v22, v14;
	v41 =	vld [tilespmem:s17+$0xD0]  }
0x521: {  	v42 =	vld [tilespmem:s17+$0x0];
	[tilespmem:s17+$0x10] =	vst v24;
	v24 =	vmul.f32 v39, v30;
	v30 =	vmul.f32 v31, v38  }
0x522: {  	[tilespmem:s17+$0x20] =	vst v29;
	v26 =	vmul.f32 v34, v26;
	v29 =	vmul.f32 v35, v40;
	v31 =	vld [tilespmem:s17+$0xE0]  }
0x523: {  	v23 =	vmul.f32 v23, v36;
	[tilespmem:s17+$0x80] =	vst v24;
	v24 =	vperm.xlane v22, v17;
	v34 =	vld [tilespmem:s17+$0xF0]  }
0x524: {  	v32 =	vmul.f32 v32, v33;
	v25 =	vmul.f32 v37, v25;
	[tilespmem:s17+$0xA0] =	vst v26  }
0x525: {  	v26 =	vperm.xlane v22, v18;
	[tilespmem:s17+$0xB0] =	vst v29;
	v24 =	vmul.f32 v41, v24  }
0x526: {  	v22 =	vperm.xlane v22, v19;
	v28 =	vmul.f32 v42, v28;
	[tilespmem:s17+$0xC0] =	vst v23  }
0x527: {  	[tilespmem:s17+$0xD0] =	vst v24;
	v23 =	vmul.f32 v31, v26  }
0x528: {  	[tilespmem:s17+$0x90] =	vst v30;
	v22 =	vmul.f32 v34, v22  }
0x529: {  	[tilespmem:s17+$0x40] =	vst v25  }
0x52a: {  	[tilespmem:s17+$0x60] =	vst v32  }
0x52b: {  	[tilespmem:s17+$0xE0] =	vst v23  }
0x52c: {  	[tilespmem:s17+$0xF0] =	vst v22  }
0x52d: {  	[tilespmem:s17+$0x0] =	vst v28;
	s17 =	smov.u32 s19  }
0x52e: {  	v22 =	vld.idx.msk [tilespmem:v27+s1+$0x0], $0xffff;
	_ =	sdelay $0x1  }
.Ltmp19:
0x52f: {  	v24 =	vld [tilespmem:s19+$0xFFFFFF70];
	(pc) =	sbr.rel @p3 .LBB2_10-.Ltmp19, $4  }
0x530: {  	v26 =	vld [tilespmem:s19+$0xFFFFFF20]  }
0x531: {  	v28 =	vld [tilespmem:s19+$0xFFFFFF40]  }
0x532: {  	v25 =	vld [tilespmem:s19+$0xFFFFFF50]  }
0x533: {  	v29 =	vperm.xlane v22, v9;
	v23 =	vperm.xlane v22, v4;
	v27 =	vld [tilespmem:s19+$0xFFFFFFB0]  }
0x534: {  	_ = 	snop  }
0x535: {  	v31 =	vperm.xlane v22, v8;
	v33 =	vperm.xlane v22, v15  }
0x536: {  	v32 =	vld [tilespmem:s17+$0xFFFFFF90];
	v36 =	vperm.xlane v22, v12;
	v28 =	vmul.f32 v28, v29  }
0x537: {  	v30 =	vld [tilespmem:s17+$0xFFFFFFA0];
	v34 =	vperm.xlane v22, v10;
	v26 =	vmul.f32 v26, v31  }
0x538: {  	v35 =	vld [tilespmem:s17+$0xFFFFFFD0];
	v58 =	vperm.xlane v22, v13;
	v24 =	vmul.f32 v24, v36;
	[tilespmem:s17+$0xFFFFFF40] =	vst v28  }
0x539: {  	v56 =	vld [tilespmem:s17+$0xFFFFFF30];
	v59 =	vperm.xlane v22, v14;
	v25 =	vmul.f32 v25, v34;
	[tilespmem:s17+$0xFFFFFF20] =	vst v26  }
0x53a: {  	v61 =	vperm.xlane v22, v17;
	v62 =	vld [tilespmem:s17+$0xFFFFFFF0];
	v27 =	vmul.f32 v27, v33;
	[tilespmem:s17+$0xFFFFFF70] =	vst v24  }
0x53b: {  	v57 =	vld [tilespmem:s17+$0xFFFFFFC0];
	v40 =	vperm.xlane v22, v11;
	[tilespmem:s17+$0xFFFFFF50] =	vst v25;
	v28 =	vmul.f32 v32, v58  }
0x53c: {  	v43 =	vperm.xlane v22, v5;
	v45 =	vld [tilespmem:s17+$0xFFFFFF10];
	v63 =	vmul.f32 v30, v59;
	[tilespmem:s17+$0xFFFFFFB0] =	vst v27  }
0x53d: {  	v41 =	vld [tilespmem:s17+$0xFFFFFF80];
	v44 =	vperm.xlane v22, v19;
	v25 =	vmul.f32 v35, v61;
	[tilespmem:s17+$0xFFFFFF90] =	vst v28  }
0x53e: {  	v60 =	vld [tilespmem:s17+$0xFFFFFFE0];
	v46 =	vperm.xlane v22, v16;
	v47 =	vmul.f32 v56, v43;
	[tilespmem:s17+$0xFFFFFFA0] =	vst v63  }
0x53f: {  	v55 =	vld [tilespmem:s17+$0xFFFFFF60];
	v51 =	vperm.xlane v22, v7;
	v49 =	vmul.f32 v62, v44;
	[tilespmem:s17+$0xFFFFFFD0] =	vst v25  }
0x540: {  	v42 =	vld [tilespmem:s17+$0xFFFFFF00];
	v48 =	vperm.xlane v22, v6;
	v50 =	vmov s6;
	v24 =	vmul.f32 v57, v46;
	[tilespmem:s17+$0xFFFFFF30] =	vst v47  }
0x541: {  	v22 =	vperm.xlane v22, v18;
	v26 =	vmul.f32 v45, v51;
	v28 =	vshll.u32 v50, $0x3;
	[tilespmem:s17+$0xFFFFFFF0] =	vst v49  }
0x542: {  	v23 =	vmul.f32 v41, v23;
	[tilespmem:s17+$0xFFFFFFC0] =	vst v24;
	v52 =	vor.u32 v3, v28  }
0x543: {  	v22 =	vmul.f32 v60, v22;
	[tilespmem:s17+$0xFFFFFF10] =	vst v26;
	v53 =	vor.u32 v0, v52  }
0x544: {  	v27 =	vmul.f32 v55, v40;
	[tilespmem:s17+$0xFFFFFF80] =	vst v23  }
0x545: {  	v25 =	vmul.f32 v42, v48;
	[tilespmem:s17+$0xFFFFFFE0] =	vst v22  }
0x546: {  	[tilespmem:s17+$0xFFFFFF60] =	vst v27  }
0x547: {  	[tilespmem:s17+$0xFFFFFF00] =	vst v25  }
0x548: {  	v22 =	vld.idx.msk [tilespmem:v53+s1+$0x0], $0xffff  }
0x549: {  	v54 =	vld [tilespmem:s17+$0x10]  }
0x54a: {  	v55 =	vld [tilespmem:s17+$0x30]  }
0x54b: {  	v57 =	vld [tilespmem:s17+$0x50]  }
0x54c: {  	v56 =	vld [tilespmem:s17+$0x70]  }
0x54d: {  	v58 =	vld [tilespmem:s17+$0x20];
	v59 =	vperm.xlane v22, v5;
	v62 =	vperm.xlane v22, v10  }
0x54e: {  	v60 =	vld [tilespmem:s17+$0xB0];
	v40 =	vperm.xlane v22, v12;
	v42 =	vperm.xlane v22, v7  }
0x54f: {  	v61 =	vld [tilespmem:s17+$0x80];
	v44 =	vperm.xlane v22, v8;
	v25 =	vmul.f32 v55, v59  }
0x550: {  	v41 =	vld [tilespmem:s17+$0xA0];
	v46 =	vperm.xlane v22, v4;
	v27 =	vmul.f32 v57, v62  }
0x551: {  	v23 =	vld [tilespmem:s17+$0xC0];
	v48 =	vperm.xlane v22, v14;
	v26 =	vmul.f32 v56, v40;
	[tilespmem:s17+$0x30] =	vst v25  }
0x552: {  	v45 =	vld [tilespmem:s17+$0x40];
	v50 =	vperm.xlane v22, v15;
	v24 =	vmul.f32 v54, v42;
	[tilespmem:s17+$0x50] =	vst v27  }
0x553: {  	v47 =	vld [tilespmem:s17+$0xD0];
	v52 =	vperm.xlane v22, v16;
	v28 =	vmul.f32 v58, v44;
	[tilespmem:s17+$0x70] =	vst v26  }
0x554: {  	v63 =	vld [tilespmem:s17+$0x90];
	v51 =	vmul.f32 v61, v46;
	v53 =	vmul.f32 v60, v50;
	[tilespmem:s17+$0x10] =	vst v24  }
0x555: {  	v54 =	vperm.xlane v22, v17;
	v55 =	vperm.xlane v22, v13;
	[tilespmem:s17+$0x20] =	vst v28  }
0x556: {  	v43 =	vld [tilespmem:s17+$0x60];
	v23 =	vmul.f32 v23, v52;
	v57 =	vperm.xlane v22, v9;
	[tilespmem:s17+$0x80] =	vst v51  }
0x557: {  	v49 =	vld [tilespmem:s17+$0x0];
	v59 =	vperm.xlane v22, v11;
	v26 =	vmul.f32 v41, v48;
	[tilespmem:s17+$0xB0] =	vst v53  }
0x558: {  	v56 =	vld [tilespmem:s17+$0xE0];
	v61 =	vperm.xlane v22, v18;
	v24 =	vmul.f32 v47, v54;
	[tilespmem:s17+$0xC0] =	vst v23  }
0x559: {  	v58 =	vld [tilespmem:s17+$0xF0];
	v60 =	vmul.f32 v63, v55;
	v23 =	vmul.f32 v45, v57;
	[tilespmem:s17+$0xA0] =	vst v26  }
0x55a: {  	v63 =	vperm.xlane v22, v19;
	v22 =	vperm.xlane v22, v6;
	[tilespmem:s17+$0xD0] =	vst v24  }
0x55b: {  	v62 =	vmul.f32 v43, v59;
	[tilespmem:s17+$0x90] =	vst v60  }
0x55c: {  	p3 =	sne.s32 s16, $0x3E;
	[tilespmem:s17+$0x40] =	vst v23;
	v22 =	vmul.f32 v49, v22  }
.Ltmp20:
0x55d: {  	[tilespmem:s17+$0x60] =	vst v62;
	v25 =	vmul.f32 v56, v61;
	(pc) =	sbr.rel @p3 .LBB2_13-.Ltmp20, $4  }
0x55e: {  	v23 =	vmul.f32 v58, v63;
	[tilespmem:s17+$0x0] =	vst v22  }
0x55f: {  	[tilespmem:s17+$0xE0] =	vst v25  }
0x560: {  	[tilespmem:s17+$0xF0] =	vst v23  }
0x561: {  	[spmem:s3] =	stream.indirect.scatter.add.f32 [tilespmem:s21], [sflag:$0x3], $0x80, s2, s23, $0xb8;
	[tilespmem:$0x1B0C8] =	vst v63  }
.Ltmp21:
0x562: {  	(pc) =	sbr.rel @p2 .LBB2_14-.Ltmp21, $4  }
.Ltmp22:
0x563: {  	(pc) =	sbr.rel @!p2 .LBB2_20-.Ltmp22, $4  }
0x564: {  	_ = 	snop  }
0x565: {  	_ = 	snop  }
0x566: {  	_ = 	snop  }
0x567: {  	_ = 	snop  }
.LBB2_13:
0x568: {  	s0 =	smul.u32 $0xA0, s16  }
.Ltmp23:
0x569: {  	s6 =	rddreg [dreg:$0xc];
	(pc) =	sbr.rel @!p2 .LBB2_19-.Ltmp23, $4  }
0x56a: {  	s0 =	sadd.s32 s0, s6  }
0x56b: {  	s19 =	rddreg [dreg:$0x1];
	s0 =	sshrl.u32 s0, $0x3  }
0x56c: {  	s29 =	simm.s32 $0x27100;
	s0 =	sadd.s32 s19, s0  }
0x56d: {  	[tilespmem:s5], [sflag:$0x4] =	stream.strided.gather [hbm4b:s0+s23], $0xA0, s29, s23, $0x38;
	[tilespmem:$0x1B0C8] =	vst v63  }
.LBB2_14:
0x56e: {  	s0 =	simm.s32 $0x0  }
0x56f: {  	v22 =	vmov s0  }
0x570: {  	v22 =	vshll.u32 v22, $0x3  }
0x571: {  	_ =	swait.ge [sflag:s14], $0x280;
	v22 =	vor.u32 v3, v22  }
0x572: {  	[sflag:s14] =	ssyncset.done $0x0;
	v22 =	vor.u32 v0, v22  }
0x573: {  	[sflag:s14] =	ssyncadd.s32 $0xFFFFFD80  }
0x574: {  	_ =	swait.ge [sflag:s14], $0x280  }
0x575: {  	[sflag:s14] =	ssyncset.done $0x0  }
0x576: {  	[sflag:s14] =	ssyncadd.s32 $0xFFFFFD80  }
0x577: {  	v23 =	vld.idx.msk [tilespmem:v22+s13+$0x0], $0xffff  }
0x578: {  	v24 =	vld.idx.msk [tilespmem:v22+s18+$0x0], $0xffff;
	_ =	sdelay $0x4  }
0x579: {  	v23 =	vadd.f32 v24, v23;
	_ =	sdelay $0x1  }
0x57a: {  	v23 =	vadd.f32 v23, v21;
	_ =	sdelay $0x1  }
0x57b: {  	v58 =	vmul.f32 $2.000000030e-01, v23  }
0x57c: {  	vm0 =	vge.f32 v23, $0.0e+00  }
0x57d: {  	v23 =	vsel vm0, v23, v58  }
0x57e: {  	v23 =	vsub.f32 v23, v20;
	_ =	sdelay $0x1  }
0x57f: {  	v23 =	vmul.f32 $1.442695020e+00, v23;
	_ =	sdelay $0x1  }
0x580: {  	(erf) = vpow2.f32 v23;
	_ =	sdelay $0x1  }
0x581: {  	s6 =	simm.s32 $0x2  }
0x582: {  	v23 =	vmov s6  }
0x583: {  	v23 =	vshll.u32 v23, $0x3  }
0x584: {  	v23 =	vor.u32 v3, v23  }
0x585: {  	v23 =	vor.u32 v0, v23;
	_ =	sdelay $0x2  }
0x586: {  	v59 =	vpop (erf)  }
0x587: {  	[tilespmem:v22+s24+$0x0] =	vst.idx.msk $0xffff, v59  }
0x588: {  	v22 =	vld.idx.msk [tilespmem:v23+s13+$0x0], $0xffff  }
0x589: {  	v24 =	vld.idx.msk [tilespmem:v23+s18+$0x0], $0xffff;
	_ =	sdelay $0x4  }
0x58a: {  	v22 =	vadd.f32 v24, v22;
	_ =	sdelay $0x1  }
0x58b: {  	v22 =	vadd.f32 v22, v21;
	_ =	sdelay $0x1  }
0x58c: {  	v60 =	vmul.f32 $2.000000030e-01, v22  }
0x58d: {  	vm13 =	vge.f32 v22, $0.0e+00  }
0x58e: {  	v22 =	vsel vm13, v22, v60  }
0x58f: {  	v22 =	vsub.f32 v22, v20;
	_ =	sdelay $0x1  }
0x590: {  	v22 =	vmul.f32 $1.442695020e+00, v22;
	_ =	sdelay $0x1  }
0x591: {  	(erf) = vpow2.f32 v22;
	_ =	sdelay $0x1  }
0x592: {  	s17 =	simm.s32 $0x4  }
0x593: {  	v22 =	vmov s17  }
0x594: {  	v22 =	vshll.u32 v22, $0x3  }
0x595: {  	v22 =	vor.u32 v3, v22  }
0x596: {  	v61 =	vor.u32 v0, v22;
	_ =	sdelay $0x2  }
0x597: {  	v22 =	vpop (erf)  }
0x598: {  	[tilespmem:v23+s24+$0x0] =	vst.idx.msk $0xffff, v22  }
0x599: {  	v22 =	vld.idx.msk [tilespmem:v61+s13+$0x0], $0xffff  }
0x59a: {  	v23 =	vld.idx.msk [tilespmem:v61+s18+$0x0], $0xffff;
	_ =	sdelay $0x4  }
0x59b: {  	v22 =	vadd.f32 v23, v22;
	_ =	sdelay $0x1  }
0x59c: {  	v22 =	vadd.f32 v22, v21;
	_ =	sdelay $0x1  }
0x59d: {  	v23 =	vmul.f32 $2.000000030e-01, v22  }
0x59e: {  	vm14 =	vge.f32 v22, $0.0e+00  }
0x59f: {  	v22 =	vsel vm14, v22, v23  }
0x5a0: {  	v22 =	vsub.f32 v22, v20;
	_ =	sdelay $0x1  }
0x5a1: {  	v22 =	vmul.f32 $1.442695020e+00, v22;
	_ =	sdelay $0x1  }
0x5a2: {  	(erf) = vpow2.f32 v22;
	_ =	sdelay $0x1  }
0x5a3: {  	s19 =	simm.s32 $0x6  }
0x5a4: {  	v22 =	vmov s19  }
0x5a5: {  	v22 =	vshll.u32 v22, $0x3  }
0x5a6: {  	v22 =	vor.u32 v3, v22  }
0x5a7: {  	v22 =	vor.u32 v0, v22;
	_ =	sdelay $0x2  }
0x5a8: {  	v23 =	vpop (erf)  }
0x5a9: {  	[tilespmem:v61+s24+$0x0] =	vst.idx.msk $0xffff, v23  }
0x5aa: {  	v23 =	vld.idx.msk [tilespmem:v22+s13+$0x0], $0xffff  }
0x5ab: {  	v24 =	vld.idx.msk [tilespmem:v22+s18+$0x0], $0xffff;
	_ =	sdelay $0x4  }
0x5ac: {  	v23 =	vadd.f32 v24, v23;
	_ =	sdelay $0x1  }
0x5ad: {  	v23 =	vadd.f32 v23, v21;
	_ =	sdelay $0x1  }
0x5ae: {  	v62 =	vmul.f32 $2.000000030e-01, v23  }
0x5af: {  	vm15 =	vge.f32 v23, $0.0e+00  }
0x5b0: {  	v23 =	vsel vm15, v23, v62  }
0x5b1: {  	v23 =	vsub.f32 v23, v20;
	_ =	sdelay $0x1  }
0x5b2: {  	v23 =	vmul.f32 $1.442695020e+00, v23;
	_ =	sdelay $0x1  }
0x5b3: {  	(erf) = vpow2.f32 v23;
	_ =	sdelay $0x1  }
0x5b4: {  	s29 =	simm.s32 $0x8  }
0x5b5: {  	v63 =	vmov s29  }
0x5b6: {  	v24 =	vshll.u32 v63, $0x3  }
0x5b7: {  	s0 =	simm.s32 $0x16;
	s6 =	simm.s32 $0xE;
	v23 =	vor.u32 v3, v24  }
.LBB2_15:
0x5b8: {  	p2 =	sne.s32 s0, $0x4E;
	v23 =	vor.u32 v0, v23;
	s17 =	smov.u32 s0;
	s0 =	sadd.s32 $0x8, s0  }
0x5b9: {  	_ =	sdelay $0x1  }
0x5ba: {  	v24 =	vpop (erf)  }
0x5bb: {  	[tilespmem:v22+s24+$0x0] =	vst.idx.msk $0xffff, v24  }
0x5bc: {  	v22 =	vld.idx.msk [tilespmem:v23+s13+$0x0], $0xffff  }
0x5bd: {  	v24 =	vld.idx.msk [tilespmem:v23+s18+$0x0], $0xffff;
	_ =	sdelay $0x5  }
0x5be: {  	v22 =	vadd.f32 v24, v22;
	_ =	sdelay $0x1  }
0x5bf: {  	v22 =	vadd.f32 v22, v21;
	_ =	sdelay $0x1  }
0x5c0: {  	vm0 =	vge.f32 v22, $0.0e+00;
	v24 =	vmul.f32 $2.000000030e-01, v22;
	_ =	sdelay $0x1  }
0x5c1: {  	v22 =	vsel vm0, v22, v24  }
0x5c2: {  	v22 =	vsub.f32 v22, v20;
	_ =	sdelay $0x1  }
0x5c3: {  	v22 =	vmul.f32 $1.442695020e+00, v22;
	_ =	sdelay $0x1  }
0x5c4: {  	(erf) = vpow2.f32 v22;
	_ =	sdelay $0x1  }
0x5c5: {  	s19 =	sadd.s32 $0xFFFFFFFC, s6  }
0x5c6: {  	v22 =	vmov s19  }
0x5c7: {  	v22 =	vshll.u32 v22, $0x3  }
0x5c8: {  	v22 =	vor.u32 v3, v22  }
0x5c9: {  	v22 =	vor.u32 v0, v22;
	_ =	sdelay $0x2  }
0x5ca: {  	v24 =	vpop (erf)  }
0x5cb: {  	[tilespmem:v23+s24+$0x0] =	vst.idx.msk $0xffff, v24  }
0x5cc: {  	v23 =	vld.idx.msk [tilespmem:v22+s13+$0x0], $0xffff  }
0x5cd: {  	v24 =	vld.idx.msk [tilespmem:v22+s18+$0x0], $0xffff;
	_ =	sdelay $0x5  }
0x5ce: {  	v23 =	vadd.f32 v24, v23;
	_ =	sdelay $0x1  }
0x5cf: {  	v23 =	vadd.f32 v23, v21;
	_ =	sdelay $0x1  }
0x5d0: {  	vm0 =	vge.f32 v23, $0.0e+00;
	v24 =	vmul.f32 $2.000000030e-01, v23;
	_ =	sdelay $0x1  }
0x5d1: {  	v23 =	vsel vm0, v23, v24  }
0x5d2: {  	v23 =	vsub.f32 v23, v20;
	_ =	sdelay $0x1  }
0x5d3: {  	v23 =	vmul.f32 $1.442695020e+00, v23;
	_ =	sdelay $0x1  }
0x5d4: {  	(erf) = vpow2.f32 v23;
	_ =	sdelay $0x1  }
0x5d5: {  	s19 =	sadd.s32 $0xFFFFFFFE, s6  }
0x5d6: {  	v23 =	vmov s19  }
0x5d7: {  	v23 =	vshll.u32 v23, $0x3  }
0x5d8: {  	v23 =	vor.u32 v3, v23  }
0x5d9: {  	v23 =	vor.u32 v0, v23;
	_ =	sdelay $0x2  }
0x5da: {  	v24 =	vpop (erf)  }
0x5db: {  	[tilespmem:v22+s24+$0x0] =	vst.idx.msk $0xffff, v24  }
0x5dc: {  	v22 =	vld.idx.msk [tilespmem:v23+s13+$0x0], $0xffff  }
0x5dd: {  	v24 =	vld.idx.msk [tilespmem:v23+s18+$0x0], $0xffff;
	_ =	sdelay $0x5  }
0x5de: {  	v22 =	vadd.f32 v24, v22;
	_ =	sdelay $0x1  }
0x5df: {  	v22 =	vadd.f32 v22, v21;
	_ =	sdelay $0x1  }
0x5e0: {  	vm0 =	vge.f32 v22, $0.0e+00;
	v24 =	vmul.f32 $2.000000030e-01, v22;
	_ =	sdelay $0x1  }
0x5e1: {  	v22 =	vsel vm0, v22, v24  }
0x5e2: {  	v22 =	vsub.f32 v22, v20;
	_ =	sdelay $0x1  }
0x5e3: {  	v22 =	vmul.f32 $1.442695020e+00, v22;
	_ =	sdelay $0x1  }
0x5e4: {  	(erf) = vpow2.f32 v22;
	_ =	sdelay $0x2  }
0x5e5: {  	v22 =	vmov s6;
	s6 =	smov.u32 s17  }
0x5e6: {  	v22 =	vshll.u32 v22, $0x3  }
0x5e7: {  	v22 =	vor.u32 v3, v22  }
0x5e8: {  	v22 =	vor.u32 v0, v22;
	_ =	sdelay $0x2  }
0x5e9: {  	v24 =	vpop (erf)  }
0x5ea: {  	[tilespmem:v23+s24+$0x0] =	vst.idx.msk $0xffff, v24  }
0x5eb: {  	v23 =	vld.idx.msk [tilespmem:v22+s13+$0x0], $0xffff  }
0x5ec: {  	v24 =	vld.idx.msk [tilespmem:v22+s18+$0x0], $0xffff;
	_ =	sdelay $0x5  }
0x5ed: {  	v23 =	vadd.f32 v24, v23;
	_ =	sdelay $0x1  }
0x5ee: {  	v23 =	vadd.f32 v23, v21;
	_ =	sdelay $0x1  }
0x5ef: {  	vm0 =	vge.f32 v23, $0.0e+00;
	v24 =	vmul.f32 $2.000000030e-01, v23;
	_ =	sdelay $0x1  }
0x5f0: {  	v23 =	vsel vm0, v23, v24  }
0x5f1: {  	v23 =	vsub.f32 v23, v20;
	_ =	sdelay $0x1  }
0x5f2: {  	v23 =	vmul.f32 $1.442695020e+00, v23;
	_ =	sdelay $0x1  }
0x5f3: {  	(erf) = vpow2.f32 v23  }
.Ltmp24:
0x5f4: {  	(pc) =	sbr.rel @p2 .LBB2_15-.Ltmp24, $4  }
0x5f5: {  	s17 =	sadd.s32 $0xFFFFFFFA, s6  }
0x5f6: {  	v23 =	vmov s17  }
0x5f7: {  	v23 =	vshll.u32 v23, $0x3  }
0x5f8: {  	v23 =	vor.u32 v3, v23  }
0x5f9: {  	v23 =	vor.u32 v0, v23;
	_ =	sdelay $0x2  }
0x5fa: {  	v24 =	vpop (erf)  }
0x5fb: {  	[tilespmem:v22+s24+$0x0] =	vst.idx.msk $0xffff, v24  }
0x5fc: {  	v22 =	vld.idx.msk [tilespmem:v23+s13+$0x0], $0xffff  }
0x5fd: {  	v24 =	vld.idx.msk [tilespmem:v23+s18+$0x0], $0xffff;
	_ =	sdelay $0x4  }
0x5fe: {  	v22 =	vadd.f32 v24, v22;
	_ =	sdelay $0x1  }
0x5ff: {  	v22 =	vadd.f32 v22, v21;
	_ =	sdelay $0x1  }
0x600: {  	v24 =	vmul.f32 $2.000000030e-01, v22  }
0x601: {  	vm0 =	vge.f32 v22, $0.0e+00  }
0x602: {  	v22 =	vsel vm0, v22, v24  }
0x603: {  	v22 =	vsub.f32 v22, v20;
	_ =	sdelay $0x1  }
0x604: {  	v22 =	vmul.f32 $1.442695020e+00, v22;
	_ =	sdelay $0x1  }
0x605: {  	(erf) = vpow2.f32 v22;
	_ =	sdelay $0x1  }
0x606: {  	s0 =	sadd.s32 $0xFFFFFFFC, s6  }
0x607: {  	v22 =	vmov s0  }
0x608: {  	v22 =	vshll.u32 v22, $0x3  }
0x609: {  	v22 =	vor.u32 v3, v22  }
0x60a: {  	v22 =	vor.u32 v0, v22;
	_ =	sdelay $0x2  }
0x60b: {  	v24 =	vpop (erf)  }
0x60c: {  	[tilespmem:v23+s24+$0x0] =	vst.idx.msk $0xffff, v24  }
0x60d: {  	v23 =	vld.idx.msk [tilespmem:v22+s13+$0x0], $0xffff  }
0x60e: {  	v24 =	vld.idx.msk [tilespmem:v22+s18+$0x0], $0xffff;
	_ =	sdelay $0x4  }
0x60f: {  	v23 =	vadd.f32 v24, v23;
	_ =	sdelay $0x1  }
0x610: {  	v23 =	vadd.f32 v23, v21;
	_ =	sdelay $0x1  }
0x611: {  	v24 =	vmul.f32 $2.000000030e-01, v23  }
0x612: {  	vm13 =	vge.f32 v23, $0.0e+00  }
0x613: {  	v23 =	vsel vm13, v23, v24  }
0x614: {  	v23 =	vsub.f32 v23, v20;
	_ =	sdelay $0x1  }
0x615: {  	v23 =	vmul.f32 $1.442695020e+00, v23;
	_ =	sdelay $0x1  }
0x616: {  	(erf) = vpow2.f32 v23;
	_ =	sdelay $0x1  }
0x617: {  	s17 =	sadd.s32 $0xFFFFFFFE, s6  }
0x618: {  	v23 =	vmov s17  }
0x619: {  	v23 =	vshll.u32 v23, $0x3  }
0x61a: {  	v23 =	vor.u32 v3, v23  }
0x61b: {  	v23 =	vor.u32 v0, v23;
	_ =	sdelay $0x2  }
0x61c: {  	v24 =	vpop (erf)  }
0x61d: {  	[tilespmem:v22+s24+$0x0] =	vst.idx.msk $0xffff, v24  }
0x61e: {  	v22 =	vld.idx.msk [tilespmem:v23+s13+$0x0], $0xffff  }
0x61f: {  	v24 =	vld.idx.msk [tilespmem:v23+s18+$0x0], $0xffff;
	_ =	sdelay $0x4  }
0x620: {  	v22 =	vadd.f32 v24, v22;
	_ =	sdelay $0x1  }
0x621: {  	v22 =	vadd.f32 v22, v21;
	_ =	sdelay $0x1  }
0x622: {  	v24 =	vmul.f32 $2.000000030e-01, v22  }
0x623: {  	vm14 =	vge.f32 v22, $0.0e+00  }
0x624: {  	v22 =	vsel vm14, v22, v24  }
0x625: {  	v22 =	vsub.f32 v22, v20;
	_ =	sdelay $0x1  }
0x626: {  	v22 =	vmul.f32 $1.442695020e+00, v22;
	_ =	sdelay $0x1  }
0x627: {  	(erf) = vpow2.f32 v22;
	_ =	sdelay $0x2  }
0x628: {  	v22 =	vmov s6  }
0x629: {  	v22 =	vshll.u32 v22, $0x3  }
0x62a: {  	v22 =	vor.u32 v3, v22  }
0x62b: {  	v22 =	vor.u32 v0, v22;
	_ =	sdelay $0x2  }
0x62c: {  	v24 =	vpop (erf)  }
0x62d: {  	[tilespmem:v23+s24+$0x0] =	vst.idx.msk $0xffff, v24  }
0x62e: {  	v23 =	vld.idx.msk [tilespmem:v22+s13+$0x0], $0xffff  }
0x62f: {  	v24 =	vld.idx.msk [tilespmem:v22+s18+$0x0], $0xffff;
	_ =	sdelay $0x4  }
0x630: {  	v23 =	vadd.f32 v24, v23;
	_ =	sdelay $0x1  }
0x631: {  	v23 =	vadd.f32 v23, v21;
	_ =	sdelay $0x1  }
0x632: {  	v24 =	vmul.f32 $2.000000030e-01, v23  }
0x633: {  	vm15 =	vge.f32 v23, $0.0e+00  }
0x634: {  	v23 =	vsel vm15, v23, v24  }
0x635: {  	v23 =	vsub.f32 v23, v20;
	_ =	sdelay $0x1  }
0x636: {  	v23 =	vmul.f32 $1.442695020e+00, v23;
	_ =	sdelay $0x1  }
0x637: {  	(erf) = vpow2.f32 v23;
	_ =	sdelay $0x5  }
0x638: {  	s19 =	simm.s32 $0x0  }
0x639: {  	v23 =	vmov s19  }
0x63a: {  	v23 =	vshll.u32 v23, $0x3  }
0x63b: {  	v23 =	vor.u32 v3, v23;
	v24 =	vpop (erf)  }
0x63c: {  	s29 =	simm.s32 $0x3250;
	[tilespmem:v22+s24+$0x0] =	vst.idx.msk $0xffff, v24;
	v22 =	vor.u32 v0, v23  }
0x63d: {  	[spmem:s4] =	stream.indirect.scatter.add.f32 [tilespmem:s24], [sflag:$0x7], $0x8, s29, s23, $0xb8;
	[tilespmem:$0x1B0C8] =	vst v63  }
0x63e: {  	_ =	swait.ge [sflag:s12], $0x2800  }
0x63f: {  	[sflag:s12] =	ssyncset.done $0x0  }
0x640: {  	[sflag:s12] =	ssyncadd.s32 $0xFFFFD800  }
0x641: {  	s17 =	simm.s32 $0x38A0;
	v22 =	vld.idx.msk [tilespmem:v22+s24+$0x0], $0xffff  }
0x642: {  	v24 =	vld [tilespmem:s17+$0xFFFFFF70]  }
0x643: {  	v26 =	vld [tilespmem:s17+$0xFFFFFF20]  }
0x644: {  	v28 =	vld [tilespmem:s17+$0xFFFFFF40]  }
0x645: {  	v25 =	vld [tilespmem:s17+$0xFFFFFF50]  }
0x646: {  	s0 =	simm.s32 $0x6;
	s6 =	simm.s32 $0x2;
	s19 =	simm.s32 $0x38A0;
	v27 =	vld [tilespmem:s17+$0xFFFFFFB0];
	v29 =	vperm.xlane v22, v9;
	v23 =	vperm.xlane v22, v4  }
.LBB2_17:
0x647: {  	p2 =	sne.s32 s0, $0x4E  }
0x648: {  	v30 =	vperm.xlane v22, v8;
	v31 =	vperm.xlane v22, v10;
	v32 =	vld [tilespmem:s17+$0xFFFFFFA0];
	s19 =	sadd.s32 $0x200, s19;
	s29 =	smov.u32 s0;
	s0 =	sadd.s32 $0x4, s0  }
0x649: {  	v33 =	vperm.xlane v22, v15;
	v35 =	vperm.xlane v22, v19;
	v34 =	vld [tilespmem:s17+$0xFFFFFFD0]  }
0x64a: {  	v28 =	vmul.f32 v28, v29;
	v29 =	vperm.xlane v22, v12;
	v36 =	vld [tilespmem:s17+$0xFFFFFF90]  }
0x64b: {  	v26 =	vmul.f32 v26, v30;
	v25 =	vmul.f32 v25, v31;
	v30 =	vld [tilespmem:s17+$0xFFFFFF60]  }
0x64c: {  	v27 =	vmul.f32 v27, v33;
	v31 =	vld [tilespmem:s17+$0xFFFFFF30];
	[tilespmem:s17+$0xFFFFFF40] =	vst v28;
	v28 =	vperm.xlane v22, v17  }
0x64d: {  	v33 =	vperm.xlane v22, v14;
	[tilespmem:s17+$0xFFFFFF20] =	vst v26;
	v26 =	vperm.xlane v22, v13;
	v37 =	vld [tilespmem:s17+$0xFFFFFFC0]  }
0x64e: {  	v24 =	vmul.f32 v24, v29;
	[tilespmem:s17+$0xFFFFFFB0] =	vst v27;
	v27 =	vmul.f32 v34, v28;
	v28 =	vld [tilespmem:s17+$0xFFFFFFE0]  }
0x64f: {  	[tilespmem:s17+$0xFFFFFF50] =	vst v25;
	v25 =	vmul.f32 v36, v26;
	v26 =	vmul.f32 v32, v33;
	v29 =	vld [tilespmem:s17+$0xFFFFFFF0]  }
0x650: {  	v34 =	vperm.xlane v22, v11;
	v33 =	vperm.xlane v22, v5;
	v32 =	vld [tilespmem:s17+$0xFFFFFF00];
	[tilespmem:s17+$0xFFFFFF70] =	vst v24  }
0x651: {  	v36 =	vperm.xlane v22, v18;
	v24 =	vld [tilespmem:s17+$0xFFFFFF80];
	[tilespmem:s17+$0xFFFFFF90] =	vst v25;
	v25 =	vperm.xlane v22, v16  }
0x652: {  	v30 =	vmul.f32 v30, v34;
	v31 =	vmul.f32 v31, v33;
	v38 =	vld [tilespmem:s17+$0xFFFFFF10];
	[tilespmem:s17+$0xFFFFFFA0] =	vst v26  }
0x653: {  	v25 =	vmul.f32 v37, v25;
	[tilespmem:s17+$0xFFFFFFD0] =	vst v27;
	v26 =	vmul.f32 v28, v36  }
0x654: {  	v27 =	vperm.xlane v22, v6;
	[tilespmem:s17+$0xFFFFFF60] =	vst v30;
	v28 =	vmul.f32 v29, v35;
	v29 =	vmov s6;
	s6 =	smov.u32 s29  }
0x655: {  	v22 =	vperm.xlane v22, v7;
	[tilespmem:s17+$0xFFFFFF30] =	vst v31;
	v29 =	vshll.u32 v29, $0x3  }
0x656: {  	v27 =	vmul.f32 v32, v27;
	v23 =	vmul.f32 v24, v23;
	[tilespmem:s17+$0xFFFFFFF0] =	vst v28;
	v24 =	vor.u32 v3, v29  }
0x657: {  	v22 =	vmul.f32 v38, v22;
	[tilespmem:s17+$0xFFFFFFC0] =	vst v25;
	v24 =	vor.u32 v0, v24  }
0x658: {  	[tilespmem:s17+$0xFFFFFF00] =	vst v27  }
0x659: {  	[tilespmem:s17+$0xFFFFFF10] =	vst v22  }
0x65a: {  	[tilespmem:s17+$0xFFFFFF80] =	vst v23  }
0x65b: {  	[tilespmem:s17+$0xFFFFFFE0] =	vst v26  }
0x65c: {  	v22 =	vld.idx.msk [tilespmem:v24+s24+$0x0], $0xffff;
	_ =	sdelay $0x1  }
0x65d: {  	v23 =	vld [tilespmem:s17+$0xC0]  }
0x65e: {  	v24 =	vld [tilespmem:s17+$0x10]  }
0x65f: {  	v25 =	vld [tilespmem:s17+$0x30]  }
0x660: {  	s29 =	sadd.s32 $0xFFFFFFFE, s6;
	v26 =	vld [tilespmem:s17+$0x70]  }
0x661: {  	v27 =	vmov s29;
	v28 =	vperm.xlane v22, v6;
	v29 =	vperm.xlane v22, v8;
	v30 =	vld [tilespmem:s17+$0x50]  }
0x662: {  	v27 =	vshll.u32 v27, $0x3;
	v31 =	vperm.xlane v22, v7;
	v33 =	vperm.xlane v22, v11;
	v32 =	vld [tilespmem:s17+$0x20]  }
0x663: {  	v27 =	vor.u32 v3, v27;
	v34 =	vperm.xlane v22, v5;
	v36 =	vperm.xlane v22, v16;
	v35 =	vld [tilespmem:s17+$0xB0]  }
0x664: {  	v27 =	vor.u32 v0, v27;
	v37 =	vperm.xlane v22, v10;
	v38 =	vperm.xlane v22, v12;
	v39 =	vld [tilespmem:s17+$0x80]  }
0x665: {  	v24 =	vmul.f32 v24, v31;
	v25 =	vmul.f32 v25, v34;
	v31 =	vld [tilespmem:s17+$0x90]  }
0x666: {  	v26 =	vmul.f32 v26, v38;
	v30 =	vmul.f32 v30, v37;
	v34 =	vld [tilespmem:s17+$0xA0]  }
0x667: {  	v29 =	vmul.f32 v32, v29;
	[tilespmem:s17+$0x30] =	vst v25;
	v25 =	vperm.xlane v22, v9;
	v32 =	vld [tilespmem:s17+$0x60]  }
0x668: {  	v38 =	vperm.xlane v22, v13;
	v37 =	vld [tilespmem:s17+$0x40];
	[tilespmem:s17+$0x50] =	vst v30;
	v30 =	vperm.xlane v22, v4  }
0x669: {  	v40 =	vperm.xlane v22, v15;
	[tilespmem:s17+$0x70] =	vst v26;
	v26 =	vperm.xlane v22, v14;
	v41 =	vld [tilespmem:s17+$0xD0]  }
0x66a: {  	v42 =	vld [tilespmem:s17+$0x0];
	[tilespmem:s17+$0x10] =	vst v24;
	v24 =	vmul.f32 v39, v30;
	v30 =	vmul.f32 v31, v38  }
0x66b: {  	[tilespmem:s17+$0x20] =	vst v29;
	v26 =	vmul.f32 v34, v26;
	v29 =	vmul.f32 v35, v40;
	v31 =	vld [tilespmem:s17+$0xE0]  }
0x66c: {  	v23 =	vmul.f32 v23, v36;
	[tilespmem:s17+$0x80] =	vst v24;
	v24 =	vperm.xlane v22, v17;
	v34 =	vld [tilespmem:s17+$0xF0]  }
0x66d: {  	v32 =	vmul.f32 v32, v33;
	v25 =	vmul.f32 v37, v25;
	[tilespmem:s17+$0xA0] =	vst v26  }
0x66e: {  	v26 =	vperm.xlane v22, v18;
	[tilespmem:s17+$0xB0] =	vst v29;
	v24 =	vmul.f32 v41, v24  }
0x66f: {  	v22 =	vperm.xlane v22, v19;
	v28 =	vmul.f32 v42, v28;
	[tilespmem:s17+$0xC0] =	vst v23  }
0x670: {  	[tilespmem:s17+$0xD0] =	vst v24;
	v23 =	vmul.f32 v31, v26  }
0x671: {  	[tilespmem:s17+$0x90] =	vst v30;
	v22 =	vmul.f32 v34, v22  }
0x672: {  	[tilespmem:s17+$0x40] =	vst v25  }
0x673: {  	[tilespmem:s17+$0x60] =	vst v32  }
0x674: {  	[tilespmem:s17+$0xE0] =	vst v23  }
0x675: {  	[tilespmem:s17+$0xF0] =	vst v22  }
0x676: {  	[tilespmem:s17+$0x0] =	vst v28;
	s17 =	smov.u32 s19  }
0x677: {  	v22 =	vld.idx.msk [tilespmem:v27+s24+$0x0], $0xffff;
	_ =	sdelay $0x1  }
.Ltmp25:
0x678: {  	v24 =	vld [tilespmem:s19+$0xFFFFFF70];
	(pc) =	sbr.rel @p2 .LBB2_17-.Ltmp25, $4  }
0x679: {  	v26 =	vld [tilespmem:s19+$0xFFFFFF20]  }
0x67a: {  	v28 =	vld [tilespmem:s19+$0xFFFFFF40]  }
0x67b: {  	v25 =	vld [tilespmem:s19+$0xFFFFFF50]  }
0x67c: {  	v29 =	vperm.xlane v22, v9;
	v23 =	vperm.xlane v22, v4;
	v27 =	vld [tilespmem:s19+$0xFFFFFFB0]  }
.Ltmp26:
0x67d: {  	_ = 	snop;
	(pc) =	sbr.rel .LBB2_18-.Ltmp26, $1  }
0x67e: {  	_ =	sdelay $0x3  }
.LBB2_36:
0x67f: {  	_ =	swait.ge [sflag:s15], $0x280  }
0x680: {  	[sflag:s15] =	ssyncset.done $0x0  }
0x681: {  	[sflag:s15] =	ssyncadd.s32 $0xFFFFFD80  }
.Ltmp27:
0x682: {  	_ =	swait.ge [sflag:s15], $0x2800;
	(pc) =	sbr.rel .LBB2_37-.Ltmp27, $4  }
0x683: {  	[sflag:s15] =	ssyncset.done $0x0  }
0x684: {  	[sflag:s15] =	ssyncadd.s32 $0xFFFFD800  }
0x685: {  	[bflag:$0x0] =	sbarrier.arrive $0xFFFF  }
0x686: {  	s16 =	simm.s32 $0x0  }
.LBB2_40:
0x687: {  	v30 =	vshll.u32 v30, $0x3;
	[tilespmem:s0+$0x10] =	vst v26  }
0x688: {  	v33 =	vperm.xlane v20, v18;
	[tilespmem:s0+$0x20] =	vst v27;
	v24 =	vmul.f32 v24, v29;
	v30 =	vor.u32 v3, v30  }
0x689: {  	v20 =	vperm.xlane v20, v19;
	v22 =	vmul.f32 v22, v28;
	[tilespmem:s0+$0x30] =	vst v25;
	v34 =	vor.u32 v0, v30  }
0x68a: {  	v23 =	vmul.f32 v23, v33;
	[tilespmem:s0+$0x40] =	vst v24  }
0x68b: {  	v20 =	vmul.f32 v21, v20;
	[tilespmem:s0+$0x50] =	vst v22  }
0x68c: {  	[tilespmem:s0+$0x60] =	vst v23  }
0x68d: {  	[tilespmem:s0+$0x70] =	vst v20  }
0x68e: {  	v20 =	vld.idx.msk [tilespmem:v34+s20+$0x0], $0xffff;
	_ =	sdelay $0x4  }
0x68f: {  	v20 =	vmax.f32 v20, $9.999999960e-13  }
0x690: {  	(erf) = vrcp.f32 v20;
	_ =	sdelay $0x5  }
0x691: {  	s29 =	sadd.s32 $0x100, s0  }
0x692: {  	v20 =	vld [tilespmem:s29+$0xFFFFFF80]  }
0x693: {  	v35 =	vld [tilespmem:s29+$0xFFFFFF90]  }
0x694: {  	v36 =	vld [tilespmem:s29+$0xFFFFFFA0];
	v37 =	vpop (erf)  }
0x695: {  	v38 =	vld [tilespmem:s29+$0xFFFFFFB0];
	v39 =	vperm.xlane v37, v6  }
0x696: {  	v42 =	vld [tilespmem:s29+$0xFFFFFFD0];
	v40 =	vperm.xlane v37, v7  }
0x697: {  	v41 =	vld [tilespmem:s29+$0xFFFFFFC0];
	v43 =	vperm.xlane v37, v8;
	v20 =	vmul.f32 v20, v39  }
0x698: {  	v45 =	vld [tilespmem:s29+$0xFFFFFFE0];
	v44 =	vperm.xlane v37, v5;
	v21 =	vmul.f32 v35, v40  }
0x699: {  	v49 =	vld [tilespmem:s29+$0x10];
	v47 =	vperm.xlane v37, v10;
	v22 =	vmul.f32 v36, v43;
	[tilespmem:s29+$0xFFFFFF80] =	vst v20  }
0x69a: {  	v51 =	vld [tilespmem:s29+$0x20];
	v24 =	vmul.f32 v38, v44;
	v20 =	vperm.xlane v37, v9;
	[tilespmem:s29+$0xFFFFFF90] =	vst v21  }
0x69b: {  	v48 =	vld [tilespmem:s29+$0x0];
	v31 =	vperm.xlane v37, v11;
	v25 =	vmul.f32 v42, v47;
	[tilespmem:s29+$0xFFFFFFA0] =	vst v22  }
0x69c: {  	v59 =	vld [tilespmem:s29+$0x60];
	v53 =	vperm.xlane v37, v13;
	[tilespmem:s29+$0xFFFFFFB0] =	vst v24;
	v20 =	vmul.f32 v41, v20  }
0x69d: {  	v46 =	vld [tilespmem:s29+$0xFFFFFFF0];
	v56 =	vperm.xlane v37, v14;
	v26 =	vmul.f32 v45, v31;
	[tilespmem:s29+$0xFFFFFFD0] =	vst v25  }
0x69e: {  	v52 =	vld [tilespmem:s29+$0x30];
	v58 =	vmul.f32 v49, v53;
	[tilespmem:s29+$0xFFFFFFC0] =	vst v20;
	v20 =	vperm.xlane v37, v4  }
0x69f: {  	v54 =	vld [tilespmem:s29+$0x40];
	v62 =	vperm.xlane v37, v18;
	v27 =	vmul.f32 v51, v56;
	[tilespmem:s29+$0xFFFFFFE0] =	vst v26  }
0x6a0: {  	v55 =	vld [tilespmem:s29+$0x50];
	v50 =	vperm.xlane v37, v12;
	[tilespmem:s29+$0x10] =	vst v58;
	v20 =	vmul.f32 v48, v20  }
0x6a1: {  	v60 =	vld [tilespmem:s29+$0x70];
	v57 =	vperm.xlane v37, v15;
	v63 =	vmul.f32 v59, v62;
	[tilespmem:s29+$0x20] =	vst v27  }
0x6a2: {  	v22 =	vmul.f32 v46, v50;
	[tilespmem:s29+$0x0] =	vst v20;
	v20 =	vperm.xlane v37, v16  }
0x6a3: {  	v61 =	vperm.xlane v37, v17;
	v21 =	vmul.f32 v52, v57;
	[tilespmem:s29+$0x60] =	vst v63  }
0x6a4: {  	v23 =	vperm.xlane v37, v19;
	[tilespmem:s29+$0xFFFFFFF0] =	vst v22;
	v20 =	vmul.f32 v54, v20  }
0x6a5: {  	s6 =	smul.u32 $0x50, s17;
	v24 =	vmul.f32 v55, v61;
	[tilespmem:s29+$0x30] =	vst v21  }
0x6a6: {  	s19 =	rddreg [dreg:$0xb];
	[tilespmem:s29+$0x40] =	vst v20;
	v20 =	vmul.f32 v60, v23  }
0x6a7: {  	s6 =	sadd.s32 s19, s6;
	[tilespmem:s29+$0x50] =	vst v24  }
0x6a8: {  	s6 =	sshll.u32 s6, $0x4;
	[tilespmem:s29+$0x70] =	vst v20;
	s29 =	rddreg [dreg:$0x8]  }
0x6a9: {  	s0 =	sadd.s32 s29, s6  }
0x6aa: {  	[hbm4b:s0+s5] =	stream.linear.scatter [tilespmem:s21], [sflag:$0x9], $0x2800, $0x38;
	[tilespmem:$0x1B0C8] =	vst v63  }
0x6ab: {  	_ =	swait.ge [sflag:s11], $0x2800  }
0x6ac: {  	[sflag:s11] =	ssyncset.done $0x0  }
0x6ad: {  	[sflag:s11] =	ssyncadd.s32 $0xFFFFD800  }
.LBB2_41:
0x6ae: {  	s16 =	sadd.s32 $0x1, s16  }
0x6af: {  	p2 =	sne.s32 s16, $0x8  }
.Ltmp28:
0x6b0: {  	_ = 	snop;
	(pc) =	sbr.rel @!p2 .LBB2_42-.Ltmp28, $1  }
0x6b1: {  	_ =	sdelay $0x3  }
.LBB2_37:
0x6b2: {  	s0 =	sshll.u32 s16, $0x4;
	s6 =	stileid.u32  }
0x6b3: {  	s17 =	sor.u32 s6, s0  }
0x6b4: {  	p2 =	sgt.u32 s17, $0x7C  }
.Ltmp29:
0x6b5: {  	_ = 	snop;
	(pc) =	sbr.rel @p2 .LBB2_41-.Ltmp29, $1  }
0x6b6: {  	_ =	sdelay $0x3  }
0x6b7: {  	s0 =	smul.u32 $0xA000, s17;
	_ =	sdelay $0x1  }
0x6b8: {  	s0 =	sshra.s32 s0, $0x2  }
0x6b9: {  	s29 =	simm.s32 $0x0;
	s6 =	smul.u32 $0xA00, s17;
	s0 =	sadd.s32 s0, s3  }
0x6ba: {  	v20 =	vmov s29;
	[tilespmem:s21], [sflag:$0xA] =	stream.linear.gather [spmem:s0], $0x2800, $0x38;
	[tilespmem:$0x1B0C8] =	vst v63  }
0x6bb: {  	v20 =	vshll.u32 v20, $0x3;
	_ =	swait.ge [sflag:s22], $0x2800  }
0x6bc: {  	s19 =	sshra.s32 s6, $0x2;
	v20 =	vor.u32 v3, v20;
	[sflag:s22] =	ssyncset.done $0x0  }
0x6bd: {  	s0 =	sadd.s32 s19, s4;
	v20 =	vor.u32 v0, v20;
	[sflag:s22] =	ssyncadd.s32 $0xFFFFD800  }
0x6be: {  	[tilespmem:s20], [sflag:$0xA] =	stream.linear.gather [spmem:s0], $0x280, $0x38;
	[tilespmem:$0x1B0C8] =	vst v63  }
0x6bf: {  	_ =	swait.ge [sflag:s22], $0x280  }
0x6c0: {  	[sflag:s22] =	ssyncset.done $0x0  }
0x6c1: {  	[sflag:s22] =	ssyncadd.s32 $0xFFFFFD80  }
0x6c2: {  	v20 =	vld.idx.msk [tilespmem:v20+s20+$0x0], $0xffff;
	_ =	sdelay $0x4  }
0x6c3: {  	v20 =	vmax.f32 v20, $9.999999960e-13  }
0x6c4: {  	(erf) = vrcp.f32 v20;
	_ =	sdelay $0x4  }
0x6c5: {  	s0 =	simm.s32 $0x710  }
0x6c6: {  	v21 =	vld [tilespmem:s0+$0xFFFFFFB0]  }
0x6c7: {  	v23 =	vld [tilespmem:s0+$0xFFFFFF80]  }
0x6c8: {  	v22 =	vld [tilespmem:s0+$0xFFFFFF90]  }
0x6c9: {  	v24 =	vld [tilespmem:s0+$0xFFFFFFA0];
	v20 =	vpop (erf)  }
0x6ca: {  	v25 =	vld [tilespmem:s0+$0xFFFFFFF0];
	v26 =	vperm.xlane v20, v6  }
0x6cb: {  	v28 =	vld [tilespmem:s0+$0xFFFFFFD0];
	v27 =	vperm.xlane v20, v7  }
0x6cc: {  	v31 =	vld [tilespmem:s0+$0xFFFFFFC0];
	v29 =	vperm.xlane v20, v8;
	v23 =	vmul.f32 v23, v26  }
0x6cd: {  	v33 =	vld [tilespmem:s0+$0x0];
	v30 =	vperm.xlane v20, v5;
	v22 =	vmul.f32 v22, v27  }
0x6ce: {  	v26 =	vld [tilespmem:s0+$0xFFFFFFE0];
	v24 =	vmul.f32 v24, v29;
	v27 =	vperm.xlane v20, v10;
	[tilespmem:s0+$0xFFFFFF80] =	vst v23  }
0x6cf: {  	v21 =	vmul.f32 v21, v30;
	v29 =	vld [tilespmem:s0+$0x30];
	v23 =	vperm.xlane v20, v9;
	[tilespmem:s0+$0xFFFFFF90] =	vst v22  }
0x6d0: {  	v32 =	vperm.xlane v20, v12;
	v30 =	vld [tilespmem:s0+$0x10];
	[tilespmem:s0+$0xFFFFFFA0] =	vst v24;
	v24 =	vmul.f32 v28, v27  }
0x6d1: {  	v63 =	vperm.xlane v20, v15;
	v27 =	vld [tilespmem:s0+$0x20];
	[tilespmem:s0+$0xFFFFFFB0] =	vst v21;
	v23 =	vmul.f32 v31, v23  }
0x6d2: {  	v25 =	vmul.f32 v25, v32;
	v22 =	vperm.xlane v20, v11;
	v21 =	vld [tilespmem:s0+$0x70];
	[tilespmem:s0+$0xFFFFFFD0] =	vst v24  }
0x6d3: {  	v28 =	vperm.xlane v20, v13;
	v24 =	vld [tilespmem:s0+$0x40];
	[tilespmem:s0+$0xFFFFFFC0] =	vst v23;
	v23 =	vperm.xlane v20, v4  }
0x6d4: {  	v31 =	vperm.xlane v20, v14;
	v26 =	vmul.f32 v26, v22;
	v22 =	vld [tilespmem:s0+$0x50]  }
0x6d5: {  	[tilespmem:s0+$0xFFFFFFF0] =	vst v25;
	v25 =	vmul.f32 v29, v63;
	v33 =	vmul.f32 v33, v23;
	v23 =	vld [tilespmem:s0+$0x60]  }
0x6d6: {  	s29 =	simm.s32 $0x2;
	v29 =	vperm.xlane v20, v16;
	[tilespmem:s0+$0xFFFFFFE0] =	vst v26;
	v26 =	vmul.f32 v30, v28  }
0x6d7: {  	s6 =	simm.s32 $0x4;
	v27 =	vmul.f32 v27, v31;
	v30 =	vmov s29;
	v28 =	vperm.xlane v20, v17;
	[tilespmem:s0+$0x0] =	vst v33  }
.LBB2_39:
0x6d8: {  	p2 =	sne.s32 s6, $0x4E;
	v30 =	vshll.u32 v30, $0x3;
	[tilespmem:s0+$0x10] =	vst v26;
	v26 =	vperm.xlane v20, v18;
	v20 =	vperm.xlane v20, v19  }
0x6d9: {  	v24 =	vmul.f32 v24, v29;
	v22 =	vmul.f32 v22, v28;
	v30 =	vor.u32 v3, v30;
	[tilespmem:s0+$0x20] =	vst v27  }
0x6da: {  	v27 =	vor.u32 v0, v30;
	[tilespmem:s0+$0x30] =	vst v25;
	v23 =	vmul.f32 v23, v26;
	v20 =	vmul.f32 v21, v20  }
0x6db: {  	[tilespmem:s0+$0x40] =	vst v24  }
0x6dc: {  	[tilespmem:s0+$0x50] =	vst v22  }
0x6dd: {  	[tilespmem:s0+$0x60] =	vst v23  }
0x6de: {  	[tilespmem:s0+$0x70] =	vst v20  }
0x6df: {  	v20 =	vld.idx.msk [tilespmem:v27+s20+$0x0], $0xffff;
	_ =	sdelay $0x5  }
0x6e0: {  	v20 =	vmax.f32 v20, $9.999999960e-13  }
0x6e1: {  	(erf) = vrcp.f32 v20;
	_ =	sdelay $0x3  }
0x6e2: {  	s0 =	sadd.s32 $0x100, s0  }
0x6e3: {  	v21 =	vld [tilespmem:s0+$0xFFFFFFB0]  }
0x6e4: {  	v22 =	vld [tilespmem:s0+$0xFFFFFF90]  }
0x6e5: {  	v23 =	vld [tilespmem:s0+$0xFFFFFF80]  }
0x6e6: {  	v24 =	vld [tilespmem:s0+$0xFFFFFFA0]  }
0x6e7: {  	v25 =	vld [tilespmem:s0+$0xFFFFFFF0];
	v20 =	vpop (erf)  }
0x6e8: {  	v26 =	vperm.xlane v20, v6;
	v27 =	vperm.xlane v20, v7;
	v28 =	vld [tilespmem:s0+$0xFFFFFFD0]  }
0x6e9: {  	v29 =	vperm.xlane v20, v8;
	v30 =	vperm.xlane v20, v5;
	v31 =	vld [tilespmem:s0+$0xFFFFFFC0]  }
0x6ea: {  	v23 =	vmul.f32 v23, v26;
	v22 =	vmul.f32 v22, v27;
	v26 =	vld [tilespmem:s0+$0xFFFFFFE0]  }
0x6eb: {  	v21 =	vmul.f32 v21, v30;
	v24 =	vmul.f32 v24, v29;
	v29 =	vld [tilespmem:s0+$0x30]  }
0x6ec: {  	v27 =	vperm.xlane v20, v10;
	[tilespmem:s0+$0xFFFFFF80] =	vst v23;
	v23 =	vperm.xlane v20, v9;
	v30 =	vld [tilespmem:s0+$0x10]  }
0x6ed: {  	v32 =	vperm.xlane v20, v12;
	[tilespmem:s0+$0xFFFFFF90] =	vst v22;
	v22 =	vperm.xlane v20, v11;
	v33 =	vld [tilespmem:s0+$0x0]  }
0x6ee: {  	[tilespmem:s0+$0xFFFFFFA0] =	vst v24;
	v23 =	vmul.f32 v31, v23;
	v24 =	vmul.f32 v28, v27;
	v27 =	vld [tilespmem:s0+$0x20]  }
0x6ef: {  	v25 =	vmul.f32 v25, v32;
	[tilespmem:s0+$0xFFFFFFB0] =	vst v21;
	v26 =	vmul.f32 v26, v22;
	v21 =	vld [tilespmem:s0+$0x70]  }
.Ltmp30:
0x6f0: {  	v28 =	vperm.xlane v20, v13;
	[tilespmem:s0+$0xFFFFFFC0] =	vst v23;
	v23 =	vperm.xlane v20, v4;
	v22 =	vld [tilespmem:s0+$0x50];
	(pc) =	sbr.rel @p2 .LBB2_39-.Ltmp30, $4  }
0x6f1: {  	v32 =	vperm.xlane v20, v15;
	v31 =	vperm.xlane v20, v14;
	[tilespmem:s0+$0xFFFFFFD0] =	vst v24;
	v24 =	vld [tilespmem:s0+$0x40]  }
0x6f2: {  	[tilespmem:s0+$0xFFFFFFE0] =	vst v26;
	v33 =	vmul.f32 v33, v23;
	v26 =	vmul.f32 v30, v28;
	v23 =	vld [tilespmem:s0+$0x60]  }
0x6f3: {  	[tilespmem:s0+$0xFFFFFFF0] =	vst v25;
	v27 =	vmul.f32 v27, v31;
	v25 =	vmul.f32 v29, v32  }
0x6f4: {  	v30 =	vmov s6;
	s6 =	sadd.s32 $0x2, s6;
	v28 =	vperm.xlane v20, v17;
	v29 =	vperm.xlane v20, v16;
	[tilespmem:s0+$0x0] =	vst v33  }
.Ltmp31:
0x6f5: {  	_ = 	snop;
	(pc) =	sbr.rel .LBB2_40-.Ltmp31, $1  }
0x6f6: {  	_ =	sdelay $0x3  }
.LBB2_43:
0x6f7: {  	_ =	sfence.sel $0x180000  }
0x6f8: {  	[bflag:$0x0] =	sbarrier.arrive $0xFFFF  }
0x6f9: {  	_ =	strace $0x90000047  }
0x6fa: {  	s0 =	stileid.u32;
	[bflag:$0x2] =	sbarrier.arrive $0xFFFF  }
0x6fb: {  	p0 =	sne.s32 s0, $0x0;
	s0 =	rddreg [dreg:$0x5]  }
0x6fc: {  	s0 =	sadd.s32 @!p0 $0x100000, s0  }
0x6fd: {  	[sflag:s0] =	ssyncadd.tile.s32 @!p0 $0x1;
	_ =	shalt  }
.Lfunc_end2:
_tile_overlayer_lowered:
.L_overlay_start_2:
0x6fe: {  	(tag) =	ssettag $0x2  }
0x6ff: {  	s0 =	rddreg [dreg:$0x0];
	s2 =	stileid.u32  }
0x700: {  	s1 =	rddreg [dreg:$0x1];
	p0 =	sne.s32 s2, $0x0  }
0x701: {  	s3 =	rddreg [dreg:$0x2];
	[bflag:$0x3] =	sbarrier.arrive $0xFFFF;
	s2 =	simm.s32 @!p0 $0x1C09  }
0x702: {  	[timem:s3], [sflag:s2] =	dma.local @!p0 [hbm:s0], s1  }
0x703: {  	s0 =	simm.s32 @!p0 $0x9  }
0x704: {  	_ =	swait.ge @!p0 [sflag:s0], s1  }
0x705: {  	s1 =	ssub.s32 @!p0 $0x0, s1;
	[sflag:s0] =	ssyncset.done @!p0 $0x0  }
0x706: {  	[sflag:s0] =	ssyncadd.s32 @!p0 s1  }
0x707: {  	[bflag:$0x3] =	sbarrier.arrive $0xFFFF  }
0x708: {  	_ =	shalt  }

</sc_bundles>
